<compile_context>
chip_gen: v7x
topology: tpu7x:2x2x1
jax: 0.10.2.dev20260603
libtpu: 0.0.44.dev20260713+nightly
codegen_flags: <defaults>
</compile_context>

<pallas_src>
import functools

import jax
import jax.numpy as jnp
import numpy as np
from jax import lax
from jax.experimental import pallas as pl
from jax.experimental.pallas import tpu as pltpu
from jax.experimental.pallas import tpu_sc as plsc

N = 10000
E = 320000
H = 128
G = 50
NG = 64
ZMAX = 100
_SHIFT = float(np.log(2.0))

NC, NS = 2, 16
NW = NC * NS
CH = 128
E_PAD = 323584
EPT = E_PAD // NW
NCH = EPT // CH
NP = 10240
DUMMY = N
BN = 128
NB = NP // BN
BE = 512
NEB = E_PAD // BE

_mesh = lambda: plsc.VectorSubcoreMesh(core_axis_name="c", subcore_axis_name="s")


def _ssp(x):
    return jnp.maximum(x, 0.0) + jnp.log1p(jnp.exp(-jnp.abs(x))) - _SHIFT



def _make_gather2(D, tc_tiling=True):

    @functools.partial(
        pl.kernel,
        out_type=(jax.ShapeDtypeStruct((E_PAD, D), jnp.float32),
                  jax.ShapeDtypeStruct((E_PAD, D), jnp.float32)),
        mesh=_mesh(),
        compiler_params=pltpu.CompilerParams(use_tc_tiling_on_sc=tc_tiling),
        scratch_types=[
            pltpu.VMEM((CH,), jnp.int32),
            pltpu.VMEM((CH,), jnp.int32),
            pltpu.VMEM((CH, D), jnp.float32),
            pltpu.VMEM((CH, D), jnp.float32),
            pltpu.SemaphoreType.DMA,
            pltpu.SemaphoreType.DMA,
        ],
    )
    def k(table, ia, ib, oa, ob, iva, ivb, bufa, bufb, sema, semb):
        c = lax.axis_index("c")
        s = lax.axis_index("s")
        wid = c * NS + s

        def body(j, carry):
            base = wid * EPT + j * CH
            pltpu.sync_copy(ia.at[pl.ds(base, CH)], iva)
            pltpu.sync_copy(ib.at[pl.ds(base, CH)], ivb)
            ca = pltpu.async_copy(table.at[iva], bufa, sema)
            cb = pltpu.async_copy(table.at[ivb], bufb, semb)
            ca.wait()
            cb.wait()
            pltpu.sync_copy(bufa, oa.at[pl.ds(base, CH)])
            pltpu.sync_copy(bufb, ob.at[pl.ds(base, CH)])
            return carry

        lax.fori_loop(0, NCH, body, 0)

    return k


def _make_scatter():
    RPT = NP // NS

    @functools.partial(
        pl.kernel,
        out_type=jax.ShapeDtypeStruct((2 * NP, H), jnp.float32),
        mesh=_mesh(),
        scratch_types=[
            pltpu.VMEM((CH,), jnp.int32),
            pltpu.VMEM((CH, H), jnp.float32),
            pltpu.VMEM_SHARED((NP, H), jnp.float32),
        ],
    )
    def k(msg, dstix, zblk, out, idxv, bufm, acc):
        c = lax.axis_index("c")
        s = lax.axis_index("s")
        wid = c * NS + s

        pltpu.sync_copy(zblk, bufm)
        for t in range(RPT // CH):
            pltpu.sync_copy(bufm, acc.at[pl.ds(s * RPT + t * CH, CH)])
        plsc.subcore_barrier()

        def body(j, carry):
            base = wid * EPT + j * CH
            pltpu.sync_copy(dstix.at[pl.ds(base, CH)], idxv)
            pltpu.sync_copy(msg.at[pl.ds(base, CH)], bufm)
            pltpu.sync_copy(bufm, acc.at[idxv], add=True)
            return carry

        lax.fori_loop(0, NCH, body, 0)
        plsc.subcore_barrier()

        for t in range(RPT // CH):
            r0 = s * RPT + t * CH
            pltpu.sync_copy(acc.at[pl.ds(r0, CH)], bufm)
            pltpu.sync_copy(bufm, out.at[pl.ds(c * NP + r0, CH)])

    return k


_gather_pos = _make_gather2(16, tc_tiling=False)
_gather_h = _make_gather2(H)
_scatter_msg = _make_scatter()



def _emb_body(zf, embp, out):
    zc = zf[...]
    io = lax.broadcasted_iota(jnp.int32, (BN, 128), 1).astype(jnp.float32)
    oh = jnp.where(io == zc, 1.0, 0.0)
    out[...] = jnp.dot(oh, embp[...], preferred_element_type=jnp.float32)


def _edge_body_first(ps, pd, hd, hs, offs, e1Wi, e1Wj, e1We, e1b, e2W, e2b,
                     fW1, fb1, fW2, fb2, cfW, oea, omsg):
    d = ps[...] - pd[...]
    dist = jnp.sqrt(jnp.sum(d * d, axis=1, keepdims=True) + 1e-9)
    delta = dist - offs[...]
    ea = jnp.exp(-12.5 * delta * delta)
    _edge_tail(ea, hd, hs, e1Wi, e1Wj, e1We, e1b, e2W, e2b,
               fW1, fb1, fW2, fb2, cfW, oea, omsg)


def _edge_body_rest(eain, hd, hs, e1Wi, e1Wj, e1We, e1b, e2W, e2b,
                    fW1, fb1, fW2, fb2, cfW, oea, omsg):
    _edge_tail(eain[...], hd, hs, e1Wi, e1Wj, e1We, e1b, e2W, e2b,
               fW1, fb1, fW2, fb2, cfW, oea, omsg)


def _edge_tail(ea, hd, hs, e1Wi, e1Wj, e1We, e1b, e2W, e2b,
               fW1, fb1, fW2, fb2, cfW, oea, omsg):
    dot = lambda a, b: jnp.dot(a, b, preferred_element_type=jnp.float32)
    xs = hs[...]
    u = _ssp(dot(hd[...], e1Wi[...]) + dot(xs, e1Wj[...])
             + dot(ea, e1We[...]) + e1b[...])
    ean = dot(u, e2W[...]) + e2b[...]
    oea[...] = ean
    t = _ssp(dot(ean, fW1[...]) + fb1[...])
    wf = _ssp(dot(t, fW2[...]) + fb2[...])
    omsg[...] = dot(xs, cfW[...]) * wf


def _node_body(h, ma, mb, sW1, sW2, out):
    dot = lambda a, b: jnp.dot(a, b, preferred_element_type=jnp.float32)
    msg = ma[...] + mb[...]
    out[...] = h[...] + dot(_ssp(dot(msg, sW1[...])), sW2[...])


def _final_body(h, ma, mb, sW1, sW2, oW1p, ob1p, oW2p, ob2p, b3, acc):
    dot = lambda a, b: jnp.dot(a, b, preferred_element_type=jnp.float32)
    msg = ma[...] + mb[...]
    h3 = h[...] + dot(_ssp(dot(msg, sW1[...])), sW2[...])
    v = _ssp(dot(h3, oW1p[...]) + ob1p[...])
    no = dot(v, oW2p[...]) + ob2p[...]
    bb = b3[...].reshape(1, BN)
    io = lax.broadcasted_iota(jnp.int32, (128, BN), 0)
    ohT = jnp.where(io == bb, 1.0, 0.0)
    part = dot(ohT, no)

    @pl.when(pl.program_id(0) == 0)
    def _():
        acc[...] = jnp.zeros_like(acc)

    acc[...] += part


def _full(shape):
    return pl.BlockSpec(shape, lambda i: (0, 0))


def _rows(shape):
    return pl.BlockSpec(shape, lambda i: (i, 0))


def _tc_emb(zf, embp):
    return pl.pallas_call(
        _emb_body,
        grid=(NB,),
        in_specs=[_rows((BN, 1)), _full((128, H))],
        out_specs=_rows((BN, H)),
        out_shape=jax.ShapeDtypeStruct((NP, H), jnp.float32),
    )(zf, embp)


def _tc_edge(first, ea_or_pos, hd, hs, wts, offs):
    e1Wi, e1Wj, e1We, e1b, e2W, e2b, fW1, fb1, fW2, fb2, cfW = wts
    wspecs = [_full((H, 2 * H)), _full((H, 2 * H)), _full((H, 2 * H)),
              _full((1, 2 * H)), _full((2 * H, H)), _full((1, H)),
              _full((H, H)), _full((1, H)), _full((H, H)), _full((1, H)),
              _full((H, H))]
    outsp = (_rows((BE, H)), _rows((BE, H)))
    outsh = (jax.ShapeDtypeStruct((E_PAD, H), jnp.float32),
             jax.ShapeDtypeStruct((E_PAD, H), jnp.float32))
    if first:
        ps, pd = ea_or_pos
        return pl.pallas_call(
            _edge_body_first,
            grid=(NEB,),
            in_specs=[_rows((BE, 16)), _rows((BE, 16)), _rows((BE, H)),
                      _rows((BE, H)), _full((1, 128))] + wspecs,
            out_specs=outsp,
            out_shape=outsh,
        )(ps, pd, hd, hs, offs, *wts)
    return pl.pallas_call(
        _edge_body_rest,
        grid=(NEB,),
        in_specs=[_rows((BE, H)), _rows((BE, H)), _rows((BE, H))] + wspecs,
        out_specs=outsp,
        out_shape=outsh,
    )(ea_or_pos, hd, hs, *wts)


def _tc_node(h, ma, mb, sW1, sW2):
    return pl.pallas_call(
        _node_body,
        grid=(NB,),
        in_specs=[_rows((BN, H))] * 3 + [_full((H, H))] * 2,
        out_specs=_rows((BN, H)),
        out_shape=jax.ShapeDtypeStruct((NP, H), jnp.float32),
    )(h, ma, mb, sW1, sW2)


def _tc_final(h, ma, mb, sW1, sW2, oW1p, ob1p, oW2p, ob2p, b3):
    return pl.pallas_call(
        _final_body,
        grid=(NB,),
        in_specs=[_rows((BN, H))] * 3 + [_full((H, H))] * 2
        + [_full((H, H)), _full((1, H)), _full((H, H)), _full((1, H)),
           pl.BlockSpec((1, 1, BN), lambda i: (i, 0, 0))],
        out_specs=_full((H, H)),
        out_shape=jax.ShapeDtypeStruct((H, H), jnp.float32),
    )(h, ma, mb, sW1, sW2, oW1p, ob1p, oW2p, ob2p, b3)



def kernel(pos, params, z, edge_index, batch):
    f32 = jnp.float32
    src = edge_index[0].astype(jnp.int32)
    dst = edge_index[1].astype(jnp.int32)
    src_p = jnp.pad(src, (0, E_PAD - E))
    dst_g = jnp.pad(dst, (0, E_PAD - E))
    dst_s = jnp.pad(dst, (0, E_PAD - E), constant_values=DUMMY)
    pos_p = jnp.pad(pos.astype(f32), ((0, 0), (0, 13)))
    zf = jnp.pad(z.astype(f32), (0, NP - N)).reshape(NP, 1)
    b3 = jnp.pad(batch.astype(jnp.int32), (0, NP - N),
                 constant_values=9999).reshape(NB, 1, BN)
    zblk = jnp.zeros((CH, H), f32)
    embp = jnp.pad(params["emb"].astype(f32), ((0, 128 - ZMAX), (0, 0)))
    offs = jnp.pad(jnp.linspace(0.0, 10.0 - 10.0 / G, G, dtype=f32),
                   (0, 128 - G)).reshape(1, 128)

    ps, pd = _gather_pos(pos_p, src_p, dst_g)
    h = _tc_emb(zf, embp)

    ea = None
    for l, lp in enumerate(params["layers"]):
        e1W = lp["e1W"].astype(f32)
        e1We = e1W[2 * H:]
        if l == 0:
            e1We = jnp.pad(e1We, ((0, 128 - G), (0, 0)))
        wts = (e1W[:H], e1W[H:2 * H], e1We, lp["e1b"].reshape(1, 2 * H),
               lp["e2W"], lp["e2b"].reshape(1, H), lp["fW1"],
               lp["fb1"].reshape(1, H), lp["fW2"], lp["fb2"].reshape(1, H),
               lp["cfW"])
        hs, hd = _gather_h(h, src_p, dst_g)
        ea, msg_e = _tc_edge(l == 0, (ps, pd) if l == 0 else ea, hd, hs,
                             wts, offs)
        parts = _scatter_msg(msg_e, dst_s, zblk)
        ma, mb = parts[:NP], parts[NP:]
        if l < 2:
            h = _tc_node(h, ma, mb, lp["sW1"], lp["sW2"])
        else:
            oW1p = jnp.pad(params["oW1"].astype(f32), ((0, 0), (0, H - H // 2)))
            ob1p = jnp.pad(params["ob1"].astype(f32), (0, H - H // 2)).reshape(1, H)
            oW2p = jnp.pad(jnp.broadcast_to(params["oW2"].astype(f32), (H // 2, H)),
                           ((0, H - H // 2), (0, 0)))
            ob2p = jnp.broadcast_to(params["ob2"].astype(f32), (1, H))
            acc = _tc_final(h, ma, mb, lp["sW1"], lp["sW2"],
                            oW1p, ob1p, oW2p, ob2p, b3)
    return acc[:NG, :1]

# --- scband reference (transcript-rebuilt; emitter-appended) ---
"""Pipeline reference for scband-nmpedge-30966714204395 (READ-ONLY COPY).

The authoritative reference and input builder live on the scoring server;
editing this copy changes nothing except your own understanding.
"""

import jax, jax.numpy as jnp
import numpy as np

N = 10000; E = 320000; H = 128; F = 128; G = 50; L = 3; NG = 64; ZMAX = 100
_SHIFT = float(np.log(2.0))

def _ssp(x):
    return jax.nn.softplus(x) - _SHIFT

def _make_params(key):
    params = {'layers': []}
    def w(k, shape):
        return jax.random.normal(k, shape, dtype=jnp.float32) * 0.05
    key, k = jax.random.split(key); params['emb'] = w(k, (ZMAX, H))
    for l in range(L):
        ein = 2 * H + (G if l == 0 else H)
        lp = {}
        key, k = jax.random.split(key); lp['e1W'] = w(k, (ein, 2 * H))
        lp['e1b'] = jnp.zeros((2 * H,), jnp.float32)
        key, k = jax.random.split(key); lp['e2W'] = w(k, (2 * H, H))
        lp['e2b'] = jnp.zeros((H,), jnp.float32)
        key, k = jax.random.split(key); lp['fW1'] = w(k, (H, F))
        lp['fb1'] = jnp.zeros((F,), jnp.float32)
        key, k = jax.random.split(key); lp['fW2'] = w(k, (F, F))
        lp['fb2'] = jnp.zeros((F,), jnp.float32)
        key, k = jax.random.split(key); lp['cfW'] = w(k, (H, F))
        key, k = jax.random.split(key); lp['sW1'] = w(k, (F, H))
        key, k = jax.random.split(key); lp['sW2'] = w(k, (H, H))
        params['layers'].append(lp)
    key, k = jax.random.split(key); params['oW1'] = w(k, (H, H // 2))
    params['ob1'] = jnp.zeros((H // 2,), jnp.float32)
    key, k = jax.random.split(key); params['oW2'] = w(k, (H // 2, 1))
    params['ob2'] = jnp.zeros((1,), jnp.float32)
    return params

def _forward(pos, params, z, edge_index, batch):
    # initial node embeddings from atomic numbers
    h = params['emb'][z]
    src = edge_index[0]; dst = edge_index[1]
    # interatomic distances on precomputed radius graph
    d = pos[src] - pos[dst]
    dist = jnp.sqrt(jnp.sum(d * d, axis=-1) + 1e-9)
    # GaussianSmearing(start=0, stop=cutoff=10, num_gaussians=50)
    stop = 10.0 - 10.0 / G
    offset = jnp.linspace(0.0, stop, G)
    coeff = -0.5 / (offset[1] - offset[0]) ** 2
    edge_attr = jnp.exp(coeff * (dist[:, None] - offset[None, :]) ** 2)
    for lp in params['layers']:
        # EdgeUpdate: cat([x_i, x_j, edge_attr]) -> fc1 -> ssp -> fc2
        x_i = h[dst]; x_j = h[src]
        ea = jnp.concatenate([x_i, x_j, edge_attr], axis=1)
        ea = _ssp(ea @ lp['e1W'] + lp['e1b'])
        edge_attr = ea @ lp['e2W'] + lp['e2b']
        # MessageFunction / CFConv: W = filter_mlp(edge_attr); msg_j = fc1(x_j) * W; aggr='add' over dst
        Wf = _ssp(_ssp(edge_attr @ lp['fW1'] + lp['fb1']) @ lp['fW2'] + lp['fb2'])
        msg_e = (h[src] @ lp['cfW']) * Wf
        msg = jax.ops.segment_sum(msg_e, dst, num_segments=N)
        # StateMLP state-transition (hypernet_update=False), residual update
        h = h + _ssp(msg @ lp['sW1']) @ lp['sW2']
    # output network + 'add' readout over graphs in batch
    node_out = _ssp(h @ params['oW1'] + params['ob1']) @ params['oW2'] + params['ob2']
    out = jax.ops.segment_sum(node_out, batch, num_segments=NG)
    return out

def setup_inputs(seed: int = 0):
    key = jax.random.key(seed)
    ks = jax.random.split(key, 5)
    z = jax.random.randint(ks[0], (N,), 0, ZMAX)
    pos = jax.random.uniform(ks[1], (N, 3), dtype=jnp.float32) * 5.0
    edge_index = jax.random.randint(ks[2], (2, E), 0, N)
    batch = jnp.sort(jax.random.randint(ks[3], (N,), 0, NG))
    params = _make_params(ks[4])
    return {'pos': pos, 'params': params, 'z': z, 'edge_index': edge_index, 'batch': batch}

def reference(pos, params, z, edge_index, batch):
    return _forward(pos, params, z, edge_index, batch)

if __name__ == "__main__":
    import jax
    _d = setup_inputs()
    print(jax.jit(kernel)(*tuple(_d.values())))

</pallas_src>

<mosaic_0001>
#map = affine_map<(d0, d1) -> (0, 0)>
#map1 = affine_map<(d0, d1) -> (0)>
module attributes {stable_mosaic.version = 14 : i64} {
  func.func @k(%arg0: i32, %arg1: i32, %arg2: memref<323584x128xf32, #tpu.memory_space<hbm>>, %arg3: memref<323584xi32, #tpu.memory_space<hbm>>, %arg4: memref<128x128xf32, #tpu.memory_space<hbm>>, %arg5: memref<20480x128xf32, #tpu.memory_space<hbm>>, %arg6: memref<128xi32, #tpu.memory_space<vmem>>, %arg7: memref<128x128xf32, #tpu.memory_space<vmem>>, %arg8: memref<10240x128xf32, #tpu.memory_space<vmem_shared>>) attributes {dimension_semantics = [#tpu.dimension_semantics<core_parallel>, #tpu.dimension_semantics<subcore_parallel>], iteration_bounds = array<i64: 2, 16>, scalar_prefetch = 0 : i64, scratch_operands = 3 : i64, tpu.core_type = #tpu.core_type<sc_vector_subcore>, window_params = [{transform_indices = #map}, {transform_indices = #map1}, {transform_indices = #map}, {transform_indices = #map}]} {
    %mul3A = arith.constant 16 : i32
    %mul3A_0 = arith.muli %arg0, %mul3A : i32
    %add3A = arith.addi %mul3A_0, %arg1 : i32
    "tpu.region"() ({
      %run_scoped3A = tpu.sem_alloc : memref<!tpu.dma_semaphore, #tpu.memory_space<semaphore_mem>>
      tpu.enqueue_dma source(%arg4 : memref<128x128xf32, #tpu.memory_space<hbm>>) target(%arg7 : memref<128x128xf32, #tpu.memory_space<vmem>>) target_semaphore(%run_scoped3A : memref<!tpu.dma_semaphore, #tpu.memory_space<semaphore_mem>>)
      tpu.wait_dma2 semaphore(%run_scoped3A : memref<!tpu.dma_semaphore, #tpu.memory_space<semaphore_mem>>) src(%arg4 : memref<128x128xf32, #tpu.memory_space<hbm>>) dst(%arg7 : memref<128x128xf32, #tpu.memory_space<vmem>>)
      tpu.yield
    }) : () -> ()
    %mul3A_1 = arith.constant 640 : i32
    %mul3A_2 = arith.muli %arg1, %mul3A_1 : i32
    %add3A_3 = arith.constant 0 : i32
    %add3A_4 = arith.addi %mul3A_2, %add3A_3 : i32
    "tpu.region"() ({
      %run_scoped3A = tpu.sem_alloc : memref<!tpu.dma_semaphore, #tpu.memory_space<semaphore_mem>>
      %dma_start3A = arith.constant 0 : i32
      %dma_start3A_62 = tpu.memref_slice %arg8[%add3A_4, %dma_start3A] : memref<10240x128xf32, #tpu.memory_space<vmem_shared>> -> memref<128x128xf32, #tpu.memory_space<vmem_shared>>
      %dma_start3A_63 = arith.constant 0 : i32
      %dma_start3A_64 = tpu.memref_slice %arg8[%add3A_4, %dma_start3A_63] : memref<10240x128xf32, #tpu.memory_space<vmem_shared>> -> memref<128x128xf32, #tpu.memory_space<vmem_shared>>
      tpu.enqueue_dma source(%arg7 : memref<128x128xf32, #tpu.memory_space<vmem>>) target(%dma_start3A_64 : memref<128x128xf32, #tpu.memory_space<vmem_shared>>) target_semaphore(%run_scoped3A : memref<!tpu.dma_semaphore, #tpu.memory_space<semaphore_mem>>)
      %dma_wait3A = arith.constant 0 : i32
      %dma_wait3A_65 = tpu.memref_slice %arg8[%add3A_4, %dma_wait3A] : memref<10240x128xf32, #tpu.memory_space<vmem_shared>> -> memref<128x128xf32, #tpu.memory_space<vmem_shared>>
      %dma_wait3A_66 = arith.constant 0 : i32
      %dma_wait3A_67 = tpu.memref_slice %arg8[%add3A_4, %dma_wait3A_66] : memref<10240x128xf32, #tpu.memory_space<vmem_shared>> -> memref<128x128xf32, #tpu.memory_space<vmem_shared>>
      tpu.wait_dma2 semaphore(%run_scoped3A : memref<!tpu.dma_semaphore, #tpu.memory_space<semaphore_mem>>) src(%arg7 : memref<128x128xf32, #tpu.memory_space<vmem>>) dst(%dma_wait3A_67 : memref<128x128xf32, #tpu.memory_space<vmem_shared>>)
      tpu.yield
    }) : () -> ()
    %mul3A_5 = arith.constant 640 : i32
    %mul3A_6 = arith.muli %arg1, %mul3A_5 : i32
    %add3A_7 = arith.constant 128 : i32
    %add3A_8 = arith.addi %mul3A_6, %add3A_7 : i32
    "tpu.region"() ({
      %run_scoped3A = tpu.sem_alloc : memref<!tpu.dma_semaphore, #tpu.memory_space<semaphore_mem>>
      %dma_start3A = arith.constant 0 : i32
      %dma_start3A_62 = tpu.memref_slice %arg8[%add3A_8, %dma_start3A] : memref<10240x128xf32, #tpu.memory_space<vmem_shared>> -> memref<128x128xf32, #tpu.memory_space<vmem_shared>>
      %dma_start3A_63 = arith.constant 0 : i32
      %dma_start3A_64 = tpu.memref_slice %arg8[%add3A_8, %dma_start3A_63] : memref<10240x128xf32, #tpu.memory_space<vmem_shared>> -> memref<128x128xf32, #tpu.memory_space<vmem_shared>>
      tpu.enqueue_dma source(%arg7 : memref<128x128xf32, #tpu.memory_space<vmem>>) target(%dma_start3A_64 : memref<128x128xf32, #tpu.memory_space<vmem_shared>>) target_semaphore(%run_scoped3A : memref<!tpu.dma_semaphore, #tpu.memory_space<semaphore_mem>>)
      %dma_wait3A = arith.constant 0 : i32
      %dma_wait3A_65 = tpu.memref_slice %arg8[%add3A_8, %dma_wait3A] : memref<10240x128xf32, #tpu.memory_space<vmem_shared>> -> memref<128x128xf32, #tpu.memory_space<vmem_shared>>
      %dma_wait3A_66 = arith.constant 0 : i32
      %dma_wait3A_67 = tpu.memref_slice %arg8[%add3A_8, %dma_wait3A_66] : memref<10240x128xf32, #tpu.memory_space<vmem_shared>> -> memref<128x128xf32, #tpu.memory_space<vmem_shared>>
      tpu.wait_dma2 semaphore(%run_scoped3A : memref<!tpu.dma_semaphore, #tpu.memory_space<semaphore_mem>>) src(%arg7 : memref<128x128xf32, #tpu.memory_space<vmem>>) dst(%dma_wait3A_67 : memref<128x128xf32, #tpu.memory_space<vmem_shared>>)
      tpu.yield
    }) : () -> ()
    %mul3A_9 = arith.constant 640 : i32
    %mul3A_10 = arith.muli %arg1, %mul3A_9 : i32
    %add3A_11 = arith.constant 256 : i32
    %add3A_12 = arith.addi %mul3A_10, %add3A_11 : i32
    "tpu.region"() ({
      %run_scoped3A = tpu.sem_alloc : memref<!tpu.dma_semaphore, #tpu.memory_space<semaphore_mem>>
      %dma_start3A = arith.constant 0 : i32
      %dma_start3A_62 = tpu.memref_slice %arg8[%add3A_12, %dma_start3A] : memref<10240x128xf32, #tpu.memory_space<vmem_shared>> -> memref<128x128xf32, #tpu.memory_space<vmem_shared>>
      %dma_start3A_63 = arith.constant 0 : i32
      %dma_start3A_64 = tpu.memref_slice %arg8[%add3A_12, %dma_start3A_63] : memref<10240x128xf32, #tpu.memory_space<vmem_shared>> -> memref<128x128xf32, #tpu.memory_space<vmem_shared>>
      tpu.enqueue_dma source(%arg7 : memref<128x128xf32, #tpu.memory_space<vmem>>) target(%dma_start3A_64 : memref<128x128xf32, #tpu.memory_space<vmem_shared>>) target_semaphore(%run_scoped3A : memref<!tpu.dma_semaphore, #tpu.memory_space<semaphore_mem>>)
      %dma_wait3A = arith.constant 0 : i32
      %dma_wait3A_65 = tpu.memref_slice %arg8[%add3A_12, %dma_wait3A] : memref<10240x128xf32, #tpu.memory_space<vmem_shared>> -> memref<128x128xf32, #tpu.memory_space<vmem_shared>>
      %dma_wait3A_66 = arith.constant 0 : i32
      %dma_wait3A_67 = tpu.memref_slice %arg8[%add3A_12, %dma_wait3A_66] : memref<10240x128xf32, #tpu.memory_space<vmem_shared>> -> memref<128x128xf32, #tpu.memory_space<vmem_shared>>
      tpu.wait_dma2 semaphore(%run_scoped3A : memref<!tpu.dma_semaphore, #tpu.memory_space<semaphore_mem>>) src(%arg7 : memref<128x128xf32, #tpu.memory_space<vmem>>) dst(%dma_wait3A_67 : memref<128x128xf32, #tpu.memory_space<vmem_shared>>)
      tpu.yield
    }) : () -> ()
    %mul3A_13 = arith.constant 640 : i32
    %mul3A_14 = arith.muli %arg1, %mul3A_13 : i32
    %add3A_15 = arith.constant 384 : i32
    %add3A_16 = arith.addi %mul3A_14, %add3A_15 : i32
    "tpu.region"() ({
      %run_scoped3A = tpu.sem_alloc : memref<!tpu.dma_semaphore, #tpu.memory_space<semaphore_mem>>
      %dma_start3A = arith.constant 0 : i32
      %dma_start3A_62 = tpu.memref_slice %arg8[%add3A_16, %dma_start3A] : memref<10240x128xf32, #tpu.memory_space<vmem_shared>> -> memref<128x128xf32, #tpu.memory_space<vmem_shared>>
      %dma_start3A_63 = arith.constant 0 : i32
      %dma_start3A_64 = tpu.memref_slice %arg8[%add3A_16, %dma_start3A_63] : memref<10240x128xf32, #tpu.memory_space<vmem_shared>> -> memref<128x128xf32, #tpu.memory_space<vmem_shared>>
      tpu.enqueue_dma source(%arg7 : memref<128x128xf32, #tpu.memory_space<vmem>>) target(%dma_start3A_64 : memref<128x128xf32, #tpu.memory_space<vmem_shared>>) target_semaphore(%run_scoped3A : memref<!tpu.dma_semaphore, #tpu.memory_space<semaphore_mem>>)
      %dma_wait3A = arith.constant 0 : i32
      %dma_wait3A_65 = tpu.memref_slice %arg8[%add3A_16, %dma_wait3A] : memref<10240x128xf32, #tpu.memory_space<vmem_shared>> -> memref<128x128xf32, #tpu.memory_space<vmem_shared>>
      %dma_wait3A_66 = arith.constant 0 : i32
      %dma_wait3A_67 = tpu.memref_slice %arg8[%add3A_16, %dma_wait3A_66] : memref<10240x128xf32, #tpu.memory_space<vmem_shared>> -> memref<128x128xf32, #tpu.memory_space<vmem_shared>>
      tpu.wait_dma2 semaphore(%run_scoped3A : memref<!tpu.dma_semaphore, #tpu.memory_space<semaphore_mem>>) src(%arg7 : memref<128x128xf32, #tpu.memory_space<vmem>>) dst(%dma_wait3A_67 : memref<128x128xf32, #tpu.memory_space<vmem_shared>>)
      tpu.yield
    }) : () -> ()
    %mul3A_17 = arith.constant 640 : i32
    %mul3A_18 = arith.muli %arg1, %mul3A_17 : i32
    %add3A_19 = arith.constant 512 : i32
    %add3A_20 = arith.addi %mul3A_18, %add3A_19 : i32
    "tpu.region"() ({
      %run_scoped3A = tpu.sem_alloc : memref<!tpu.dma_semaphore, #tpu.memory_space<semaphore_mem>>
      %dma_start3A = arith.constant 0 : i32
      %dma_start3A_62 = tpu.memref_slice %arg8[%add3A_20, %dma_start3A] : memref<10240x128xf32, #tpu.memory_space<vmem_shared>> -> memref<128x128xf32, #tpu.memory_space<vmem_shared>>
      %dma_start3A_63 = arith.constant 0 : i32
      %dma_start3A_64 = tpu.memref_slice %arg8[%add3A_20, %dma_start3A_63] : memref<10240x128xf32, #tpu.memory_space<vmem_shared>> -> memref<128x128xf32, #tpu.memory_space<vmem_shared>>
      tpu.enqueue_dma source(%arg7 : memref<128x128xf32, #tpu.memory_space<vmem>>) target(%dma_start3A_64 : memref<128x128xf32, #tpu.memory_space<vmem_shared>>) target_semaphore(%run_scoped3A : memref<!tpu.dma_semaphore, #tpu.memory_space<semaphore_mem>>)
      %dma_wait3A = arith.constant 0 : i32
      %dma_wait3A_65 = tpu.memref_slice %arg8[%add3A_20, %dma_wait3A] : memref<10240x128xf32, #tpu.memory_space<vmem_shared>> -> memref<128x128xf32, #tpu.memory_space<vmem_shared>>
      %dma_wait3A_66 = arith.constant 0 : i32
      %dma_wait3A_67 = tpu.memref_slice %arg8[%add3A_20, %dma_wait3A_66] : memref<10240x128xf32, #tpu.memory_space<vmem_shared>> -> memref<128x128xf32, #tpu.memory_space<vmem_shared>>
      tpu.wait_dma2 semaphore(%run_scoped3A : memref<!tpu.dma_semaphore, #tpu.memory_space<semaphore_mem>>) src(%arg7 : memref<128x128xf32, #tpu.memory_space<vmem>>) dst(%dma_wait3A_67 : memref<128x128xf32, #tpu.memory_space<vmem_shared>>)
      tpu.yield
    }) : () -> ()
    %barrier3A = arith.constant 0 : index
    tpu.barrier barrier_id(%barrier3A)
    %scan3A = arith.constant 0 : i32
    %scan3A_21 = arith.constant 0 : i32
    %scan3A_22 = arith.constant 79 : i32
    %scan3A_23 = arith.addi %scan3A_21, %scan3A_22 : i32
    %scan3A_24 = arith.constant 1 : i32
    scf.for %scan3A_62 = %scan3A_21 to %scan3A_23 step %scan3A_24  : i32 {
      %mul3A_63 = arith.constant 10112 : i32
      %mul3A_64 = arith.muli %add3A, %mul3A_63 : i32
      %mul3A_65 = arith.constant 128 : i32
      %mul3A_66 = arith.muli %scan3A_62, %mul3A_65 : i32
      %add3A_67 = arith.addi %mul3A_64, %mul3A_66 : i32
      "tpu.region"() ({
        %run_scoped3A = tpu.sem_alloc : memref<!tpu.dma_semaphore, #tpu.memory_space<semaphore_mem>>
        %dma_start3A = tpu.memref_slice %arg3[%add3A_67] : memref<323584xi32, #tpu.memory_space<hbm>> -> memref<128xi32, #tpu.memory_space<hbm>>
        %dma_start3A_68 = tpu.memref_slice %arg3[%add3A_67] : memref<323584xi32, #tpu.memory_space<hbm>> -> memref<128xi32, #tpu.memory_space<hbm>>
        tpu.enqueue_dma source(%dma_start3A_68 : memref<128xi32, #tpu.memory_space<hbm>>) target(%arg6 : memref<128xi32, #tpu.memory_space<vmem>>) target_semaphore(%run_scoped3A : memref<!tpu.dma_semaphore, #tpu.memory_space<semaphore_mem>>)
        %dma_wait3A = tpu.memref_slice %arg3[%add3A_67] : memref<323584xi32, #tpu.memory_space<hbm>> -> memref<128xi32, #tpu.memory_space<hbm>>
        %dma_wait3A_69 = tpu.memref_slice %arg3[%add3A_67] : memref<323584xi32, #tpu.memory_space<hbm>> -> memref<128xi32, #tpu.memory_space<hbm>>
        tpu.wait_dma2 semaphore(%run_scoped3A : memref<!tpu.dma_semaphore, #tpu.memory_space<semaphore_mem>>) src(%dma_wait3A_69 : memref<128xi32, #tpu.memory_space<hbm>>) dst(%arg6 : memref<128xi32, #tpu.memory_space<vmem>>)
        tpu.yield
      }) : () -> ()
      "tpu.region"() ({
        %run_scoped3A = tpu.sem_alloc : memref<!tpu.dma_semaphore, #tpu.memory_space<semaphore_mem>>
        %dma_start3A = arith.constant 0 : i32
        %dma_start3A_68 = tpu.memref_slice %arg2[%add3A_67, %dma_start3A] : memref<323584x128xf32, #tpu.memory_space<hbm>> -> memref<128x128xf32, #tpu.memory_space<hbm>>
        %dma_start3A_69 = arith.constant 0 : i32
        %dma_start3A_70 = tpu.memref_slice %arg2[%add3A_67, %dma_start3A_69] : memref<323584x128xf32, #tpu.memory_space<hbm>> -> memref<128x128xf32, #tpu.memory_space<hbm>>
        tpu.enqueue_dma source(%dma_start3A_70 : memref<128x128xf32, #tpu.memory_space<hbm>>) target(%arg7 : memref<128x128xf32, #tpu.memory_space<vmem>>) target_semaphore(%run_scoped3A : memref<!tpu.dma_semaphore, #tpu.memory_space<semaphore_mem>>)
        %dma_wait3A = arith.constant 0 : i32
        %dma_wait3A_71 = tpu.memref_slice %arg2[%add3A_67, %dma_wait3A] : memref<323584x128xf32, #tpu.memory_space<hbm>> -> memref<128x128xf32, #tpu.memory_space<hbm>>
        %dma_wait3A_72 = arith.constant 0 : i32
        %dma_wait3A_73 = tpu.memref_slice %arg2[%add3A_67, %dma_wait3A_72] : memref<323584x128xf32, #tpu.memory_space<hbm>> -> memref<128x128xf32, #tpu.memory_space<hbm>>
        tpu.wait_dma2 semaphore(%run_scoped3A : memref<!tpu.dma_semaphore, #tpu.memory_space<semaphore_mem>>) src(%dma_wait3A_73 : memref<128x128xf32, #tpu.memory_space<hbm>>) dst(%arg7 : memref<128x128xf32, #tpu.memory_space<vmem>>)
        tpu.yield
      }) : () -> ()
      "tpu.region"() ({
        %run_scoped3A = tpu.sem_alloc : memref<!tpu.dma_semaphore, #tpu.memory_space<semaphore_mem>>
        %dma_start3A = arith.constant 0 : i32
        %dma_start3A_68 = arith.constant 0 : i32
        %dma_start3A_69 = tpu.memref_slice %arg8[%dma_start3A, %dma_start3A_68] : memref<10240x128xf32, #tpu.memory_space<vmem_shared>> -> memref<10240x128xf32, #tpu.memory_space<vmem_shared>>
        tpu.enqueue_indirect_dma source(%arg7 : memref<128x128xf32, #tpu.memory_space<vmem>>) target(%dma_start3A_69 : memref<10240x128xf32, #tpu.memory_space<vmem_shared>>) offsets(%arg6 : memref<128xi32, #tpu.memory_space<vmem>>) semaphore(%run_scoped3A : memref<!tpu.dma_semaphore, #tpu.memory_space<semaphore_mem>>) {add = true}
        %dma_wait3A = arith.constant 0 : i32
        %dma_wait3A_70 = arith.constant 0 : i32
        %dma_wait3A_71 = tpu.memref_slice %arg8[%dma_wait3A, %dma_wait3A_70] : memref<10240x128xf32, #tpu.memory_space<vmem_shared>> -> memref<10240x128xf32, #tpu.memory_space<vmem_shared>>
        tpu.wait_indirect_dma semaphore(%run_scoped3A : memref<!tpu.dma_semaphore, #tpu.memory_space<semaphore_mem>>) src(%arg7 : memref<128x128xf32, #tpu.memory_space<vmem>>) dst(%dma_wait3A_71 : memref<10240x128xf32, #tpu.memory_space<vmem_shared>>)
        tpu.yield
      }) : () -> ()
    }
    %scan3A_25 = arith.constant 79 : i32
    %barrier3A_26 = arith.constant 0 : index
    tpu.barrier barrier_id(%barrier3A_26)
    %mul3A_27 = arith.constant 640 : i32
    %mul3A_28 = arith.muli %arg1, %mul3A_27 : i32
    %add3A_29 = arith.constant 0 : i32
    %add3A_30 = arith.addi %mul3A_28, %add3A_29 : i32
    "tpu.region"() ({
      %run_scoped3A = tpu.sem_alloc : memref<!tpu.dma_semaphore, #tpu.memory_space<semaphore_mem>>
      %dma_start3A = arith.constant 0 : i32
      %dma_start3A_62 = tpu.memref_slice %arg8[%add3A_30, %dma_start3A] : memref<10240x128xf32, #tpu.memory_space<vmem_shared>> -> memref<128x128xf32, #tpu.memory_space<vmem_shared>>
      %dma_start3A_63 = arith.constant 0 : i32
      %dma_start3A_64 = tpu.memref_slice %arg8[%add3A_30, %dma_start3A_63] : memref<10240x128xf32, #tpu.memory_space<vmem_shared>> -> memref<128x128xf32, #tpu.memory_space<vmem_shared>>
      tpu.enqueue_dma source(%dma_start3A_64 : memref<128x128xf32, #tpu.memory_space<vmem_shared>>) target(%arg7 : memref<128x128xf32, #tpu.memory_space<vmem>>) target_semaphore(%run_scoped3A : memref<!tpu.dma_semaphore, #tpu.memory_space<semaphore_mem>>)
      %dma_wait3A = arith.constant 0 : i32
      %dma_wait3A_65 = tpu.memref_slice %arg8[%add3A_30, %dma_wait3A] : memref<10240x128xf32, #tpu.memory_space<vmem_shared>> -> memref<128x128xf32, #tpu.memory_space<vmem_shared>>
      %dma_wait3A_66 = arith.constant 0 : i32
      %dma_wait3A_67 = tpu.memref_slice %arg8[%add3A_30, %dma_wait3A_66] : memref<10240x128xf32, #tpu.memory_space<vmem_shared>> -> memref<128x128xf32, #tpu.memory_space<vmem_shared>>
      tpu.wait_dma2 semaphore(%run_scoped3A : memref<!tpu.dma_semaphore, #tpu.memory_space<semaphore_mem>>) src(%dma_wait3A_67 : memref<128x128xf32, #tpu.memory_space<vmem_shared>>) dst(%arg7 : memref<128x128xf32, #tpu.memory_space<vmem>>)
      tpu.yield
    }) : () -> ()
    %mul3A_31 = arith.constant 10240 : i32
    %mul3A_32 = arith.muli %arg0, %mul3A_31 : i32
    %add3A_33 = arith.addi %mul3A_32, %add3A_30 : i32
    "tpu.region"() ({
      %run_scoped3A = tpu.sem_alloc : memref<!tpu.dma_semaphore, #tpu.memory_space<semaphore_mem>>
      %dma_start3A = arith.constant 0 : i32
      %dma_start3A_62 = tpu.memref_slice %arg5[%add3A_33, %dma_start3A] : memref<20480x128xf32, #tpu.memory_space<hbm>> -> memref<128x128xf32, #tpu.memory_space<hbm>>
      %dma_start3A_63 = arith.constant 0 : i32
      %dma_start3A_64 = tpu.memref_slice %arg5[%add3A_33, %dma_start3A_63] : memref<20480x128xf32, #tpu.memory_space<hbm>> -> memref<128x128xf32, #tpu.memory_space<hbm>>
      tpu.enqueue_dma source(%arg7 : memref<128x128xf32, #tpu.memory_space<vmem>>) target(%dma_start3A_64 : memref<128x128xf32, #tpu.memory_space<hbm>>) target_semaphore(%run_scoped3A : memref<!tpu.dma_semaphore, #tpu.memory_space<semaphore_mem>>)
      %dma_wait3A = arith.constant 0 : i32
      %dma_wait3A_65 = tpu.memref_slice %arg5[%add3A_33, %dma_wait3A] : memref<20480x128xf32, #tpu.memory_space<hbm>> -> memref<128x128xf32, #tpu.memory_space<hbm>>
      %dma_wait3A_66 = arith.constant 0 : i32
      %dma_wait3A_67 = tpu.memref_slice %arg5[%add3A_33, %dma_wait3A_66] : memref<20480x128xf32, #tpu.memory_space<hbm>> -> memref<128x128xf32, #tpu.memory_space<hbm>>
      tpu.wait_dma2 semaphore(%run_scoped3A : memref<!tpu.dma_semaphore, #tpu.memory_space<semaphore_mem>>) src(%arg7 : memref<128x128xf32, #tpu.memory_space<vmem>>) dst(%dma_wait3A_67 : memref<128x128xf32, #tpu.memory_space<hbm>>)
      tpu.yield
    }) : () -> ()
    %mul3A_34 = arith.constant 640 : i32
    %mul3A_35 = arith.muli %arg1, %mul3A_34 : i32
    %add3A_36 = arith.constant 128 : i32
    %add3A_37 = arith.addi %mul3A_35, %add3A_36 : i32
    "tpu.region"() ({
      %run_scoped3A = tpu.sem_alloc : memref<!tpu.dma_semaphore, #tpu.memory_space<semaphore_mem>>
      %dma_start3A = arith.constant 0 : i32
      %dma_start3A_62 = tpu.memref_slice %arg8[%add3A_37, %dma_start3A] : memref<10240x128xf32, #tpu.memory_space<vmem_shared>> -> memref<128x128xf32, #tpu.memory_space<vmem_shared>>
      %dma_start3A_63 = arith.constant 0 : i32
      %dma_start3A_64 = tpu.memref_slice %arg8[%add3A_37, %dma_start3A_63] : memref<10240x128xf32, #tpu.memory_space<vmem_shared>> -> memref<128x128xf32, #tpu.memory_space<vmem_shared>>
      tpu.enqueue_dma source(%dma_start3A_64 : memref<128x128xf32, #tpu.memory_space<vmem_shared>>) target(%arg7 : memref<128x128xf32, #tpu.memory_space<vmem>>) target_semaphore(%run_scoped3A : memref<!tpu.dma_semaphore, #tpu.memory_space<semaphore_mem>>)
      %dma_wait3A = arith.constant 0 : i32
      %dma_wait3A_65 = tpu.memref_slice %arg8[%add3A_37, %dma_wait3A] : memref<10240x128xf32, #tpu.memory_space<vmem_shared>> -> memref<128x128xf32, #tpu.memory_space<vmem_shared>>
      %dma_wait3A_66 = arith.constant 0 : i32
      %dma_wait3A_67 = tpu.memref_slice %arg8[%add3A_37, %dma_wait3A_66] : memref<10240x128xf32, #tpu.memory_space<vmem_shared>> -> memref<128x128xf32, #tpu.memory_space<vmem_shared>>
      tpu.wait_dma2 semaphore(%run_scoped3A : memref<!tpu.dma_semaphore, #tpu.memory_space<semaphore_mem>>) src(%dma_wait3A_67 : memref<128x128xf32, #tpu.memory_space<vmem_shared>>) dst(%arg7 : memref<128x128xf32, #tpu.memory_space<vmem>>)
      tpu.yield
    }) : () -> ()
    %mul3A_38 = arith.constant 10240 : i32
    %mul3A_39 = arith.muli %arg0, %mul3A_38 : i32
    %add3A_40 = arith.addi %mul3A_39, %add3A_37 : i32
    "tpu.region"() ({
      %run_scoped3A = tpu.sem_alloc : memref<!tpu.dma_semaphore, #tpu.memory_space<semaphore_mem>>
      %dma_start3A = arith.constant 0 : i32
      %dma_start3A_62 = tpu.memref_slice %arg5[%add3A_40, %dma_start3A] : memref<20480x128xf32, #tpu.memory_space<hbm>> -> memref<128x128xf32, #tpu.memory_space<hbm>>
      %dma_start3A_63 = arith.constant 0 : i32
      %dma_start3A_64 = tpu.memref_slice %arg5[%add3A_40, %dma_start3A_63] : memref<20480x128xf32, #tpu.memory_space<hbm>> -> memref<128x128xf32, #tpu.memory_space<hbm>>
      tpu.enqueue_dma source(%arg7 : memref<128x128xf32, #tpu.memory_space<vmem>>) target(%dma_start3A_64 : memref<128x128xf32, #tpu.memory_space<hbm>>) target_semaphore(%run_scoped3A : memref<!tpu.dma_semaphore, #tpu.memory_space<semaphore_mem>>)
      %dma_wait3A = arith.constant 0 : i32
      %dma_wait3A_65 = tpu.memref_slice %arg5[%add3A_40, %dma_wait3A] : memref<20480x128xf32, #tpu.memory_space<hbm>> -> memref<128x128xf32, #tpu.memory_space<hbm>>
      %dma_wait3A_66 = arith.constant 0 : i32
      %dma_wait3A_67 = tpu.memref_slice %arg5[%add3A_40, %dma_wait3A_66] : memref<20480x128xf32, #tpu.memory_space<hbm>> -> memref<128x128xf32, #tpu.memory_space<hbm>>
      tpu.wait_dma2 semaphore(%run_scoped3A : memref<!tpu.dma_semaphore, #tpu.memory_space<semaphore_mem>>) src(%arg7 : memref<128x128xf32, #tpu.memory_space<vmem>>) dst(%dma_wait3A_67 : memref<128x128xf32, #tpu.memory_space<hbm>>)
      tpu.yield
    }) : () -> ()
    %mul3A_41 = arith.constant 640 : i32
    %mul3A_42 = arith.muli %arg1, %mul3A_41 : i32
    %add3A_43 = arith.constant 256 : i32
    %add3A_44 = arith.addi %mul3A_42, %add3A_43 : i32
    "tpu.region"() ({
      %run_scoped3A = tpu.sem_alloc : memref<!tpu.dma_semaphore, #tpu.memory_space<semaphore_mem>>
      %dma_start3A = arith.constant 0 : i32
      %dma_start3A_62 = tpu.memref_slice %arg8[%add3A_44, %dma_start3A] : memref<10240x128xf32, #tpu.memory_space<vmem_shared>> -> memref<128x128xf32, #tpu.memory_space<vmem_shared>>
      %dma_start3A_63 = arith.constant 0 : i32
      %dma_start3A_64 = tpu.memref_slice %arg8[%add3A_44, %dma_start3A_63] : memref<10240x128xf32, #tpu.memory_space<vmem_shared>> -> memref<128x128xf32, #tpu.memory_space<vmem_shared>>
      tpu.enqueue_dma source(%dma_start3A_64 : memref<128x128xf32, #tpu.memory_space<vmem_shared>>) target(%arg7 : memref<128x128xf32, #tpu.memory_space<vmem>>) target_semaphore(%run_scoped3A : memref<!tpu.dma_semaphore, #tpu.memory_space<semaphore_mem>>)
      %dma_wait3A = arith.constant 0 : i32
      %dma_wait3A_65 = tpu.memref_slice %arg8[%add3A_44, %dma_wait3A] : memref<10240x128xf32, #tpu.memory_space<vmem_shared>> -> memref<128x128xf32, #tpu.memory_space<vmem_shared>>
      %dma_wait3A_66 = arith.constant 0 : i32
      %dma_wait3A_67 = tpu.memref_slice %arg8[%add3A_44, %dma_wait3A_66] : memref<10240x128xf32, #tpu.memory_space<vmem_shared>> -> memref<128x128xf32, #tpu.memory_space<vmem_shared>>
      tpu.wait_dma2 semaphore(%run_scoped3A : memref<!tpu.dma_semaphore, #tpu.memory_space<semaphore_mem>>) src(%dma_wait3A_67 : memref<128x128xf32, #tpu.memory_space<vmem_shared>>) dst(%arg7 : memref<128x128xf32, #tpu.memory_space<vmem>>)
      tpu.yield
    }) : () -> ()
    %mul3A_45 = arith.constant 10240 : i32
    %mul3A_46 = arith.muli %arg0, %mul3A_45 : i32
    %add3A_47 = arith.addi %mul3A_46, %add3A_44 : i32
    "tpu.region"() ({
      %run_scoped3A = tpu.sem_alloc : memref<!tpu.dma_semaphore, #tpu.memory_space<semaphore_mem>>
      %dma_start3A = arith.constant 0 : i32
      %dma_start3A_62 = tpu.memref_slice %arg5[%add3A_47, %dma_start3A] : memref<20480x128xf32, #tpu.memory_space<hbm>> -> memref<128x128xf32, #tpu.memory_space<hbm>>
      %dma_start3A_63 = arith.constant 0 : i32
      %dma_start3A_64 = tpu.memref_slice %arg5[%add3A_47, %dma_start3A_63] : memref<20480x128xf32, #tpu.memory_space<hbm>> -> memref<128x128xf32, #tpu.memory_space<hbm>>
      tpu.enqueue_dma source(%arg7 : memref<128x128xf32, #tpu.memory_space<vmem>>) target(%dma_start3A_64 : memref<128x128xf32, #tpu.memory_space<hbm>>) target_semaphore(%run_scoped3A : memref<!tpu.dma_semaphore, #tpu.memory_space<semaphore_mem>>)
      %dma_wait3A = arith.constant 0 : i32
      %dma_wait3A_65 = tpu.memref_slice %arg5[%add3A_47, %dma_wait3A] : memref<20480x128xf32, #tpu.memory_space<hbm>> -> memref<128x128xf32, #tpu.memory_space<hbm>>
      %dma_wait3A_66 = arith.constant 0 : i32
      %dma_wait3A_67 = tpu.memref_slice %arg5[%add3A_47, %dma_wait3A_66] : memref<20480x128xf32, #tpu.memory_space<hbm>> -> memref<128x128xf32, #tpu.memory_space<hbm>>
      tpu.wait_dma2 semaphore(%run_scoped3A : memref<!tpu.dma_semaphore, #tpu.memory_space<semaphore_mem>>) src(%arg7 : memref<128x128xf32, #tpu.memory_space<vmem>>) dst(%dma_wait3A_67 : memref<128x128xf32, #tpu.memory_space<hbm>>)
      tpu.yield
    }) : () -> ()
    %mul3A_48 = arith.constant 640 : i32
    %mul3A_49 = arith.muli %arg1, %mul3A_48 : i32
    %add3A_50 = arith.constant 384 : i32
    %add3A_51 = arith.addi %mul3A_49, %add3A_50 : i32
    "tpu.region"() ({
      %run_scoped3A = tpu.sem_alloc : memref<!tpu.dma_semaphore, #tpu.memory_space<semaphore_mem>>
      %dma_start3A = arith.constant 0 : i32
      %dma_start3A_62 = tpu.memref_slice %arg8[%add3A_51, %dma_start3A] : memref<10240x128xf32, #tpu.memory_space<vmem_shared>> -> memref<128x128xf32, #tpu.memory_space<vmem_shared>>
      %dma_start3A_63 = arith.constant 0 : i32
      %dma_start3A_64 = tpu.memref_slice %arg8[%add3A_51, %dma_start3A_63] : memref<10240x128xf32, #tpu.memory_space<vmem_shared>> -> memref<128x128xf32, #tpu.memory_space<vmem_shared>>
      tpu.enqueue_dma source(%dma_start3A_64 : memref<128x128xf32, #tpu.memory_space<vmem_shared>>) target(%arg7 : memref<128x128xf32, #tpu.memory_space<vmem>>) target_semaphore(%run_scoped3A : memref<!tpu.dma_semaphore, #tpu.memory_space<semaphore_mem>>)
      %dma_wait3A = arith.constant 0 : i32
      %dma_wait3A_65 = tpu.memref_slice %arg8[%add3A_51, %dma_wait3A] : memref<10240x128xf32, #tpu.memory_space<vmem_shared>> -> memref<128x128xf32, #tpu.memory_space<vmem_shared>>
      %dma_wait3A_66 = arith.constant 0 : i32
      %dma_wait3A_67 = tpu.memref_slice %arg8[%add3A_51, %dma_wait3A_66] : memref<10240x128xf32, #tpu.memory_space<vmem_shared>> -> memref<128x128xf32, #tpu.memory_space<vmem_shared>>
      tpu.wait_dma2 semaphore(%run_scoped3A : memref<!tpu.dma_semaphore, #tpu.memory_space<semaphore_mem>>) src(%dma_wait3A_67 : memref<128x128xf32, #tpu.memory_space<vmem_shared>>) dst(%arg7 : memref<128x128xf32, #tpu.memory_space<vmem>>)
      tpu.yield
    }) : () -> ()
    %mul3A_52 = arith.constant 10240 : i32
    %mul3A_53 = arith.muli %arg0, %mul3A_52 : i32
    %add3A_54 = arith.addi %mul3A_53, %add3A_51 : i32
    "tpu.region"() ({
      %run_scoped3A = tpu.sem_alloc : memref<!tpu.dma_semaphore, #tpu.memory_space<semaphore_mem>>
      %dma_start3A = arith.constant 0 : i32
      %dma_start3A_62 = tpu.memref_slice %arg5[%add3A_54, %dma_start3A] : memref<20480x128xf32, #tpu.memory_space<hbm>> -> memref<128x128xf32, #tpu.memory_space<hbm>>
      %dma_start3A_63 = arith.constant 0 : i32
      %dma_start3A_64 = tpu.memref_slice %arg5[%add3A_54, %dma_start3A_63] : memref<20480x128xf32, #tpu.memory_space<hbm>> -> memref<128x128xf32, #tpu.memory_space<hbm>>
      tpu.enqueue_dma source(%arg7 : memref<128x128xf32, #tpu.memory_space<vmem>>) target(%dma_start3A_64 : memref<128x128xf32, #tpu.memory_space<hbm>>) target_semaphore(%run_scoped3A : memref<!tpu.dma_semaphore, #tpu.memory_space<semaphore_mem>>)
      %dma_wait3A = arith.constant 0 : i32
      %dma_wait3A_65 = tpu.memref_slice %arg5[%add3A_54, %dma_wait3A] : memref<20480x128xf32, #tpu.memory_space<hbm>> -> memref<128x128xf32, #tpu.memory_space<hbm>>
      %dma_wait3A_66 = arith.constant 0 : i32
      %dma_wait3A_67 = tpu.memref_slice %arg5[%add3A_54, %dma_wait3A_66] : memref<20480x128xf32, #tpu.memory_space<hbm>> -> memref<128x128xf32, #tpu.memory_space<hbm>>
      tpu.wait_dma2 semaphore(%run_scoped3A : memref<!tpu.dma_semaphore, #tpu.memory_space<semaphore_mem>>) src(%arg7 : memref<128x128xf32, #tpu.memory_space<vmem>>) dst(%dma_wait3A_67 : memref<128x128xf32, #tpu.memory_space<hbm>>)
      tpu.yield
    }) : () -> ()
    %mul3A_55 = arith.constant 640 : i32
    %mul3A_56 = arith.muli %arg1, %mul3A_55 : i32
    %add3A_57 = arith.constant 512 : i32
    %add3A_58 = arith.addi %mul3A_56, %add3A_57 : i32
    "tpu.region"() ({
      %run_scoped3A = tpu.sem_alloc : memref<!tpu.dma_semaphore, #tpu.memory_space<semaphore_mem>>
      %dma_start3A = arith.constant 0 : i32
      %dma_start3A_62 = tpu.memref_slice %arg8[%add3A_58, %dma_start3A] : memref<10240x128xf32, #tpu.memory_space<vmem_shared>> -> memref<128x128xf32, #tpu.memory_space<vmem_shared>>
      %dma_start3A_63 = arith.constant 0 : i32
      %dma_start3A_64 = tpu.memref_slice %arg8[%add3A_58, %dma_start3A_63] : memref<10240x128xf32, #tpu.memory_space<vmem_shared>> -> memref<128x128xf32, #tpu.memory_space<vmem_shared>>
      tpu.enqueue_dma source(%dma_start3A_64 : memref<128x128xf32, #tpu.memory_space<vmem_shared>>) target(%arg7 : memref<128x128xf32, #tpu.memory_space<vmem>>) target_semaphore(%run_scoped3A : memref<!tpu.dma_semaphore, #tpu.memory_space<semaphore_mem>>)
      %dma_wait3A = arith.constant 0 : i32
      %dma_wait3A_65 = tpu.memref_slice %arg8[%add3A_58, %dma_wait3A] : memref<10240x128xf32, #tpu.memory_space<vmem_shared>> -> memref<128x128xf32, #tpu.memory_space<vmem_shared>>
      %dma_wait3A_66 = arith.constant 0 : i32
      %dma_wait3A_67 = tpu.memref_slice %arg8[%add3A_58, %dma_wait3A_66] : memref<10240x128xf32, #tpu.memory_space<vmem_shared>> -> memref<128x128xf32, #tpu.memory_space<vmem_shared>>
      tpu.wait_dma2 semaphore(%run_scoped3A : memref<!tpu.dma_semaphore, #tpu.memory_space<semaphore_mem>>) src(%dma_wait3A_67 : memref<128x128xf32, #tpu.memory_space<vmem_shared>>) dst(%arg7 : memref<128x128xf32, #tpu.memory_space<vmem>>)
      tpu.yield
    }) : () -> ()
    %mul3A_59 = arith.constant 10240 : i32
    %mul3A_60 = arith.muli %arg0, %mul3A_59 : i32
    %add3A_61 = arith.addi %mul3A_60, %add3A_58 : i32
    "tpu.region"() ({
      %run_scoped3A = tpu.sem_alloc : memref<!tpu.dma_semaphore, #tpu.memory_space<semaphore_mem>>
      %dma_start3A = arith.constant 0 : i32
      %dma_start3A_62 = tpu.memref_slice %arg5[%add3A_61, %dma_start3A] : memref<20480x128xf32, #tpu.memory_space<hbm>> -> memref<128x128xf32, #tpu.memory_space<hbm>>
      %dma_start3A_63 = arith.constant 0 : i32
      %dma_start3A_64 = tpu.memref_slice %arg5[%add3A_61, %dma_start3A_63] : memref<20480x128xf32, #tpu.memory_space<hbm>> -> memref<128x128xf32, #tpu.memory_space<hbm>>
      tpu.enqueue_dma source(%arg7 : memref<128x128xf32, #tpu.memory_space<vmem>>) target(%dma_start3A_64 : memref<128x128xf32, #tpu.memory_space<hbm>>) target_semaphore(%run_scoped3A : memref<!tpu.dma_semaphore, #tpu.memory_space<semaphore_mem>>)
      %dma_wait3A = arith.constant 0 : i32
      %dma_wait3A_65 = tpu.memref_slice %arg5[%add3A_61, %dma_wait3A] : memref<20480x128xf32, #tpu.memory_space<hbm>> -> memref<128x128xf32, #tpu.memory_space<hbm>>
      %dma_wait3A_66 = arith.constant 0 : i32
      %dma_wait3A_67 = tpu.memref_slice %arg5[%add3A_61, %dma_wait3A_66] : memref<20480x128xf32, #tpu.memory_space<hbm>> -> memref<128x128xf32, #tpu.memory_space<hbm>>
      tpu.wait_dma2 semaphore(%run_scoped3A : memref<!tpu.dma_semaphore, #tpu.memory_space<semaphore_mem>>) src(%arg7 : memref<128x128xf32, #tpu.memory_space<vmem>>) dst(%dma_wait3A_67 : memref<128x128xf32, #tpu.memory_space<hbm>>)
      tpu.yield
    }) : () -> ()
    return
  }
}

#map = affine_map<(d0, d1) -> (0, 0)>
#map1 = affine_map<(d0, d1) -> (0)>
module attributes {stable_mosaic.version = 14 : i64} {
  func.func @k(%arg0: i32, %arg1: i32, %arg2: memref<10000x16xf32, #tpu.memory_space<hbm>>, %arg3: memref<323584xi32, #tpu.memory_space<hbm>>, %arg4: memref<323584xi32, #tpu.memory_space<hbm>>, %arg5: memref<323584x16xf32, #tpu.memory_space<hbm>>, %arg6: memref<323584x16xf32, #tpu.memory_space<hbm>>, %arg7: memref<128xi32, #tpu.memory_space<vmem>>, %arg8: memref<128xi32, #tpu.memory_space<vmem>>, %arg9: memref<128x16xf32, #tpu.memory_space<vmem>>, %arg10: memref<128x16xf32, #tpu.memory_space<vmem>>, %arg11: memref<!tpu.dma_semaphore, #tpu.memory_space<semaphore_mem>>, %arg12: memref<!tpu.dma_semaphore, #tpu.memory_space<semaphore_mem>>) attributes {dimension_semantics = [#tpu.dimension_semantics<core_parallel>, #tpu.dimension_semantics<subcore_parallel>], iteration_bounds = array<i64: 2, 16>, scalar_prefetch = 0 : i64, scratch_operands = 6 : i64, tpu.core_type = #tpu.core_type<sc_vector_subcore>, window_params = [{transform_indices = #map}, {transform_indices = #map1}, {transform_indices = #map1}, {transform_indices = #map}, {transform_indices = #map}]} {
    %mul3A = arith.constant 16 : i32
    %mul3A_0 = arith.muli %arg0, %mul3A : i32
    %add3A = arith.addi %mul3A_0, %arg1 : i32
    %scan3A = arith.constant 0 : i32
    %scan3A_1 = arith.constant 0 : i32
    %scan3A_2 = arith.constant 79 : i32
    %scan3A_3 = arith.addi %scan3A_1, %scan3A_2 : i32
    %scan3A_4 = arith.constant 1 : i32
    scf.for %scan3A_6 = %scan3A_1 to %scan3A_3 step %scan3A_4  : i32 {
      %mul3A_7 = arith.constant 10112 : i32
      %mul3A_8 = arith.muli %add3A, %mul3A_7 : i32
      %mul3A_9 = arith.constant 128 : i32
      %mul3A_10 = arith.muli %scan3A_6, %mul3A_9 : i32
      %add3A_11 = arith.addi %mul3A_8, %mul3A_10 : i32
      "tpu.region"() ({
        %run_scoped3A = tpu.sem_alloc : memref<!tpu.dma_semaphore, #tpu.memory_space<semaphore_mem>>
        %dma_start3A_22 = tpu.memref_slice %arg3[%add3A_11] : memref<323584xi32, #tpu.memory_space<hbm>> -> memref<128xi32, #tpu.memory_space<hbm>>
        %dma_start3A_23 = tpu.memref_slice %arg3[%add3A_11] : memref<323584xi32, #tpu.memory_space<hbm>> -> memref<128xi32, #tpu.memory_space<hbm>>
        tpu.enqueue_dma source(%dma_start3A_23 : memref<128xi32, #tpu.memory_space<hbm>>) target(%arg7 : memref<128xi32, #tpu.memory_space<vmem>>) target_semaphore(%run_scoped3A : memref<!tpu.dma_semaphore, #tpu.memory_space<semaphore_mem>>)
        %dma_wait3A_24 = tpu.memref_slice %arg3[%add3A_11] : memref<323584xi32, #tpu.memory_space<hbm>> -> memref<128xi32, #tpu.memory_space<hbm>>
        %dma_wait3A_25 = tpu.memref_slice %arg3[%add3A_11] : memref<323584xi32, #tpu.memory_space<hbm>> -> memref<128xi32, #tpu.memory_space<hbm>>
        tpu.wait_dma2 semaphore(%run_scoped3A : memref<!tpu.dma_semaphore, #tpu.memory_space<semaphore_mem>>) src(%dma_wait3A_25 : memref<128xi32, #tpu.memory_space<hbm>>) dst(%arg7 : memref<128xi32, #tpu.memory_space<vmem>>)
        tpu.yield
      }) : () -> ()
      "tpu.region"() ({
        %run_scoped3A = tpu.sem_alloc : memref<!tpu.dma_semaphore, #tpu.memory_space<semaphore_mem>>
        %dma_start3A_22 = tpu.memref_slice %arg4[%add3A_11] : memref<323584xi32, #tpu.memory_space<hbm>> -> memref<128xi32, #tpu.memory_space<hbm>>
        %dma_start3A_23 = tpu.memref_slice %arg4[%add3A_11] : memref<323584xi32, #tpu.memory_space<hbm>> -> memref<128xi32, #tpu.memory_space<hbm>>
        tpu.enqueue_dma source(%dma_start3A_23 : memref<128xi32, #tpu.memory_space<hbm>>) target(%arg8 : memref<128xi32, #tpu.memory_space<vmem>>) target_semaphore(%run_scoped3A : memref<!tpu.dma_semaphore, #tpu.memory_space<semaphore_mem>>)
        %dma_wait3A_24 = tpu.memref_slice %arg4[%add3A_11] : memref<323584xi32, #tpu.memory_space<hbm>> -> memref<128xi32, #tpu.memory_space<hbm>>
        %dma_wait3A_25 = tpu.memref_slice %arg4[%add3A_11] : memref<323584xi32, #tpu.memory_space<hbm>> -> memref<128xi32, #tpu.memory_space<hbm>>
        tpu.wait_dma2 semaphore(%run_scoped3A : memref<!tpu.dma_semaphore, #tpu.memory_space<semaphore_mem>>) src(%dma_wait3A_25 : memref<128xi32, #tpu.memory_space<hbm>>) dst(%arg8 : memref<128xi32, #tpu.memory_space<vmem>>)
        tpu.yield
      }) : () -> ()
      %dma_start3A = arith.constant 0 : i32
      %dma_start3A_12 = arith.constant 0 : i32
      %dma_start3A_13 = tpu.memref_slice %arg2[%dma_start3A, %dma_start3A_12] : memref<10000x16xf32, #tpu.memory_space<hbm>> -> memref<10000x16xf32, #tpu.memory_space<hbm>>
      tpu.enqueue_indirect_dma source(%dma_start3A_13 : memref<10000x16xf32, #tpu.memory_space<hbm>>) target(%arg9 : memref<128x16xf32, #tpu.memory_space<vmem>>) offsets(%arg7 : memref<128xi32, #tpu.memory_space<vmem>>) semaphore(%arg11 : memref<!tpu.dma_semaphore, #tpu.memory_space<semaphore_mem>>)
      %dma_start3A_14 = arith.constant 0 : i32
      %dma_start3A_15 = arith.constant 0 : i32
      %dma_start3A_16 = tpu.memref_slice %arg2[%dma_start3A_14, %dma_start3A_15] : memref<10000x16xf32, #tpu.memory_space<hbm>> -> memref<10000x16xf32, #tpu.memory_space<hbm>>
      tpu.enqueue_indirect_dma source(%dma_start3A_16 : memref<10000x16xf32, #tpu.memory_space<hbm>>) target(%arg10 : memref<128x16xf32, #tpu.memory_space<vmem>>) offsets(%arg8 : memref<128xi32, #tpu.memory_space<vmem>>) semaphore(%arg12 : memref<!tpu.dma_semaphore, #tpu.memory_space<semaphore_mem>>)
      %dma_wait3A = arith.constant 0 : i32
      %dma_wait3A_17 = arith.constant 0 : i32
      %dma_wait3A_18 = tpu.memref_slice %arg2[%dma_wait3A, %dma_wait3A_17] : memref<10000x16xf32, #tpu.memory_space<hbm>> -> memref<10000x16xf32, #tpu.memory_space<hbm>>
      tpu.wait_indirect_dma semaphore(%arg11 : memref<!tpu.dma_semaphore, #tpu.memory_space<semaphore_mem>>) src(%dma_wait3A_18 : memref<10000x16xf32, #tpu.memory_space<hbm>>) dst(%arg9 : memref<128x16xf32, #tpu.memory_space<vmem>>)
      %dma_wait3A_19 = arith.constant 0 : i32
      %dma_wait3A_20 = arith.constant 0 : i32
      %dma_wait3A_21 = tpu.memref_slice %arg2[%dma_wait3A_19, %dma_wait3A_20] : memref<10000x16xf32, #tpu.memory_space<hbm>> -> memref<10000x16xf32, #tpu.memory_space<hbm>>
      tpu.wait_indirect_dma semaphore(%arg12 : memref<!tpu.dma_semaphore, #tpu.memory_space<semaphore_mem>>) src(%dma_wait3A_21 : memref<10000x16xf32, #tpu.memory_space<hbm>>) dst(%arg10 : memref<128x16xf32, #tpu.memory_space<vmem>>)
      "tpu.region"() ({
        %run_scoped3A = tpu.sem_alloc : memref<!tpu.dma_semaphore, #tpu.memory_space<semaphore_mem>>
        %dma_start3A_22 = arith.constant 0 : i32
        %dma_start3A_23 = tpu.memref_slice %arg5[%add3A_11, %dma_start3A_22] : memref<323584x16xf32, #tpu.memory_space<hbm>> -> memref<128x16xf32, #tpu.memory_space<hbm>>
        %dma_start3A_24 = arith.constant 0 : i32
        %dma_start3A_25 = tpu.memref_slice %arg5[%add3A_11, %dma_start3A_24] : memref<323584x16xf32, #tpu.memory_space<hbm>> -> memref<128x16xf32, #tpu.memory_space<hbm>>
        tpu.enqueue_dma source(%arg9 : memref<128x16xf32, #tpu.memory_space<vmem>>) target(%dma_start3A_25 : memref<128x16xf32, #tpu.memory_space<hbm>>) target_semaphore(%run_scoped3A : memref<!tpu.dma_semaphore, #tpu.memory_space<semaphore_mem>>)
        %dma_wait3A_26 = arith.constant 0 : i32
        %dma_wait3A_27 = tpu.memref_slice %arg5[%add3A_11, %dma_wait3A_26] : memref<323584x16xf32, #tpu.memory_space<hbm>> -> memref<128x16xf32, #tpu.memory_space<hbm>>
        %dma_wait3A_28 = arith.constant 0 : i32
        %dma_wait3A_29 = tpu.memref_slice %arg5[%add3A_11, %dma_wait3A_28] : memref<323584x16xf32, #tpu.memory_space<hbm>> -> memref<128x16xf32, #tpu.memory_space<hbm>>
        tpu.wait_dma2 semaphore(%run_scoped3A : memref<!tpu.dma_semaphore, #tpu.memory_space<semaphore_mem>>) src(%arg9 : memref<128x16xf32, #tpu.memory_space<vmem>>) dst(%dma_wait3A_29 : memref<128x16xf32, #tpu.memory_space<hbm>>)
        tpu.yield
      }) : () -> ()
      "tpu.region"() ({
        %run_scoped3A = tpu.sem_alloc : memref<!tpu.dma_semaphore, #tpu.memory_space<semaphore_mem>>
        %dma_start3A_22 = arith.constant 0 : i32
        %dma_start3A_23 = tpu.memref_slice %arg6[%add3A_11, %dma_start3A_22] : memref<323584x16xf32, #tpu.memory_space<hbm>> -> memref<128x16xf32, #tpu.memory_space<hbm>>
        %dma_start3A_24 = arith.constant 0 : i32
        %dma_start3A_25 = tpu.memref_slice %arg6[%add3A_11, %dma_start3A_24] : memref<323584x16xf32, #tpu.memory_space<hbm>> -> memref<128x16xf32, #tpu.memory_space<hbm>>
        tpu.enqueue_dma source(%arg10 : memref<128x16xf32, #tpu.memory_space<vmem>>) target(%dma_start3A_25 : memref<128x16xf32, #tpu.memory_space<hbm>>) target_semaphore(%run_scoped3A : memref<!tpu.dma_semaphore, #tpu.memory_space<semaphore_mem>>)
        %dma_wait3A_26 = arith.constant 0 : i32
        %dma_wait3A_27 = tpu.memref_slice %arg6[%add3A_11, %dma_wait3A_26] : memref<323584x16xf32, #tpu.memory_space<hbm>> -> memref<128x16xf32, #tpu.memory_space<hbm>>
        %dma_wait3A_28 = arith.constant 0 : i32
        %dma_wait3A_29 = tpu.memref_slice %arg6[%add3A_11, %dma_wait3A_28] : memref<323584x16xf32, #tpu.memory_space<hbm>> -> memref<128x16xf32, #tpu.memory_space<hbm>>
        tpu.wait_dma2 semaphore(%run_scoped3A : memref<!tpu.dma_semaphore, #tpu.memory_space<semaphore_mem>>) src(%arg10 : memref<128x16xf32, #tpu.memory_space<vmem>>) dst(%dma_wait3A_29 : memref<128x16xf32, #tpu.memory_space<hbm>>)
        tpu.yield
      }) : () -> ()
    }
    %scan3A_5 = arith.constant 79 : i32
    return
  }
}

#map = affine_map<(d0, d1) -> (0, 0)>
#map1 = affine_map<(d0, d1) -> (0)>
module attributes {stable_mosaic.version = 14 : i64} {
  func.func @k(%arg0: i32, %arg1: i32, %arg2: memref<10240x128xf32, #tpu.memory_space<hbm>>, %arg3: memref<323584xi32, #tpu.memory_space<hbm>>, %arg4: memref<323584xi32, #tpu.memory_space<hbm>>, %arg5: memref<323584x128xf32, #tpu.memory_space<hbm>>, %arg6: memref<323584x128xf32, #tpu.memory_space<hbm>>, %arg7: memref<128xi32, #tpu.memory_space<vmem>>, %arg8: memref<128xi32, #tpu.memory_space<vmem>>, %arg9: memref<128x128xf32, #tpu.memory_space<vmem>>, %arg10: memref<128x128xf32, #tpu.memory_space<vmem>>, %arg11: memref<!tpu.dma_semaphore, #tpu.memory_space<semaphore_mem>>, %arg12: memref<!tpu.dma_semaphore, #tpu.memory_space<semaphore_mem>>) attributes {dimension_semantics = [#tpu.dimension_semantics<core_parallel>, #tpu.dimension_semantics<subcore_parallel>], iteration_bounds = array<i64: 2, 16>, scalar_prefetch = 0 : i64, scratch_operands = 6 : i64, tpu.core_type = #tpu.core_type<sc_vector_subcore>, window_params = [{transform_indices = #map}, {transform_indices = #map1}, {transform_indices = #map1}, {transform_indices = #map}, {transform_indices = #map}]} {
    %mul3A = arith.constant 16 : i32
    %mul3A_0 = arith.muli %arg0, %mul3A : i32
    %add3A = arith.addi %mul3A_0, %arg1 : i32
    %scan3A = arith.constant 0 : i32
    %scan3A_1 = arith.constant 0 : i32
    %scan3A_2 = arith.constant 79 : i32
    %scan3A_3 = arith.addi %scan3A_1, %scan3A_2 : i32
    %scan3A_4 = arith.constant 1 : i32
    scf.for %scan3A_6 = %scan3A_1 to %scan3A_3 step %scan3A_4  : i32 {
      %mul3A_7 = arith.constant 10112 : i32
      %mul3A_8 = arith.muli %add3A, %mul3A_7 : i32
      %mul3A_9 = arith.constant 128 : i32
      %mul3A_10 = arith.muli %scan3A_6, %mul3A_9 : i32
      %add3A_11 = arith.addi %mul3A_8, %mul3A_10 : i32
      "tpu.region"() ({
        %run_scoped3A = tpu.sem_alloc : memref<!tpu.dma_semaphore, #tpu.memory_space<semaphore_mem>>
        %dma_start3A_22 = tpu.memref_slice %arg3[%add3A_11] : memref<323584xi32, #tpu.memory_space<hbm>> -> memref<128xi32, #tpu.memory_space<hbm>>
        %dma_start3A_23 = tpu.memref_slice %arg3[%add3A_11] : memref<323584xi32, #tpu.memory_space<hbm>> -> memref<128xi32, #tpu.memory_space<hbm>>
        tpu.enqueue_dma source(%dma_start3A_23 : memref<128xi32, #tpu.memory_space<hbm>>) target(%arg7 : memref<128xi32, #tpu.memory_space<vmem>>) target_semaphore(%run_scoped3A : memref<!tpu.dma_semaphore, #tpu.memory_space<semaphore_mem>>)
        %dma_wait3A_24 = tpu.memref_slice %arg3[%add3A_11] : memref<323584xi32, #tpu.memory_space<hbm>> -> memref<128xi32, #tpu.memory_space<hbm>>
        %dma_wait3A_25 = tpu.memref_slice %arg3[%add3A_11] : memref<323584xi32, #tpu.memory_space<hbm>> -> memref<128xi32, #tpu.memory_space<hbm>>
        tpu.wait_dma2 semaphore(%run_scoped3A : memref<!tpu.dma_semaphore, #tpu.memory_space<semaphore_mem>>) src(%dma_wait3A_25 : memref<128xi32, #tpu.memory_space<hbm>>) dst(%arg7 : memref<128xi32, #tpu.memory_space<vmem>>)
        tpu.yield
      }) : () -> ()
      "tpu.region"() ({
        %run_scoped3A = tpu.sem_alloc : memref<!tpu.dma_semaphore, #tpu.memory_space<semaphore_mem>>
        %dma_start3A_22 = tpu.memref_slice %arg4[%add3A_11] : memref<323584xi32, #tpu.memory_space<hbm>> -> memref<128xi32, #tpu.memory_space<hbm>>
        %dma_start3A_23 = tpu.memref_slice %arg4[%add3A_11] : memref<323584xi32, #tpu.memory_space<hbm>> -> memref<128xi32, #tpu.memory_space<hbm>>
        tpu.enqueue_dma source(%dma_start3A_23 : memref<128xi32, #tpu.memory_space<hbm>>) target(%arg8 : memref<128xi32, #tpu.memory_space<vmem>>) target_semaphore(%run_scoped3A : memref<!tpu.dma_semaphore, #tpu.memory_space<semaphore_mem>>)
        %dma_wait3A_24 = tpu.memref_slice %arg4[%add3A_11] : memref<323584xi32, #tpu.memory_space<hbm>> -> memref<128xi32, #tpu.memory_space<hbm>>
        %dma_wait3A_25 = tpu.memref_slice %arg4[%add3A_11] : memref<323584xi32, #tpu.memory_space<hbm>> -> memref<128xi32, #tpu.memory_space<hbm>>
        tpu.wait_dma2 semaphore(%run_scoped3A : memref<!tpu.dma_semaphore, #tpu.memory_space<semaphore_mem>>) src(%dma_wait3A_25 : memref<128xi32, #tpu.memory_space<hbm>>) dst(%arg8 : memref<128xi32, #tpu.memory_space<vmem>>)
        tpu.yield
      }) : () -> ()
      %dma_start3A = arith.constant 0 : i32
      %dma_start3A_12 = arith.constant 0 : i32
      %dma_start3A_13 = tpu.memref_slice %arg2[%dma_start3A, %dma_start3A_12] : memref<10240x128xf32, #tpu.memory_space<hbm>> -> memref<10240x128xf32, #tpu.memory_space<hbm>>
      tpu.enqueue_indirect_dma source(%dma_start3A_13 : memref<10240x128xf32, #tpu.memory_space<hbm>>) target(%arg9 : memref<128x128xf32, #tpu.memory_space<vmem>>) offsets(%arg7 : memref<128xi32, #tpu.memory_space<vmem>>) semaphore(%arg11 : memref<!tpu.dma_semaphore, #tpu.memory_space<semaphore_mem>>)
      %dma_start3A_14 = arith.constant 0 : i32
      %dma_start3A_15 = arith.constant 0 : i32
      %dma_start3A_16 = tpu.memref_slice %arg2[%dma_start3A_14, %dma_start3A_15] : memref<10240x128xf32, #tpu.memory_space<hbm>> -> memref<10240x128xf32, #tpu.memory_space<hbm>>
      tpu.enqueue_indirect_dma source(%dma_start3A_16 : memref<10240x128xf32, #tpu.memory_space<hbm>>) target(%arg10 : memref<128x128xf32, #tpu.memory_space<vmem>>) offsets(%arg8 : memref<128xi32, #tpu.memory_space<vmem>>) semaphore(%arg12 : memref<!tpu.dma_semaphore, #tpu.memory_space<semaphore_mem>>)
      %dma_wait3A = arith.constant 0 : i32
      %dma_wait3A_17 = arith.constant 0 : i32
      %dma_wait3A_18 = tpu.memref_slice %arg2[%dma_wait3A, %dma_wait3A_17] : memref<10240x128xf32, #tpu.memory_space<hbm>> -> memref<10240x128xf32, #tpu.memory_space<hbm>>
      tpu.wait_indirect_dma semaphore(%arg11 : memref<!tpu.dma_semaphore, #tpu.memory_space<semaphore_mem>>) src(%dma_wait3A_18 : memref<10240x128xf32, #tpu.memory_space<hbm>>) dst(%arg9 : memref<128x128xf32, #tpu.memory_space<vmem>>)
      %dma_wait3A_19 = arith.constant 0 : i32
      %dma_wait3A_20 = arith.constant 0 : i32
      %dma_wait3A_21 = tpu.memref_slice %arg2[%dma_wait3A_19, %dma_wait3A_20] : memref<10240x128xf32, #tpu.memory_space<hbm>> -> memref<10240x128xf32, #tpu.memory_space<hbm>>
      tpu.wait_indirect_dma semaphore(%arg12 : memref<!tpu.dma_semaphore, #tpu.memory_space<semaphore_mem>>) src(%dma_wait3A_21 : memref<10240x128xf32, #tpu.memory_space<hbm>>) dst(%arg10 : memref<128x128xf32, #tpu.memory_space<vmem>>)
      "tpu.region"() ({
        %run_scoped3A = tpu.sem_alloc : memref<!tpu.dma_semaphore, #tpu.memory_space<semaphore_mem>>
        %dma_start3A_22 = arith.constant 0 : i32
        %dma_start3A_23 = tpu.memref_slice %arg5[%add3A_11, %dma_start3A_22] : memref<323584x128xf32, #tpu.memory_space<hbm>> -> memref<128x128xf32, #tpu.memory_space<hbm>>
        %dma_start3A_24 = arith.constant 0 : i32
        %dma_start3A_25 = tpu.memref_slice %arg5[%add3A_11, %dma_start3A_24] : memref<323584x128xf32, #tpu.memory_space<hbm>> -> memref<128x128xf32, #tpu.memory_space<hbm>>
        tpu.enqueue_dma source(%arg9 : memref<128x128xf32, #tpu.memory_space<vmem>>) target(%dma_start3A_25 : memref<128x128xf32, #tpu.memory_space<hbm>>) target_semaphore(%run_scoped3A : memref<!tpu.dma_semaphore, #tpu.memory_space<semaphore_mem>>)
        %dma_wait3A_26 = arith.constant 0 : i32
        %dma_wait3A_27 = tpu.memref_slice %arg5[%add3A_11, %dma_wait3A_26] : memref<323584x128xf32, #tpu.memory_space<hbm>> -> memref<128x128xf32, #tpu.memory_space<hbm>>
        %dma_wait3A_28 = arith.constant 0 : i32
        %dma_wait3A_29 = tpu.memref_slice %arg5[%add3A_11, %dma_wait3A_28] : memref<323584x128xf32, #tpu.memory_space<hbm>> -> memref<128x128xf32, #tpu.memory_space<hbm>>
        tpu.wait_dma2 semaphore(%run_scoped3A : memref<!tpu.dma_semaphore, #tpu.memory_space<semaphore_mem>>) src(%arg9 : memref<128x128xf32, #tpu.memory_space<vmem>>) dst(%dma_wait3A_29 : memref<128x128xf32, #tpu.memory_space<hbm>>)
        tpu.yield
      }) : () -> ()
      "tpu.region"() ({
        %run_scoped3A = tpu.sem_alloc : memref<!tpu.dma_semaphore, #tpu.memory_space<semaphore_mem>>
        %dma_start3A_22 = arith.constant 0 : i32
        %dma_start3A_23 = tpu.memref_slice %arg6[%add3A_11, %dma_start3A_22] : memref<323584x128xf32, #tpu.memory_space<hbm>> -> memref<128x128xf32, #tpu.memory_space<hbm>>
        %dma_start3A_24 = arith.constant 0 : i32
        %dma_start3A_25 = tpu.memref_slice %arg6[%add3A_11, %dma_start3A_24] : memref<323584x128xf32, #tpu.memory_space<hbm>> -> memref<128x128xf32, #tpu.memory_space<hbm>>
        tpu.enqueue_dma source(%arg10 : memref<128x128xf32, #tpu.memory_space<vmem>>) target(%dma_start3A_25 : memref<128x128xf32, #tpu.memory_space<hbm>>) target_semaphore(%run_scoped3A : memref<!tpu.dma_semaphore, #tpu.memory_space<semaphore_mem>>)
        %dma_wait3A_26 = arith.constant 0 : i32
        %dma_wait3A_27 = tpu.memref_slice %arg6[%add3A_11, %dma_wait3A_26] : memref<323584x128xf32, #tpu.memory_space<hbm>> -> memref<128x128xf32, #tpu.memory_space<hbm>>
        %dma_wait3A_28 = arith.constant 0 : i32
        %dma_wait3A_29 = tpu.memref_slice %arg6[%add3A_11, %dma_wait3A_28] : memref<323584x128xf32, #tpu.memory_space<hbm>> -> memref<128x128xf32, #tpu.memory_space<hbm>>
        tpu.wait_dma2 semaphore(%run_scoped3A : memref<!tpu.dma_semaphore, #tpu.memory_space<semaphore_mem>>) src(%arg10 : memref<128x128xf32, #tpu.memory_space<vmem>>) dst(%dma_wait3A_29 : memref<128x128xf32, #tpu.memory_space<hbm>>)
        tpu.yield
      }) : () -> ()
    }
    %scan3A_5 = arith.constant 79 : i32
    return
  }
}

#map = affine_map<(d0, d1) -> (0, 0)>
#map1 = affine_map<(d0, d1) -> (0)>
module attributes {stable_mosaic.version = 14 : i64} {
  func.func @k(%arg0: i32, %arg1: i32, %arg2: memref<10240x128xf32, #tpu.memory_space<hbm>>, %arg3: memref<323584xi32, #tpu.memory_space<hbm>>, %arg4: memref<323584xi32, #tpu.memory_space<hbm>>, %arg5: memref<323584x128xf32, #tpu.memory_space<hbm>>, %arg6: memref<323584x128xf32, #tpu.memory_space<hbm>>, %arg7: memref<128xi32, #tpu.memory_space<vmem>>, %arg8: memref<128xi32, #tpu.memory_space<vmem>>, %arg9: memref<128x128xf32, #tpu.memory_space<vmem>>, %arg10: memref<128x128xf32, #tpu.memory_space<vmem>>, %arg11: memref<!tpu.dma_semaphore, #tpu.memory_space<semaphore_mem>>, %arg12: memref<!tpu.dma_semaphore, #tpu.memory_space<semaphore_mem>>) attributes {dimension_semantics = [#tpu.dimension_semantics<core_parallel>, #tpu.dimension_semantics<subcore_parallel>], iteration_bounds = array<i64: 2, 16>, scalar_prefetch = 0 : i64, scratch_operands = 6 : i64, tpu.core_type = #tpu.core_type<sc_vector_subcore>, window_params = [{transform_indices = #map}, {transform_indices = #map1}, {transform_indices = #map1}, {transform_indices = #map}, {transform_indices = #map}]} {
    %mul3A = arith.constant 16 : i32
    %mul3A_0 = arith.muli %arg0, %mul3A : i32
    %add3A = arith.addi %mul3A_0, %arg1 : i32
    %scan3A = arith.constant 0 : i32
    %scan3A_1 = arith.constant 0 : i32
    %scan3A_2 = arith.constant 79 : i32
    %scan3A_3 = arith.addi %scan3A_1, %scan3A_2 : i32
    %scan3A_4 = arith.constant 1 : i32
    scf.for %scan3A_6 = %scan3A_1 to %scan3A_3 step %scan3A_4  : i32 {
      %mul3A_7 = arith.constant 10112 : i32
      %mul3A_8 = arith.muli %add3A, %mul3A_7 : i32
      %mul3A_9 = arith.constant 128 : i32
      %mul3A_10 = arith.muli %scan3A_6, %mul3A_9 : i32
      %add3A_11 = arith.addi %mul3A_8, %mul3A_10 : i32
      "tpu.region"() ({
        %run_scoped3A = tpu.sem_alloc : memref<!tpu.dma_semaphore, #tpu.memory_space<semaphore_mem>>
        %dma_start3A_22 = tpu.memref_slice %arg3[%add3A_11] : memref<323584xi32, #tpu.memory_space<hbm>> -> memref<128xi32, #tpu.memory_space<hbm>>
        %dma_start3A_23 = tpu.memref_slice %arg3[%add3A_11] : memref<323584xi32, #tpu.memory_space<hbm>> -> memref<128xi32, #tpu.memory_space<hbm>>
        tpu.enqueue_dma source(%dma_start3A_23 : memref<128xi32, #tpu.memory_space<hbm>>) target(%arg7 : memref<128xi32, #tpu.memory_space<vmem>>) target_semaphore(%run_scoped3A : memref<!tpu.dma_semaphore, #tpu.memory_space<semaphore_mem>>)
        %dma_wait3A_24 = tpu.memref_slice %arg3[%add3A_11] : memref<323584xi32, #tpu.memory_space<hbm>> -> memref<128xi32, #tpu.memory_space<hbm>>
        %dma_wait3A_25 = tpu.memref_slice %arg3[%add3A_11] : memref<323584xi32, #tpu.memory_space<hbm>> -> memref<128xi32, #tpu.memory_space<hbm>>
        tpu.wait_dma2 semaphore(%run_scoped3A : memref<!tpu.dma_semaphore, #tpu.memory_space<semaphore_mem>>) src(%dma_wait3A_25 : memref<128xi32, #tpu.memory_space<hbm>>) dst(%arg7 : memref<128xi32, #tpu.memory_space<vmem>>)
        tpu.yield
      }) : () -> ()
      "tpu.region"() ({
        %run_scoped3A = tpu.sem_alloc : memref<!tpu.dma_semaphore, #tpu.memory_space<semaphore_mem>>
        %dma_start3A_22 = tpu.memref_slice %arg4[%add3A_11] : memref<323584xi32, #tpu.memory_space<hbm>> -> memref<128xi32, #tpu.memory_space<hbm>>
        %dma_start3A_23 = tpu.memref_slice %arg4[%add3A_11] : memref<323584xi32, #tpu.memory_space<hbm>> -> memref<128xi32, #tpu.memory_space<hbm>>
        tpu.enqueue_dma source(%dma_start3A_23 : memref<128xi32, #tpu.memory_space<hbm>>) target(%arg8 : memref<128xi32, #tpu.memory_space<vmem>>) target_semaphore(%run_scoped3A : memref<!tpu.dma_semaphore, #tpu.memory_space<semaphore_mem>>)
        %dma_wait3A_24 = tpu.memref_slice %arg4[%add3A_11] : memref<323584xi32, #tpu.memory_space<hbm>> -> memref<128xi32, #tpu.memory_space<hbm>>
        %dma_wait3A_25 = tpu.memref_slice %arg4[%add3A_11] : memref<323584xi32, #tpu.memory_space<hbm>> -> memref<128xi32, #tpu.memory_space<hbm>>
        tpu.wait_dma2 semaphore(%run_scoped3A : memref<!tpu.dma_semaphore, #tpu.memory_space<semaphore_mem>>) src(%dma_wait3A_25 : memref<128xi32, #tpu.memory_space<hbm>>) dst(%arg8 : memref<128xi32, #tpu.memory_space<vmem>>)
        tpu.yield
      }) : () -> ()
      %dma_start3A = arith.constant 0 : i32
      %dma_start3A_12 = arith.constant 0 : i32
      %dma_start3A_13 = tpu.memref_slice %arg2[%dma_start3A, %dma_start3A_12] : memref<10240x128xf32, #tpu.memory_space<hbm>> -> memref<10240x128xf32, #tpu.memory_space<hbm>>
      tpu.enqueue_indirect_dma source(%dma_start3A_13 : memref<10240x128xf32, #tpu.memory_space<hbm>>) target(%arg9 : memref<128x128xf32, #tpu.memory_space<vmem>>) offsets(%arg7 : memref<128xi32, #tpu.memory_space<vmem>>) semaphore(%arg11 : memref<!tpu.dma_semaphore, #tpu.memory_space<semaphore_mem>>)
      %dma_start3A_14 = arith.constant 0 : i32
      %dma_start3A_15 = arith.constant 0 : i32
      %dma_start3A_16 = tpu.memref_slice %arg2[%dma_start3A_14, %dma_start3A_15] : memref<10240x128xf32, #tpu.memory_space<hbm>> -> memref<10240x128xf32, #tpu.memory_space<hbm>>
      tpu.enqueue_indirect_dma source(%dma_start3A_16 : memref<10240x128xf32, #tpu.memory_space<hbm>>) target(%arg10 : memref<128x128xf32, #tpu.memory_space<vmem>>) offsets(%arg8 : memref<128xi32, #tpu.memory_space<vmem>>) semaphore(%arg12 : memref<!tpu.dma_semaphore, #tpu.memory_space<semaphore_mem>>)
      %dma_wait3A = arith.constant 0 : i32
      %dma_wait3A_17 = arith.constant 0 : i32
      %dma_wait3A_18 = tpu.memref_slice %arg2[%dma_wait3A, %dma_wait3A_17] : memref<10240x128xf32, #tpu.memory_space<hbm>> -> memref<10240x128xf32, #tpu.memory_space<hbm>>
      tpu.wait_indirect_dma semaphore(%arg11 : memref<!tpu.dma_semaphore, #tpu.memory_space<semaphore_mem>>) src(%dma_wait3A_18 : memref<10240x128xf32, #tpu.memory_space<hbm>>) dst(%arg9 : memref<128x128xf32, #tpu.memory_space<vmem>>)
      %dma_wait3A_19 = arith.constant 0 : i32
      %dma_wait3A_20 = arith.constant 0 : i32
      %dma_wait3A_21 = tpu.memref_slice %arg2[%dma_wait3A_19, %dma_wait3A_20] : memref<10240x128xf32, #tpu.memory_space<hbm>> -> memref<10240x128xf32, #tpu.memory_space<hbm>>
      tpu.wait_indirect_dma semaphore(%arg12 : memref<!tpu.dma_semaphore, #tpu.memory_space<semaphore_mem>>) src(%dma_wait3A_21 : memref<10240x128xf32, #tpu.memory_space<hbm>>) dst(%arg10 : memref<128x128xf32, #tpu.memory_space<vmem>>)
      "tpu.region"() ({
        %run_scoped3A = tpu.sem_alloc : memref<!tpu.dma_semaphore, #tpu.memory_space<semaphore_mem>>
        %dma_start3A_22 = arith.constant 0 : i32
        %dma_start3A_23 = tpu.memref_slice %arg5[%add3A_11, %dma_start3A_22] : memref<323584x128xf32, #tpu.memory_space<hbm>> -> memref<128x128xf32, #tpu.memory_space<hbm>>
        %dma_start3A_24 = arith.constant 0 : i32
        %dma_start3A_25 = tpu.memref_slice %arg5[%add3A_11, %dma_start3A_24] : memref<323584x128xf32, #tpu.memory_space<hbm>> -> memref<128x128xf32, #tpu.memory_space<hbm>>
        tpu.enqueue_dma source(%arg9 : memref<128x128xf32, #tpu.memory_space<vmem>>) target(%dma_start3A_25 : memref<128x128xf32, #tpu.memory_space<hbm>>) target_semaphore(%run_scoped3A : memref<!tpu.dma_semaphore, #tpu.memory_space<semaphore_mem>>)
        %dma_wait3A_26 = arith.constant 0 : i32
        %dma_wait3A_27 = tpu.memref_slice %arg5[%add3A_11, %dma_wait3A_26] : memref<323584x128xf32, #tpu.memory_space<hbm>> -> memref<128x128xf32, #tpu.memory_space<hbm>>
        %dma_wait3A_28 = arith.constant 0 : i32
        %dma_wait3A_29 = tpu.memref_slice %arg5[%add3A_11, %dma_wait3A_28] : memref<323584x128xf32, #tpu.memory_space<hbm>> -> memref<128x128xf32, #tpu.memory_space<hbm>>
        tpu.wait_dma2 semaphore(%run_scoped3A : memref<!tpu.dma_semaphore, #tpu.memory_space<semaphore_mem>>) src(%arg9 : memref<128x128xf32, #tpu.memory_space<vmem>>) dst(%dma_wait3A_29 : memref<128x128xf32, #tpu.memory_space<hbm>>)
        tpu.yield
      }) : () -> ()
      "tpu.region"() ({
        %run_scoped3A = tpu.sem_alloc : memref<!tpu.dma_semaphore, #tpu.memory_space<semaphore_mem>>
        %dma_start3A_22 = arith.constant 0 : i32
        %dma_start3A_23 = tpu.memref_slice %arg6[%add3A_11, %dma_start3A_22] : memref<323584x128xf32, #tpu.memory_space<hbm>> -> memref<128x128xf32, #tpu.memory_space<hbm>>
        %dma_start3A_24 = arith.constant 0 : i32
        %dma_start3A_25 = tpu.memref_slice %arg6[%add3A_11, %dma_start3A_24] : memref<323584x128xf32, #tpu.memory_space<hbm>> -> memref<128x128xf32, #tpu.memory_space<hbm>>
        tpu.enqueue_dma source(%arg10 : memref<128x128xf32, #tpu.memory_space<vmem>>) target(%dma_start3A_25 : memref<128x128xf32, #tpu.memory_space<hbm>>) target_semaphore(%run_scoped3A : memref<!tpu.dma_semaphore, #tpu.memory_space<semaphore_mem>>)
        %dma_wait3A_26 = arith.constant 0 : i32
        %dma_wait3A_27 = tpu.memref_slice %arg6[%add3A_11, %dma_wait3A_26] : memref<323584x128xf32, #tpu.memory_space<hbm>> -> memref<128x128xf32, #tpu.memory_space<hbm>>
        %dma_wait3A_28 = arith.constant 0 : i32
        %dma_wait3A_29 = tpu.memref_slice %arg6[%add3A_11, %dma_wait3A_28] : memref<323584x128xf32, #tpu.memory_space<hbm>> -> memref<128x128xf32, #tpu.memory_space<hbm>>
        tpu.wait_dma2 semaphore(%run_scoped3A : memref<!tpu.dma_semaphore, #tpu.memory_space<semaphore_mem>>) src(%arg10 : memref<128x128xf32, #tpu.memory_space<vmem>>) dst(%dma_wait3A_29 : memref<128x128xf32, #tpu.memory_space<hbm>>)
        tpu.yield
      }) : () -> ()
    }
    %scan3A_5 = arith.constant 79 : i32
    return
  }
}

#map = affine_map<(d0, d1) -> (0, 0)>
#map1 = affine_map<(d0, d1) -> (0)>
module attributes {stable_mosaic.version = 14 : i64} {
  func.func @k(%arg0: i32, %arg1: i32, %arg2: memref<323584x128xf32, #tpu.memory_space<hbm>>, %arg3: memref<323584xi32, #tpu.memory_space<hbm>>, %arg4: memref<128x128xf32, #tpu.memory_space<hbm>>, %arg5: memref<20480x128xf32, #tpu.memory_space<hbm>>, %arg6: memref<128xi32, #tpu.memory_space<vmem>>, %arg7: memref<128x128xf32, #tpu.memory_space<vmem>>, %arg8: memref<10240x128xf32, #tpu.memory_space<vmem_shared>>) attributes {dimension_semantics = [#tpu.dimension_semantics<core_parallel>, #tpu.dimension_semantics<subcore_parallel>], iteration_bounds = array<i64: 2, 16>, scalar_prefetch = 0 : i64, scratch_operands = 3 : i64, tpu.core_type = #tpu.core_type<sc_vector_subcore>, window_params = [{transform_indices = #map}, {transform_indices = #map1}, {transform_indices = #map}, {transform_indices = #map}]} {
    %mul3A = arith.constant 16 : i32
    %mul3A_0 = arith.muli %arg0, %mul3A : i32
    %add3A = arith.addi %mul3A_0, %arg1 : i32
    "tpu.region"() ({
      %run_scoped3A = tpu.sem_alloc : memref<!tpu.dma_semaphore, #tpu.memory_space<semaphore_mem>>
      tpu.enqueue_dma source(%arg4 : memref<128x128xf32, #tpu.memory_space<hbm>>) target(%arg7 : memref<128x128xf32, #tpu.memory_space<vmem>>) target_semaphore(%run_scoped3A : memref<!tpu.dma_semaphore, #tpu.memory_space<semaphore_mem>>)
      tpu.wait_dma2 semaphore(%run_scoped3A : memref<!tpu.dma_semaphore, #tpu.memory_space<semaphore_mem>>) src(%arg4 : memref<128x128xf32, #tpu.memory_space<hbm>>) dst(%arg7 : memref<128x128xf32, #tpu.memory_space<vmem>>)
      tpu.yield
    }) : () -> ()
    %mul3A_1 = arith.constant 640 : i32
    %mul3A_2 = arith.muli %arg1, %mul3A_1 : i32
    %add3A_3 = arith.constant 0 : i32
    %add3A_4 = arith.addi %mul3A_2, %add3A_3 : i32
    "tpu.region"() ({
      %run_scoped3A = tpu.sem_alloc : memref<!tpu.dma_semaphore, #tpu.memory_space<semaphore_mem>>
      %dma_start3A = arith.constant 0 : i32
      %dma_start3A_62 = tpu.memref_slice %arg8[%add3A_4, %dma_start3A] : memref<10240x128xf32, #tpu.memory_space<vmem_shared>> -> memref<128x128xf32, #tpu.memory_space<vmem_shared>>
      %dma_start3A_63 = arith.constant 0 : i32
      %dma_start3A_64 = tpu.memref_slice %arg8[%add3A_4, %dma_start3A_63] : memref<10240x128xf32, #tpu.memory_space<vmem_shared>> -> memref<128x128xf32, #tpu.memory_space<vmem_shared>>
      tpu.enqueue_dma source(%arg7 : memref<128x128xf32, #tpu.memory_space<vmem>>) target(%dma_start3A_64 : memref<128x128xf32, #tpu.memory_space<vmem_shared>>) target_semaphore(%run_scoped3A : memref<!tpu.dma_semaphore, #tpu.memory_space<semaphore_mem>>)
      %dma_wait3A = arith.constant 0 : i32
      %dma_wait3A_65 = tpu.memref_slice %arg8[%add3A_4, %dma_wait3A] : memref<10240x128xf32, #tpu.memory_space<vmem_shared>> -> memref<128x128xf32, #tpu.memory_space<vmem_shared>>
      %dma_wait3A_66 = arith.constant 0 : i32
      %dma_wait3A_67 = tpu.memref_slice %arg8[%add3A_4, %dma_wait3A_66] : memref<10240x128xf32, #tpu.memory_space<vmem_shared>> -> memref<128x128xf32, #tpu.memory_space<vmem_shared>>
      tpu.wait_dma2 semaphore(%run_scoped3A : memref<!tpu.dma_semaphore, #tpu.memory_space<semaphore_mem>>) src(%arg7 : memref<128x128xf32, #tpu.memory_space<vmem>>) dst(%dma_wait3A_67 : memref<128x128xf32, #tpu.memory_space<vmem_shared>>)
      tpu.yield
    }) : () -> ()
    %mul3A_5 = arith.constant 640 : i32
    %mul3A_6 = arith.muli %arg1, %mul3A_5 : i32
    %add3A_7 = arith.constant 128 : i32
    %add3A_8 = arith.addi %mul3A_6, %add3A_7 : i32
    "tpu.region"() ({
      %run_scoped3A = tpu.sem_alloc : memref<!tpu.dma_semaphore, #tpu.memory_space<semaphore_mem>>
      %dma_start3A = arith.constant 0 : i32
      %dma_start3A_62 = tpu.memref_slice %arg8[%add3A_8, %dma_start3A] : memref<10240x128xf32, #tpu.memory_space<vmem_shared>> -> memref<128x128xf32, #tpu.memory_space<vmem_shared>>
      %dma_start3A_63 = arith.constant 0 : i32
      %dma_start3A_64 = tpu.memref_slice %arg8[%add3A_8, %dma_start3A_63] : memref<10240x128xf32, #tpu.memory_space<vmem_shared>> -> memref<128x128xf32, #tpu.memory_space<vmem_shared>>
      tpu.enqueue_dma source(%arg7 : memref<128x128xf32, #tpu.memory_space<vmem>>) target(%dma_start3A_64 : memref<128x128xf32, #tpu.memory_space<vmem_shared>>) target_semaphore(%run_scoped3A : memref<!tpu.dma_semaphore, #tpu.memory_space<semaphore_mem>>)
      %dma_wait3A = arith.constant 0 : i32
      %dma_wait3A_65 = tpu.memref_slice %arg8[%add3A_8, %dma_wait3A] : memref<10240x128xf32, #tpu.memory_space<vmem_shared>> -> memref<128x128xf32, #tpu.memory_space<vmem_shared>>
      %dma_wait3A_66 = arith.constant 0 : i32
      %dma_wait3A_67 = tpu.memref_slice %arg8[%add3A_8, %dma_wait3A_66] : memref<10240x128xf32, #tpu.memory_space<vmem_shared>> -> memref<128x128xf32, #tpu.memory_space<vmem_shared>>
      tpu.wait_dma2 semaphore(%run_scoped3A : memref<!tpu.dma_semaphore, #tpu.memory_space<semaphore_mem>>) src(%arg7 : memref<128x128xf32, #tpu.memory_space<vmem>>) dst(%dma_wait3A_67 : memref<128x128xf32, #tpu.memory_space<vmem_shared>>)
      tpu.yield
    }) : () -> ()
    %mul3A_9 = arith.constant 640 : i32
    %mul3A_10 = arith.muli %arg1, %mul3A_9 : i32
    %add3A_11 = arith.constant 256 : i32
    %add3A_12 = arith.addi %mul3A_10, %add3A_11 : i32
    "tpu.region"() ({
      %run_scoped3A = tpu.sem_alloc : memref<!tpu.dma_semaphore, #tpu.memory_space<semaphore_mem>>
      %dma_start3A = arith.constant 0 : i32
      %dma_start3A_62 = tpu.memref_slice %arg8[%add3A_12, %dma_start3A] : memref<10240x128xf32, #tpu.memory_space<vmem_shared>> -> memref<128x128xf32, #tpu.memory_space<vmem_shared>>
      %dma_start3A_63 = arith.constant 0 : i32
      %dma_start3A_64 = tpu.memref_slice %arg8[%add3A_12, %dma_start3A_63] : memref<10240x128xf32, #tpu.memory_space<vmem_shared>> -> memref<128x128xf32, #tpu.memory_space<vmem_shared>>
      tpu.enqueue_dma source(%arg7 : memref<128x128xf32, #tpu.memory_space<vmem>>) target(%dma_start3A_64 : memref<128x128xf32, #tpu.memory_space<vmem_shared>>) target_semaphore(%run_scoped3A : memref<!tpu.dma_semaphore, #tpu.memory_space<semaphore_mem>>)
      %dma_wait3A = arith.constant 0 : i32
      %dma_wait3A_65 = tpu.memref_slice %arg8[%add3A_12, %dma_wait3A] : memref<10240x128xf32, #tpu.memory_space<vmem_shared>> -> memref<128x128xf32, #tpu.memory_space<vmem_shared>>
      %dma_wait3A_66 = arith.constant 0 : i32
      %dma_wait3A_67 = tpu.memref_slice %arg8[%add3A_12, %dma_wait3A_66] : memref<10240x128xf32, #tpu.memory_space<vmem_shared>> -> memref<128x128xf32, #tpu.memory_space<vmem_shared>>
      tpu.wait_dma2 semaphore(%run_scoped3A : memref<!tpu.dma_semaphore, #tpu.memory_space<semaphore_mem>>) src(%arg7 : memref<128x128xf32, #tpu.memory_space<vmem>>) dst(%dma_wait3A_67 : memref<128x128xf32, #tpu.memory_space<vmem_shared>>)
      tpu.yield
    }) : () -> ()
    %mul3A_13 = arith.constant 640 : i32
    %mul3A_14 = arith.muli %arg1, %mul3A_13 : i32
    %add3A_15 = arith.constant 384 : i32
    %add3A_16 = arith.addi %mul3A_14, %add3A_15 : i32
    "tpu.region"() ({
      %run_scoped3A = tpu.sem_alloc : memref<!tpu.dma_semaphore, #tpu.memory_space<semaphore_mem>>
      %dma_start3A = arith.constant 0 : i32
      %dma_start3A_62 = tpu.memref_slice %arg8[%add3A_16, %dma_start3A] : memref<10240x128xf32, #tpu.memory_space<vmem_shared>> -> memref<128x128xf32, #tpu.memory_space<vmem_shared>>
      %dma_start3A_63 = arith.constant 0 : i32
      %dma_start3A_64 = tpu.memref_slice %arg8[%add3A_16, %dma_start3A_63] : memref<10240x128xf32, #tpu.memory_space<vmem_shared>> -> memref<128x128xf32, #tpu.memory_space<vmem_shared>>
      tpu.enqueue_dma source(%arg7 : memref<128x128xf32, #tpu.memory_space<vmem>>) target(%dma_start3A_64 : memref<128x128xf32, #tpu.memory_space<vmem_shared>>) target_semaphore(%run_scoped3A : memref<!tpu.dma_semaphore, #tpu.memory_space<semaphore_mem>>)
      %dma_wait3A = arith.constant 0 : i32
      %dma_wait3A_65 = tpu.memref_slice %arg8[%add3A_16, %dma_wait3A] : memref<10240x128xf32, #tpu.memory_space<vmem_shared>> -> memref<128x128xf32, #tpu.memory_space<vmem_shared>>
      %dma_wait3A_66 = arith.constant 0 : i32
      %dma_wait3A_67 = tpu.memref_slice %arg8[%add3A_16, %dma_wait3A_66] : memref<10240x128xf32, #tpu.memory_space<vmem_shared>> -> memref<128x128xf32, #tpu.memory_space<vmem_shared>>
      tpu.wait_dma2 semaphore(%run_scoped3A : memref<!tpu.dma_semaphore, #tpu.memory_space<semaphore_mem>>) src(%arg7 : memref<128x128xf32, #tpu.memory_space<vmem>>) dst(%dma_wait3A_67 : memref<128x128xf32, #tpu.memory_space<vmem_shared>>)
      tpu.yield
    }) : () -> ()
    %mul3A_17 = arith.constant 640 : i32
    %mul3A_18 = arith.muli %arg1, %mul3A_17 : i32
    %add3A_19 = arith.constant 512 : i32
    %add3A_20 = arith.addi %mul3A_18, %add3A_19 : i32
    "tpu.region"() ({
      %run_scoped3A = tpu.sem_alloc : memref<!tpu.dma_semaphore, #tpu.memory_space<semaphore_mem>>
      %dma_start3A = arith.constant 0 : i32
      %dma_start3A_62 = tpu.memref_slice %arg8[%add3A_20, %dma_start3A] : memref<10240x128xf32, #tpu.memory_space<vmem_shared>> -> memref<128x128xf32, #tpu.memory_space<vmem_shared>>
      %dma_start3A_63 = arith.constant 0 : i32
      %dma_start3A_64 = tpu.memref_slice %arg8[%add3A_20, %dma_start3A_63] : memref<10240x128xf32, #tpu.memory_space<vmem_shared>> -> memref<128x128xf32, #tpu.memory_space<vmem_shared>>
      tpu.enqueue_dma source(%arg7 : memref<128x128xf32, #tpu.memory_space<vmem>>) target(%dma_start3A_64 : memref<128x128xf32, #tpu.memory_space<vmem_shared>>) target_semaphore(%run_scoped3A : memref<!tpu.dma_semaphore, #tpu.memory_space<semaphore_mem>>)
      %dma_wait3A = arith.constant 0 : i32
      %dma_wait3A_65 = tpu.memref_slice %arg8[%add3A_20, %dma_wait3A] : memref<10240x128xf32, #tpu.memory_space<vmem_shared>> -> memref<128x128xf32, #tpu.memory_space<vmem_shared>>
      %dma_wait3A_66 = arith.constant 0 : i32
      %dma_wait3A_67 = tpu.memref_slice %arg8[%add3A_20, %dma_wait3A_66] : memref<10240x128xf32, #tpu.memory_space<vmem_shared>> -> memref<128x128xf32, #tpu.memory_space<vmem_shared>>
      tpu.wait_dma2 semaphore(%run_scoped3A : memref<!tpu.dma_semaphore, #tpu.memory_space<semaphore_mem>>) src(%arg7 : memref<128x128xf32, #tpu.memory_space<vmem>>) dst(%dma_wait3A_67 : memref<128x128xf32, #tpu.memory_space<vmem_shared>>)
      tpu.yield
    }) : () -> ()
    %barrier3A = arith.constant 0 : index
    tpu.barrier barrier_id(%barrier3A)
    %scan3A = arith.constant 0 : i32
    %scan3A_21 = arith.constant 0 : i32
    %scan3A_22 = arith.constant 79 : i32
    %scan3A_23 = arith.addi %scan3A_21, %scan3A_22 : i32
    %scan3A_24 = arith.constant 1 : i32
    scf.for %scan3A_62 = %scan3A_21 to %scan3A_23 step %scan3A_24  : i32 {
      %mul3A_63 = arith.constant 10112 : i32
      %mul3A_64 = arith.muli %add3A, %mul3A_63 : i32
      %mul3A_65 = arith.constant 128 : i32
      %mul3A_66 = arith.muli %scan3A_62, %mul3A_65 : i32
      %add3A_67 = arith.addi %mul3A_64, %mul3A_66 : i32
      "tpu.region"() ({
        %run_scoped3A = tpu.sem_alloc : memref<!tpu.dma_semaphore, #tpu.memory_space<semaphore_mem>>
        %dma_start3A = tpu.memref_slice %arg3[%add3A_67] : memref<323584xi32, #tpu.memory_space<hbm>> -> memref<128xi32, #tpu.memory_space<hbm>>
        %dma_start3A_68 = tpu.memref_slice %arg3[%add3A_67] : memref<323584xi32, #tpu.memory_space<hbm>> -> memref<128xi32, #tpu.memory_space<hbm>>
        tpu.enqueue_dma source(%dma_start3A_68 : memref<128xi32, #tpu.memory_space<hbm>>) target(%arg6 : memref<128xi32, #tpu.memory_space<vmem>>) target_semaphore(%run_scoped3A : memref<!tpu.dma_semaphore, #tpu.memory_space<semaphore_mem>>)
        %dma_wait3A = tpu.memref_slice %arg3[%add3A_67] : memref<323584xi32, #tpu.memory_space<hbm>> -> memref<128xi32, #tpu.memory_space<hbm>>
        %dma_wait3A_69 = tpu.memref_slice %arg3[%add3A_67] : memref<323584xi32, #tpu.memory_space<hbm>> -> memref<128xi32, #tpu.memory_space<hbm>>
        tpu.wait_dma2 semaphore(%run_scoped3A : memref<!tpu.dma_semaphore, #tpu.memory_space<semaphore_mem>>) src(%dma_wait3A_69 : memref<128xi32, #tpu.memory_space<hbm>>) dst(%arg6 : memref<128xi32, #tpu.memory_space<vmem>>)
        tpu.yield
      }) : () -> ()
      "tpu.region"() ({
        %run_scoped3A = tpu.sem_alloc : memref<!tpu.dma_semaphore, #tpu.memory_space<semaphore_mem>>
        %dma_start3A = arith.constant 0 : i32
        %dma_start3A_68 = tpu.memref_slice %arg2[%add3A_67, %dma_start3A] : memref<323584x128xf32, #tpu.memory_space<hbm>> -> memref<128x128xf32, #tpu.memory_space<hbm>>
        %dma_start3A_69 = arith.constant 0 : i32
        %dma_start3A_70 = tpu.memref_slice %arg2[%add3A_67, %dma_start3A_69] : memref<323584x128xf32, #tpu.memory_space<hbm>> -> memref<128x128xf32, #tpu.memory_space<hbm>>
        tpu.enqueue_dma source(%dma_start3A_70 : memref<128x128xf32, #tpu.memory_space<hbm>>) target(%arg7 : memref<128x128xf32, #tpu.memory_space<vmem>>) target_semaphore(%run_scoped3A : memref<!tpu.dma_semaphore, #tpu.memory_space<semaphore_mem>>)
        %dma_wait3A = arith.constant 0 : i32
        %dma_wait3A_71 = tpu.memref_slice %arg2[%add3A_67, %dma_wait3A] : memref<323584x128xf32, #tpu.memory_space<hbm>> -> memref<128x128xf32, #tpu.memory_space<hbm>>
        %dma_wait3A_72 = arith.constant 0 : i32
        %dma_wait3A_73 = tpu.memref_slice %arg2[%add3A_67, %dma_wait3A_72] : memref<323584x128xf32, #tpu.memory_space<hbm>> -> memref<128x128xf32, #tpu.memory_space<hbm>>
        tpu.wait_dma2 semaphore(%run_scoped3A : memref<!tpu.dma_semaphore, #tpu.memory_space<semaphore_mem>>) src(%dma_wait3A_73 : memref<128x128xf32, #tpu.memory_space<hbm>>) dst(%arg7 : memref<128x128xf32, #tpu.memory_space<vmem>>)
        tpu.yield
      }) : () -> ()
      "tpu.region"() ({
        %run_scoped3A = tpu.sem_alloc : memref<!tpu.dma_semaphore, #tpu.memory_space<semaphore_mem>>
        %dma_start3A = arith.constant 0 : i32
        %dma_start3A_68 = arith.constant 0 : i32
        %dma_start3A_69 = tpu.memref_slice %arg8[%dma_start3A, %dma_start3A_68] : memref<10240x128xf32, #tpu.memory_space<vmem_shared>> -> memref<10240x128xf32, #tpu.memory_space<vmem_shared>>
        tpu.enqueue_indirect_dma source(%arg7 : memref<128x128xf32, #tpu.memory_space<vmem>>) target(%dma_start3A_69 : memref<10240x128xf32, #tpu.memory_space<vmem_shared>>) offsets(%arg6 : memref<128xi32, #tpu.memory_space<vmem>>) semaphore(%run_scoped3A : memref<!tpu.dma_semaphore, #tpu.memory_space<semaphore_mem>>) {add = true}
        %dma_wait3A = arith.constant 0 : i32
        %dma_wait3A_70 = arith.constant 0 : i32
        %dma_wait3A_71 = tpu.memref_slice %arg8[%dma_wait3A, %dma_wait3A_70] : memref<10240x128xf32, #tpu.memory_space<vmem_shared>> -> memref<10240x128xf32, #tpu.memory_space<vmem_shared>>
        tpu.wait_indirect_dma semaphore(%run_scoped3A : memref<!tpu.dma_semaphore, #tpu.memory_space<semaphore_mem>>) src(%arg7 : memref<128x128xf32, #tpu.memory_space<vmem>>) dst(%dma_wait3A_71 : memref<10240x128xf32, #tpu.memory_space<vmem_shared>>)
        tpu.yield
      }) : () -> ()
    }
    %scan3A_25 = arith.constant 79 : i32
    %barrier3A_26 = arith.constant 0 : index
    tpu.barrier barrier_id(%barrier3A_26)
    %mul3A_27 = arith.constant 640 : i32
    %mul3A_28 = arith.muli %arg1, %mul3A_27 : i32
    %add3A_29 = arith.constant 0 : i32
    %add3A_30 = arith.addi %mul3A_28, %add3A_29 : i32
    "tpu.region"() ({
      %run_scoped3A = tpu.sem_alloc : memref<!tpu.dma_semaphore, #tpu.memory_space<semaphore_mem>>
      %dma_start3A = arith.constant 0 : i32
      %dma_start3A_62 = tpu.memref_slice %arg8[%add3A_30, %dma_start3A] : memref<10240x128xf32, #tpu.memory_space<vmem_shared>> -> memref<128x128xf32, #tpu.memory_space<vmem_shared>>
      %dma_start3A_63 = arith.constant 0 : i32
      %dma_start3A_64 = tpu.memref_slice %arg8[%add3A_30, %dma_start3A_63] : memref<10240x128xf32, #tpu.memory_space<vmem_shared>> -> memref<128x128xf32, #tpu.memory_space<vmem_shared>>
      tpu.enqueue_dma source(%dma_start3A_64 : memref<128x128xf32, #tpu.memory_space<vmem_shared>>) target(%arg7 : memref<128x128xf32, #tpu.memory_space<vmem>>) target_semaphore(%run_scoped3A : memref<!tpu.dma_semaphore, #tpu.memory_space<semaphore_mem>>)
      %dma_wait3A = arith.constant 0 : i32
      %dma_wait3A_65 = tpu.memref_slice %arg8[%add3A_30, %dma_wait3A] : memref<10240x128xf32, #tpu.memory_space<vmem_shared>> -> memref<128x128xf32, #tpu.memory_space<vmem_shared>>
      %dma_wait3A_66 = arith.constant 0 : i32
      %dma_wait3A_67 = tpu.memref_slice %arg8[%add3A_30, %dma_wait3A_66] : memref<10240x128xf32, #tpu.memory_space<vmem_shared>> -> memref<128x128xf32, #tpu.memory_space<vmem_shared>>
      tpu.wait_dma2 semaphore(%run_scoped3A : memref<!tpu.dma_semaphore, #tpu.memory_space<semaphore_mem>>) src(%dma_wait3A_67 : memref<128x128xf32, #tpu.memory_space<vmem_shared>>) dst(%arg7 : memref<128x128xf32, #tpu.memory_space<vmem>>)
      tpu.yield
    }) : () -> ()
    %mul3A_31 = arith.constant 10240 : i32
    %mul3A_32 = arith.muli %arg0, %mul3A_31 : i32
    %add3A_33 = arith.addi %mul3A_32, %add3A_30 : i32
    "tpu.region"() ({
      %run_scoped3A = tpu.sem_alloc : memref<!tpu.dma_semaphore, #tpu.memory_space<semaphore_mem>>
      %dma_start3A = arith.constant 0 : i32
      %dma_start3A_62 = tpu.memref_slice %arg5[%add3A_33, %dma_start3A] : memref<20480x128xf32, #tpu.memory_space<hbm>> -> memref<128x128xf32, #tpu.memory_space<hbm>>
      %dma_start3A_63 = arith.constant 0 : i32
      %dma_start3A_64 = tpu.memref_slice %arg5[%add3A_33, %dma_start3A_63] : memref<20480x128xf32, #tpu.memory_space<hbm>> -> memref<128x128xf32, #tpu.memory_space<hbm>>
      tpu.enqueue_dma source(%arg7 : memref<128x128xf32, #tpu.memory_space<vmem>>) target(%dma_start3A_64 : memref<128x128xf32, #tpu.memory_space<hbm>>) target_semaphore(%run_scoped3A : memref<!tpu.dma_semaphore, #tpu.memory_space<semaphore_mem>>)
      %dma_wait3A = arith.constant 0 : i32
      %dma_wait3A_65 = tpu.memref_slice %arg5[%add3A_33, %dma_wait3A] : memref<20480x128xf32, #tpu.memory_space<hbm>> -> memref<128x128xf32, #tpu.memory_space<hbm>>
      %dma_wait3A_66 = arith.constant 0 : i32
      %dma_wait3A_67 = tpu.memref_slice %arg5[%add3A_33, %dma_wait3A_66] : memref<20480x128xf32, #tpu.memory_space<hbm>> -> memref<128x128xf32, #tpu.memory_space<hbm>>
      tpu.wait_dma2 semaphore(%run_scoped3A : memref<!tpu.dma_semaphore, #tpu.memory_space<semaphore_mem>>) src(%arg7 : memref<128x128xf32, #tpu.memory_space<vmem>>) dst(%dma_wait3A_67 : memref<128x128xf32, #tpu.memory_space<hbm>>)
      tpu.yield
    }) : () -> ()
    %mul3A_34 = arith.constant 640 : i32
    %mul3A_35 = arith.muli %arg1, %mul3A_34 : i32
    %add3A_36 = arith.constant 128 : i32
    %add3A_37 = arith.addi %mul3A_35, %add3A_36 : i32
    "tpu.region"() ({
      %run_scoped3A = tpu.sem_alloc : memref<!tpu.dma_semaphore, #tpu.memory_space<semaphore_mem>>
      %dma_start3A = arith.constant 0 : i32
      %dma_start3A_62 = tpu.memref_slice %arg8[%add3A_37, %dma_start3A] : memref<10240x128xf32, #tpu.memory_space<vmem_shared>> -> memref<128x128xf32, #tpu.memory_space<vmem_shared>>
      %dma_start3A_63 = arith.constant 0 : i32
      %dma_start3A_64 = tpu.memref_slice %arg8[%add3A_37, %dma_start3A_63] : memref<10240x128xf32, #tpu.memory_space<vmem_shared>> -> memref<128x128xf32, #tpu.memory_space<vmem_shared>>
      tpu.enqueue_dma source(%dma_start3A_64 : memref<128x128xf32, #tpu.memory_space<vmem_shared>>) target(%arg7 : memref<128x128xf32, #tpu.memory_space<vmem>>) target_semaphore(%run_scoped3A : memref<!tpu.dma_semaphore, #tpu.memory_space<semaphore_mem>>)
      %dma_wait3A = arith.constant 0 : i32
      %dma_wait3A_65 = tpu.memref_slice %arg8[%add3A_37, %dma_wait3A] : memref<10240x128xf32, #tpu.memory_space<vmem_shared>> -> memref<128x128xf32, #tpu.memory_space<vmem_shared>>
      %dma_wait3A_66 = arith.constant 0 : i32
      %dma_wait3A_67 = tpu.memref_slice %arg8[%add3A_37, %dma_wait3A_66] : memref<10240x128xf32, #tpu.memory_space<vmem_shared>> -> memref<128x128xf32, #tpu.memory_space<vmem_shared>>
      tpu.wait_dma2 semaphore(%run_scoped3A : memref<!tpu.dma_semaphore, #tpu.memory_space<semaphore_mem>>) src(%dma_wait3A_67 : memref<128x128xf32, #tpu.memory_space<vmem_shared>>) dst(%arg7 : memref<128x128xf32, #tpu.memory_space<vmem>>)
      tpu.yield
    }) : () -> ()
    %mul3A_38 = arith.constant 10240 : i32
    %mul3A_39 = arith.muli %arg0, %mul3A_38 : i32
    %add3A_40 = arith.addi %mul3A_39, %add3A_37 : i32
    "tpu.region"() ({
      %run_scoped3A = tpu.sem_alloc : memref<!tpu.dma_semaphore, #tpu.memory_space<semaphore_mem>>
      %dma_start3A = arith.constant 0 : i32
      %dma_start3A_62 = tpu.memref_slice %arg5[%add3A_40, %dma_start3A] : memref<20480x128xf32, #tpu.memory_space<hbm>> -> memref<128x128xf32, #tpu.memory_space<hbm>>
      %dma_start3A_63 = arith.constant 0 : i32
      %dma_start3A_64 = tpu.memref_slice %arg5[%add3A_40, %dma_start3A_63] : memref<20480x128xf32, #tpu.memory_space<hbm>> -> memref<128x128xf32, #tpu.memory_space<hbm>>
      tpu.enqueue_dma source(%arg7 : memref<128x128xf32, #tpu.memory_space<vmem>>) target(%dma_start3A_64 : memref<128x128xf32, #tpu.memory_space<hbm>>) target_semaphore(%run_scoped3A : memref<!tpu.dma_semaphore, #tpu.memory_space<semaphore_mem>>)
      %dma_wait3A = arith.constant 0 : i32
      %dma_wait3A_65 = tpu.memref_slice %arg5[%add3A_40, %dma_wait3A] : memref<20480x128xf32, #tpu.memory_space<hbm>> -> memref<128x128xf32, #tpu.memory_space<hbm>>
      %dma_wait3A_66 = arith.constant 0 : i32
      %dma_wait3A_67 = tpu.memref_slice %arg5[%add3A_40, %dma_wait3A_66] : memref<20480x128xf32, #tpu.memory_space<hbm>> -> memref<128x128xf32, #tpu.memory_space<hbm>>
      tpu.wait_dma2 semaphore(%run_scoped3A : memref<!tpu.dma_semaphore, #tpu.memory_space<semaphore_mem>>) src(%arg7 : memref<128x128xf32, #tpu.memory_space<vmem>>) dst(%dma_wait3A_67 : memref<128x128xf32, #tpu.memory_space<hbm>>)
      tpu.yield
    }) : () -> ()
    %mul3A_41 = arith.constant 640 : i32
    %mul3A_42 = arith.muli %arg1, %mul3A_41 : i32
    %add3A_43 = arith.constant 256 : i32
    %add3A_44 = arith.addi %mul3A_42, %add3A_43 : i32
    "tpu.region"() ({
      %run_scoped3A = tpu.sem_alloc : memref<!tpu.dma_semaphore, #tpu.memory_space<semaphore_mem>>
      %dma_start3A = arith.constant 0 : i32
      %dma_start3A_62 = tpu.memref_slice %arg8[%add3A_44, %dma_start3A] : memref<10240x128xf32, #tpu.memory_space<vmem_shared>> -> memref<128x128xf32, #tpu.memory_space<vmem_shared>>
      %dma_start3A_63 = arith.constant 0 : i32
      %dma_start3A_64 = tpu.memref_slice %arg8[%add3A_44, %dma_start3A_63] : memref<10240x128xf32, #tpu.memory_space<vmem_shared>> -> memref<128x128xf32, #tpu.memory_space<vmem_shared>>
      tpu.enqueue_dma source(%dma_start3A_64 : memref<128x128xf32, #tpu.memory_space<vmem_shared>>) target(%arg7 : memref<128x128xf32, #tpu.memory_space<vmem>>) target_semaphore(%run_scoped3A : memref<!tpu.dma_semaphore, #tpu.memory_space<semaphore_mem>>)
      %dma_wait3A = arith.constant 0 : i32
      %dma_wait3A_65 = tpu.memref_slice %arg8[%add3A_44, %dma_wait3A] : memref<10240x128xf32, #tpu.memory_space<vmem_shared>> -> memref<128x128xf32, #tpu.memory_space<vmem_shared>>
      %dma_wait3A_66 = arith.constant 0 : i32
      %dma_wait3A_67 = tpu.memref_slice %arg8[%add3A_44, %dma_wait3A_66] : memref<10240x128xf32, #tpu.memory_space<vmem_shared>> -> memref<128x128xf32, #tpu.memory_space<vmem_shared>>
      tpu.wait_dma2 semaphore(%run_scoped3A : memref<!tpu.dma_semaphore, #tpu.memory_space<semaphore_mem>>) src(%dma_wait3A_67 : memref<128x128xf32, #tpu.memory_space<vmem_shared>>) dst(%arg7 : memref<128x128xf32, #tpu.memory_space<vmem>>)
      tpu.yield
    }) : () -> ()
    %mul3A_45 = arith.constant 10240 : i32
    %mul3A_46 = arith.muli %arg0, %mul3A_45 : i32
    %add3A_47 = arith.addi %mul3A_46, %add3A_44 : i32
    "tpu.region"() ({
      %run_scoped3A = tpu.sem_alloc : memref<!tpu.dma_semaphore, #tpu.memory_space<semaphore_mem>>
      %dma_start3A = arith.constant 0 : i32
      %dma_start3A_62 = tpu.memref_slice %arg5[%add3A_47, %dma_start3A] : memref<20480x128xf32, #tpu.memory_space<hbm>> -> memref<128x128xf32, #tpu.memory_space<hbm>>
      %dma_start3A_63 = arith.constant 0 : i32
      %dma_start3A_64 = tpu.memref_slice %arg5[%add3A_47, %dma_start3A_63] : memref<20480x128xf32, #tpu.memory_space<hbm>> -> memref<128x128xf32, #tpu.memory_space<hbm>>
      tpu.enqueue_dma source(%arg7 : memref<128x128xf32, #tpu.memory_space<vmem>>) target(%dma_start3A_64 : memref<128x128xf32, #tpu.memory_space<hbm>>) target_semaphore(%run_scoped3A : memref<!tpu.dma_semaphore, #tpu.memory_space<semaphore_mem>>)
      %dma_wait3A = arith.constant 0 : i32
      %dma_wait3A_65 = tpu.memref_slice %arg5[%add3A_47, %dma_wait3A] : memref<20480x128xf32, #tpu.memory_space<hbm>> -> memref<128x128xf32, #tpu.memory_space<hbm>>
      %dma_wait3A_66 = arith.constant 0 : i32
      %dma_wait3A_67 = tpu.memref_slice %arg5[%add3A_47, %dma_wait3A_66] : memref<20480x128xf32, #tpu.memory_space<hbm>> -> memref<128x128xf32, #tpu.memory_space<hbm>>
      tpu.wait_dma2 semaphore(%run_scoped3A : memref<!tpu.dma_semaphore, #tpu.memory_space<semaphore_mem>>) src(%arg7 : memref<128x128xf32, #tpu.memory_space<vmem>>) dst(%dma_wait3A_67 : memref<128x128xf32, #tpu.memory_space<hbm>>)
      tpu.yield
    }) : () -> ()
    %mul3A_48 = arith.constant 640 : i32
    %mul3A_49 = arith.muli %arg1, %mul3A_48 : i32
    %add3A_50 = arith.constant 384 : i32
    %add3A_51 = arith.addi %mul3A_49, %add3A_50 : i32
    "tpu.region"() ({
      %run_scoped3A = tpu.sem_alloc : memref<!tpu.dma_semaphore, #tpu.memory_space<semaphore_mem>>
      %dma_start3A = arith.constant 0 : i32
      %dma_start3A_62 = tpu.memref_slice %arg8[%add3A_51, %dma_start3A] : memref<10240x128xf32, #tpu.memory_space<vmem_shared>> -> memref<128x128xf32, #tpu.memory_space<vmem_shared>>
      %dma_start3A_63 = arith.constant 0 : i32
      %dma_start3A_64 = tpu.memref_slice %arg8[%add3A_51, %dma_start3A_63] : memref<10240x128xf32, #tpu.memory_space<vmem_shared>> -> memref<128x128xf32, #tpu.memory_space<vmem_shared>>
      tpu.enqueue_dma source(%dma_start3A_64 : memref<128x128xf32, #tpu.memory_space<vmem_shared>>) target(%arg7 : memref<128x128xf32, #tpu.memory_space<vmem>>) target_semaphore(%run_scoped3A : memref<!tpu.dma_semaphore, #tpu.memory_space<semaphore_mem>>)
      %dma_wait3A = arith.constant 0 : i32
      %dma_wait3A_65 = tpu.memref_slice %arg8[%add3A_51, %dma_wait3A] : memref<10240x128xf32, #tpu.memory_space<vmem_shared>> -> memref<128x128xf32, #tpu.memory_space<vmem_shared>>
      %dma_wait3A_66 = arith.constant 0 : i32
      %dma_wait3A_67 = tpu.memref_slice %arg8[%add3A_51, %dma_wait3A_66] : memref<10240x128xf32, #tpu.memory_space<vmem_shared>> -> memref<128x128xf32, #tpu.memory_space<vmem_shared>>
      tpu.wait_dma2 semaphore(%run_scoped3A : memref<!tpu.dma_semaphore, #tpu.memory_space<semaphore_mem>>) src(%dma_wait3A_67 : memref<128x128xf32, #tpu.memory_space<vmem_shared>>) dst(%arg7 : memref<128x128xf32, #tpu.memory_space<vmem>>)
      tpu.yield
    }) : () -> ()
    %mul3A_52 = arith.constant 10240 : i32
    %mul3A_53 = arith.muli %arg0, %mul3A_52 : i32
    %add3A_54 = arith.addi %mul3A_53, %add3A_51 : i32
    "tpu.region"() ({
      %run_scoped3A = tpu.sem_alloc : memref<!tpu.dma_semaphore, #tpu.memory_space<semaphore_mem>>
      %dma_start3A = arith.constant 0 : i32
      %dma_start3A_62 = tpu.memref_slice %arg5[%add3A_54, %dma_start3A] : memref<20480x128xf32, #tpu.memory_space<hbm>> -> memref<128x128xf32, #tpu.memory_space<hbm>>
      %dma_start3A_63 = arith.constant 0 : i32
      %dma_start3A_64 = tpu.memref_slice %arg5[%add3A_54, %dma_start3A_63] : memref<20480x128xf32, #tpu.memory_space<hbm>> -> memref<128x128xf32, #tpu.memory_space<hbm>>
      tpu.enqueue_dma source(%arg7 : memref<128x128xf32, #tpu.memory_space<vmem>>) target(%dma_start3A_64 : memref<128x128xf32, #tpu.memory_space<hbm>>) target_semaphore(%run_scoped3A : memref<!tpu.dma_semaphore, #tpu.memory_space<semaphore_mem>>)
      %dma_wait3A = arith.constant 0 : i32
      %dma_wait3A_65 = tpu.memref_slice %arg5[%add3A_54, %dma_wait3A] : memref<20480x128xf32, #tpu.memory_space<hbm>> -> memref<128x128xf32, #tpu.memory_space<hbm>>
      %dma_wait3A_66 = arith.constant 0 : i32
      %dma_wait3A_67 = tpu.memref_slice %arg5[%add3A_54, %dma_wait3A_66] : memref<20480x128xf32, #tpu.memory_space<hbm>> -> memref<128x128xf32, #tpu.memory_space<hbm>>
      tpu.wait_dma2 semaphore(%run_scoped3A : memref<!tpu.dma_semaphore, #tpu.memory_space<semaphore_mem>>) src(%arg7 : memref<128x128xf32, #tpu.memory_space<vmem>>) dst(%dma_wait3A_67 : memref<128x128xf32, #tpu.memory_space<hbm>>)
      tpu.yield
    }) : () -> ()
    %mul3A_55 = arith.constant 640 : i32
    %mul3A_56 = arith.muli %arg1, %mul3A_55 : i32
    %add3A_57 = arith.constant 512 : i32
    %add3A_58 = arith.addi %mul3A_56, %add3A_57 : i32
    "tpu.region"() ({
      %run_scoped3A = tpu.sem_alloc : memref<!tpu.dma_semaphore, #tpu.memory_space<semaphore_mem>>
      %dma_start3A = arith.constant 0 : i32
      %dma_start3A_62 = tpu.memref_slice %arg8[%add3A_58, %dma_start3A] : memref<10240x128xf32, #tpu.memory_space<vmem_shared>> -> memref<128x128xf32, #tpu.memory_space<vmem_shared>>
      %dma_start3A_63 = arith.constant 0 : i32
      %dma_start3A_64 = tpu.memref_slice %arg8[%add3A_58, %dma_start3A_63] : memref<10240x128xf32, #tpu.memory_space<vmem_shared>> -> memref<128x128xf32, #tpu.memory_space<vmem_shared>>
      tpu.enqueue_dma source(%dma_start3A_64 : memref<128x128xf32, #tpu.memory_space<vmem_shared>>) target(%arg7 : memref<128x128xf32, #tpu.memory_space<vmem>>) target_semaphore(%run_scoped3A : memref<!tpu.dma_semaphore, #tpu.memory_space<semaphore_mem>>)
      %dma_wait3A = arith.constant 0 : i32
      %dma_wait3A_65 = tpu.memref_slice %arg8[%add3A_58, %dma_wait3A] : memref<10240x128xf32, #tpu.memory_space<vmem_shared>> -> memref<128x128xf32, #tpu.memory_space<vmem_shared>>
      %dma_wait3A_66 = arith.constant 0 : i32
      %dma_wait3A_67 = tpu.memref_slice %arg8[%add3A_58, %dma_wait3A_66] : memref<10240x128xf32, #tpu.memory_space<vmem_shared>> -> memref<128x128xf32, #tpu.memory_space<vmem_shared>>
      tpu.wait_dma2 semaphore(%run_scoped3A : memref<!tpu.dma_semaphore, #tpu.memory_space<semaphore_mem>>) src(%dma_wait3A_67 : memref<128x128xf32, #tpu.memory_space<vmem_shared>>) dst(%arg7 : memref<128x128xf32, #tpu.memory_space<vmem>>)
      tpu.yield
    }) : () -> ()
    %mul3A_59 = arith.constant 10240 : i32
    %mul3A_60 = arith.muli %arg0, %mul3A_59 : i32
    %add3A_61 = arith.addi %mul3A_60, %add3A_58 : i32
    "tpu.region"() ({
      %run_scoped3A = tpu.sem_alloc : memref<!tpu.dma_semaphore, #tpu.memory_space<semaphore_mem>>
      %dma_start3A = arith.constant 0 : i32
      %dma_start3A_62 = tpu.memref_slice %arg5[%add3A_61, %dma_start3A] : memref<20480x128xf32, #tpu.memory_space<hbm>> -> memref<128x128xf32, #tpu.memory_space<hbm>>
      %dma_start3A_63 = arith.constant 0 : i32
      %dma_start3A_64 = tpu.memref_slice %arg5[%add3A_61, %dma_start3A_63] : memref<20480x128xf32, #tpu.memory_space<hbm>> -> memref<128x128xf32, #tpu.memory_space<hbm>>
      tpu.enqueue_dma source(%arg7 : memref<128x128xf32, #tpu.memory_space<vmem>>) target(%dma_start3A_64 : memref<128x128xf32, #tpu.memory_space<hbm>>) target_semaphore(%run_scoped3A : memref<!tpu.dma_semaphore, #tpu.memory_space<semaphore_mem>>)
      %dma_wait3A = arith.constant 0 : i32
      %dma_wait3A_65 = tpu.memref_slice %arg5[%add3A_61, %dma_wait3A] : memref<20480x128xf32, #tpu.memory_space<hbm>> -> memref<128x128xf32, #tpu.memory_space<hbm>>
      %dma_wait3A_66 = arith.constant 0 : i32
      %dma_wait3A_67 = tpu.memref_slice %arg5[%add3A_61, %dma_wait3A_66] : memref<20480x128xf32, #tpu.memory_space<hbm>> -> memref<128x128xf32, #tpu.memory_space<hbm>>
      tpu.wait_dma2 semaphore(%run_scoped3A : memref<!tpu.dma_semaphore, #tpu.memory_space<semaphore_mem>>) src(%arg7 : memref<128x128xf32, #tpu.memory_space<vmem>>) dst(%dma_wait3A_67 : memref<128x128xf32, #tpu.memory_space<hbm>>)
      tpu.yield
    }) : () -> ()
    return
  }
}

#map = affine_map<(d0, d1) -> (0, 0)>
#map1 = affine_map<(d0, d1) -> (0)>
module attributes {stable_mosaic.version = 14 : i64} {
  func.func @k(%arg0: i32, %arg1: i32, %arg2: memref<10240x128xf32, #tpu.memory_space<hbm>>, %arg3: memref<323584xi32, #tpu.memory_space<hbm>>, %arg4: memref<323584xi32, #tpu.memory_space<hbm>>, %arg5: memref<323584x128xf32, #tpu.memory_space<hbm>>, %arg6: memref<323584x128xf32, #tpu.memory_space<hbm>>, %arg7: memref<128xi32, #tpu.memory_space<vmem>>, %arg8: memref<128xi32, #tpu.memory_space<vmem>>, %arg9: memref<128x128xf32, #tpu.memory_space<vmem>>, %arg10: memref<128x128xf32, #tpu.memory_space<vmem>>, %arg11: memref<!tpu.dma_semaphore, #tpu.memory_space<semaphore_mem>>, %arg12: memref<!tpu.dma_semaphore, #tpu.memory_space<semaphore_mem>>) attributes {dimension_semantics = [#tpu.dimension_semantics<core_parallel>, #tpu.dimension_semantics<subcore_parallel>], iteration_bounds = array<i64: 2, 16>, scalar_prefetch = 0 : i64, scratch_operands = 6 : i64, tpu.core_type = #tpu.core_type<sc_vector_subcore>, window_params = [{transform_indices = #map}, {transform_indices = #map1}, {transform_indices = #map1}, {transform_indices = #map}, {transform_indices = #map}]} {
    %mul3A = arith.constant 16 : i32
    %mul3A_0 = arith.muli %arg0, %mul3A : i32
    %add3A = arith.addi %mul3A_0, %arg1 : i32
    %scan3A = arith.constant 0 : i32
    %scan3A_1 = arith.constant 0 : i32
    %scan3A_2 = arith.constant 79 : i32
    %scan3A_3 = arith.addi %scan3A_1, %scan3A_2 : i32
    %scan3A_4 = arith.constant 1 : i32
    scf.for %scan3A_6 = %scan3A_1 to %scan3A_3 step %scan3A_4  : i32 {
      %mul3A_7 = arith.constant 10112 : i32
      %mul3A_8 = arith.muli %add3A, %mul3A_7 : i32
      %mul3A_9 = arith.constant 128 : i32
      %mul3A_10 = arith.muli %scan3A_6, %mul3A_9 : i32
      %add3A_11 = arith.addi %mul3A_8, %mul3A_10 : i32
      "tpu.region"() ({
        %run_scoped3A = tpu.sem_alloc : memref<!tpu.dma_semaphore, #tpu.memory_space<semaphore_mem>>
        %dma_start3A_22 = tpu.memref_slice %arg3[%add3A_11] : memref<323584xi32, #tpu.memory_space<hbm>> -> memref<128xi32, #tpu.memory_space<hbm>>
        %dma_start3A_23 = tpu.memref_slice %arg3[%add3A_11] : memref<323584xi32, #tpu.memory_space<hbm>> -> memref<128xi32, #tpu.memory_space<hbm>>
        tpu.enqueue_dma source(%dma_start3A_23 : memref<128xi32, #tpu.memory_space<hbm>>) target(%arg7 : memref<128xi32, #tpu.memory_space<vmem>>) target_semaphore(%run_scoped3A : memref<!tpu.dma_semaphore, #tpu.memory_space<semaphore_mem>>)
        %dma_wait3A_24 = tpu.memref_slice %arg3[%add3A_11] : memref<323584xi32, #tpu.memory_space<hbm>> -> memref<128xi32, #tpu.memory_space<hbm>>
        %dma_wait3A_25 = tpu.memref_slice %arg3[%add3A_11] : memref<323584xi32, #tpu.memory_space<hbm>> -> memref<128xi32, #tpu.memory_space<hbm>>
        tpu.wait_dma2 semaphore(%run_scoped3A : memref<!tpu.dma_semaphore, #tpu.memory_space<semaphore_mem>>) src(%dma_wait3A_25 : memref<128xi32, #tpu.memory_space<hbm>>) dst(%arg7 : memref<128xi32, #tpu.memory_space<vmem>>)
        tpu.yield
      }) : () -> ()
      "tpu.region"() ({
        %run_scoped3A = tpu.sem_alloc : memref<!tpu.dma_semaphore, #tpu.memory_space<semaphore_mem>>
        %dma_start3A_22 = tpu.memref_slice %arg4[%add3A_11] : memref<323584xi32, #tpu.memory_space<hbm>> -> memref<128xi32, #tpu.memory_space<hbm>>
        %dma_start3A_23 = tpu.memref_slice %arg4[%add3A_11] : memref<323584xi32, #tpu.memory_space<hbm>> -> memref<128xi32, #tpu.memory_space<hbm>>
        tpu.enqueue_dma source(%dma_start3A_23 : memref<128xi32, #tpu.memory_space<hbm>>) target(%arg8 : memref<128xi32, #tpu.memory_space<vmem>>) target_semaphore(%run_scoped3A : memref<!tpu.dma_semaphore, #tpu.memory_space<semaphore_mem>>)
        %dma_wait3A_24 = tpu.memref_slice %arg4[%add3A_11] : memref<323584xi32, #tpu.memory_space<hbm>> -> memref<128xi32, #tpu.memory_space<hbm>>
        %dma_wait3A_25 = tpu.memref_slice %arg4[%add3A_11] : memref<323584xi32, #tpu.memory_space<hbm>> -> memref<128xi32, #tpu.memory_space<hbm>>
        tpu.wait_dma2 semaphore(%run_scoped3A : memref<!tpu.dma_semaphore, #tpu.memory_space<semaphore_mem>>) src(%dma_wait3A_25 : memref<128xi32, #tpu.memory_space<hbm>>) dst(%arg8 : memref<128xi32, #tpu.memory_space<vmem>>)
        tpu.yield
      }) : () -> ()
      %dma_start3A = arith.constant 0 : i32
      %dma_start3A_12 = arith.constant 0 : i32
      %dma_start3A_13 = tpu.memref_slice %arg2[%dma_start3A, %dma_start3A_12] : memref<10240x128xf32, #tpu.memory_space<hbm>> -> memref<10240x128xf32, #tpu.memory_space<hbm>>
      tpu.enqueue_indirect_dma source(%dma_start3A_13 : memref<10240x128xf32, #tpu.memory_space<hbm>>) target(%arg9 : memref<128x128xf32, #tpu.memory_space<vmem>>) offsets(%arg7 : memref<128xi32, #tpu.memory_space<vmem>>) semaphore(%arg11 : memref<!tpu.dma_semaphore, #tpu.memory_space<semaphore_mem>>)
      %dma_start3A_14 = arith.constant 0 : i32
      %dma_start3A_15 = arith.constant 0 : i32
      %dma_start3A_16 = tpu.memref_slice %arg2[%dma_start3A_14, %dma_start3A_15] : memref<10240x128xf32, #tpu.memory_space<hbm>> -> memref<10240x128xf32, #tpu.memory_space<hbm>>
      tpu.enqueue_indirect_dma source(%dma_start3A_16 : memref<10240x128xf32, #tpu.memory_space<hbm>>) target(%arg10 : memref<128x128xf32, #tpu.memory_space<vmem>>) offsets(%arg8 : memref<128xi32, #tpu.memory_space<vmem>>) semaphore(%arg12 : memref<!tpu.dma_semaphore, #tpu.memory_space<semaphore_mem>>)
      %dma_wait3A = arith.constant 0 : i32
      %dma_wait3A_17 = arith.constant 0 : i32
      %dma_wait3A_18 = tpu.memref_slice %arg2[%dma_wait3A, %dma_wait3A_17] : memref<10240x128xf32, #tpu.memory_space<hbm>> -> memref<10240x128xf32, #tpu.memory_space<hbm>>
      tpu.wait_indirect_dma semaphore(%arg11 : memref<!tpu.dma_semaphore, #tpu.memory_space<semaphore_mem>>) src(%dma_wait3A_18 : memref<10240x128xf32, #tpu.memory_space<hbm>>) dst(%arg9 : memref<128x128xf32, #tpu.memory_space<vmem>>)
      %dma_wait3A_19 = arith.constant 0 : i32
      %dma_wait3A_20 = arith.constant 0 : i32
      %dma_wait3A_21 = tpu.memref_slice %arg2[%dma_wait3A_19, %dma_wait3A_20] : memref<10240x128xf32, #tpu.memory_space<hbm>> -> memref<10240x128xf32, #tpu.memory_space<hbm>>
      tpu.wait_indirect_dma semaphore(%arg12 : memref<!tpu.dma_semaphore, #tpu.memory_space<semaphore_mem>>) src(%dma_wait3A_21 : memref<10240x128xf32, #tpu.memory_space<hbm>>) dst(%arg10 : memref<128x128xf32, #tpu.memory_space<vmem>>)
      "tpu.region"() ({
        %run_scoped3A = tpu.sem_alloc : memref<!tpu.dma_semaphore, #tpu.memory_space<semaphore_mem>>
        %dma_start3A_22 = arith.constant 0 : i32
        %dma_start3A_23 = tpu.memref_slice %arg5[%add3A_11, %dma_start3A_22] : memref<323584x128xf32, #tpu.memory_space<hbm>> -> memref<128x128xf32, #tpu.memory_space<hbm>>
        %dma_start3A_24 = arith.constant 0 : i32
        %dma_start3A_25 = tpu.memref_slice %arg5[%add3A_11, %dma_start3A_24] : memref<323584x128xf32, #tpu.memory_space<hbm>> -> memref<128x128xf32, #tpu.memory_space<hbm>>
        tpu.enqueue_dma source(%arg9 : memref<128x128xf32, #tpu.memory_space<vmem>>) target(%dma_start3A_25 : memref<128x128xf32, #tpu.memory_space<hbm>>) target_semaphore(%run_scoped3A : memref<!tpu.dma_semaphore, #tpu.memory_space<semaphore_mem>>)
        %dma_wait3A_26 = arith.constant 0 : i32
        %dma_wait3A_27 = tpu.memref_slice %arg5[%add3A_11, %dma_wait3A_26] : memref<323584x128xf32, #tpu.memory_space<hbm>> -> memref<128x128xf32, #tpu.memory_space<hbm>>
        %dma_wait3A_28 = arith.constant 0 : i32
        %dma_wait3A_29 = tpu.memref_slice %arg5[%add3A_11, %dma_wait3A_28] : memref<323584x128xf32, #tpu.memory_space<hbm>> -> memref<128x128xf32, #tpu.memory_space<hbm>>
        tpu.wait_dma2 semaphore(%run_scoped3A : memref<!tpu.dma_semaphore, #tpu.memory_space<semaphore_mem>>) src(%arg9 : memref<128x128xf32, #tpu.memory_space<vmem>>) dst(%dma_wait3A_29 : memref<128x128xf32, #tpu.memory_space<hbm>>)
        tpu.yield
      }) : () -> ()
      "tpu.region"() ({
        %run_scoped3A = tpu.sem_alloc : memref<!tpu.dma_semaphore, #tpu.memory_space<semaphore_mem>>
        %dma_start3A_22 = arith.constant 0 : i32
        %dma_start3A_23 = tpu.memref_slice %arg6[%add3A_11, %dma_start3A_22] : memref<323584x128xf32, #tpu.memory_space<hbm>> -> memref<128x128xf32, #tpu.memory_space<hbm>>
        %dma_start3A_24 = arith.constant 0 : i32
        %dma_start3A_25 = tpu.memref_slice %arg6[%add3A_11, %dma_start3A_24] : memref<323584x128xf32, #tpu.memory_space<hbm>> -> memref<128x128xf32, #tpu.memory_space<hbm>>
        tpu.enqueue_dma source(%arg10 : memref<128x128xf32, #tpu.memory_space<vmem>>) target(%dma_start3A_25 : memref<128x128xf32, #tpu.memory_space<hbm>>) target_semaphore(%run_scoped3A : memref<!tpu.dma_semaphore, #tpu.memory_space<semaphore_mem>>)
        %dma_wait3A_26 = arith.constant 0 : i32
        %dma_wait3A_27 = tpu.memref_slice %arg6[%add3A_11, %dma_wait3A_26] : memref<323584x128xf32, #tpu.memory_space<hbm>> -> memref<128x128xf32, #tpu.memory_space<hbm>>
        %dma_wait3A_28 = arith.constant 0 : i32
        %dma_wait3A_29 = tpu.memref_slice %arg6[%add3A_11, %dma_wait3A_28] : memref<323584x128xf32, #tpu.memory_space<hbm>> -> memref<128x128xf32, #tpu.memory_space<hbm>>
        tpu.wait_dma2 semaphore(%run_scoped3A : memref<!tpu.dma_semaphore, #tpu.memory_space<semaphore_mem>>) src(%arg10 : memref<128x128xf32, #tpu.memory_space<vmem>>) dst(%dma_wait3A_29 : memref<128x128xf32, #tpu.memory_space<hbm>>)
        tpu.yield
      }) : () -> ()
    }
    %scan3A_5 = arith.constant 79 : i32
    return
  }
}

#map = affine_map<(d0, d1) -> (0, 0)>
#map1 = affine_map<(d0, d1) -> (0)>
module attributes {stable_mosaic.version = 14 : i64} {
  func.func @k(%arg0: i32, %arg1: i32, %arg2: memref<323584x128xf32, #tpu.memory_space<hbm>>, %arg3: memref<323584xi32, #tpu.memory_space<hbm>>, %arg4: memref<128x128xf32, #tpu.memory_space<hbm>>, %arg5: memref<20480x128xf32, #tpu.memory_space<hbm>>, %arg6: memref<128xi32, #tpu.memory_space<vmem>>, %arg7: memref<128x128xf32, #tpu.memory_space<vmem>>, %arg8: memref<10240x128xf32, #tpu.memory_space<vmem_shared>>) attributes {dimension_semantics = [#tpu.dimension_semantics<core_parallel>, #tpu.dimension_semantics<subcore_parallel>], iteration_bounds = array<i64: 2, 16>, scalar_prefetch = 0 : i64, scratch_operands = 3 : i64, tpu.core_type = #tpu.core_type<sc_vector_subcore>, window_params = [{transform_indices = #map}, {transform_indices = #map1}, {transform_indices = #map}, {transform_indices = #map}]} {
    %mul3A = arith.constant 16 : i32
    %mul3A_0 = arith.muli %arg0, %mul3A : i32
    %add3A = arith.addi %mul3A_0, %arg1 : i32
    "tpu.region"() ({
      %run_scoped3A = tpu.sem_alloc : memref<!tpu.dma_semaphore, #tpu.memory_space<semaphore_mem>>
      tpu.enqueue_dma source(%arg4 : memref<128x128xf32, #tpu.memory_space<hbm>>) target(%arg7 : memref<128x128xf32, #tpu.memory_space<vmem>>) target_semaphore(%run_scoped3A : memref<!tpu.dma_semaphore, #tpu.memory_space<semaphore_mem>>)
      tpu.wait_dma2 semaphore(%run_scoped3A : memref<!tpu.dma_semaphore, #tpu.memory_space<semaphore_mem>>) src(%arg4 : memref<128x128xf32, #tpu.memory_space<hbm>>) dst(%arg7 : memref<128x128xf32, #tpu.memory_space<vmem>>)
      tpu.yield
    }) : () -> ()
    %mul3A_1 = arith.constant 640 : i32
    %mul3A_2 = arith.muli %arg1, %mul3A_1 : i32
    %add3A_3 = arith.constant 0 : i32
    %add3A_4 = arith.addi %mul3A_2, %add3A_3 : i32
    "tpu.region"() ({
      %run_scoped3A = tpu.sem_alloc : memref<!tpu.dma_semaphore, #tpu.memory_space<semaphore_mem>>
      %dma_start3A = arith.constant 0 : i32
      %dma_start3A_62 = tpu.memref_slice %arg8[%add3A_4, %dma_start3A] : memref<10240x128xf32, #tpu.memory_space<vmem_shared>> -> memref<128x128xf32, #tpu.memory_space<vmem_shared>>
      %dma_start3A_63 = arith.constant 0 : i32
      %dma_start3A_64 = tpu.memref_slice %arg8[%add3A_4, %dma_start3A_63] : memref<10240x128xf32, #tpu.memory_space<vmem_shared>> -> memref<128x128xf32, #tpu.memory_space<vmem_shared>>
      tpu.enqueue_dma source(%arg7 : memref<128x128xf32, #tpu.memory_space<vmem>>) target(%dma_start3A_64 : memref<128x128xf32, #tpu.memory_space<vmem_shared>>) target_semaphore(%run_scoped3A : memref<!tpu.dma_semaphore, #tpu.memory_space<semaphore_mem>>)
      %dma_wait3A = arith.constant 0 : i32
      %dma_wait3A_65 = tpu.memref_slice %arg8[%add3A_4, %dma_wait3A] : memref<10240x128xf32, #tpu.memory_space<vmem_shared>> -> memref<128x128xf32, #tpu.memory_space<vmem_shared>>
      %dma_wait3A_66 = arith.constant 0 : i32
      %dma_wait3A_67 = tpu.memref_slice %arg8[%add3A_4, %dma_wait3A_66] : memref<10240x128xf32, #tpu.memory_space<vmem_shared>> -> memref<128x128xf32, #tpu.memory_space<vmem_shared>>
      tpu.wait_dma2 semaphore(%run_scoped3A : memref<!tpu.dma_semaphore, #tpu.memory_space<semaphore_mem>>) src(%arg7 : memref<128x128xf32, #tpu.memory_space<vmem>>) dst(%dma_wait3A_67 : memref<128x128xf32, #tpu.memory_space<vmem_shared>>)
      tpu.yield
    }) : () -> ()
    %mul3A_5 = arith.constant 640 : i32
    %mul3A_6 = arith.muli %arg1, %mul3A_5 : i32
    %add3A_7 = arith.constant 128 : i32
    %add3A_8 = arith.addi %mul3A_6, %add3A_7 : i32
    "tpu.region"() ({
      %run_scoped3A = tpu.sem_alloc : memref<!tpu.dma_semaphore, #tpu.memory_space<semaphore_mem>>
      %dma_start3A = arith.constant 0 : i32
      %dma_start3A_62 = tpu.memref_slice %arg8[%add3A_8, %dma_start3A] : memref<10240x128xf32, #tpu.memory_space<vmem_shared>> -> memref<128x128xf32, #tpu.memory_space<vmem_shared>>
      %dma_start3A_63 = arith.constant 0 : i32
      %dma_start3A_64 = tpu.memref_slice %arg8[%add3A_8, %dma_start3A_63] : memref<10240x128xf32, #tpu.memory_space<vmem_shared>> -> memref<128x128xf32, #tpu.memory_space<vmem_shared>>
      tpu.enqueue_dma source(%arg7 : memref<128x128xf32, #tpu.memory_space<vmem>>) target(%dma_start3A_64 : memref<128x128xf32, #tpu.memory_space<vmem_shared>>) target_semaphore(%run_scoped3A : memref<!tpu.dma_semaphore, #tpu.memory_space<semaphore_mem>>)
      %dma_wait3A = arith.constant 0 : i32
      %dma_wait3A_65 = tpu.memref_slice %arg8[%add3A_8, %dma_wait3A] : memref<10240x128xf32, #tpu.memory_space<vmem_shared>> -> memref<128x128xf32, #tpu.memory_space<vmem_shared>>
      %dma_wait3A_66 = arith.constant 0 : i32
      %dma_wait3A_67 = tpu.memref_slice %arg8[%add3A_8, %dma_wait3A_66] : memref<10240x128xf32, #tpu.memory_space<vmem_shared>> -> memref<128x128xf32, #tpu.memory_space<vmem_shared>>
      tpu.wait_dma2 semaphore(%run_scoped3A : memref<!tpu.dma_semaphore, #tpu.memory_space<semaphore_mem>>) src(%arg7 : memref<128x128xf32, #tpu.memory_space<vmem>>) dst(%dma_wait3A_67 : memref<128x128xf32, #tpu.memory_space<vmem_shared>>)
      tpu.yield
    }) : () -> ()
    %mul3A_9 = arith.constant 640 : i32
    %mul3A_10 = arith.muli %arg1, %mul3A_9 : i32
    %add3A_11 = arith.constant 256 : i32
    %add3A_12 = arith.addi %mul3A_10, %add3A_11 : i32
    "tpu.region"() ({
      %run_scoped3A = tpu.sem_alloc : memref<!tpu.dma_semaphore, #tpu.memory_space<semaphore_mem>>
      %dma_start3A = arith.constant 0 : i32
      %dma_start3A_62 = tpu.memref_slice %arg8[%add3A_12, %dma_start3A] : memref<10240x128xf32, #tpu.memory_space<vmem_shared>> -> memref<128x128xf32, #tpu.memory_space<vmem_shared>>
      %dma_start3A_63 = arith.constant 0 : i32
      %dma_start3A_64 = tpu.memref_slice %arg8[%add3A_12, %dma_start3A_63] : memref<10240x128xf32, #tpu.memory_space<vmem_shared>> -> memref<128x128xf32, #tpu.memory_space<vmem_shared>>
      tpu.enqueue_dma source(%arg7 : memref<128x128xf32, #tpu.memory_space<vmem>>) target(%dma_start3A_64 : memref<128x128xf32, #tpu.memory_space<vmem_shared>>) target_semaphore(%run_scoped3A : memref<!tpu.dma_semaphore, #tpu.memory_space<semaphore_mem>>)
      %dma_wait3A = arith.constant 0 : i32
      %dma_wait3A_65 = tpu.memref_slice %arg8[%add3A_12, %dma_wait3A] : memref<10240x128xf32, #tpu.memory_space<vmem_shared>> -> memref<128x128xf32, #tpu.memory_space<vmem_shared>>
      %dma_wait3A_66 = arith.constant 0 : i32
      %dma_wait3A_67 = tpu.memref_slice %arg8[%add3A_12, %dma_wait3A_66] : memref<10240x128xf32, #tpu.memory_space<vmem_shared>> -> memref<128x128xf32, #tpu.memory_space<vmem_shared>>
      tpu.wait_dma2 semaphore(%run_scoped3A : memref<!tpu.dma_semaphore, #tpu.memory_space<semaphore_mem>>) src(%arg7 : memref<128x128xf32, #tpu.memory_space<vmem>>) dst(%dma_wait3A_67 : memref<128x128xf32, #tpu.memory_space<vmem_shared>>)
      tpu.yield
    }) : () -> ()
    %mul3A_13 = arith.constant 640 : i32
    %mul3A_14 = arith.muli %arg1, %mul3A_13 : i32
    %add3A_15 = arith.constant 384 : i32
    %add3A_16 = arith.addi %mul3A_14, %add3A_15 : i32
    "tpu.region"() ({
      %run_scoped3A = tpu.sem_alloc : memref<!tpu.dma_semaphore, #tpu.memory_space<semaphore_mem>>
      %dma_start3A = arith.constant 0 : i32
      %dma_start3A_62 = tpu.memref_slice %arg8[%add3A_16, %dma_start3A] : memref<10240x128xf32, #tpu.memory_space<vmem_shared>> -> memref<128x128xf32, #tpu.memory_space<vmem_shared>>
      %dma_start3A_63 = arith.constant 0 : i32
      %dma_start3A_64 = tpu.memref_slice %arg8[%add3A_16, %dma_start3A_63] : memref<10240x128xf32, #tpu.memory_space<vmem_shared>> -> memref<128x128xf32, #tpu.memory_space<vmem_shared>>
      tpu.enqueue_dma source(%arg7 : memref<128x128xf32, #tpu.memory_space<vmem>>) target(%dma_start3A_64 : memref<128x128xf32, #tpu.memory_space<vmem_shared>>) target_semaphore(%run_scoped3A : memref<!tpu.dma_semaphore, #tpu.memory_space<semaphore_mem>>)
      %dma_wait3A = arith.constant 0 : i32
      %dma_wait3A_65 = tpu.memref_slice %arg8[%add3A_16, %dma_wait3A] : memref<10240x128xf32, #tpu.memory_space<vmem_shared>> -> memref<128x128xf32, #tpu.memory_space<vmem_shared>>
      %dma_wait3A_66 = arith.constant 0 : i32
      %dma_wait3A_67 = tpu.memref_slice %arg8[%add3A_16, %dma_wait3A_66] : memref<10240x128xf32, #tpu.memory_space<vmem_shared>> -> memref<128x128xf32, #tpu.memory_space<vmem_shared>>
      tpu.wait_dma2 semaphore(%run_scoped3A : memref<!tpu.dma_semaphore, #tpu.memory_space<semaphore_mem>>) src(%arg7 : memref<128x128xf32, #tpu.memory_space<vmem>>) dst(%dma_wait3A_67 : memref<128x128xf32, #tpu.memory_space<vmem_shared>>)
      tpu.yield
    }) : () -> ()
    %mul3A_17 = arith.constant 640 : i32
    %mul3A_18 = arith.muli %arg1, %mul3A_17 : i32
    %add3A_19 = arith.constant 512 : i32
    %add3A_20 = arith.addi %mul3A_18, %add3A_19 : i32
    "tpu.region"() ({
      %run_scoped3A = tpu.sem_alloc : memref<!tpu.dma_semaphore, #tpu.memory_space<semaphore_mem>>
      %dma_start3A = arith.constant 0 : i32
      %dma_start3A_62 = tpu.memref_slice %arg8[%add3A_20, %dma_start3A] : memref<10240x128xf32, #tpu.memory_space<vmem_shared>> -> memref<128x128xf32, #tpu.memory_space<vmem_shared>>
      %dma_start3A_63 = arith.constant 0 : i32
      %dma_start3A_64 = tpu.memref_slice %arg8[%add3A_20, %dma_start3A_63] : memref<10240x128xf32, #tpu.memory_space<vmem_shared>> -> memref<128x128xf32, #tpu.memory_space<vmem_shared>>
      tpu.enqueue_dma source(%arg7 : memref<128x128xf32, #tpu.memory_space<vmem>>) target(%dma_start3A_64 : memref<128x128xf32, #tpu.memory_space<vmem_shared>>) target_semaphore(%run_scoped3A : memref<!tpu.dma_semaphore, #tpu.memory_space<semaphore_mem>>)
      %dma_wait3A = arith.constant 0 : i32
      %dma_wait3A_65 = tpu.memref_slice %arg8[%add3A_20, %dma_wait3A] : memref<10240x128xf32, #tpu.memory_space<vmem_shared>> -> memref<128x128xf32, #tpu.memory_space<vmem_shared>>
      %dma_wait3A_66 = arith.constant 0 : i32
      %dma_wait3A_67 = tpu.memref_slice %arg8[%add3A_20, %dma_wait3A_66] : memref<10240x128xf32, #tpu.memory_space<vmem_shared>> -> memref<128x128xf32, #tpu.memory_space<vmem_shared>>
      tpu.wait_dma2 semaphore(%run_scoped3A : memref<!tpu.dma_semaphore, #tpu.memory_space<semaphore_mem>>) src(%arg7 : memref<128x128xf32, #tpu.memory_space<vmem>>) dst(%dma_wait3A_67 : memref<128x128xf32, #tpu.memory_space<vmem_shared>>)
      tpu.yield
    }) : () -> ()
    %barrier3A = arith.constant 0 : index
    tpu.barrier barrier_id(%barrier3A)
    %scan3A = arith.constant 0 : i32
    %scan3A_21 = arith.constant 0 : i32
    %scan3A_22 = arith.constant 79 : i32
    %scan3A_23 = arith.addi %scan3A_21, %scan3A_22 : i32
    %scan3A_24 = arith.constant 1 : i32
    scf.for %scan3A_62 = %scan3A_21 to %scan3A_23 step %scan3A_24  : i32 {
      %mul3A_63 = arith.constant 10112 : i32
      %mul3A_64 = arith.muli %add3A, %mul3A_63 : i32
      %mul3A_65 = arith.constant 128 : i32
      %mul3A_66 = arith.muli %scan3A_62, %mul3A_65 : i32
      %add3A_67 = arith.addi %mul3A_64, %mul3A_66 : i32
      "tpu.region"() ({
        %run_scoped3A = tpu.sem_alloc : memref<!tpu.dma_semaphore, #tpu.memory_space<semaphore_mem>>
        %dma_start3A = tpu.memref_slice %arg3[%add3A_67] : memref<323584xi32, #tpu.memory_space<hbm>> -> memref<128xi32, #tpu.memory_space<hbm>>
        %dma_start3A_68 = tpu.memref_slice %arg3[%add3A_67] : memref<323584xi32, #tpu.memory_space<hbm>> -> memref<128xi32, #tpu.memory_space<hbm>>
        tpu.enqueue_dma source(%dma_start3A_68 : memref<128xi32, #tpu.memory_space<hbm>>) target(%arg6 : memref<128xi32, #tpu.memory_space<vmem>>) target_semaphore(%run_scoped3A : memref<!tpu.dma_semaphore, #tpu.memory_space<semaphore_mem>>)
        %dma_wait3A = tpu.memref_slice %arg3[%add3A_67] : memref<323584xi32, #tpu.memory_space<hbm>> -> memref<128xi32, #tpu.memory_space<hbm>>
        %dma_wait3A_69 = tpu.memref_slice %arg3[%add3A_67] : memref<323584xi32, #tpu.memory_space<hbm>> -> memref<128xi32, #tpu.memory_space<hbm>>
        tpu.wait_dma2 semaphore(%run_scoped3A : memref<!tpu.dma_semaphore, #tpu.memory_space<semaphore_mem>>) src(%dma_wait3A_69 : memref<128xi32, #tpu.memory_space<hbm>>) dst(%arg6 : memref<128xi32, #tpu.memory_space<vmem>>)
        tpu.yield
      }) : () -> ()
      "tpu.region"() ({
        %run_scoped3A = tpu.sem_alloc : memref<!tpu.dma_semaphore, #tpu.memory_space<semaphore_mem>>
        %dma_start3A = arith.constant 0 : i32
        %dma_start3A_68 = tpu.memref_slice %arg2[%add3A_67, %dma_start3A] : memref<323584x128xf32, #tpu.memory_space<hbm>> -> memref<128x128xf32, #tpu.memory_space<hbm>>
        %dma_start3A_69 = arith.constant 0 : i32
        %dma_start3A_70 = tpu.memref_slice %arg2[%add3A_67, %dma_start3A_69] : memref<323584x128xf32, #tpu.memory_space<hbm>> -> memref<128x128xf32, #tpu.memory_space<hbm>>
        tpu.enqueue_dma source(%dma_start3A_70 : memref<128x128xf32, #tpu.memory_space<hbm>>) target(%arg7 : memref<128x128xf32, #tpu.memory_space<vmem>>) target_semaphore(%run_scoped3A : memref<!tpu.dma_semaphore, #tpu.memory_space<semaphore_mem>>)
        %dma_wait3A = arith.constant 0 : i32
        %dma_wait3A_71 = tpu.memref_slice %arg2[%add3A_67, %dma_wait3A] : memref<323584x128xf32, #tpu.memory_space<hbm>> -> memref<128x128xf32, #tpu.memory_space<hbm>>
        %dma_wait3A_72 = arith.constant 0 : i32
        %dma_wait3A_73 = tpu.memref_slice %arg2[%add3A_67, %dma_wait3A_72] : memref<323584x128xf32, #tpu.memory_space<hbm>> -> memref<128x128xf32, #tpu.memory_space<hbm>>
        tpu.wait_dma2 semaphore(%run_scoped3A : memref<!tpu.dma_semaphore, #tpu.memory_space<semaphore_mem>>) src(%dma_wait3A_73 : memref<128x128xf32, #tpu.memory_space<hbm>>) dst(%arg7 : memref<128x128xf32, #tpu.memory_space<vmem>>)
        tpu.yield
      }) : () -> ()
      "tpu.region"() ({
        %run_scoped3A = tpu.sem_alloc : memref<!tpu.dma_semaphore, #tpu.memory_space<semaphore_mem>>
        %dma_start3A = arith.constant 0 : i32
        %dma_start3A_68 = arith.constant 0 : i32
        %dma_start3A_69 = tpu.memref_slice %arg8[%dma_start3A, %dma_start3A_68] : memref<10240x128xf32, #tpu.memory_space<vmem_shared>> -> memref<10240x128xf32, #tpu.memory_space<vmem_shared>>
        tpu.enqueue_indirect_dma source(%arg7 : memref<128x128xf32, #tpu.memory_space<vmem>>) target(%dma_start3A_69 : memref<10240x128xf32, #tpu.memory_space<vmem_shared>>) offsets(%arg6 : memref<128xi32, #tpu.memory_space<vmem>>) semaphore(%run_scoped3A : memref<!tpu.dma_semaphore, #tpu.memory_space<semaphore_mem>>) {add = true}
        %dma_wait3A = arith.constant 0 : i32
        %dma_wait3A_70 = arith.constant 0 : i32
        %dma_wait3A_71 = tpu.memref_slice %arg8[%dma_wait3A, %dma_wait3A_70] : memref<10240x128xf32, #tpu.memory_space<vmem_shared>> -> memref<10240x128xf32, #tpu.memory_space<vmem_shared>>
        tpu.wait_indirect_dma semaphore(%run_scoped3A : memref<!tpu.dma_semaphore, #tpu.memory_space<semaphore_mem>>) src(%arg7 : memref<128x128xf32, #tpu.memory_space<vmem>>) dst(%dma_wait3A_71 : memref<10240x128xf32, #tpu.memory_space<vmem_shared>>)
        tpu.yield
      }) : () -> ()
    }
    %scan3A_25 = arith.constant 79 : i32
    %barrier3A_26 = arith.constant 0 : index
    tpu.barrier barrier_id(%barrier3A_26)
    %mul3A_27 = arith.constant 640 : i32
    %mul3A_28 = arith.muli %arg1, %mul3A_27 : i32
    %add3A_29 = arith.constant 0 : i32
    %add3A_30 = arith.addi %mul3A_28, %add3A_29 : i32
    "tpu.region"() ({
      %run_scoped3A = tpu.sem_alloc : memref<!tpu.dma_semaphore, #tpu.memory_space<semaphore_mem>>
      %dma_start3A = arith.constant 0 : i32
      %dma_start3A_62 = tpu.memref_slice %arg8[%add3A_30, %dma_start3A] : memref<10240x128xf32, #tpu.memory_space<vmem_shared>> -> memref<128x128xf32, #tpu.memory_space<vmem_shared>>
      %dma_start3A_63 = arith.constant 0 : i32
      %dma_start3A_64 = tpu.memref_slice %arg8[%add3A_30, %dma_start3A_63] : memref<10240x128xf32, #tpu.memory_space<vmem_shared>> -> memref<128x128xf32, #tpu.memory_space<vmem_shared>>
      tpu.enqueue_dma source(%dma_start3A_64 : memref<128x128xf32, #tpu.memory_space<vmem_shared>>) target(%arg7 : memref<128x128xf32, #tpu.memory_space<vmem>>) target_semaphore(%run_scoped3A : memref<!tpu.dma_semaphore, #tpu.memory_space<semaphore_mem>>)
      %dma_wait3A = arith.constant 0 : i32
      %dma_wait3A_65 = tpu.memref_slice %arg8[%add3A_30, %dma_wait3A] : memref<10240x128xf32, #tpu.memory_space<vmem_shared>> -> memref<128x128xf32, #tpu.memory_space<vmem_shared>>
      %dma_wait3A_66 = arith.constant 0 : i32
      %dma_wait3A_67 = tpu.memref_slice %arg8[%add3A_30, %dma_wait3A_66] : memref<10240x128xf32, #tpu.memory_space<vmem_shared>> -> memref<128x128xf32, #tpu.memory_space<vmem_shared>>
      tpu.wait_dma2 semaphore(%run_scoped3A : memref<!tpu.dma_semaphore, #tpu.memory_space<semaphore_mem>>) src(%dma_wait3A_67 : memref<128x128xf32, #tpu.memory_space<vmem_shared>>) dst(%arg7 : memref<128x128xf32, #tpu.memory_space<vmem>>)
      tpu.yield
    }) : () -> ()
    %mul3A_31 = arith.constant 10240 : i32
    %mul3A_32 = arith.muli %arg0, %mul3A_31 : i32
    %add3A_33 = arith.addi %mul3A_32, %add3A_30 : i32
    "tpu.region"() ({
      %run_scoped3A = tpu.sem_alloc : memref<!tpu.dma_semaphore, #tpu.memory_space<semaphore_mem>>
      %dma_start3A = arith.constant 0 : i32
      %dma_start3A_62 = tpu.memref_slice %arg5[%add3A_33, %dma_start3A] : memref<20480x128xf32, #tpu.memory_space<hbm>> -> memref<128x128xf32, #tpu.memory_space<hbm>>
      %dma_start3A_63 = arith.constant 0 : i32
      %dma_start3A_64 = tpu.memref_slice %arg5[%add3A_33, %dma_start3A_63] : memref<20480x128xf32, #tpu.memory_space<hbm>> -> memref<128x128xf32, #tpu.memory_space<hbm>>
      tpu.enqueue_dma source(%arg7 : memref<128x128xf32, #tpu.memory_space<vmem>>) target(%dma_start3A_64 : memref<128x128xf32, #tpu.memory_space<hbm>>) target_semaphore(%run_scoped3A : memref<!tpu.dma_semaphore, #tpu.memory_space<semaphore_mem>>)
      %dma_wait3A = arith.constant 0 : i32
      %dma_wait3A_65 = tpu.memref_slice %arg5[%add3A_33, %dma_wait3A] : memref<20480x128xf32, #tpu.memory_space<hbm>> -> memref<128x128xf32, #tpu.memory_space<hbm>>
      %dma_wait3A_66 = arith.constant 0 : i32
      %dma_wait3A_67 = tpu.memref_slice %arg5[%add3A_33, %dma_wait3A_66] : memref<20480x128xf32, #tpu.memory_space<hbm>> -> memref<128x128xf32, #tpu.memory_space<hbm>>
      tpu.wait_dma2 semaphore(%run_scoped3A : memref<!tpu.dma_semaphore, #tpu.memory_space<semaphore_mem>>) src(%arg7 : memref<128x128xf32, #tpu.memory_space<vmem>>) dst(%dma_wait3A_67 : memref<128x128xf32, #tpu.memory_space<hbm>>)
      tpu.yield
    }) : () -> ()
    %mul3A_34 = arith.constant 640 : i32
    %mul3A_35 = arith.muli %arg1, %mul3A_34 : i32
    %add3A_36 = arith.constant 128 : i32
    %add3A_37 = arith.addi %mul3A_35, %add3A_36 : i32
    "tpu.region"() ({
      %run_scoped3A = tpu.sem_alloc : memref<!tpu.dma_semaphore, #tpu.memory_space<semaphore_mem>>
      %dma_start3A = arith.constant 0 : i32
      %dma_start3A_62 = tpu.memref_slice %arg8[%add3A_37, %dma_start3A] : memref<10240x128xf32, #tpu.memory_space<vmem_shared>> -> memref<128x128xf32, #tpu.memory_space<vmem_shared>>
      %dma_start3A_63 = arith.constant 0 : i32
      %dma_start3A_64 = tpu.memref_slice %arg8[%add3A_37, %dma_start3A_63] : memref<10240x128xf32, #tpu.memory_space<vmem_shared>> -> memref<128x128xf32, #tpu.memory_space<vmem_shared>>
      tpu.enqueue_dma source(%dma_start3A_64 : memref<128x128xf32, #tpu.memory_space<vmem_shared>>) target(%arg7 : memref<128x128xf32, #tpu.memory_space<vmem>>) target_semaphore(%run_scoped3A : memref<!tpu.dma_semaphore, #tpu.memory_space<semaphore_mem>>)
      %dma_wait3A = arith.constant 0 : i32
      %dma_wait3A_65 = tpu.memref_slice %arg8[%add3A_37, %dma_wait3A] : memref<10240x128xf32, #tpu.memory_space<vmem_shared>> -> memref<128x128xf32, #tpu.memory_space<vmem_shared>>
      %dma_wait3A_66 = arith.constant 0 : i32
      %dma_wait3A_67 = tpu.memref_slice %arg8[%add3A_37, %dma_wait3A_66] : memref<10240x128xf32, #tpu.memory_space<vmem_shared>> -> memref<128x128xf32, #tpu.memory_space<vmem_shared>>
      tpu.wait_dma2 semaphore(%run_scoped3A : memref<!tpu.dma_semaphore, #tpu.memory_space<semaphore_mem>>) src(%dma_wait3A_67 : memref<128x128xf32, #tpu.memory_space<vmem_shared>>) dst(%arg7 : memref<128x128xf32, #tpu.memory_space<vmem>>)
      tpu.yield
    }) : () -> ()
    %mul3A_38 = arith.constant 10240 : i32
    %mul3A_39 = arith.muli %arg0, %mul3A_38 : i32
    %add3A_40 = arith.addi %mul3A_39, %add3A_37 : i32
    "tpu.region"() ({
      %run_scoped3A = tpu.sem_alloc : memref<!tpu.dma_semaphore, #tpu.memory_space<semaphore_mem>>
      %dma_start3A = arith.constant 0 : i32
      %dma_start3A_62 = tpu.memref_slice %arg5[%add3A_40, %dma_start3A] : memref<20480x128xf32, #tpu.memory_space<hbm>> -> memref<128x128xf32, #tpu.memory_space<hbm>>
      %dma_start3A_63 = arith.constant 0 : i32
      %dma_start3A_64 = tpu.memref_slice %arg5[%add3A_40, %dma_start3A_63] : memref<20480x128xf32, #tpu.memory_space<hbm>> -> memref<128x128xf32, #tpu.memory_space<hbm>>
      tpu.enqueue_dma source(%arg7 : memref<128x128xf32, #tpu.memory_space<vmem>>) target(%dma_start3A_64 : memref<128x128xf32, #tpu.memory_space<hbm>>) target_semaphore(%run_scoped3A : memref<!tpu.dma_semaphore, #tpu.memory_space<semaphore_mem>>)
      %dma_wait3A = arith.constant 0 : i32
      %dma_wait3A_65 = tpu.memref_slice %arg5[%add3A_40, %dma_wait3A] : memref<20480x128xf32, #tpu.memory_space<hbm>> -> memref<128x128xf32, #tpu.memory_space<hbm>>
      %dma_wait3A_66 = arith.constant 0 : i32
      %dma_wait3A_67 = tpu.memref_slice %arg5[%add3A_40, %dma_wait3A_66] : memref<20480x128xf32, #tpu.memory_space<hbm>> -> memref<128x128xf32, #tpu.memory_space<hbm>>
      tpu.wait_dma2 semaphore(%run_scoped3A : memref<!tpu.dma_semaphore, #tpu.memory_space<semaphore_mem>>) src(%arg7 : memref<128x128xf32, #tpu.memory_space<vmem>>) dst(%dma_wait3A_67 : memref<128x128xf32, #tpu.memory_space<hbm>>)
      tpu.yield
    }) : () -> ()
    %mul3A_41 = arith.constant 640 : i32
    %mul3A_42 = arith.muli %arg1, %mul3A_41 : i32
    %add3A_43 = arith.constant 256 : i32
    %add3A_44 = arith.addi %mul3A_42, %add3A_43 : i32
    "tpu.region"() ({
      %run_scoped3A = tpu.sem_alloc : memref<!tpu.dma_semaphore, #tpu.memory_space<semaphore_mem>>
      %dma_start3A = arith.constant 0 : i32
      %dma_start3A_62 = tpu.memref_slice %arg8[%add3A_44, %dma_start3A] : memref<10240x128xf32, #tpu.memory_space<vmem_shared>> -> memref<128x128xf32, #tpu.memory_space<vmem_shared>>
      %dma_start3A_63 = arith.constant 0 : i32
      %dma_start3A_64 = tpu.memref_slice %arg8[%add3A_44, %dma_start3A_63] : memref<10240x128xf32, #tpu.memory_space<vmem_shared>> -> memref<128x128xf32, #tpu.memory_space<vmem_shared>>
      tpu.enqueue_dma source(%dma_start3A_64 : memref<128x128xf32, #tpu.memory_space<vmem_shared>>) target(%arg7 : memref<128x128xf32, #tpu.memory_space<vmem>>) target_semaphore(%run_scoped3A : memref<!tpu.dma_semaphore, #tpu.memory_space<semaphore_mem>>)
      %dma_wait3A = arith.constant 0 : i32
      %dma_wait3A_65 = tpu.memref_slice %arg8[%add3A_44, %dma_wait3A] : memref<10240x128xf32, #tpu.memory_space<vmem_shared>> -> memref<128x128xf32, #tpu.memory_space<vmem_shared>>
      %dma_wait3A_66 = arith.constant 0 : i32
      %dma_wait3A_67 = tpu.memref_slice %arg8[%add3A_44, %dma_wait3A_66] : memref<10240x128xf32, #tpu.memory_space<vmem_shared>> -> memref<128x128xf32, #tpu.memory_space<vmem_shared>>
      tpu.wait_dma2 semaphore(%run_scoped3A : memref<!tpu.dma_semaphore, #tpu.memory_space<semaphore_mem>>) src(%dma_wait3A_67 : memref<128x128xf32, #tpu.memory_space<vmem_shared>>) dst(%arg7 : memref<128x128xf32, #tpu.memory_space<vmem>>)
      tpu.yield
    }) : () -> ()
    %mul3A_45 = arith.constant 10240 : i32
    %mul3A_46 = arith.muli %arg0, %mul3A_45 : i32
    %add3A_47 = arith.addi %mul3A_46, %add3A_44 : i32
    "tpu.region"() ({
      %run_scoped3A = tpu.sem_alloc : memref<!tpu.dma_semaphore, #tpu.memory_space<semaphore_mem>>
      %dma_start3A = arith.constant 0 : i32
      %dma_start3A_62 = tpu.memref_slice %arg5[%add3A_47, %dma_start3A] : memref<20480x128xf32, #tpu.memory_space<hbm>> -> memref<128x128xf32, #tpu.memory_space<hbm>>
      %dma_start3A_63 = arith.constant 0 : i32
      %dma_start3A_64 = tpu.memref_slice %arg5[%add3A_47, %dma_start3A_63] : memref<20480x128xf32, #tpu.memory_space<hbm>> -> memref<128x128xf32, #tpu.memory_space<hbm>>
      tpu.enqueue_dma source(%arg7 : memref<128x128xf32, #tpu.memory_space<vmem>>) target(%dma_start3A_64 : memref<128x128xf32, #tpu.memory_space<hbm>>) target_semaphore(%run_scoped3A : memref<!tpu.dma_semaphore, #tpu.memory_space<semaphore_mem>>)
      %dma_wait3A = arith.constant 0 : i32
      %dma_wait3A_65 = tpu.memref_slice %arg5[%add3A_47, %dma_wait3A] : memref<20480x128xf32, #tpu.memory_space<hbm>> -> memref<128x128xf32, #tpu.memory_space<hbm>>
      %dma_wait3A_66 = arith.constant 0 : i32
      %dma_wait3A_67 = tpu.memref_slice %arg5[%add3A_47, %dma_wait3A_66] : memref<20480x128xf32, #tpu.memory_space<hbm>> -> memref<128x128xf32, #tpu.memory_space<hbm>>
      tpu.wait_dma2 semaphore(%run_scoped3A : memref<!tpu.dma_semaphore, #tpu.memory_space<semaphore_mem>>) src(%arg7 : memref<128x128xf32, #tpu.memory_space<vmem>>) dst(%dma_wait3A_67 : memref<128x128xf32, #tpu.memory_space<hbm>>)
      tpu.yield
    }) : () -> ()
    %mul3A_48 = arith.constant 640 : i32
    %mul3A_49 = arith.muli %arg1, %mul3A_48 : i32
    %add3A_50 = arith.constant 384 : i32
    %add3A_51 = arith.addi %mul3A_49, %add3A_50 : i32
    "tpu.region"() ({
      %run_scoped3A = tpu.sem_alloc : memref<!tpu.dma_semaphore, #tpu.memory_space<semaphore_mem>>
      %dma_start3A = arith.constant 0 : i32
      %dma_start3A_62 = tpu.memref_slice %arg8[%add3A_51, %dma_start3A] : memref<10240x128xf32, #tpu.memory_space<vmem_shared>> -> memref<128x128xf32, #tpu.memory_space<vmem_shared>>
      %dma_start3A_63 = arith.constant 0 : i32
      %dma_start3A_64 = tpu.memref_slice %arg8[%add3A_51, %dma_start3A_63] : memref<10240x128xf32, #tpu.memory_space<vmem_shared>> -> memref<128x128xf32, #tpu.memory_space<vmem_shared>>
      tpu.enqueue_dma source(%dma_start3A_64 : memref<128x128xf32, #tpu.memory_space<vmem_shared>>) target(%arg7 : memref<128x128xf32, #tpu.memory_space<vmem>>) target_semaphore(%run_scoped3A : memref<!tpu.dma_semaphore, #tpu.memory_space<semaphore_mem>>)
      %dma_wait3A = arith.constant 0 : i32
      %dma_wait3A_65 = tpu.memref_slice %arg8[%add3A_51, %dma_wait3A] : memref<10240x128xf32, #tpu.memory_space<vmem_shared>> -> memref<128x128xf32, #tpu.memory_space<vmem_shared>>
      %dma_wait3A_66 = arith.constant 0 : i32
      %dma_wait3A_67 = tpu.memref_slice %arg8[%add3A_51, %dma_wait3A_66] : memref<10240x128xf32, #tpu.memory_space<vmem_shared>> -> memref<128x128xf32, #tpu.memory_space<vmem_shared>>
      tpu.wait_dma2 semaphore(%run_scoped3A : memref<!tpu.dma_semaphore, #tpu.memory_space<semaphore_mem>>) src(%dma_wait3A_67 : memref<128x128xf32, #tpu.memory_space<vmem_shared>>) dst(%arg7 : memref<128x128xf32, #tpu.memory_space<vmem>>)
      tpu.yield
    }) : () -> ()
    %mul3A_52 = arith.constant 10240 : i32
    %mul3A_53 = arith.muli %arg0, %mul3A_52 : i32
    %add3A_54 = arith.addi %mul3A_53, %add3A_51 : i32
    "tpu.region"() ({
      %run_scoped3A = tpu.sem_alloc : memref<!tpu.dma_semaphore, #tpu.memory_space<semaphore_mem>>
      %dma_start3A = arith.constant 0 : i32
      %dma_start3A_62 = tpu.memref_slice %arg5[%add3A_54, %dma_start3A] : memref<20480x128xf32, #tpu.memory_space<hbm>> -> memref<128x128xf32, #tpu.memory_space<hbm>>
      %dma_start3A_63 = arith.constant 0 : i32
      %dma_start3A_64 = tpu.memref_slice %arg5[%add3A_54, %dma_start3A_63] : memref<20480x128xf32, #tpu.memory_space<hbm>> -> memref<128x128xf32, #tpu.memory_space<hbm>>
      tpu.enqueue_dma source(%arg7 : memref<128x128xf32, #tpu.memory_space<vmem>>) target(%dma_start3A_64 : memref<128x128xf32, #tpu.memory_space<hbm>>) target_semaphore(%run_scoped3A : memref<!tpu.dma_semaphore, #tpu.memory_space<semaphore_mem>>)
      %dma_wait3A = arith.constant 0 : i32
      %dma_wait3A_65 = tpu.memref_slice %arg5[%add3A_54, %dma_wait3A] : memref<20480x128xf32, #tpu.memory_space<hbm>> -> memref<128x128xf32, #tpu.memory_space<hbm>>
      %dma_wait3A_66 = arith.constant 0 : i32
      %dma_wait3A_67 = tpu.memref_slice %arg5[%add3A_54, %dma_wait3A_66] : memref<20480x128xf32, #tpu.memory_space<hbm>> -> memref<128x128xf32, #tpu.memory_space<hbm>>
      tpu.wait_dma2 semaphore(%run_scoped3A : memref<!tpu.dma_semaphore, #tpu.memory_space<semaphore_mem>>) src(%arg7 : memref<128x128xf32, #tpu.memory_space<vmem>>) dst(%dma_wait3A_67 : memref<128x128xf32, #tpu.memory_space<hbm>>)
      tpu.yield
    }) : () -> ()
    %mul3A_55 = arith.constant 640 : i32
    %mul3A_56 = arith.muli %arg1, %mul3A_55 : i32
    %add3A_57 = arith.constant 512 : i32
    %add3A_58 = arith.addi %mul3A_56, %add3A_57 : i32
    "tpu.region"() ({
      %run_scoped3A = tpu.sem_alloc : memref<!tpu.dma_semaphore, #tpu.memory_space<semaphore_mem>>
      %dma_start3A = arith.constant 0 : i32
      %dma_start3A_62 = tpu.memref_slice %arg8[%add3A_58, %dma_start3A] : memref<10240x128xf32, #tpu.memory_space<vmem_shared>> -> memref<128x128xf32, #tpu.memory_space<vmem_shared>>
      %dma_start3A_63 = arith.constant 0 : i32
      %dma_start3A_64 = tpu.memref_slice %arg8[%add3A_58, %dma_start3A_63] : memref<10240x128xf32, #tpu.memory_space<vmem_shared>> -> memref<128x128xf32, #tpu.memory_space<vmem_shared>>
      tpu.enqueue_dma source(%dma_start3A_64 : memref<128x128xf32, #tpu.memory_space<vmem_shared>>) target(%arg7 : memref<128x128xf32, #tpu.memory_space<vmem>>) target_semaphore(%run_scoped3A : memref<!tpu.dma_semaphore, #tpu.memory_space<semaphore_mem>>)
      %dma_wait3A = arith.constant 0 : i32
      %dma_wait3A_65 = tpu.memref_slice %arg8[%add3A_58, %dma_wait3A] : memref<10240x128xf32, #tpu.memory_space<vmem_shared>> -> memref<128x128xf32, #tpu.memory_space<vmem_shared>>
      %dma_wait3A_66 = arith.constant 0 : i32
      %dma_wait3A_67 = tpu.memref_slice %arg8[%add3A_58, %dma_wait3A_66] : memref<10240x128xf32, #tpu.memory_space<vmem_shared>> -> memref<128x128xf32, #tpu.memory_space<vmem_shared>>
      tpu.wait_dma2 semaphore(%run_scoped3A : memref<!tpu.dma_semaphore, #tpu.memory_space<semaphore_mem>>) src(%dma_wait3A_67 : memref<128x128xf32, #tpu.memory_space<vmem_shared>>) dst(%arg7 : memref<128x128xf32, #tpu.memory_space<vmem>>)
      tpu.yield
    }) : () -> ()
    %mul3A_59 = arith.constant 10240 : i32
    %mul3A_60 = arith.muli %arg0, %mul3A_59 : i32
    %add3A_61 = arith.addi %mul3A_60, %add3A_58 : i32
    "tpu.region"() ({
      %run_scoped3A = tpu.sem_alloc : memref<!tpu.dma_semaphore, #tpu.memory_space<semaphore_mem>>
      %dma_start3A = arith.constant 0 : i32
      %dma_start3A_62 = tpu.memref_slice %arg5[%add3A_61, %dma_start3A] : memref<20480x128xf32, #tpu.memory_space<hbm>> -> memref<128x128xf32, #tpu.memory_space<hbm>>
      %dma_start3A_63 = arith.constant 0 : i32
      %dma_start3A_64 = tpu.memref_slice %arg5[%add3A_61, %dma_start3A_63] : memref<20480x128xf32, #tpu.memory_space<hbm>> -> memref<128x128xf32, #tpu.memory_space<hbm>>
      tpu.enqueue_dma source(%arg7 : memref<128x128xf32, #tpu.memory_space<vmem>>) target(%dma_start3A_64 : memref<128x128xf32, #tpu.memory_space<hbm>>) target_semaphore(%run_scoped3A : memref<!tpu.dma_semaphore, #tpu.memory_space<semaphore_mem>>)
      %dma_wait3A = arith.constant 0 : i32
      %dma_wait3A_65 = tpu.memref_slice %arg5[%add3A_61, %dma_wait3A] : memref<20480x128xf32, #tpu.memory_space<hbm>> -> memref<128x128xf32, #tpu.memory_space<hbm>>
      %dma_wait3A_66 = arith.constant 0 : i32
      %dma_wait3A_67 = tpu.memref_slice %arg5[%add3A_61, %dma_wait3A_66] : memref<20480x128xf32, #tpu.memory_space<hbm>> -> memref<128x128xf32, #tpu.memory_space<hbm>>
      tpu.wait_dma2 semaphore(%run_scoped3A : memref<!tpu.dma_semaphore, #tpu.memory_space<semaphore_mem>>) src(%arg7 : memref<128x128xf32, #tpu.memory_space<vmem>>) dst(%dma_wait3A_67 : memref<128x128xf32, #tpu.memory_space<hbm>>)
      tpu.yield
    }) : () -> ()
    return
  }
}

module attributes {stable_mosaic.version = 14 : i64} {
  func.func @_emb_body(%arg0: i32, %arg1: memref<128x1xf32, #tpu.memory_space<vmem>>, %arg2: memref<128x128xf32, #tpu.memory_space<vmem>>, %arg3: memref<128x128xf32, #tpu.memory_space<vmem>>) attributes {dimension_semantics = [#tpu.dimension_semantics<arbitrary>], iteration_bounds = array<i64: 80>, scalar_prefetch = 0 : i64, scratch_operands = 0 : i64, tpu.core_type = #tpu.core_type<tc>, window_params = [{transform_indices = @transform_0, window_bounds = array<i64: 128, 1>}, {pipeline_mode = #tpu.pipeline_mode<synchronous>, transform_indices = @transform_1, window_bounds = array<i64: 128, 128>}, {transform_indices = @transform_2, window_bounds = array<i64: 128, 128>}]} {
    %get3A = arith.constant 0 : index
    %get3A_0 = arith.constant 0 : index
    %get3A_1 = vector.load %arg1[%get3A, %get3A_0] : memref<128x1xf32, #tpu.memory_space<vmem>>, vector<128x1xf32>
    %iota3A = tpu.iota {dimensions = array<i32: 1>} : vector<128x128xi32>
    %convert_element_type3A = arith.sitofp %iota3A : vector<128x128xi32> to vector<128x128xf32>
    %eq3A = vector.broadcast %get3A_1 : vector<128x1xf32> to vector<128x128xf32>
    %eq3A_2 = arith.cmpf oeq, %convert_element_type3A, %eq3A : vector<128x128xf32>
    %jit3A = arith.constant 1.000000e+00 : f32
    %jit3A_3 = arith.constant 0.000000e+00 : f32
    %broadcast_in_dim3A = vector.broadcast %jit3A : f32 to vector<128x128xf32>
    %broadcast_in_dim3A_4 = vector.broadcast %jit3A_3 : f32 to vector<128x128xf32>
    %select_n3A = arith.select %eq3A_2, %broadcast_in_dim3A, %broadcast_in_dim3A_4 : vector<128x128xi1>, vector<128x128xf32>
    %get3A_5 = arith.constant 0 : index
    %get3A_6 = arith.constant 0 : index
    %get3A_7 = vector.load %arg2[%get3A_5, %get3A_6] : memref<128x128xf32, #tpu.memory_space<vmem>>, vector<128x128xf32>
    %dot_general3A = arith.constant dense<0.000000e+00> : vector<128x128xf32>
    %dot_general3A_8 = tpu.matmul %select_n3A, %get3A_7, %dot_general3A {dimension_numbers = #tpu.dot_dimension_numbers<[1], [0], [0], [1], [0, 0, 1, 1], [], []>, transpose_lhs_hint = false} : vector<128x128xf32>, vector<128x128xf32>, vector<128x128xf32> -> vector<128x128xf32>
    %swap3A = arith.constant 0 : index
    %swap3A_9 = arith.constant 0 : index
    %swap3A_10 = vector.load %arg3[%swap3A, %swap3A_9] : memref<128x128xf32, #tpu.memory_space<vmem>>, vector<128x128xf32>
    tpu.vector_store %arg3[%swap3A, %swap3A_9], %dot_general3A_8 {strides = array<i32>} : memref<128x128xf32, #tpu.memory_space<vmem>>, vector<128x128xf32>,
    return
  }
  func.func @transform_0(%arg0: i32) -> (i32, i32) {
    %c0_i32 = arith.constant 0 : i32
    %c0_i32_0 = arith.constant 0 : i32
    return %arg0, %c0_i32 : i32, i32
  }
  func.func @transform_1(%arg0: i32) -> (i32, i32) {
    %c0_i32 = arith.constant 0 : i32
    %c0_i32_0 = arith.constant 0 : i32
    %c0_i32_1 = arith.constant 0 : i32
    return %c0_i32, %c0_i32_0 : i32, i32
  }
  func.func @transform_2(%arg0: i32) -> (i32, i32) {
    %c0_i32 = arith.constant 0 : i32
    %c0_i32_0 = arith.constant 0 : i32
    return %arg0, %c0_i32 : i32, i32
  }
}

module attributes {stable_mosaic.version = 14 : i64} {
  func.func @_edge_body_first(%arg0: i32, %arg1: memref<512x16xf32, #tpu.memory_space<vmem>>, %arg2: memref<512x16xf32, #tpu.memory_space<vmem>>, %arg3: memref<512x128xf32, #tpu.memory_space<vmem>>, %arg4: memref<512x128xf32, #tpu.memory_space<vmem>>, %arg5: memref<1x128xf32, #tpu.memory_space<vmem>>, %arg6: memref<128x256xf32, #tpu.memory_space<vmem>>, %arg7: memref<128x256xf32, #tpu.memory_space<vmem>>, %arg8: memref<128x256xf32, #tpu.memory_space<vmem>>, %arg9: memref<1x256xf32, #tpu.memory_space<vmem>>, %arg10: memref<256x128xf32, #tpu.memory_space<vmem>>, %arg11: memref<1x128xf32, #tpu.memory_space<vmem>>, %arg12: memref<128x128xf32, #tpu.memory_space<vmem>>, %arg13: memref<1x128xf32, #tpu.memory_space<vmem>>, %arg14: memref<128x128xf32, #tpu.memory_space<vmem>>, %arg15: memref<1x128xf32, #tpu.memory_space<vmem>>, %arg16: memref<128x128xf32, #tpu.memory_space<vmem>>, %arg17: memref<512x128xf32, #tpu.memory_space<vmem>>, %arg18: memref<512x128xf32, #tpu.memory_space<vmem>>) attributes {dimension_semantics = [#tpu.dimension_semantics<arbitrary>], iteration_bounds = array<i64: 632>, scalar_prefetch = 0 : i64, scratch_operands = 0 : i64, tpu.core_type = #tpu.core_type<tc>, window_params = [{transform_indices = @transform_0, window_bounds = array<i64: 512, 16>}, {transform_indices = @transform_1, window_bounds = array<i64: 512, 16>}, {transform_indices = @transform_2, window_bounds = array<i64: 512, 128>}, {transform_indices = @transform_3, window_bounds = array<i64: 512, 128>}, {pipeline_mode = #tpu.pipeline_mode<synchronous>, transform_indices = @transform_4, window_bounds = array<i64: 1, 128>}, {pipeline_mode = #tpu.pipeline_mode<synchronous>, transform_indices = @transform_5, window_bounds = array<i64: 128, 256>}, {pipeline_mode = #tpu.pipeline_mode<synchronous>, transform_indices = @transform_6, window_bounds = array<i64: 128, 256>}, {pipeline_mode = #tpu.pipeline_mode<synchronous>, transform_indices = @transform_7, window_bounds = array<i64: 128, 256>}, {pipeline_mode = #tpu.pipeline_mode<synchronous>, transform_indices = @transform_8, window_bounds = array<i64: 1, 256>}, {pipeline_mode = #tpu.pipeline_mode<synchronous>, transform_indices = @transform_9, window_bounds = array<i64: 256, 128>}, {pipeline_mode = #tpu.pipeline_mode<synchronous>, transform_indices = @transform_10, window_bounds = array<i64: 1, 128>}, {pipeline_mode = #tpu.pipeline_mode<synchronous>, transform_indices = @transform_11, window_bounds = array<i64: 128, 128>}, {pipeline_mode = #tpu.pipeline_mode<synchronous>, transform_indices = @transform_12, window_bounds = array<i64: 1, 128>}, {pipeline_mode = #tpu.pipeline_mode<synchronous>, transform_indices = @transform_13, window_bounds = array<i64: 128, 128>}, {pipeline_mode = #tpu.pipeline_mode<synchronous>, transform_indices = @transform_14, window_bounds = array<i64: 1, 128>}, {pipeline_mode = #tpu.pipeline_mode<synchronous>, transform_indices = @transform_15, window_bounds = array<i64: 128, 128>}, {transform_indices = @transform_16, window_bounds = array<i64: 512, 128>}, {transform_indices = @transform_17, window_bounds = array<i64: 512, 128>}]} {
    %get3A = arith.constant 0 : index
    %get3A_0 = arith.constant 0 : index
    %get3A_1 = vector.load %arg1[%get3A, %get3A_0] : memref<512x16xf32, #tpu.memory_space<vmem>>, vector<512x16xf32>
    %get3A_2 = arith.constant 0 : index
    %get3A_3 = arith.constant 0 : index
    %get3A_4 = vector.load %arg2[%get3A_2, %get3A_3] : memref<512x16xf32, #tpu.memory_space<vmem>>, vector<512x16xf32>
    %sub3A = arith.subf %get3A_1, %get3A_4 : vector<512x16xf32>
    %mul3A = arith.mulf %sub3A, %sub3A : vector<512x16xf32>
    %reduce_sum3A = arith.constant dense<0.000000e+00> : vector<512xf32>
    %reduce_sum3A_5 = vector.multi_reduction <add>, %mul3A, %reduce_sum3A [1] : vector<512x16xf32> to vector<512xf32>
    %broadcast_in_dim3A = vector.shape_cast %reduce_sum3A_5 : vector<512xf32> to vector<512x1xf32>
    %add3A = arith.constant 9.99999971E-10 : f32
    %add3A_6 = vector.broadcast %add3A : f32 to vector<512x1xf32>
    %add3A_7 = arith.addf %broadcast_in_dim3A, %add3A_6 : vector<512x1xf32>
    %sqrt3A = math.sqrt %add3A_7 : vector<512x1xf32>
    %get3A_8 = arith.constant 0 : index
    %get3A_9 = arith.constant 0 : index
    %get3A_10 = vector.load %arg5[%get3A_8, %get3A_9] : memref<1x128xf32, #tpu.memory_space<vmem>>, vector<1x128xf32>
    %sub3A_11 = vector.broadcast %sqrt3A : vector<512x1xf32> to vector<512x128xf32>
    %sub3A_12 = vector.broadcast %get3A_10 : vector<1x128xf32> to vector<512x128xf32>
    %sub3A_13 = arith.subf %sub3A_11, %sub3A_12 : vector<512x128xf32>
    %mul3A_14 = arith.constant -1.250000e+01 : f32
    %mul3A_15 = vector.broadcast %mul3A_14 : f32 to vector<512x128xf32>
    %mul3A_16 = arith.mulf %mul3A_15, %sub3A_13 : vector<512x128xf32>
    %mul3A_17 = arith.mulf %mul3A_16, %sub3A_13 : vector<512x128xf32>
    %exp3A = math.exp %mul3A_17 : vector<512x128xf32>
    %get3A_18 = arith.constant 0 : index
    %get3A_19 = arith.constant 0 : index
    %get3A_20 = vector.load %arg4[%get3A_18, %get3A_19] : memref<512x128xf32, #tpu.memory_space<vmem>>, vector<512x128xf32>
    %get3A_21 = arith.constant 0 : index
    %get3A_22 = arith.constant 0 : index
    %get3A_23 = vector.load %arg3[%get3A_21, %get3A_22] : memref<512x128xf32, #tpu.memory_space<vmem>>, vector<512x128xf32>
    %get3A_24 = arith.constant 0 : index
    %get3A_25 = arith.constant 0 : index
    %get3A_26 = vector.load %arg6[%get3A_24, %get3A_25] : memref<128x256xf32, #tpu.memory_space<vmem>>, vector<128x256xf32>
    %dot_general3A = arith.constant dense<0.000000e+00> : vector<512x256xf32>
    %dot_general3A_27 = tpu.matmul %get3A_23, %get3A_26, %dot_general3A {dimension_numbers = #tpu.dot_dimension_numbers<[1], [0], [0], [1], [0, 0, 1, 1], [], []>, transpose_lhs_hint = false} : vector<512x128xf32>, vector<128x256xf32>, vector<512x256xf32> -> vector<512x256xf32>
    %get3A_28 = arith.constant 0 : index
    %get3A_29 = arith.constant 0 : index
    %get3A_30 = vector.load %arg7[%get3A_28, %get3A_29] : memref<128x256xf32, #tpu.memory_space<vmem>>, vector<128x256xf32>
    %dot_general3A_31 = arith.constant dense<0.000000e+00> : vector<512x256xf32>
    %dot_general3A_32 = tpu.matmul %get3A_20, %get3A_30, %dot_general3A_31 {dimension_numbers = #tpu.dot_dimension_numbers<[1], [0], [0], [1], [0, 0, 1, 1], [], []>, transpose_lhs_hint = false} : vector<512x128xf32>, vector<128x256xf32>, vector<512x256xf32> -> vector<512x256xf32>
    %add3A_33 = arith.addf %dot_general3A_27, %dot_general3A_32 : vector<512x256xf32>
    %get3A_34 = arith.constant 0 : index
    %get3A_35 = arith.constant 0 : index
    %get3A_36 = vector.load %arg8[%get3A_34, %get3A_35] : memref<128x256xf32, #tpu.memory_space<vmem>>, vector<128x256xf32>
    %dot_general3A_37 = arith.constant dense<0.000000e+00> : vector<512x256xf32>
    %dot_general3A_38 = tpu.matmul %exp3A, %get3A_36, %dot_general3A_37 {dimension_numbers = #tpu.dot_dimension_numbers<[1], [0], [0], [1], [0, 0, 1, 1], [], []>, transpose_lhs_hint = false} : vector<512x128xf32>, vector<128x256xf32>, vector<512x256xf32> -> vector<512x256xf32>
    %add3A_39 = arith.addf %add3A_33, %dot_general3A_38 : vector<512x256xf32>
    %get3A_40 = arith.constant 0 : index
    %get3A_41 = arith.constant 0 : index
    %get3A_42 = vector.load %arg9[%get3A_40, %get3A_41] : memref<1x256xf32, #tpu.memory_space<vmem>>, vector<1x256xf32>
    %add3A_43 = vector.broadcast %get3A_42 : vector<1x256xf32> to vector<512x256xf32>
    %add3A_44 = arith.addf %add3A_39, %add3A_43 : vector<512x256xf32>
    %custom_jvp_call3A = arith.constant 0.000000e+00 : f32
    %max3A = vector.broadcast %custom_jvp_call3A : f32 to vector<512x256xf32>
    %max3A_45 = arith.maximumf %add3A_44, %max3A : vector<512x256xf32>
    %sub3A_46 = vector.broadcast %custom_jvp_call3A : f32 to vector<512x256xf32>
    %sub3A_47 = arith.subf %add3A_44, %sub3A_46 : vector<512x256xf32>
    %ne3A = arith.cmpf one, %sub3A_47, %sub3A_47 : vector<512x256xf32>
    %add3A_48 = vector.broadcast %custom_jvp_call3A : f32 to vector<512x256xf32>
    %add3A_49 = arith.addf %add3A_44, %add3A_48 : vector<512x256xf32>
    %abs3A = math.absf %sub3A_47 : vector<512x256xf32>
    %neg3A = arith.constant 0.000000e+00 : f32
    %neg3A_50 = vector.broadcast %neg3A : f32 to vector<512x256xf32>
    %neg3A_51 = arith.subf %neg3A_50, %abs3A : vector<512x256xf32>
    %exp3A_52 = math.exp %neg3A_51 : vector<512x256xf32>
    %log1p3A = math.log1p %exp3A_52 : vector<512x256xf32>
    %add3A_53 = arith.addf %max3A_45, %log1p3A : vector<512x256xf32>
    %select_n3A = arith.select %ne3A, %add3A_49, %add3A_53 : vector<512x256xi1>, vector<512x256xf32>
    %sub3A_54 = arith.constant 0.693147182 : f32
    %sub3A_55 = vector.broadcast %sub3A_54 : f32 to vector<512x256xf32>
    %sub3A_56 = arith.subf %select_n3A, %sub3A_55 : vector<512x256xf32>
    %get3A_57 = arith.constant 0 : index
    %get3A_58 = arith.constant 0 : index
    %get3A_59 = vector.load %arg10[%get3A_57, %get3A_58] : memref<256x128xf32, #tpu.memory_space<vmem>>, vector<256x128xf32>
    %dot_general3A_60 = arith.constant dense<0.000000e+00> : vector<512x128xf32>
    %dot_general3A_61 = tpu.matmul %sub3A_56, %get3A_59, %dot_general3A_60 {dimension_numbers = #tpu.dot_dimension_numbers<[1], [0], [0], [1], [0, 0, 1, 1], [], []>, transpose_lhs_hint = false} : vector<512x256xf32>, vector<256x128xf32>, vector<512x128xf32> -> vector<512x128xf32>
    %get3A_62 = arith.constant 0 : index
    %get3A_63 = arith.constant 0 : index
    %get3A_64 = vector.load %arg11[%get3A_62, %get3A_63] : memref<1x128xf32, #tpu.memory_space<vmem>>, vector<1x128xf32>
    %add3A_65 = vector.broadcast %get3A_64 : vector<1x128xf32> to vector<512x128xf32>
    %add3A_66 = arith.addf %dot_general3A_61, %add3A_65 : vector<512x128xf32>
    %swap3A = arith.constant 0 : index
    %swap3A_67 = arith.constant 0 : index
    %swap3A_68 = vector.load %arg17[%swap3A, %swap3A_67] : memref<512x128xf32, #tpu.memory_space<vmem>>, vector<512x128xf32>
    tpu.vector_store %arg17[%swap3A, %swap3A_67], %add3A_66 {strides = array<i32>} : memref<512x128xf32, #tpu.memory_space<vmem>>, vector<512x128xf32>,
    %get3A_69 = arith.constant 0 : index
    %get3A_70 = arith.constant 0 : index
    %get3A_71 = vector.load %arg12[%get3A_69, %get3A_70] : memref<128x128xf32, #tpu.memory_space<vmem>>, vector<128x128xf32>
    %dot_general3A_72 = arith.constant dense<0.000000e+00> : vector<512x128xf32>
    %dot_general3A_73 = tpu.matmul %add3A_66, %get3A_71, %dot_general3A_72 {dimension_numbers = #tpu.dot_dimension_numbers<[1], [0], [0], [1], [0, 0, 1, 1], [], []>, transpose_lhs_hint = false} : vector<512x128xf32>, vector<128x128xf32>, vector<512x128xf32> -> vector<512x128xf32>
    %get3A_74 = arith.constant 0 : index
    %get3A_75 = arith.constant 0 : index
    %get3A_76 = vector.load %arg13[%get3A_74, %get3A_75] : memref<1x128xf32, #tpu.memory_space<vmem>>, vector<1x128xf32>
    %add3A_77 = vector.broadcast %get3A_76 : vector<1x128xf32> to vector<512x128xf32>
    %add3A_78 = arith.addf %dot_general3A_73, %add3A_77 : vector<512x128xf32>
    %custom_jvp_call3A_79 = arith.constant 0.000000e+00 : f32
    %max3A_80 = vector.broadcast %custom_jvp_call3A_79 : f32 to vector<512x128xf32>
    %max3A_81 = arith.maximumf %add3A_78, %max3A_80 : vector<512x128xf32>
    %sub3A_82 = vector.broadcast %custom_jvp_call3A_79 : f32 to vector<512x128xf32>
    %sub3A_83 = arith.subf %add3A_78, %sub3A_82 : vector<512x128xf32>
    %ne3A_84 = arith.cmpf one, %sub3A_83, %sub3A_83 : vector<512x128xf32>
    %add3A_85 = vector.broadcast %custom_jvp_call3A_79 : f32 to vector<512x128xf32>
    %add3A_86 = arith.addf %add3A_78, %add3A_85 : vector<512x128xf32>
    %abs3A_87 = math.absf %sub3A_83 : vector<512x128xf32>
    %neg3A_88 = arith.constant 0.000000e+00 : f32
    %neg3A_89 = vector.broadcast %neg3A_88 : f32 to vector<512x128xf32>
    %neg3A_90 = arith.subf %neg3A_89, %abs3A_87 : vector<512x128xf32>
    %exp3A_91 = math.exp %neg3A_90 : vector<512x128xf32>
    %log1p3A_92 = math.log1p %exp3A_91 : vector<512x128xf32>
    %add3A_93 = arith.addf %max3A_81, %log1p3A_92 : vector<512x128xf32>
    %select_n3A_94 = arith.select %ne3A_84, %add3A_86, %add3A_93 : vector<512x128xi1>, vector<512x128xf32>
    %sub3A_95 = arith.constant 0.693147182 : f32
    %sub3A_96 = vector.broadcast %sub3A_95 : f32 to vector<512x128xf32>
    %sub3A_97 = arith.subf %select_n3A_94, %sub3A_96 : vector<512x128xf32>
    %get3A_98 = arith.constant 0 : index
    %get3A_99 = arith.constant 0 : index
    %get3A_100 = vector.load %arg14[%get3A_98, %get3A_99] : memref<128x128xf32, #tpu.memory_space<vmem>>, vector<128x128xf32>
    %dot_general3A_101 = arith.constant dense<0.000000e+00> : vector<512x128xf32>
    %dot_general3A_102 = tpu.matmul %sub3A_97, %get3A_100, %dot_general3A_101 {dimension_numbers = #tpu.dot_dimension_numbers<[1], [0], [0], [1], [0, 0, 1, 1], [], []>, transpose_lhs_hint = false} : vector<512x128xf32>, vector<128x128xf32>, vector<512x128xf32> -> vector<512x128xf32>
    %get3A_103 = arith.constant 0 : index
    %get3A_104 = arith.constant 0 : index
    %get3A_105 = vector.load %arg15[%get3A_103, %get3A_104] : memref<1x128xf32, #tpu.memory_space<vmem>>, vector<1x128xf32>
    %add3A_106 = vector.broadcast %get3A_105 : vector<1x128xf32> to vector<512x128xf32>
    %add3A_107 = arith.addf %dot_general3A_102, %add3A_106 : vector<512x128xf32>
    %custom_jvp_call3A_108 = arith.constant 0.000000e+00 : f32
    %max3A_109 = vector.broadcast %custom_jvp_call3A_108 : f32 to vector<512x128xf32>
    %max3A_110 = arith.maximumf %add3A_107, %max3A_109 : vector<512x128xf32>
    %sub3A_111 = vector.broadcast %custom_jvp_call3A_108 : f32 to vector<512x128xf32>
    %sub3A_112 = arith.subf %add3A_107, %sub3A_111 : vector<512x128xf32>
    %ne3A_113 = arith.cmpf one, %sub3A_112, %sub3A_112 : vector<512x128xf32>
    %add3A_114 = vector.broadcast %custom_jvp_call3A_108 : f32 to vector<512x128xf32>
    %add3A_115 = arith.addf %add3A_107, %add3A_114 : vector<512x128xf32>
    %abs3A_116 = math.absf %sub3A_112 : vector<512x128xf32>
    %neg3A_117 = arith.constant 0.000000e+00 : f32
    %neg3A_118 = vector.broadcast %neg3A_117 : f32 to vector<512x128xf32>
    %neg3A_119 = arith.subf %neg3A_118, %abs3A_116 : vector<512x128xf32>
    %exp3A_120 = math.exp %neg3A_119 : vector<512x128xf32>
    %log1p3A_121 = math.log1p %exp3A_120 : vector<512x128xf32>
    %add3A_122 = arith.addf %max3A_110, %log1p3A_121 : vector<512x128xf32>
    %select_n3A_123 = arith.select %ne3A_113, %add3A_115, %add3A_122 : vector<512x128xi1>, vector<512x128xf32>
    %sub3A_124 = arith.constant 0.693147182 : f32
    %sub3A_125 = vector.broadcast %sub3A_124 : f32 to vector<512x128xf32>
    %sub3A_126 = arith.subf %select_n3A_123, %sub3A_125 : vector<512x128xf32>
    %get3A_127 = arith.constant 0 : index
    %get3A_128 = arith.constant 0 : index
    %get3A_129 = vector.load %arg16[%get3A_127, %get3A_128] : memref<128x128xf32, #tpu.memory_space<vmem>>, vector<128x128xf32>
    %dot_general3A_130 = arith.constant dense<0.000000e+00> : vector<512x128xf32>
    %dot_general3A_131 = tpu.matmul %get3A_20, %get3A_129, %dot_general3A_130 {dimension_numbers = #tpu.dot_dimension_numbers<[1], [0], [0], [1], [0, 0, 1, 1], [], []>, transpose_lhs_hint = false} : vector<512x128xf32>, vector<128x128xf32>, vector<512x128xf32> -> vector<512x128xf32>
    %mul3A_132 = arith.mulf %dot_general3A_131, %sub3A_126 : vector<512x128xf32>
    %swap3A_133 = arith.constant 0 : index
    %swap3A_134 = arith.constant 0 : index
    %swap3A_135 = vector.load %arg18[%swap3A_133, %swap3A_134] : memref<512x128xf32, #tpu.memory_space<vmem>>, vector<512x128xf32>
    tpu.vector_store %arg18[%swap3A_133, %swap3A_134], %mul3A_132 {strides = array<i32>} : memref<512x128xf32, #tpu.memory_space<vmem>>, vector<512x128xf32>,
    return
  }
  func.func @transform_0(%arg0: i32) -> (i32, i32) {
    %c0_i32 = arith.constant 0 : i32
    %c0_i32_0 = arith.constant 0 : i32
    return %arg0, %c0_i32 : i32, i32
  }
  func.func @transform_1(%arg0: i32) -> (i32, i32) {
    %c0_i32 = arith.constant 0 : i32
    %c0_i32_0 = arith.constant 0 : i32
    return %arg0, %c0_i32 : i32, i32
  }
  func.func @transform_2(%arg0: i32) -> (i32, i32) {
    %c0_i32 = arith.constant 0 : i32
    %c0_i32_0 = arith.constant 0 : i32
    return %arg0, %c0_i32 : i32, i32
  }
  func.func @transform_3(%arg0: i32) -> (i32, i32) {
    %c0_i32 = arith.constant 0 : i32
    %c0_i32_0 = arith.constant 0 : i32
    return %arg0, %c0_i32 : i32, i32
  }
  func.func @transform_4(%arg0: i32) -> (i32, i32) {
    %c0_i32 = arith.constant 0 : i32
    %c0_i32_0 = arith.constant 0 : i32
    %c0_i32_1 = arith.constant 0 : i32
    return %c0_i32, %c0_i32_0 : i32, i32
  }
  func.func @transform_5(%arg0: i32) -> (i32, i32) {
    %c0_i32 = arith.constant 0 : i32
    %c0_i32_0 = arith.constant 0 : i32
    %c0_i32_1 = arith.constant 0 : i32
    return %c0_i32, %c0_i32_0 : i32, i32
  }
  func.func @transform_6(%arg0: i32) -> (i32, i32) {
    %c0_i32 = arith.constant 0 : i32
    %c0_i32_0 = arith.constant 0 : i32
    %c0_i32_1 = arith.constant 0 : i32
    return %c0_i32, %c0_i32_0 : i32, i32
  }
  func.func @transform_7(%arg0: i32) -> (i32, i32) {
    %c0_i32 = arith.constant 0 : i32
    %c0_i32_0 = arith.constant 0 : i32
    %c0_i32_1 = arith.constant 0 : i32
    return %c0_i32, %c0_i32_0 : i32, i32
  }
  func.func @transform_8(%arg0: i32) -> (i32, i32) {
    %c0_i32 = arith.constant 0 : i32
    %c0_i32_0 = arith.constant 0 : i32
    %c0_i32_1 = arith.constant 0 : i32
    return %c0_i32, %c0_i32_0 : i32, i32
  }
  func.func @transform_9(%arg0: i32) -> (i32, i32) {
    %c0_i32 = arith.constant 0 : i32
    %c0_i32_0 = arith.constant 0 : i32
    %c0_i32_1 = arith.constant 0 : i32
    return %c0_i32, %c0_i32_0 : i32, i32
  }
  func.func @transform_10(%arg0: i32) -> (i32, i32) {
    %c0_i32 = arith.constant 0 : i32
    %c0_i32_0 = arith.constant 0 : i32
    %c0_i32_1 = arith.constant 0 : i32
    return %c0_i32, %c0_i32_0 : i32, i32
  }
  func.func @transform_11(%arg0: i32) -> (i32, i32) {
    %c0_i32 = arith.constant 0 : i32
    %c0_i32_0 = arith.constant 0 : i32
    %c0_i32_1 = arith.constant 0 : i32
    return %c0_i32, %c0_i32_0 : i32, i32
  }
  func.func @transform_12(%arg0: i32) -> (i32, i32) {
    %c0_i32 = arith.constant 0 : i32
    %c0_i32_0 = arith.constant 0 : i32
    %c0_i32_1 = arith.constant 0 : i32
    return %c0_i32, %c0_i32_0 : i32, i32
  }
  func.func @transform_13(%arg0: i32) -> (i32, i32) {
    %c0_i32 = arith.constant 0 : i32
    %c0_i32_0 = arith.constant 0 : i32
    %c0_i32_1 = arith.constant 0 : i32
    return %c0_i32, %c0_i32_0 : i32, i32
  }
  func.func @transform_14(%arg0: i32) -> (i32, i32) {
    %c0_i32 = arith.constant 0 : i32
    %c0_i32_0 = arith.constant 0 : i32
    %c0_i32_1 = arith.constant 0 : i32
    return %c0_i32, %c0_i32_0 : i32, i32
  }
  func.func @transform_15(%arg0: i32) -> (i32, i32) {
    %c0_i32 = arith.constant 0 : i32
    %c0_i32_0 = arith.constant 0 : i32
    %c0_i32_1 = arith.constant 0 : i32
    return %c0_i32, %c0_i32_0 : i32, i32
  }
  func.func @transform_16(%arg0: i32) -> (i32, i32) {
    %c0_i32 = arith.constant 0 : i32
    %c0_i32_0 = arith.constant 0 : i32
    return %arg0, %c0_i32 : i32, i32
  }
  func.func @transform_17(%arg0: i32) -> (i32, i32) {
    %c0_i32 = arith.constant 0 : i32
    %c0_i32_0 = arith.constant 0 : i32
    return %arg0, %c0_i32 : i32, i32
  }
}

module attributes {stable_mosaic.version = 14 : i64} {
  func.func @_node_body(%arg0: i32, %arg1: memref<128x128xf32, #tpu.memory_space<vmem>>, %arg2: memref<128x128xf32, #tpu.memory_space<vmem>>, %arg3: memref<128x128xf32, #tpu.memory_space<vmem>>, %arg4: memref<128x128xf32, #tpu.memory_space<vmem>>, %arg5: memref<128x128xf32, #tpu.memory_space<vmem>>, %arg6: memref<128x128xf32, #tpu.memory_space<vmem>>) attributes {dimension_semantics = [#tpu.dimension_semantics<arbitrary>], iteration_bounds = array<i64: 80>, scalar_prefetch = 0 : i64, scratch_operands = 0 : i64, tpu.core_type = #tpu.core_type<tc>, window_params = [{transform_indices = @transform_0, window_bounds = array<i64: 128, 128>}, {transform_indices = @transform_1, window_bounds = array<i64: 128, 128>}, {transform_indices = @transform_2, window_bounds = array<i64: 128, 128>}, {pipeline_mode = #tpu.pipeline_mode<synchronous>, transform_indices = @transform_3, window_bounds = array<i64: 128, 128>}, {pipeline_mode = #tpu.pipeline_mode<synchronous>, transform_indices = @transform_4, window_bounds = array<i64: 128, 128>}, {transform_indices = @transform_5, window_bounds = array<i64: 128, 128>}]} {
    %get3A = arith.constant 0 : index
    %get3A_0 = arith.constant 0 : index
    %get3A_1 = vector.load %arg2[%get3A, %get3A_0] : memref<128x128xf32, #tpu.memory_space<vmem>>, vector<128x128xf32>
    %get3A_2 = arith.constant 0 : index
    %get3A_3 = arith.constant 0 : index
    %get3A_4 = vector.load %arg3[%get3A_2, %get3A_3] : memref<128x128xf32, #tpu.memory_space<vmem>>, vector<128x128xf32>
    %add3A = arith.addf %get3A_1, %get3A_4 : vector<128x128xf32>
    %get3A_5 = arith.constant 0 : index
    %get3A_6 = arith.constant 0 : index
    %get3A_7 = vector.load %arg1[%get3A_5, %get3A_6] : memref<128x128xf32, #tpu.memory_space<vmem>>, vector<128x128xf32>
    %get3A_8 = arith.constant 0 : index
    %get3A_9 = arith.constant 0 : index
    %get3A_10 = vector.load %arg4[%get3A_8, %get3A_9] : memref<128x128xf32, #tpu.memory_space<vmem>>, vector<128x128xf32>
    %dot_general3A = arith.constant dense<0.000000e+00> : vector<128x128xf32>
    %dot_general3A_11 = tpu.matmul %add3A, %get3A_10, %dot_general3A {dimension_numbers = #tpu.dot_dimension_numbers<[1], [0], [0], [1], [0, 0, 1, 1], [], []>, transpose_lhs_hint = false} : vector<128x128xf32>, vector<128x128xf32>, vector<128x128xf32> -> vector<128x128xf32>
    %custom_jvp_call3A = arith.constant 0.000000e+00 : f32
    %max3A = vector.broadcast %custom_jvp_call3A : f32 to vector<128x128xf32>
    %max3A_12 = arith.maximumf %dot_general3A_11, %max3A : vector<128x128xf32>
    %sub3A = vector.broadcast %custom_jvp_call3A : f32 to vector<128x128xf32>
    %sub3A_13 = arith.subf %dot_general3A_11, %sub3A : vector<128x128xf32>
    %ne3A = arith.cmpf one, %sub3A_13, %sub3A_13 : vector<128x128xf32>
    %add3A_14 = vector.broadcast %custom_jvp_call3A : f32 to vector<128x128xf32>
    %add3A_15 = arith.addf %dot_general3A_11, %add3A_14 : vector<128x128xf32>
    %abs3A = math.absf %sub3A_13 : vector<128x128xf32>
    %neg3A = arith.constant 0.000000e+00 : f32
    %neg3A_16 = vector.broadcast %neg3A : f32 to vector<128x128xf32>
    %neg3A_17 = arith.subf %neg3A_16, %abs3A : vector<128x128xf32>
    %exp3A = math.exp %neg3A_17 : vector<128x128xf32>
    %log1p3A = math.log1p %exp3A : vector<128x128xf32>
    %add3A_18 = arith.addf %max3A_12, %log1p3A : vector<128x128xf32>
    %select_n3A = arith.select %ne3A, %add3A_15, %add3A_18 : vector<128x128xi1>, vector<128x128xf32>
    %sub3A_19 = arith.constant 0.693147182 : f32
    %sub3A_20 = vector.broadcast %sub3A_19 : f32 to vector<128x128xf32>
    %sub3A_21 = arith.subf %select_n3A, %sub3A_20 : vector<128x128xf32>
    %get3A_22 = arith.constant 0 : index
    %get3A_23 = arith.constant 0 : index
    %get3A_24 = vector.load %arg5[%get3A_22, %get3A_23] : memref<128x128xf32, #tpu.memory_space<vmem>>, vector<128x128xf32>
    %dot_general3A_25 = arith.constant dense<0.000000e+00> : vector<128x128xf32>
    %dot_general3A_26 = tpu.matmul %sub3A_21, %get3A_24, %dot_general3A_25 {dimension_numbers = #tpu.dot_dimension_numbers<[1], [0], [0], [1], [0, 0, 1, 1], [], []>, transpose_lhs_hint = false} : vector<128x128xf32>, vector<128x128xf32>, vector<128x128xf32> -> vector<128x128xf32>
    %add3A_27 = arith.addf %get3A_7, %dot_general3A_26 : vector<128x128xf32>
    %swap3A = arith.constant 0 : index
    %swap3A_28 = arith.constant 0 : index
    %swap3A_29 = vector.load %arg6[%swap3A, %swap3A_28] : memref<128x128xf32, #tpu.memory_space<vmem>>, vector<128x128xf32>
    tpu.vector_store %arg6[%swap3A, %swap3A_28], %add3A_27 {strides = array<i32>} : memref<128x128xf32, #tpu.memory_space<vmem>>, vector<128x128xf32>,
    return
  }
  func.func @transform_0(%arg0: i32) -> (i32, i32) {
    %c0_i32 = arith.constant 0 : i32
    %c0_i32_0 = arith.constant 0 : i32
    return %arg0, %c0_i32 : i32, i32
  }
  func.func @transform_1(%arg0: i32) -> (i32, i32) {
    %c0_i32 = arith.constant 0 : i32
    %c0_i32_0 = arith.constant 0 : i32
    return %arg0, %c0_i32 : i32, i32
  }
  func.func @transform_2(%arg0: i32) -> (i32, i32) {
    %c0_i32 = arith.constant 0 : i32
    %c0_i32_0 = arith.constant 0 : i32
    return %arg0, %c0_i32 : i32, i32
  }
  func.func @transform_3(%arg0: i32) -> (i32, i32) {
    %c0_i32 = arith.constant 0 : i32
    %c0_i32_0 = arith.constant 0 : i32
    %c0_i32_1 = arith.constant 0 : i32
    return %c0_i32, %c0_i32_0 : i32, i32
  }
  func.func @transform_4(%arg0: i32) -> (i32, i32) {
    %c0_i32 = arith.constant 0 : i32
    %c0_i32_0 = arith.constant 0 : i32
    %c0_i32_1 = arith.constant 0 : i32
    return %c0_i32, %c0_i32_0 : i32, i32
  }
  func.func @transform_5(%arg0: i32) -> (i32, i32) {
    %c0_i32 = arith.constant 0 : i32
    %c0_i32_0 = arith.constant 0 : i32
    return %arg0, %c0_i32 : i32, i32
  }
}

module attributes {stable_mosaic.version = 14 : i64} {
  func.func @_edge_body_rest(%arg0: i32, %arg1: memref<512x128xf32, #tpu.memory_space<vmem>>, %arg2: memref<512x128xf32, #tpu.memory_space<vmem>>, %arg3: memref<512x128xf32, #tpu.memory_space<vmem>>, %arg4: memref<128x256xf32, #tpu.memory_space<vmem>>, %arg5: memref<128x256xf32, #tpu.memory_space<vmem>>, %arg6: memref<128x256xf32, #tpu.memory_space<vmem>>, %arg7: memref<1x256xf32, #tpu.memory_space<vmem>>, %arg8: memref<256x128xf32, #tpu.memory_space<vmem>>, %arg9: memref<1x128xf32, #tpu.memory_space<vmem>>, %arg10: memref<128x128xf32, #tpu.memory_space<vmem>>, %arg11: memref<1x128xf32, #tpu.memory_space<vmem>>, %arg12: memref<128x128xf32, #tpu.memory_space<vmem>>, %arg13: memref<1x128xf32, #tpu.memory_space<vmem>>, %arg14: memref<128x128xf32, #tpu.memory_space<vmem>>, %arg15: memref<512x128xf32, #tpu.memory_space<vmem>>, %arg16: memref<512x128xf32, #tpu.memory_space<vmem>>) attributes {dimension_semantics = [#tpu.dimension_semantics<arbitrary>], iteration_bounds = array<i64: 632>, scalar_prefetch = 0 : i64, scratch_operands = 0 : i64, tpu.core_type = #tpu.core_type<tc>, window_params = [{transform_indices = @transform_0, window_bounds = array<i64: 512, 128>}, {transform_indices = @transform_1, window_bounds = array<i64: 512, 128>}, {transform_indices = @transform_2, window_bounds = array<i64: 512, 128>}, {pipeline_mode = #tpu.pipeline_mode<synchronous>, transform_indices = @transform_3, window_bounds = array<i64: 128, 256>}, {pipeline_mode = #tpu.pipeline_mode<synchronous>, transform_indices = @transform_4, window_bounds = array<i64: 128, 256>}, {pipeline_mode = #tpu.pipeline_mode<synchronous>, transform_indices = @transform_5, window_bounds = array<i64: 128, 256>}, {pipeline_mode = #tpu.pipeline_mode<synchronous>, transform_indices = @transform_6, window_bounds = array<i64: 1, 256>}, {pipeline_mode = #tpu.pipeline_mode<synchronous>, transform_indices = @transform_7, window_bounds = array<i64: 256, 128>}, {pipeline_mode = #tpu.pipeline_mode<synchronous>, transform_indices = @transform_8, window_bounds = array<i64: 1, 128>}, {pipeline_mode = #tpu.pipeline_mode<synchronous>, transform_indices = @transform_9, window_bounds = array<i64: 128, 128>}, {pipeline_mode = #tpu.pipeline_mode<synchronous>, transform_indices = @transform_10, window_bounds = array<i64: 1, 128>}, {pipeline_mode = #tpu.pipeline_mode<synchronous>, transform_indices = @transform_11, window_bounds = array<i64: 128, 128>}, {pipeline_mode = #tpu.pipeline_mode<synchronous>, transform_indices = @transform_12, window_bounds = array<i64: 1, 128>}, {pipeline_mode = #tpu.pipeline_mode<synchronous>, transform_indices = @transform_13, window_bounds = array<i64: 128, 128>}, {transform_indices = @transform_14, window_bounds = array<i64: 512, 128>}, {transform_indices = @transform_15, window_bounds = array<i64: 512, 128>}]} {
    %get3A = arith.constant 0 : index
    %get3A_0 = arith.constant 0 : index
    %get3A_1 = vector.load %arg1[%get3A, %get3A_0] : memref<512x128xf32, #tpu.memory_space<vmem>>, vector<512x128xf32>
    %get3A_2 = arith.constant 0 : index
    %get3A_3 = arith.constant 0 : index
    %get3A_4 = vector.load %arg3[%get3A_2, %get3A_3] : memref<512x128xf32, #tpu.memory_space<vmem>>, vector<512x128xf32>
    %get3A_5 = arith.constant 0 : index
    %get3A_6 = arith.constant 0 : index
    %get3A_7 = vector.load %arg2[%get3A_5, %get3A_6] : memref<512x128xf32, #tpu.memory_space<vmem>>, vector<512x128xf32>
    %get3A_8 = arith.constant 0 : index
    %get3A_9 = arith.constant 0 : index
    %get3A_10 = vector.load %arg4[%get3A_8, %get3A_9] : memref<128x256xf32, #tpu.memory_space<vmem>>, vector<128x256xf32>
    %dot_general3A = arith.constant dense<0.000000e+00> : vector<512x256xf32>
    %dot_general3A_11 = tpu.matmul %get3A_7, %get3A_10, %dot_general3A {dimension_numbers = #tpu.dot_dimension_numbers<[1], [0], [0], [1], [0, 0, 1, 1], [], []>, transpose_lhs_hint = false} : vector<512x128xf32>, vector<128x256xf32>, vector<512x256xf32> -> vector<512x256xf32>
    %get3A_12 = arith.constant 0 : index
    %get3A_13 = arith.constant 0 : index
    %get3A_14 = vector.load %arg5[%get3A_12, %get3A_13] : memref<128x256xf32, #tpu.memory_space<vmem>>, vector<128x256xf32>
    %dot_general3A_15 = arith.constant dense<0.000000e+00> : vector<512x256xf32>
    %dot_general3A_16 = tpu.matmul %get3A_4, %get3A_14, %dot_general3A_15 {dimension_numbers = #tpu.dot_dimension_numbers<[1], [0], [0], [1], [0, 0, 1, 1], [], []>, transpose_lhs_hint = false} : vector<512x128xf32>, vector<128x256xf32>, vector<512x256xf32> -> vector<512x256xf32>
    %add3A = arith.addf %dot_general3A_11, %dot_general3A_16 : vector<512x256xf32>
    %get3A_17 = arith.constant 0 : index
    %get3A_18 = arith.constant 0 : index
    %get3A_19 = vector.load %arg6[%get3A_17, %get3A_18] : memref<128x256xf32, #tpu.memory_space<vmem>>, vector<128x256xf32>
    %dot_general3A_20 = arith.constant dense<0.000000e+00> : vector<512x256xf32>
    %dot_general3A_21 = tpu.matmul %get3A_1, %get3A_19, %dot_general3A_20 {dimension_numbers = #tpu.dot_dimension_numbers<[1], [0], [0], [1], [0, 0, 1, 1], [], []>, transpose_lhs_hint = false} : vector<512x128xf32>, vector<128x256xf32>, vector<512x256xf32> -> vector<512x256xf32>
    %add3A_22 = arith.addf %add3A, %dot_general3A_21 : vector<512x256xf32>
    %get3A_23 = arith.constant 0 : index
    %get3A_24 = arith.constant 0 : index
    %get3A_25 = vector.load %arg7[%get3A_23, %get3A_24] : memref<1x256xf32, #tpu.memory_space<vmem>>, vector<1x256xf32>
    %add3A_26 = vector.broadcast %get3A_25 : vector<1x256xf32> to vector<512x256xf32>
    %add3A_27 = arith.addf %add3A_22, %add3A_26 : vector<512x256xf32>
    %custom_jvp_call3A = arith.constant 0.000000e+00 : f32
    %max3A = vector.broadcast %custom_jvp_call3A : f32 to vector<512x256xf32>
    %max3A_28 = arith.maximumf %add3A_27, %max3A : vector<512x256xf32>
    %sub3A = vector.broadcast %custom_jvp_call3A : f32 to vector<512x256xf32>
    %sub3A_29 = arith.subf %add3A_27, %sub3A : vector<512x256xf32>
    %ne3A = arith.cmpf one, %sub3A_29, %sub3A_29 : vector<512x256xf32>
    %add3A_30 = vector.broadcast %custom_jvp_call3A : f32 to vector<512x256xf32>
    %add3A_31 = arith.addf %add3A_27, %add3A_30 : vector<512x256xf32>
    %abs3A = math.absf %sub3A_29 : vector<512x256xf32>
    %neg3A = arith.constant 0.000000e+00 : f32
    %neg3A_32 = vector.broadcast %neg3A : f32 to vector<512x256xf32>
    %neg3A_33 = arith.subf %neg3A_32, %abs3A : vector<512x256xf32>
    %exp3A = math.exp %neg3A_33 : vector<512x256xf32>
    %log1p3A = math.log1p %exp3A : vector<512x256xf32>
    %add3A_34 = arith.addf %max3A_28, %log1p3A : vector<512x256xf32>
    %select_n3A = arith.select %ne3A, %add3A_31, %add3A_34 : vector<512x256xi1>, vector<512x256xf32>
    %sub3A_35 = arith.constant 0.693147182 : f32
    %sub3A_36 = vector.broadcast %sub3A_35 : f32 to vector<512x256xf32>
    %sub3A_37 = arith.subf %select_n3A, %sub3A_36 : vector<512x256xf32>
    %get3A_38 = arith.constant 0 : index
    %get3A_39 = arith.constant 0 : index
    %get3A_40 = vector.load %arg8[%get3A_38, %get3A_39] : memref<256x128xf32, #tpu.memory_space<vmem>>, vector<256x128xf32>
    %dot_general3A_41 = arith.constant dense<0.000000e+00> : vector<512x128xf32>
    %dot_general3A_42 = tpu.matmul %sub3A_37, %get3A_40, %dot_general3A_41 {dimension_numbers = #tpu.dot_dimension_numbers<[1], [0], [0], [1], [0, 0, 1, 1], [], []>, transpose_lhs_hint = false} : vector<512x256xf32>, vector<256x128xf32>, vector<512x128xf32> -> vector<512x128xf32>
    %get3A_43 = arith.constant 0 : index
    %get3A_44 = arith.constant 0 : index
    %get3A_45 = vector.load %arg9[%get3A_43, %get3A_44] : memref<1x128xf32, #tpu.memory_space<vmem>>, vector<1x128xf32>
    %add3A_46 = vector.broadcast %get3A_45 : vector<1x128xf32> to vector<512x128xf32>
    %add3A_47 = arith.addf %dot_general3A_42, %add3A_46 : vector<512x128xf32>
    %swap3A = arith.constant 0 : index
    %swap3A_48 = arith.constant 0 : index
    %swap3A_49 = vector.load %arg15[%swap3A, %swap3A_48] : memref<512x128xf32, #tpu.memory_space<vmem>>, vector<512x128xf32>
    tpu.vector_store %arg15[%swap3A, %swap3A_48], %add3A_47 {strides = array<i32>} : memref<512x128xf32, #tpu.memory_space<vmem>>, vector<512x128xf32>,
    %get3A_50 = arith.constant 0 : index
    %get3A_51 = arith.constant 0 : index
    %get3A_52 = vector.load %arg10[%get3A_50, %get3A_51] : memref<128x128xf32, #tpu.memory_space<vmem>>, vector<128x128xf32>
    %dot_general3A_53 = arith.constant dense<0.000000e+00> : vector<512x128xf32>
    %dot_general3A_54 = tpu.matmul %add3A_47, %get3A_52, %dot_general3A_53 {dimension_numbers = #tpu.dot_dimension_numbers<[1], [0], [0], [1], [0, 0, 1, 1], [], []>, transpose_lhs_hint = false} : vector<512x128xf32>, vector<128x128xf32>, vector<512x128xf32> -> vector<512x128xf32>
    %get3A_55 = arith.constant 0 : index
    %get3A_56 = arith.constant 0 : index
    %get3A_57 = vector.load %arg11[%get3A_55, %get3A_56] : memref<1x128xf32, #tpu.memory_space<vmem>>, vector<1x128xf32>
    %add3A_58 = vector.broadcast %get3A_57 : vector<1x128xf32> to vector<512x128xf32>
    %add3A_59 = arith.addf %dot_general3A_54, %add3A_58 : vector<512x128xf32>
    %custom_jvp_call3A_60 = arith.constant 0.000000e+00 : f32
    %max3A_61 = vector.broadcast %custom_jvp_call3A_60 : f32 to vector<512x128xf32>
    %max3A_62 = arith.maximumf %add3A_59, %max3A_61 : vector<512x128xf32>
    %sub3A_63 = vector.broadcast %custom_jvp_call3A_60 : f32 to vector<512x128xf32>
    %sub3A_64 = arith.subf %add3A_59, %sub3A_63 : vector<512x128xf32>
    %ne3A_65 = arith.cmpf one, %sub3A_64, %sub3A_64 : vector<512x128xf32>
    %add3A_66 = vector.broadcast %custom_jvp_call3A_60 : f32 to vector<512x128xf32>
    %add3A_67 = arith.addf %add3A_59, %add3A_66 : vector<512x128xf32>
    %abs3A_68 = math.absf %sub3A_64 : vector<512x128xf32>
    %neg3A_69 = arith.constant 0.000000e+00 : f32
    %neg3A_70 = vector.broadcast %neg3A_69 : f32 to vector<512x128xf32>
    %neg3A_71 = arith.subf %neg3A_70, %abs3A_68 : vector<512x128xf32>
    %exp3A_72 = math.exp %neg3A_71 : vector<512x128xf32>
    %log1p3A_73 = math.log1p %exp3A_72 : vector<512x128xf32>
    %add3A_74 = arith.addf %max3A_62, %log1p3A_73 : vector<512x128xf32>
    %select_n3A_75 = arith.select %ne3A_65, %add3A_67, %add3A_74 : vector<512x128xi1>, vector<512x128xf32>
    %sub3A_76 = arith.constant 0.693147182 : f32
    %sub3A_77 = vector.broadcast %sub3A_76 : f32 to vector<512x128xf32>
    %sub3A_78 = arith.subf %select_n3A_75, %sub3A_77 : vector<512x128xf32>
    %get3A_79 = arith.constant 0 : index
    %get3A_80 = arith.constant 0 : index
    %get3A_81 = vector.load %arg12[%get3A_79, %get3A_80] : memref<128x128xf32, #tpu.memory_space<vmem>>, vector<128x128xf32>
    %dot_general3A_82 = arith.constant dense<0.000000e+00> : vector<512x128xf32>
    %dot_general3A_83 = tpu.matmul %sub3A_78, %get3A_81, %dot_general3A_82 {dimension_numbers = #tpu.dot_dimension_numbers<[1], [0], [0], [1], [0, 0, 1, 1], [], []>, transpose_lhs_hint = false} : vector<512x128xf32>, vector<128x128xf32>, vector<512x128xf32> -> vector<512x128xf32>
    %get3A_84 = arith.constant 0 : index
    %get3A_85 = arith.constant 0 : index
    %get3A_86 = vector.load %arg13[%get3A_84, %get3A_85] : memref<1x128xf32, #tpu.memory_space<vmem>>, vector<1x128xf32>
    %add3A_87 = vector.broadcast %get3A_86 : vector<1x128xf32> to vector<512x128xf32>
    %add3A_88 = arith.addf %dot_general3A_83, %add3A_87 : vector<512x128xf32>
    %custom_jvp_call3A_89 = arith.constant 0.000000e+00 : f32
    %max3A_90 = vector.broadcast %custom_jvp_call3A_89 : f32 to vector<512x128xf32>
    %max3A_91 = arith.maximumf %add3A_88, %max3A_90 : vector<512x128xf32>
    %sub3A_92 = vector.broadcast %custom_jvp_call3A_89 : f32 to vector<512x128xf32>
    %sub3A_93 = arith.subf %add3A_88, %sub3A_92 : vector<512x128xf32>
    %ne3A_94 = arith.cmpf one, %sub3A_93, %sub3A_93 : vector<512x128xf32>
    %add3A_95 = vector.broadcast %custom_jvp_call3A_89 : f32 to vector<512x128xf32>
    %add3A_96 = arith.addf %add3A_88, %add3A_95 : vector<512x128xf32>
    %abs3A_97 = math.absf %sub3A_93 : vector<512x128xf32>
    %neg3A_98 = arith.constant 0.000000e+00 : f32
    %neg3A_99 = vector.broadcast %neg3A_98 : f32 to vector<512x128xf32>
    %neg3A_100 = arith.subf %neg3A_99, %abs3A_97 : vector<512x128xf32>
    %exp3A_101 = math.exp %neg3A_100 : vector<512x128xf32>
    %log1p3A_102 = math.log1p %exp3A_101 : vector<512x128xf32>
    %add3A_103 = arith.addf %max3A_91, %log1p3A_102 : vector<512x128xf32>
    %select_n3A_104 = arith.select %ne3A_94, %add3A_96, %add3A_103 : vector<512x128xi1>, vector<512x128xf32>
    %sub3A_105 = arith.constant 0.693147182 : f32
    %sub3A_106 = vector.broadcast %sub3A_105 : f32 to vector<512x128xf32>
    %sub3A_107 = arith.subf %select_n3A_104, %sub3A_106 : vector<512x128xf32>
    %get3A_108 = arith.constant 0 : index
    %get3A_109 = arith.constant 0 : index
    %get3A_110 = vector.load %arg14[%get3A_108, %get3A_109] : memref<128x128xf32, #tpu.memory_space<vmem>>, vector<128x128xf32>
    %dot_general3A_111 = arith.constant dense<0.000000e+00> : vector<512x128xf32>
    %dot_general3A_112 = tpu.matmul %get3A_4, %get3A_110, %dot_general3A_111 {dimension_numbers = #tpu.dot_dimension_numbers<[1], [0], [0], [1], [0, 0, 1, 1], [], []>, transpose_lhs_hint = false} : vector<512x128xf32>, vector<128x128xf32>, vector<512x128xf32> -> vector<512x128xf32>
    %mul3A = arith.mulf %dot_general3A_112, %sub3A_107 : vector<512x128xf32>
    %swap3A_113 = arith.constant 0 : index
    %swap3A_114 = arith.constant 0 : index
    %swap3A_115 = vector.load %arg16[%swap3A_113, %swap3A_114] : memref<512x128xf32, #tpu.memory_space<vmem>>, vector<512x128xf32>
    tpu.vector_store %arg16[%swap3A_113, %swap3A_114], %mul3A {strides = array<i32>} : memref<512x128xf32, #tpu.memory_space<vmem>>, vector<512x128xf32>,
    return
  }
  func.func @transform_0(%arg0: i32) -> (i32, i32) {
    %c0_i32 = arith.constant 0 : i32
    %c0_i32_0 = arith.constant 0 : i32
    return %arg0, %c0_i32 : i32, i32
  }
  func.func @transform_1(%arg0: i32) -> (i32, i32) {
    %c0_i32 = arith.constant 0 : i32
    %c0_i32_0 = arith.constant 0 : i32
    return %arg0, %c0_i32 : i32, i32
  }
  func.func @transform_2(%arg0: i32) -> (i32, i32) {
    %c0_i32 = arith.constant 0 : i32
    %c0_i32_0 = arith.constant 0 : i32
    return %arg0, %c0_i32 : i32, i32
  }
  func.func @transform_3(%arg0: i32) -> (i32, i32) {
    %c0_i32 = arith.constant 0 : i32
    %c0_i32_0 = arith.constant 0 : i32
    %c0_i32_1 = arith.constant 0 : i32
    return %c0_i32, %c0_i32_0 : i32, i32
  }
  func.func @transform_4(%arg0: i32) -> (i32, i32) {
    %c0_i32 = arith.constant 0 : i32
    %c0_i32_0 = arith.constant 0 : i32
    %c0_i32_1 = arith.constant 0 : i32
    return %c0_i32, %c0_i32_0 : i32, i32
  }
  func.func @transform_5(%arg0: i32) -> (i32, i32) {
    %c0_i32 = arith.constant 0 : i32
    %c0_i32_0 = arith.constant 0 : i32
    %c0_i32_1 = arith.constant 0 : i32
    return %c0_i32, %c0_i32_0 : i32, i32
  }
  func.func @transform_6(%arg0: i32) -> (i32, i32) {
    %c0_i32 = arith.constant 0 : i32
    %c0_i32_0 = arith.constant 0 : i32
    %c0_i32_1 = arith.constant 0 : i32
    return %c0_i32, %c0_i32_0 : i32, i32
  }
  func.func @transform_7(%arg0: i32) -> (i32, i32) {
    %c0_i32 = arith.constant 0 : i32
    %c0_i32_0 = arith.constant 0 : i32
    %c0_i32_1 = arith.constant 0 : i32
    return %c0_i32, %c0_i32_0 : i32, i32
  }
  func.func @transform_8(%arg0: i32) -> (i32, i32) {
    %c0_i32 = arith.constant 0 : i32
    %c0_i32_0 = arith.constant 0 : i32
    %c0_i32_1 = arith.constant 0 : i32
    return %c0_i32, %c0_i32_0 : i32, i32
  }
  func.func @transform_9(%arg0: i32) -> (i32, i32) {
    %c0_i32 = arith.constant 0 : i32
    %c0_i32_0 = arith.constant 0 : i32
    %c0_i32_1 = arith.constant 0 : i32
    return %c0_i32, %c0_i32_0 : i32, i32
  }
  func.func @transform_10(%arg0: i32) -> (i32, i32) {
    %c0_i32 = arith.constant 0 : i32
    %c0_i32_0 = arith.constant 0 : i32
    %c0_i32_1 = arith.constant 0 : i32
    return %c0_i32, %c0_i32_0 : i32, i32
  }
  func.func @transform_11(%arg0: i32) -> (i32, i32) {
    %c0_i32 = arith.constant 0 : i32
    %c0_i32_0 = arith.constant 0 : i32
    %c0_i32_1 = arith.constant 0 : i32
    return %c0_i32, %c0_i32_0 : i32, i32
  }
  func.func @transform_12(%arg0: i32) -> (i32, i32) {
    %c0_i32 = arith.constant 0 : i32
    %c0_i32_0 = arith.constant 0 : i32
    %c0_i32_1 = arith.constant 0 : i32
    return %c0_i32, %c0_i32_0 : i32, i32
  }
  func.func @transform_13(%arg0: i32) -> (i32, i32) {
    %c0_i32 = arith.constant 0 : i32
    %c0_i32_0 = arith.constant 0 : i32
    %c0_i32_1 = arith.constant 0 : i32
    return %c0_i32, %c0_i32_0 : i32, i32
  }
  func.func @transform_14(%arg0: i32) -> (i32, i32) {
    %c0_i32 = arith.constant 0 : i32
    %c0_i32_0 = arith.constant 0 : i32
    return %arg0, %c0_i32 : i32, i32
  }
  func.func @transform_15(%arg0: i32) -> (i32, i32) {
    %c0_i32 = arith.constant 0 : i32
    %c0_i32_0 = arith.constant 0 : i32
    return %arg0, %c0_i32 : i32, i32
  }
}

module attributes {stable_mosaic.version = 14 : i64} {
  func.func @_final_body(%arg0: i32, %arg1: memref<128x128xf32, #tpu.memory_space<vmem>>, %arg2: memref<128x128xf32, #tpu.memory_space<vmem>>, %arg3: memref<128x128xf32, #tpu.memory_space<vmem>>, %arg4: memref<128x128xf32, #tpu.memory_space<vmem>>, %arg5: memref<128x128xf32, #tpu.memory_space<vmem>>, %arg6: memref<128x128xf32, #tpu.memory_space<vmem>>, %arg7: memref<1x128xf32, #tpu.memory_space<vmem>>, %arg8: memref<128x128xf32, #tpu.memory_space<vmem>>, %arg9: memref<1x128xf32, #tpu.memory_space<vmem>>, %arg10: memref<1x1x128xi32, #tpu.memory_space<vmem>>, %arg11: memref<128x128xf32, #tpu.memory_space<vmem>>) attributes {dimension_semantics = [#tpu.dimension_semantics<arbitrary>], iteration_bounds = array<i64: 80>, scalar_prefetch = 0 : i64, scratch_operands = 0 : i64, tpu.core_type = #tpu.core_type<tc>, window_params = [{transform_indices = @transform_0, window_bounds = array<i64: 128, 128>}, {transform_indices = @transform_1, window_bounds = array<i64: 128, 128>}, {transform_indices = @transform_2, window_bounds = array<i64: 128, 128>}, {pipeline_mode = #tpu.pipeline_mode<synchronous>, transform_indices = @transform_3, window_bounds = array<i64: 128, 128>}, {pipeline_mode = #tpu.pipeline_mode<synchronous>, transform_indices = @transform_4, window_bounds = array<i64: 128, 128>}, {pipeline_mode = #tpu.pipeline_mode<synchronous>, transform_indices = @transform_5, window_bounds = array<i64: 128, 128>}, {pipeline_mode = #tpu.pipeline_mode<synchronous>, transform_indices = @transform_6, window_bounds = array<i64: 1, 128>}, {pipeline_mode = #tpu.pipeline_mode<synchronous>, transform_indices = @transform_7, window_bounds = array<i64: 128, 128>}, {pipeline_mode = #tpu.pipeline_mode<synchronous>, transform_indices = @transform_8, window_bounds = array<i64: 1, 128>}, {transform_indices = @transform_9, window_bounds = array<i64: 1, 1, 128>}, {pipeline_mode = #tpu.pipeline_mode<synchronous>, transform_indices = @transform_10, window_bounds = array<i64: 128, 128>}]} {
    %get3A = arith.constant 0 : index
    %get3A_0 = arith.constant 0 : index
    %get3A_1 = vector.load %arg2[%get3A, %get3A_0] : memref<128x128xf32, #tpu.memory_space<vmem>>, vector<128x128xf32>
    %get3A_2 = arith.constant 0 : index
    %get3A_3 = arith.constant 0 : index
    %get3A_4 = vector.load %arg3[%get3A_2, %get3A_3] : memref<128x128xf32, #tpu.memory_space<vmem>>, vector<128x128xf32>
    %add3A = arith.addf %get3A_1, %get3A_4 : vector<128x128xf32>
    %get3A_5 = arith.constant 0 : index
    %get3A_6 = arith.constant 0 : index
    %get3A_7 = vector.load %arg1[%get3A_5, %get3A_6] : memref<128x128xf32, #tpu.memory_space<vmem>>, vector<128x128xf32>
    %get3A_8 = arith.constant 0 : index
    %get3A_9 = arith.constant 0 : index
    %get3A_10 = vector.load %arg4[%get3A_8, %get3A_9] : memref<128x128xf32, #tpu.memory_space<vmem>>, vector<128x128xf32>
    %dot_general3A = arith.constant dense<0.000000e+00> : vector<128x128xf32>
    %dot_general3A_11 = tpu.matmul %add3A, %get3A_10, %dot_general3A {dimension_numbers = #tpu.dot_dimension_numbers<[1], [0], [0], [1], [0, 0, 1, 1], [], []>, transpose_lhs_hint = false} : vector<128x128xf32>, vector<128x128xf32>, vector<128x128xf32> -> vector<128x128xf32>
    %custom_jvp_call3A = arith.constant 0.000000e+00 : f32
    %max3A = vector.broadcast %custom_jvp_call3A : f32 to vector<128x128xf32>
    %max3A_12 = arith.maximumf %dot_general3A_11, %max3A : vector<128x128xf32>
    %sub3A = vector.broadcast %custom_jvp_call3A : f32 to vector<128x128xf32>
    %sub3A_13 = arith.subf %dot_general3A_11, %sub3A : vector<128x128xf32>
    %ne3A = arith.cmpf one, %sub3A_13, %sub3A_13 : vector<128x128xf32>
    %add3A_14 = vector.broadcast %custom_jvp_call3A : f32 to vector<128x128xf32>
    %add3A_15 = arith.addf %dot_general3A_11, %add3A_14 : vector<128x128xf32>
    %abs3A = math.absf %sub3A_13 : vector<128x128xf32>
    %neg3A = arith.constant 0.000000e+00 : f32
    %neg3A_16 = vector.broadcast %neg3A : f32 to vector<128x128xf32>
    %neg3A_17 = arith.subf %neg3A_16, %abs3A : vector<128x128xf32>
    %exp3A = math.exp %neg3A_17 : vector<128x128xf32>
    %log1p3A = math.log1p %exp3A : vector<128x128xf32>
    %add3A_18 = arith.addf %max3A_12, %log1p3A : vector<128x128xf32>
    %select_n3A = arith.select %ne3A, %add3A_15, %add3A_18 : vector<128x128xi1>, vector<128x128xf32>
    %sub3A_19 = arith.constant 0.693147182 : f32
    %sub3A_20 = vector.broadcast %sub3A_19 : f32 to vector<128x128xf32>
    %sub3A_21 = arith.subf %select_n3A, %sub3A_20 : vector<128x128xf32>
    %get3A_22 = arith.constant 0 : index
    %get3A_23 = arith.constant 0 : index
    %get3A_24 = vector.load %arg5[%get3A_22, %get3A_23] : memref<128x128xf32, #tpu.memory_space<vmem>>, vector<128x128xf32>
    %dot_general3A_25 = arith.constant dense<0.000000e+00> : vector<128x128xf32>
    %dot_general3A_26 = tpu.matmul %sub3A_21, %get3A_24, %dot_general3A_25 {dimension_numbers = #tpu.dot_dimension_numbers<[1], [0], [0], [1], [0, 0, 1, 1], [], []>, transpose_lhs_hint = false} : vector<128x128xf32>, vector<128x128xf32>, vector<128x128xf32> -> vector<128x128xf32>
    %add3A_27 = arith.addf %get3A_7, %dot_general3A_26 : vector<128x128xf32>
    %get3A_28 = arith.constant 0 : index
    %get3A_29 = arith.constant 0 : index
    %get3A_30 = vector.load %arg6[%get3A_28, %get3A_29] : memref<128x128xf32, #tpu.memory_space<vmem>>, vector<128x128xf32>
    %dot_general3A_31 = arith.constant dense<0.000000e+00> : vector<128x128xf32>
    %dot_general3A_32 = tpu.matmul %add3A_27, %get3A_30, %dot_general3A_31 {dimension_numbers = #tpu.dot_dimension_numbers<[1], [0], [0], [1], [0, 0, 1, 1], [], []>, transpose_lhs_hint = false} : vector<128x128xf32>, vector<128x128xf32>, vector<128x128xf32> -> vector<128x128xf32>
    %get3A_33 = arith.constant 0 : index
    %get3A_34 = arith.constant 0 : index
    %get3A_35 = vector.load %arg7[%get3A_33, %get3A_34] : memref<1x128xf32, #tpu.memory_space<vmem>>, vector<1x128xf32>
    %add3A_36 = vector.broadcast %get3A_35 : vector<1x128xf32> to vector<128x128xf32>
    %add3A_37 = arith.addf %dot_general3A_32, %add3A_36 : vector<128x128xf32>
    %custom_jvp_call3A_38 = arith.constant 0.000000e+00 : f32
    %max3A_39 = vector.broadcast %custom_jvp_call3A_38 : f32 to vector<128x128xf32>
    %max3A_40 = arith.maximumf %add3A_37, %max3A_39 : vector<128x128xf32>
    %sub3A_41 = vector.broadcast %custom_jvp_call3A_38 : f32 to vector<128x128xf32>
    %sub3A_42 = arith.subf %add3A_37, %sub3A_41 : vector<128x128xf32>
    %ne3A_43 = arith.cmpf one, %sub3A_42, %sub3A_42 : vector<128x128xf32>
    %add3A_44 = vector.broadcast %custom_jvp_call3A_38 : f32 to vector<128x128xf32>
    %add3A_45 = arith.addf %add3A_37, %add3A_44 : vector<128x128xf32>
    %abs3A_46 = math.absf %sub3A_42 : vector<128x128xf32>
    %neg3A_47 = arith.constant 0.000000e+00 : f32
    %neg3A_48 = vector.broadcast %neg3A_47 : f32 to vector<128x128xf32>
    %neg3A_49 = arith.subf %neg3A_48, %abs3A_46 : vector<128x128xf32>
    %exp3A_50 = math.exp %neg3A_49 : vector<128x128xf32>
    %log1p3A_51 = math.log1p %exp3A_50 : vector<128x128xf32>
    %add3A_52 = arith.addf %max3A_40, %log1p3A_51 : vector<128x128xf32>
    %select_n3A_53 = arith.select %ne3A_43, %add3A_45, %add3A_52 : vector<128x128xi1>, vector<128x128xf32>
    %sub3A_54 = arith.constant 0.693147182 : f32
    %sub3A_55 = vector.broadcast %sub3A_54 : f32 to vector<128x128xf32>
    %sub3A_56 = arith.subf %select_n3A_53, %sub3A_55 : vector<128x128xf32>
    %get3A_57 = arith.constant 0 : index
    %get3A_58 = arith.constant 0 : index
    %get3A_59 = vector.load %arg8[%get3A_57, %get3A_58] : memref<128x128xf32, #tpu.memory_space<vmem>>, vector<128x128xf32>
    %dot_general3A_60 = arith.constant dense<0.000000e+00> : vector<128x128xf32>
    %dot_general3A_61 = tpu.matmul %sub3A_56, %get3A_59, %dot_general3A_60 {dimension_numbers = #tpu.dot_dimension_numbers<[1], [0], [0], [1], [0, 0, 1, 1], [], []>, transpose_lhs_hint = false} : vector<128x128xf32>, vector<128x128xf32>, vector<128x128xf32> -> vector<128x128xf32>
    %get3A_62 = arith.constant 0 : index
    %get3A_63 = arith.constant 0 : index
    %get3A_64 = vector.load %arg9[%get3A_62, %get3A_63] : memref<1x128xf32, #tpu.memory_space<vmem>>, vector<1x128xf32>
    %add3A_65 = vector.broadcast %get3A_64 : vector<1x128xf32> to vector<128x128xf32>
    %add3A_66 = arith.addf %dot_general3A_61, %add3A_65 : vector<128x128xf32>
    %get3A_67 = arith.constant 0 : index
    %get3A_68 = arith.constant 0 : index
    %get3A_69 = arith.constant 0 : index
    %get3A_70 = vector.load %arg10[%get3A_67, %get3A_68, %get3A_69] : memref<1x1x128xi32, #tpu.memory_space<vmem>>, vector<1x1x128xi32>
    %reshape3A = vector.shape_cast %get3A_70 : vector<1x1x128xi32> to vector<1x128xi32>
    %iota3A = tpu.iota {dimensions = array<i32: 0>} : vector<128x128xi32>
    %eq3A = vector.broadcast %reshape3A : vector<1x128xi32> to vector<128x128xi32>
    %eq3A_71 = arith.cmpi eq, %iota3A, %eq3A : vector<128x128xi32>
    %jit3A = arith.constant 1.000000e+00 : f32
    %jit3A_72 = arith.constant 0.000000e+00 : f32
    %broadcast_in_dim3A = vector.broadcast %jit3A : f32 to vector<128x128xf32>
    %broadcast_in_dim3A_73 = vector.broadcast %jit3A_72 : f32 to vector<128x128xf32>
    %select_n3A_74 = arith.select %eq3A_71, %broadcast_in_dim3A, %broadcast_in_dim3A_73 : vector<128x128xi1>, vector<128x128xf32>
    %dot_general3A_75 = arith.constant dense<0.000000e+00> : vector<128x128xf32>
    %dot_general3A_76 = tpu.matmul %select_n3A_74, %add3A_66, %dot_general3A_75 {dimension_numbers = #tpu.dot_dimension_numbers<[1], [0], [0], [1], [0, 0, 1, 1], [], []>, transpose_lhs_hint = false} : vector<128x128xf32>, vector<128x128xf32>, vector<128x128xf32> -> vector<128x128xf32>
    %eq3A_77 = arith.constant 0 : i32
    %eq3A_78 = arith.cmpi eq, %arg0, %eq3A_77 : i32
    %convert_element_type3A = arith.extui %eq3A_78 : i1 to i32
    %cond3A = arith.constant 0 : i32
    %cond3A_79 = arith.cmpi ne, %convert_element_type3A, %cond3A : i32
    scf.if %cond3A_79 {
      %broadcast_in_dim3A_86 = arith.constant 0.000000e+00 : f32
      %broadcast_in_dim3A_87 = vector.broadcast %broadcast_in_dim3A_86 : f32 to vector<128x128xf32>
      %swap3A_88 = arith.constant 0 : index
      %swap3A_89 = arith.constant 0 : index
      %swap3A_90 = vector.load %arg11[%swap3A_88, %swap3A_89] : memref<128x128xf32, #tpu.memory_space<vmem>>, vector<128x128xf32>
      tpu.vector_store %arg11[%swap3A_88, %swap3A_89], %broadcast_in_dim3A_87 {strides = array<i32>} : memref<128x128xf32, #tpu.memory_space<vmem>>, vector<128x128xf32>,
    } else {
    }
    %get3A_80 = arith.constant 0 : index
    %get3A_81 = arith.constant 0 : index
    %get3A_82 = vector.load %arg11[%get3A_80, %get3A_81] : memref<128x128xf32, #tpu.memory_space<vmem>>, vector<128x128xf32>
    %add3A_83 = arith.addf %get3A_82, %dot_general3A_76 : vector<128x128xf32>
    %swap3A = arith.constant 0 : index
    %swap3A_84 = arith.constant 0 : index
    %swap3A_85 = vector.load %arg11[%swap3A, %swap3A_84] : memref<128x128xf32, #tpu.memory_space<vmem>>, vector<128x128xf32>
    tpu.vector_store %arg11[%swap3A, %swap3A_84], %add3A_83 {strides = array<i32>} : memref<128x128xf32, #tpu.memory_space<vmem>>, vector<128x128xf32>,
    return
  }
  func.func @transform_0(%arg0: i32) -> (i32, i32) {
    %c0_i32 = arith.constant 0 : i32
    %c0_i32_0 = arith.constant 0 : i32
    return %arg0, %c0_i32 : i32, i32
  }
  func.func @transform_1(%arg0: i32) -> (i32, i32) {
    %c0_i32 = arith.constant 0 : i32
    %c0_i32_0 = arith.constant 0 : i32
    return %arg0, %c0_i32 : i32, i32
  }
  func.func @transform_2(%arg0: i32) -> (i32, i32) {
    %c0_i32 = arith.constant 0 : i32
    %c0_i32_0 = arith.constant 0 : i32
    return %arg0, %c0_i32 : i32, i32
  }
  func.func @transform_3(%arg0: i32) -> (i32, i32) {
    %c0_i32 = arith.constant 0 : i32
    %c0_i32_0 = arith.constant 0 : i32
    %c0_i32_1 = arith.constant 0 : i32
    return %c0_i32, %c0_i32_0 : i32, i32
  }
  func.func @transform_4(%arg0: i32) -> (i32, i32) {
    %c0_i32 = arith.constant 0 : i32
    %c0_i32_0 = arith.constant 0 : i32
    %c0_i32_1 = arith.constant 0 : i32
    return %c0_i32, %c0_i32_0 : i32, i32
  }
  func.func @transform_5(%arg0: i32) -> (i32, i32) {
    %c0_i32 = arith.constant 0 : i32
    %c0_i32_0 = arith.constant 0 : i32
    %c0_i32_1 = arith.constant 0 : i32
    return %c0_i32, %c0_i32_0 : i32, i32
  }
  func.func @transform_6(%arg0: i32) -> (i32, i32) {
    %c0_i32 = arith.constant 0 : i32
    %c0_i32_0 = arith.constant 0 : i32
    %c0_i32_1 = arith.constant 0 : i32
    return %c0_i32, %c0_i32_0 : i32, i32
  }
  func.func @transform_7(%arg0: i32) -> (i32, i32) {
    %c0_i32 = arith.constant 0 : i32
    %c0_i32_0 = arith.constant 0 : i32
    %c0_i32_1 = arith.constant 0 : i32
    return %c0_i32, %c0_i32_0 : i32, i32
  }
  func.func @transform_8(%arg0: i32) -> (i32, i32) {
    %c0_i32 = arith.constant 0 : i32
    %c0_i32_0 = arith.constant 0 : i32
    %c0_i32_1 = arith.constant 0 : i32
    return %c0_i32, %c0_i32_0 : i32, i32
  }
  func.func @transform_9(%arg0: i32) -> (i32, i32, i32) {
    %c0_i32 = arith.constant 0 : i32
    %c0_i32_0 = arith.constant 0 : i32
    %c0_i32_1 = arith.constant 0 : i32
    return %arg0, %c0_i32, %c0_i32_0 : i32, i32, i32
  }
  func.func @transform_10(%arg0: i32) -> (i32, i32) {
    %c0_i32 = arith.constant 0 : i32
    %c0_i32_0 = arith.constant 0 : i32
    %c0_i32_1 = arith.constant 0 : i32
    return %c0_i32, %c0_i32_0 : i32, i32
  }
}

</mosaic_0001>

<sc_bundles>
// kernel: kernel.16.cloned.1.call-start
scs
__scs_entry_jumppad:
0x0: {  	(pc) =	sbr.rel $0x88, $3  }
0x1: {  	(tag) =	ssettag $0x0;
	lr =	simm.s32 $0x1  }
0x2: {  	[smem:$0x3F77] =	sst lr;
	_ =	strace $0xD0000000  }
0x3: {  	_ = 	snop  }
0x4: {  	_ = 	snop  }
0x5: {  	_ = 	snop  }
0x6: {  	_ = 	snop  }
0x7: {  	_ = 	snop  }
__scs_overlays_trampoline_lowered:
0x8: {  	[smem:$0x3F86] =	sst s0  }
0x9: {  	[smem:$0x3F87] =	sst s1  }
0xa: {  	[smem:$0x3F88] =	sst s2  }
0xb: {  	[smem:$0x3F89] =	sst s3  }
0xc: {  	[smem:$0x3F8A] =	sst s4  }
0xd: {  	[smem:$0x3F8B] =	sst s5  }
0xe: {  	[smem:$0x3F8C] =	sst s6  }
0xf: {  	[smem:$0x3F8D] =	sst s7  }
0x10: {  	[smem:$0x3F8E] =	sst s8  }
0x11: {  	[smem:$0x3F8F] =	sst s9;
	s0 =	simm.s32 @!p0 $0x0  }
0x12: {  	s1 =	sld [smem:$0x3F75];
	s0 =	simm.s32 @p0 $0x1  }
0x13: {  	[smem:$0x3F90] =	sst s0;
	s0 =	simm.s32 @!p1 $0x0  }
0x14: {  	s2 =	sld [smem:$0x3F74];
	s0 =	simm.s32 @p1 $0x1  }
0x15: {  	[smem:$0x3F91] =	sst s0;
	s0 =	simm.s32 @!p2 $0x0  }
0x16: {  	s3 =	sld [smem:$0x3FDB];
	s0 =	simm.s32 @p2 $0x1  }
0x17: {  	s4 =	simm.s32 $0x1BF5;
	[smem:$0x3F93] =	sst s0  }
0x18: {  	s0 =	sld [smem:$0x3F76];
	_ =	swait.ge [sflag:s4], $0x0  }
0x19: {  	s7 =	sld [smem:$0x3F77]  }
0x1a: {  	s8 =	sadd.s32 $0xFFFFE003, lr  }
0x1b: {  	s9 =	sadd.s32 $0xFFFFFEF7, lr;
	s5 =	simm.s32 $0xFFFFFFFF;
	p2 =	slt.u32 s8, $0xFFFFF086  }
0x1c: {  	p1 =	slt.u32 s9, $0xF7A;
	s5 =	simm.s32 @!p2 $0x0  }
0x1d: {  	s5 =	simm.s32 @p1 $0x1;
	p0 =	seq.s32 s7, s2  }
0x1e: {  	s7 =	smul.u32 @!p0 $0xF7A, s2;
	p2 =	seq.s32 @!p0 s5, $0x0  }
0x1f: {  	s9 =	smul.u32 $0xF7A, s1;
	s8 =	simm.s32 @!p0 $0x1BF5;
	p2 =	por !p2, p0  }
0x20: {  	[sflag:s8] =	ssyncset.s32 @!p0 $0xFFFFF086;
	s6 =	sadd.s32 @!p0 s3, s7;
	s7 =	simm.s32 @!p0 $0x108  }
0x21: {  	s3 =	sadd.s32 s3, s9;
	s6 =	sadd.s32 @!p0 $0x88, s6;
	s7 =	simm.s32 @p2 $0x1082  }
0x22: {  	[simem:s7], [sflag:s8] =	dma.local @!p0 [hbm:s6], $0xF7A  }
0x23: {  	s9 =	sor.u32 $0xD0000000, s2;
	s6 =	simm.s32 $0x108;
	_ =	swait.ge @!p0 [sflag:s8], $0x0  }
0x24: {  	s3 =	sadd.s32 $0x88, s3;
	s6 =	simm.s32 @!p1 $0x1082;
	[sflag:s4] =	ssyncset.s32 $0xFFFFF086  }
0x25: {  	[simem:s6], [sflag:s4] =	dma.local [hbm:s3], $0xF7A  }
0x26: {  	[smem:$0x3F77] =	sst s1;
	(tag) =	ssettag s2;
	_ =	strace s9  }
0x27: {  	s1 =	sld [smem:$0x3F87]  }
0x28: {  	s2 =	sld [smem:$0x3F88]  }
0x29: {  	s4 =	sld [smem:$0x3F8A]  }
0x2a: {  	p0 =	seq.s32 s5, $0x0;
	s5 =	sld [smem:$0x3F8B]  }
0x2b: {  	s6 =	sld [smem:$0x3F8C]  }
0x2c: {  	s7 =	sld [smem:$0x3F8D]  }
0x2d: {  	s3 =	simm.s32 $0x108;
	s8 =	sld [smem:$0x3F8E]  }
0x2e: {  	s3 =	simm.s32 @!p0 $0x1082;
	s9 =	sld [smem:$0x3F8F]  }
0x2f: {  	lr =	sadd.s32 s0, s3;
	s0 =	sld [smem:$0x3F86]  }
0x30: {  	s3 =	sld [smem:$0x3F89]  }
0x31: {  	[smem:$0x3F92] =	sst s10  }
0x32: {  	s10 =	sld [smem:$0x3F90];
	_ =	sdelay $0x3  }
0x33: {  	p0 =	seq.s32 s10, $0x1;
	s10 =	sld [smem:$0x3F92];
	_ =	sdelay $0x3  }
0x34: {  	[smem:$0x3F92] =	sst s10  }
0x35: {  	s10 =	sld [smem:$0x3F91];
	_ =	sdelay $0x3  }
0x36: {  	p1 =	seq.s32 s10, $0x1;
	s10 =	sld [smem:$0x3F92];
	_ =	sdelay $0x3  }
0x37: {  	[smem:$0x3F92] =	sst s10  }
0x38: {  	s10 =	sld [smem:$0x3F93]  }
0x39: {  	_ = 	snop;
	(pc) =	sbr.ind lr, $3  }
0x3a: {  	_ = 	snop  }
0x3b: {  	_ = 	snop  }
0x3c: {  	p2 =	seq.s32 s10, $0x1;
	s10 =	sld [smem:$0x3F92]  }
0x3d: {  	_ =	shalt  }
0x3e: {  	_ =	shalt  }
0x3f: {  	_ =	shalt  }
0x40: {  	_ =	shalt  }
0x41: {  	_ =	shalt  }
0x42: {  	_ =	shalt  }
0x43: {  	_ =	shalt  }
0x44: {  	_ =	shalt  }
0x45: {  	_ =	shalt  }
0x46: {  	_ =	shalt  }
0x47: {  	_ =	shalt  }
0x48: {  	_ =	shalt  }
0x49: {  	_ =	shalt  }
0x4a: {  	_ =	shalt  }
0x4b: {  	_ =	shalt  }
0x4c: {  	_ =	shalt  }
0x4d: {  	_ =	shalt  }
0x4e: {  	_ =	shalt  }
0x4f: {  	_ =	shalt  }
0x50: {  	_ =	shalt  }
0x51: {  	_ =	shalt  }
0x52: {  	_ =	shalt  }
0x53: {  	_ =	shalt  }
0x54: {  	_ =	shalt  }
0x55: {  	_ =	shalt  }
0x56: {  	_ =	shalt  }
0x57: {  	_ =	shalt  }
0x58: {  	_ =	shalt  }
0x59: {  	_ =	shalt  }
0x5a: {  	_ =	shalt  }
0x5b: {  	_ =	shalt  }
0x5c: {  	_ =	shalt  }
0x5d: {  	_ =	shalt  }
0x5e: {  	_ =	shalt  }
0x5f: {  	_ =	shalt  }
0x60: {  	_ =	shalt  }
0x61: {  	_ =	shalt  }
0x62: {  	_ =	shalt  }
0x63: {  	_ =	shalt  }
0x64: {  	_ =	shalt  }
0x65: {  	_ =	shalt  }
0x66: {  	_ =	shalt  }
0x67: {  	_ =	shalt  }
0x68: {  	_ =	shalt  }
0x69: {  	_ =	shalt  }
0x6a: {  	_ =	shalt  }
0x6b: {  	_ =	shalt  }
0x6c: {  	_ =	shalt  }
0x6d: {  	_ =	shalt  }
0x6e: {  	_ =	shalt  }
0x6f: {  	_ =	shalt  }
0x70: {  	_ =	shalt  }
0x71: {  	_ =	shalt  }
0x72: {  	_ =	shalt  }
0x73: {  	_ =	shalt  }
0x74: {  	_ =	shalt  }
0x75: {  	_ =	shalt  }
0x76: {  	_ =	shalt  }
0x77: {  	_ =	shalt  }
0x78: {  	_ =	shalt  }
0x79: {  	_ =	shalt  }
0x7a: {  	_ =	shalt  }
0x7b: {  	_ =	shalt  }
0x7c: {  	_ =	shalt  }
0x7d: {  	_ =	shalt  }
0x7e: {  	_ =	shalt  }
0x7f: {  	_ =	shalt  }
0x80: {  	_ =	shalt  }
0x81: {  	_ =	shalt  }
0x82: {  	_ =	shalt  }
0x83: {  	_ =	shalt  }
0x84: {  	_ =	shalt  }
0x85: {  	_ =	shalt  }
0x86: {  	_ =	shalt  }
0x87: {  	_ =	shalt  }
.Lfunc_end0:
.L_simem_size_0:
called_computation_lowered:
.L_overlay_start_0:
0x88: {  	s2 =	sld [smem:$0x3FD9]  }
0x89: {  	s3 =	sld [smem:$0x3FFE];
	_ =	sdelay $0x1  }
0x8a: {  	s1 =	srdreg.scid  }
0x8b: {  	s0 =	sand.u32 $0x1, s1  }
0x8c: {  	s16 =	sshll.u32 s0, $0xA;
	s2 =	sadd.s32 s3, s2  }
0x8d: {  	s2 =	sadd.s32 s2, s16  }
0x8e: {  	[smem:$0x3F9E] =	sst s2  }
0x8f: {  	_ = 	snop  }
0x90: {  	(tm) =	ssettm $0x1  }
0x91: {  	s17 =	sld [smem:$0x3FFB];
	_ =	sdelay $0x3  }
0x92: {  	_ =	strace s17  }
0x93: {  	s2 =	sld [smem:$0x3FFC];
	_ =	sdelay $0x3  }
0x94: {  	_ =	strace s2  }
0x95: {  	s2 =	sld [smem:$0x3FFD];
	_ =	sdelay $0x3  }
0x96: {  	_ =	strace s2  }
0x97: {  	_ =	strace $0x8FFFFFFF  }
0x98: {  	s18 =	sld [smem:$0x3FDB];
	_ =	sdelay $0x1  }
0x99: {  	s19 =	simm.s32 $_scs_section_size  }
0x9a: {  	s4 =	simm.s32 $_size__tile_overlayer_lowered;
	s5 =	simm.s32 $_tile_overlayer_lowered  }
0x9b: {  	s22 =	simm.s32 $0x1BFF;
	s21 =	sshll.u32 s5, $0x1;
	s2 =	sadd.s32 s19, s18  }
0x9c: {  	s6 =	simm.s32 $0x0;
	s20 =	sshll.u32 s4, $0x1;
	s4 =	sadd.s32 s21, s2  }
0x9d: {  	[timem:s6], [sflag:s22] =	dma.local [hbm:s4], s20  }
0x9e: {  	_ =	swait.ge [sflag:s22], s20  }
0x9f: {  	s3 =	ssub.s32 $0x0, s20;
	[sflag:s22] =	ssyncset.done $0x0  }
0xa0: {  	[sflag:s22] =	ssyncadd.s32 s3;
	_ =	sdelay $0x1  }
0xa1: {  	s23 =	simm.s32 $0x1B8B  }
0xa2: {  	_ =	swait.ge [sflag:s23], $0x1  }
0xa3: {  	[sflag:s23] =	ssyncset.done $0x0  }
0xa4: {  	s25 =	simm.s32 $0x1B8E;
	s24 =	sld [smem:$0x3FFE];
	[sflag:s23] =	ssyncadd.s32 $0xFFFFFFFF  }
0xa5: {  	s26 =	simm.s32 $execute0_lowered;
	[smem:$0x3FD2] =	sst s25  }
0xa6: {  	s4 =	sshll.u32 s26, $0x1;
	_ =	strace $0x80000046;
	[dreg:$0x1] =	wrdreg $0xFFFFFFFF  }
0xa7: {  	s28 =	simm.s32 $_size_execute0_lowered;
	s2 =	sadd.s32 s2, s4;
	[dreg:$0x0] =	wrdreg $0x0  }
0xa8: {  	s4 =	sshll.u32 s28, $0x1;
	[dreg:$0x2] =	wrdreg s2  }
0xa9: {  	[dreg:$0x3] =	wrdreg s4  }
0xaa: {  	[dreg:$0x4] =	wrdreg $0xC0  }
0xab: {  	_ =	task [dreg:s6], $0x5FFFF  }
0xac: {  	[dreg:$0x1] =	wrdreg $0xFFFFFFFF  }
0xad: {  	[dreg:$0x0] =	wrdreg $0x60  }
0xae: {  	[dreg:$0x2] =	wrdreg s24  }
0xaf: {  	[dreg:$0x3] =	wrdreg $0x9  }
0xb0: {  	_ =	task.clear_ibuf [dreg:s6], $0x4FFFF;
	_ =	strace $0x90000046  }
0xb1: {  	s29 =	simm.s32 $0x9;
	_ =	strace $0x80000048  }
0xb2: {  	_ =	swait.ge [sflag:s29], $0x1  }
0xb3: {  	[sflag:s29] =	ssyncadd.s32 $0xFFFFFFFF  }
0xb4: {  	_ =	strace $0x90000048  }
0xb5: {  	_ =	sfence  }
0xb6: {  	s30 =	sld [smem:$0x0];
	_ =	sdelay $0x2  }
0xb7: {  	s31 =	sshll.u32 s1, $0xD;
	s1 =	sshrl.u32 s1, $0x2  }
0xb8: {  	s3 =	sand.u32 $0x4000, s31;
	s1 =	sadd.s32 s1, s30  }
0xb9: {  	s0 =	sor.u32 s3, s0;
	s1 =	sshll.u32 s1, $0x11  }
0xba: {  	s0 =	sor.u32 s1, s0  }
0xbb: {  	s0 =	sadd.s32 $0x8F2B, s0  }
0xbc: {  	[sflag:s0] =	ssyncadd.remote.s32 $0x1  }
0xbd: {  	_ =	sfence.sel $0xFFFF  }
0xbe: {  	[dreg:$0x0] =	wrdreg $0xFFFFFFFF;
	(pc) =	sbr.abs _section_cstart, $3  }
0xbf: {  	[dreg:$0x1] =	wrdreg $0xFFFFFFFF  }
0xc0: {  	_ =	task.clear_ibuf [dreg:s6], $0x2FFFF;
	_ =	strace $0x9FFFFFFF  }
0xc1: {  	(tm) =	ssettm $0x7FFFFFFF  }
tec
execute0_lowered:
.L_overlay_start_1:
0x0: {  	(tag) =	ssettag $0x1  }
0x1: {  	s4 =	rddreg [dreg:$0x0]  }
0x2: {  	s1 =	srdreg.scid;
	s0 =	rddreg [dreg:$0x1]  }
0x3: {  	s2 =	simm.s32 $0x0;
	s11 =	simm.s32 $0x100;
	s12 =	simm.s32 $0x900  }
0x4: {  	s13 =	simm.s32 $0x1;
	s14 =	simm.s32 $0x2;
	s5 =	sand.u32 $0x1, s1  }
0x5: {  	s15 =	simm.s32 $0x0;
	s1 =	stileid.u32;
	s6 =	smul.u32 $0x27800, s5  }
0x6: {  	[smem:$0x7FF] =	sst s2;
	s3 =	sadd.s32 $0x1E800, s4;
	s7 =	smul.u32 $0x2780, s1  }
0x7: {  	_ =	strace $0x80000047;
	s8 =	smul.u32 $0x4F000, s5;
	s5 =	ssub.s32 $0x2, s5  }
0x8: {  	s29 =	smul.u32 $0x4F00, s1;
	s9 =	sshrl.u32 s5, $0x1;
	s6 =	sadd.s32 s7, s6  }
0x9: {  	s8 =	sadd.s32 s8, s4;
	s30 =	ssub.s32 s5, s9;
	s6 =	sshrl.u32 s6, $0x3  }
0xa: {  	s9 =	simm.s32 $0x3;
	s31 =	sadd.s32 s29, s8;
	s10 =	sadd.s32 s6, s4  }
0xb: {  	s4 =	smax.u32 s30, $0x1;
	s5 =	sadd.s32 $0xCB600, s31;
	s6 =	sadd.s32 $0x2D600, s31  }
0xc: {  	s7 =	sadd.s32 $0xAC00, s10;
	s8 =	sadd.s32 $0x23800, s10;
	s10 =	simm.s32 $0x80  }
.LBB2_1:
0xd: {  	s16 =	sadd.s32 $0x0, s8  }
0xe: {  	[tilespmem:s2], [sflag:$0x3] =	stream.linear.gather [hbm4b:s16+s2], $0x80, $0x38;
	[tilespmem:$0x1100] =	vst v63  }
0xf: {  	_ =	swait.ge [sflag:s9], $0x80  }
0x10: {  	[sflag:s9] =	ssyncset.done $0x0  }
0x11: {  	s31 =	sadd.s32 $0x0, s7;
	[sflag:s9] =	ssyncadd.s32 $0xFFFFFF80  }
0x12: {  	[tilespmem:s10], [sflag:$0x3] =	stream.linear.gather [hbm4b:s31+s2], $0x80, $0x38;
	[tilespmem:$0x1100] =	vst v63  }
0x13: {  	_ =	swait.ge [sflag:s9], $0x80  }
0x14: {  	[sflag:s9] =	ssyncset.done $0x0  }
0x15: {  	[sflag:s9] =	ssyncadd.s32 $0xFFFFFF80  }
0x16: {  	[tilespmem:s11], [sflag:$0x1] =	stream.indirect.gather [hbm4b:s3+s10], $0x10, s2, s10, $0xb8;
	[tilespmem:$0x1100] =	vst v63  }
0x17: {  	_ = 	snop  }
0x18: {  	[tilespmem:s12], [sflag:$0x2] =	stream.indirect.gather [hbm4b:s3+s10], $0x10, s10, s10, $0xb8;
	[tilespmem:$0x1100] =	vst v63  }
0x19: {  	_ =	swait.ge [sflag:s13], $0x800  }
0x1a: {  	[sflag:s13] =	ssyncset.done $0x0  }
0x1b: {  	[sflag:s13] =	ssyncadd.s32 $0xFFFFF800  }
0x1c: {  	_ =	swait.ge [sflag:s14], $0x800  }
0x1d: {  	[sflag:s14] =	ssyncset.done $0x0  }
0x1e: {  	[sflag:s14] =	ssyncadd.s32 $0xFFFFF800  }
0x1f: {  	[hbm4b:s6+s2] =	stream.linear.scatter [tilespmem:s11], [sflag:$0x3], $0x800, $0x38;
	[tilespmem:$0x1100] =	vst v63  }
0x20: {  	_ =	swait.ge [sflag:s9], $0x800  }
0x21: {  	[sflag:s9] =	ssyncset.done $0x0  }
0x22: {  	[sflag:s9] =	ssyncadd.s32 $0xFFFFF800  }
0x23: {  	[hbm4b:s5+s2] =	stream.linear.scatter [tilespmem:s12], [sflag:$0x3], $0x800, $0x38;
	[tilespmem:$0x1100] =	vst v63  }
0x24: {  	s18 =	simm.s32 $0x10;
	s19 =	simm.s32 $0x20;
	_ =	swait.ge [sflag:s9], $0x800  }
0x25: {  	s17 =	sadd.s32 $0x100, s6;
	s16 =	sadd.s32 $0x100, s5;
	[sflag:s9] =	ssyncset.done $0x0  }
.LBB2_2:
0x26: {  	s20 =	sadd.s32 s18, s8  }
0x27: {  	[sflag:s9] =	ssyncadd.s32 $0xFFFFF800;
	s21 =	smov.u32 s19;
	s22 =	sadd.s32 $0x10, s19  }
0x28: {  	[tilespmem:s2], [sflag:$0x3] =	stream.linear.gather [hbm4b:s20+s2], $0x80, $0x38;
	[tilespmem:$0x1100] =	vst v63  }
0x29: {  	p0 =	sne.s32 s19, $0x4E0;
	_ =	swait.ge [sflag:s9], $0x80  }
0x2a: {  	[sflag:s9] =	ssyncset.done $0x0  }
0x2b: {  	s19 =	sadd.s32 s18, s7;
	s18 =	smov.u32 s21;
	[sflag:s9] =	ssyncadd.s32 $0xFFFFFF80  }
0x2c: {  	[tilespmem:s10], [sflag:$0x3] =	stream.linear.gather [hbm4b:s19+s2], $0x80, $0x38;
	[tilespmem:$0x1100] =	vst v63  }
0x2d: {  	_ =	swait.ge [sflag:s9], $0x80  }
0x2e: {  	[sflag:s9] =	ssyncset.done $0x0  }
0x2f: {  	[sflag:s9] =	ssyncadd.s32 $0xFFFFFF80  }
0x30: {  	[tilespmem:s11], [sflag:$0x1] =	stream.indirect.gather [hbm4b:s3+s10], $0x10, s2, s10, $0xb8;
	[tilespmem:$0x1100] =	vst v63  }
0x31: {  	_ = 	snop  }
0x32: {  	[tilespmem:s12], [sflag:$0x2] =	stream.indirect.gather [hbm4b:s3+s10], $0x10, s10, s10, $0xb8;
	[tilespmem:$0x1100] =	vst v63  }
0x33: {  	_ =	swait.ge [sflag:s13], $0x800  }
0x34: {  	[sflag:s13] =	ssyncset.done $0x0  }
0x35: {  	[sflag:s13] =	ssyncadd.s32 $0xFFFFF800  }
0x36: {  	_ =	swait.ge [sflag:s14], $0x800  }
0x37: {  	[sflag:s14] =	ssyncset.done $0x0  }
0x38: {  	[sflag:s14] =	ssyncadd.s32 $0xFFFFF800  }
0x39: {  	[hbm4b:s17+s2] =	stream.linear.scatter [tilespmem:s11], [sflag:$0x3], $0x800, $0x38;
	[tilespmem:$0x1100] =	vst v63  }
0x3a: {  	_ =	swait.ge [sflag:s9], $0x800  }
.Ltmp0:
0x3b: {  	[sflag:s9] =	ssyncset.done $0x0;
	(pc) =	sbr.rel @p0 .LBB2_2-.Ltmp0, $4  }
0x3c: {  	[sflag:s9] =	ssyncadd.s32 $0xFFFFF800  }
0x3d: {  	[hbm4b:s16+s2] =	stream.linear.scatter [tilespmem:s12], [sflag:$0x3], $0x800, $0x38;
	[tilespmem:$0x1100] =	vst v63  }
0x3e: {  	s19 =	smov.u32 s22;
	_ =	swait.ge [sflag:s9], $0x800  }
0x3f: {  	s17 =	sadd.s32 $0x100, s17;
	s16 =	sadd.s32 $0x100, s16;
	[sflag:s9] =	ssyncset.done $0x0  }
0x40: {  	s19 =	sadd.s32 s18, s8;
	[sflag:s9] =	ssyncadd.s32 $0xFFFFF800  }
0x41: {  	[tilespmem:s2], [sflag:$0x3] =	stream.linear.gather [hbm4b:s19+s2], $0x80, $0x38;
	[tilespmem:$0x1100] =	vst v63  }
0x42: {  	_ =	swait.ge [sflag:s9], $0x80  }
0x43: {  	[sflag:s9] =	ssyncset.done $0x0  }
0x44: {  	s31 =	sadd.s32 s18, s7;
	[sflag:s9] =	ssyncadd.s32 $0xFFFFFF80  }
0x45: {  	[tilespmem:s10], [sflag:$0x3] =	stream.linear.gather [hbm4b:s31+s2], $0x80, $0x38;
	[tilespmem:$0x1100] =	vst v63  }
0x46: {  	_ =	swait.ge [sflag:s9], $0x80  }
0x47: {  	[sflag:s9] =	ssyncset.done $0x0  }
0x48: {  	[sflag:s9] =	ssyncadd.s32 $0xFFFFFF80  }
0x49: {  	[tilespmem:s11], [sflag:$0x1] =	stream.indirect.gather [hbm4b:s3+s10], $0x10, s2, s10, $0xb8;
	[tilespmem:$0x1100] =	vst v63  }
0x4a: {  	_ = 	snop  }
0x4b: {  	[tilespmem:s12], [sflag:$0x2] =	stream.indirect.gather [hbm4b:s3+s10], $0x10, s10, s10, $0xb8;
	[tilespmem:$0x1100] =	vst v63  }
0x4c: {  	_ =	swait.ge [sflag:s13], $0x800  }
0x4d: {  	[sflag:s13] =	ssyncset.done $0x0  }
0x4e: {  	[sflag:s13] =	ssyncadd.s32 $0xFFFFF800  }
0x4f: {  	_ =	swait.ge [sflag:s14], $0x800  }
0x50: {  	[sflag:s14] =	ssyncset.done $0x0  }
0x51: {  	[sflag:s14] =	ssyncadd.s32 $0xFFFFF800  }
0x52: {  	[hbm4b:s17+s2] =	stream.linear.scatter [tilespmem:s11], [sflag:$0x3], $0x800, $0x38;
	[tilespmem:$0x1100] =	vst v63  }
0x53: {  	s15 =	sadd.s32 $0x1, s15;
	_ =	swait.ge [sflag:s9], $0x800  }
0x54: {  	p0 =	sne.s32 s15, s4;
	[sflag:s9] =	ssyncset.done $0x0  }
.Ltmp1:
0x55: {  	[sflag:s9] =	ssyncadd.s32 $0xFFFFF800;
	(pc) =	sbr.rel @p0 .LBB2_1-.Ltmp1, $4  }
0x56: {  	[hbm4b:s16+s2] =	stream.linear.scatter [tilespmem:s12], [sflag:$0x3], $0x800, $0x38;
	[tilespmem:$0x1100] =	vst v63  }
0x57: {  	_ =	swait.ge [sflag:s9], $0x800  }
0x58: {  	[sflag:s9] =	ssyncset.done $0x0  }
0x59: {  	[sflag:s9] =	ssyncadd.s32 $0xFFFFF800  }
0x5a: {  	_ =	sfence.sel $0x180000  }
0x5b: {  	[bflag:$0x0] =	sbarrier.arrive $0xFFFF  }
0x5c: {  	p0 =	sne.s32 s1, $0x0;
	_ =	strace $0x90000047  }
0x5d: {  	s0 =	sadd.s32 @!p0 $0x100000, s0;
	[bflag:$0x2] =	sbarrier.arrive $0xFFFF  }
0x5e: {  	[sflag:s0] =	ssyncadd.tile.s32 @!p0 $0x1;
	_ =	shalt  }
.Lfunc_end2:
_tile_overlayer_lowered:
.L_overlay_start_2:
0x5f: {  	(tag) =	ssettag $0x2  }
0x60: {  	s0 =	rddreg [dreg:$0x0];
	s2 =	stileid.u32  }
0x61: {  	s1 =	rddreg [dreg:$0x1];
	p0 =	sne.s32 s2, $0x0  }
0x62: {  	s3 =	rddreg [dreg:$0x2];
	[bflag:$0x3] =	sbarrier.arrive $0xFFFF;
	s2 =	simm.s32 @!p0 $0x1C03  }
0x63: {  	[timem:s3], [sflag:s2] =	dma.local @!p0 [hbm:s0], s1  }
0x64: {  	s0 =	simm.s32 @!p0 $0x3  }
0x65: {  	_ =	swait.ge @!p0 [sflag:s0], s1  }
0x66: {  	s1 =	ssub.s32 @!p0 $0x0, s1;
	[sflag:s0] =	ssyncset.done @!p0 $0x0  }
0x67: {  	[sflag:s0] =	ssyncadd.s32 @!p0 s1  }
0x68: {  	[bflag:$0x3] =	sbarrier.arrive $0xFFFF  }
0x69: {  	_ =	shalt  }

// kernel: kernel.19.cloned.1.call-start
scs
__scs_entry_jumppad:
0x0: {  	(pc) =	sbr.rel $0x88, $3  }
0x1: {  	(tag) =	ssettag $0x0;
	lr =	simm.s32 $0x1  }
0x2: {  	[smem:$0x3F77] =	sst lr;
	_ =	strace $0xD0000000  }
0x3: {  	_ = 	snop  }
0x4: {  	_ = 	snop  }
0x5: {  	_ = 	snop  }
0x6: {  	_ = 	snop  }
0x7: {  	_ = 	snop  }
__scs_overlays_trampoline_lowered:
0x8: {  	[smem:$0x3F86] =	sst s0  }
0x9: {  	[smem:$0x3F87] =	sst s1  }
0xa: {  	[smem:$0x3F88] =	sst s2  }
0xb: {  	[smem:$0x3F89] =	sst s3  }
0xc: {  	[smem:$0x3F8A] =	sst s4  }
0xd: {  	[smem:$0x3F8B] =	sst s5  }
0xe: {  	[smem:$0x3F8C] =	sst s6  }
0xf: {  	[smem:$0x3F8D] =	sst s7  }
0x10: {  	[smem:$0x3F8E] =	sst s8  }
0x11: {  	[smem:$0x3F8F] =	sst s9;
	s0 =	simm.s32 @!p0 $0x0  }
0x12: {  	s1 =	sld [smem:$0x3F75];
	s0 =	simm.s32 @p0 $0x1  }
0x13: {  	[smem:$0x3F90] =	sst s0;
	s0 =	simm.s32 @!p1 $0x0  }
0x14: {  	s2 =	sld [smem:$0x3F74];
	s0 =	simm.s32 @p1 $0x1  }
0x15: {  	[smem:$0x3F91] =	sst s0;
	s0 =	simm.s32 @!p2 $0x0  }
0x16: {  	s3 =	sld [smem:$0x3FDB];
	s0 =	simm.s32 @p2 $0x1  }
0x17: {  	s4 =	simm.s32 $0x1BF5;
	[smem:$0x3F93] =	sst s0  }
0x18: {  	s0 =	sld [smem:$0x3F76];
	_ =	swait.ge [sflag:s4], $0x0  }
0x19: {  	s7 =	sld [smem:$0x3F77]  }
0x1a: {  	s8 =	sadd.s32 $0xFFFFE003, lr  }
0x1b: {  	s9 =	sadd.s32 $0xFFFFFEF7, lr;
	s5 =	simm.s32 $0xFFFFFFFF;
	p2 =	slt.u32 s8, $0xFFFFF086  }
0x1c: {  	p1 =	slt.u32 s9, $0xF7A;
	s5 =	simm.s32 @!p2 $0x0  }
0x1d: {  	s5 =	simm.s32 @p1 $0x1;
	p0 =	seq.s32 s7, s2  }
0x1e: {  	s7 =	smul.u32 @!p0 $0xF7A, s2;
	p2 =	seq.s32 @!p0 s5, $0x0  }
0x1f: {  	s9 =	smul.u32 $0xF7A, s1;
	s8 =	simm.s32 @!p0 $0x1BF5;
	p2 =	por !p2, p0  }
0x20: {  	[sflag:s8] =	ssyncset.s32 @!p0 $0xFFFFF086;
	s6 =	sadd.s32 @!p0 s3, s7;
	s7 =	simm.s32 @!p0 $0x108  }
0x21: {  	s3 =	sadd.s32 s3, s9;
	s6 =	sadd.s32 @!p0 $0x88, s6;
	s7 =	simm.s32 @p2 $0x1082  }
0x22: {  	[simem:s7], [sflag:s8] =	dma.local @!p0 [hbm:s6], $0xF7A  }
0x23: {  	s9 =	sor.u32 $0xD0000000, s2;
	s6 =	simm.s32 $0x108;
	_ =	swait.ge @!p0 [sflag:s8], $0x0  }
0x24: {  	s3 =	sadd.s32 $0x88, s3;
	s6 =	simm.s32 @!p1 $0x1082;
	[sflag:s4] =	ssyncset.s32 $0xFFFFF086  }
0x25: {  	[simem:s6], [sflag:s4] =	dma.local [hbm:s3], $0xF7A  }
0x26: {  	[smem:$0x3F77] =	sst s1;
	(tag) =	ssettag s2;
	_ =	strace s9  }
0x27: {  	s1 =	sld [smem:$0x3F87]  }
0x28: {  	s2 =	sld [smem:$0x3F88]  }
0x29: {  	s4 =	sld [smem:$0x3F8A]  }
0x2a: {  	p0 =	seq.s32 s5, $0x0;
	s5 =	sld [smem:$0x3F8B]  }
0x2b: {  	s6 =	sld [smem:$0x3F8C]  }
0x2c: {  	s7 =	sld [smem:$0x3F8D]  }
0x2d: {  	s3 =	simm.s32 $0x108;
	s8 =	sld [smem:$0x3F8E]  }
0x2e: {  	s3 =	simm.s32 @!p0 $0x1082;
	s9 =	sld [smem:$0x3F8F]  }
0x2f: {  	lr =	sadd.s32 s0, s3;
	s0 =	sld [smem:$0x3F86]  }
0x30: {  	s3 =	sld [smem:$0x3F89]  }
0x31: {  	[smem:$0x3F92] =	sst s10  }
0x32: {  	s10 =	sld [smem:$0x3F90];
	_ =	sdelay $0x3  }
0x33: {  	p0 =	seq.s32 s10, $0x1;
	s10 =	sld [smem:$0x3F92];
	_ =	sdelay $0x3  }
0x34: {  	[smem:$0x3F92] =	sst s10  }
0x35: {  	s10 =	sld [smem:$0x3F91];
	_ =	sdelay $0x3  }
0x36: {  	p1 =	seq.s32 s10, $0x1;
	s10 =	sld [smem:$0x3F92];
	_ =	sdelay $0x3  }
0x37: {  	[smem:$0x3F92] =	sst s10  }
0x38: {  	s10 =	sld [smem:$0x3F93]  }
0x39: {  	_ = 	snop;
	(pc) =	sbr.ind lr, $3  }
0x3a: {  	_ = 	snop  }
0x3b: {  	_ = 	snop  }
0x3c: {  	p2 =	seq.s32 s10, $0x1;
	s10 =	sld [smem:$0x3F92]  }
0x3d: {  	_ =	shalt  }
0x3e: {  	_ =	shalt  }
0x3f: {  	_ =	shalt  }
0x40: {  	_ =	shalt  }
0x41: {  	_ =	shalt  }
0x42: {  	_ =	shalt  }
0x43: {  	_ =	shalt  }
0x44: {  	_ =	shalt  }
0x45: {  	_ =	shalt  }
0x46: {  	_ =	shalt  }
0x47: {  	_ =	shalt  }
0x48: {  	_ =	shalt  }
0x49: {  	_ =	shalt  }
0x4a: {  	_ =	shalt  }
0x4b: {  	_ =	shalt  }
0x4c: {  	_ =	shalt  }
0x4d: {  	_ =	shalt  }
0x4e: {  	_ =	shalt  }
0x4f: {  	_ =	shalt  }
0x50: {  	_ =	shalt  }
0x51: {  	_ =	shalt  }
0x52: {  	_ =	shalt  }
0x53: {  	_ =	shalt  }
0x54: {  	_ =	shalt  }
0x55: {  	_ =	shalt  }
0x56: {  	_ =	shalt  }
0x57: {  	_ =	shalt  }
0x58: {  	_ =	shalt  }
0x59: {  	_ =	shalt  }
0x5a: {  	_ =	shalt  }
0x5b: {  	_ =	shalt  }
0x5c: {  	_ =	shalt  }
0x5d: {  	_ =	shalt  }
0x5e: {  	_ =	shalt  }
0x5f: {  	_ =	shalt  }
0x60: {  	_ =	shalt  }
0x61: {  	_ =	shalt  }
0x62: {  	_ =	shalt  }
0x63: {  	_ =	shalt  }
0x64: {  	_ =	shalt  }
0x65: {  	_ =	shalt  }
0x66: {  	_ =	shalt  }
0x67: {  	_ =	shalt  }
0x68: {  	_ =	shalt  }
0x69: {  	_ =	shalt  }
0x6a: {  	_ =	shalt  }
0x6b: {  	_ =	shalt  }
0x6c: {  	_ =	shalt  }
0x6d: {  	_ =	shalt  }
0x6e: {  	_ =	shalt  }
0x6f: {  	_ =	shalt  }
0x70: {  	_ =	shalt  }
0x71: {  	_ =	shalt  }
0x72: {  	_ =	shalt  }
0x73: {  	_ =	shalt  }
0x74: {  	_ =	shalt  }
0x75: {  	_ =	shalt  }
0x76: {  	_ =	shalt  }
0x77: {  	_ =	shalt  }
0x78: {  	_ =	shalt  }
0x79: {  	_ =	shalt  }
0x7a: {  	_ =	shalt  }
0x7b: {  	_ =	shalt  }
0x7c: {  	_ =	shalt  }
0x7d: {  	_ =	shalt  }
0x7e: {  	_ =	shalt  }
0x7f: {  	_ =	shalt  }
0x80: {  	_ =	shalt  }
0x81: {  	_ =	shalt  }
0x82: {  	_ =	shalt  }
0x83: {  	_ =	shalt  }
0x84: {  	_ =	shalt  }
0x85: {  	_ =	shalt  }
0x86: {  	_ =	shalt  }
0x87: {  	_ =	shalt  }
.Lfunc_end0:
.L_simem_size_0:
called_computation.1_lowered:
.L_overlay_start_0:
0x88: {  	s2 =	sld [smem:$0x3FD9]  }
0x89: {  	s3 =	sld [smem:$0x3FFE];
	_ =	sdelay $0x1  }
0x8a: {  	s1 =	srdreg.scid  }
0x8b: {  	s0 =	sand.u32 $0x1, s1  }
0x8c: {  	s17 =	sshll.u32 s0, $0xA;
	s2 =	sadd.s32 s3, s2  }
0x8d: {  	s2 =	sadd.s32 s2, s17  }
0x8e: {  	[smem:$0x3F9E] =	sst s2  }
0x8f: {  	_ = 	snop  }
0x90: {  	(tm) =	ssettm $0x1  }
0x91: {  	s18 =	sld [smem:$0x3FFB];
	_ =	sdelay $0x3  }
0x92: {  	_ =	strace s18  }
0x93: {  	s2 =	sld [smem:$0x3FFC];
	_ =	sdelay $0x3  }
0x94: {  	_ =	strace s2  }
0x95: {  	s2 =	sld [smem:$0x3FFD];
	_ =	sdelay $0x3  }
0x96: {  	_ =	strace s2  }
0x97: {  	_ =	strace $0x8FFFFFFF  }
0x98: {  	s19 =	sld [smem:$0x3FDB];
	_ =	sdelay $0x1  }
0x99: {  	s20 =	simm.s32 $_scs_section_size  }
0x9a: {  	s4 =	simm.s32 $_size__tile_overlayer_lowered;
	s5 =	simm.s32 $_tile_overlayer_lowered  }
0x9b: {  	s6 =	simm.s32 $0x1BFF;
	s21 =	sshll.u32 s5, $0x1;
	s3 =	sadd.s32 s20, s19  }
0x9c: {  	s22 =	simm.s32 $0x0;
	s4 =	sshll.u32 s4, $0x1;
	s5 =	sadd.s32 s21, s3  }
0x9d: {  	[timem:s22], [sflag:s6] =	dma.local [hbm:s5], s4  }
0x9e: {  	_ =	swait.ge [sflag:s6], s4  }
0x9f: {  	s4 =	ssub.s32 $0x0, s4;
	[sflag:s6] =	ssyncset.done $0x0  }
0xa0: {  	[sflag:s6] =	ssyncadd.s32 s4;
	_ =	sdelay $0x1  }
0xa1: {  	s23 =	simm.s32 $0x1B8B  }
0xa2: {  	_ =	swait.ge [sflag:s23], $0x1  }
0xa3: {  	[sflag:s23] =	ssyncset.done $0x0  }
0xa4: {  	[sflag:s23] =	ssyncadd.s32 $0xFFFFFFFF  }
0xa5: {  	s4 =	sld [smem:$0x0]  }
0xa6: {  	s5 =	sand.u32 $0xFFFFFFFE, s1  }
0xa7: {  	p0 =	sne.s32 s1, s5  }
0xa8: {  	s5 =	sshll.u32 @p0 s5, $0xE  }
0xa9: {  	s5 =	sadd.s32 @p0 $0x11B8D, s5;
	s6 =	sshll.u32 @p0 s4, $0x11  }
0xaa: {  	s5 =	sor.u32 @p0 s6, s5  }
0xab: {  	[sflag:s5] =	ssyncadd.remote.s32 @p0 $0x1;
	_ =	sdelay $0x1  }
0xac: {  	s5 =	simm.s32 @p0 $0x1B8D  }
0xad: {  	_ =	swait.eq @p0 [sflag:s5], $0x1  }
0xae: {  	[sflag:s5] =	ssyncadd.s32 @p0 $0xFFFFFFFF  }
0xaf: {  	s6 =	sshll.u32 @!p0 s1, $0xE  }
0xb0: {  	s6 =	sor.u32 @!p0 $0x4000, s6;
	s5 =	simm.s32 @!p0 $0x1B8D  }
0xb1: {  	s4 =	sshll.u32 @!p0 s4, $0x11;
	s6 =	sadd.s32 @!p0 $0x11B8D, s6;
	_ =	swait.eq @!p0 [sflag:s5], $0x1  }
0xb2: {  	s4 =	sor.u32 @!p0 s4, s6;
	[sflag:s5] =	ssyncadd.s32 @!p0 $0xFFFFFFFF  }
0xb3: {  	s25 =	simm.s32 $0x1B8E;
	s24 =	sld [smem:$0x3FFE];
	[sflag:s4] =	ssyncadd.remote.s32 @!p0 $0x1  }
0xb4: {  	s26 =	simm.s32 $execute0_lowered;
	[smem:$0x3FD2] =	sst s25  }
0xb5: {  	s5 =	sshll.u32 s26, $0x1;
	_ =	strace $0x80000049;
	[dreg:$0x1] =	wrdreg $0xFFFFFFFF  }
0xb6: {  	s28 =	simm.s32 $_size_execute0_lowered;
	s3 =	sadd.s32 s3, s5;
	[dreg:$0x0] =	wrdreg $0x0  }
0xb7: {  	s5 =	sshll.u32 s28, $0x1;
	[dreg:$0x2] =	wrdreg s3  }
0xb8: {  	[dreg:$0x3] =	wrdreg s5  }
0xb9: {  	[dreg:$0x4] =	wrdreg $0xC0  }
0xba: {  	_ =	task [dreg:s22], $0x5FFFF  }
0xbb: {  	[dreg:$0x1] =	wrdreg $0xFFFFFFFF  }
0xbc: {  	[dreg:$0x0] =	wrdreg $0x60  }
0xbd: {  	[dreg:$0x2] =	wrdreg s24  }
0xbe: {  	[dreg:$0x3] =	wrdreg $0xA  }
0xbf: {  	_ =	task.clear_ibuf [dreg:s22], $0x4FFFF;
	_ =	strace $0x90000049  }
0xc0: {  	s29 =	simm.s32 $0xA;
	_ =	strace $0x8000004B  }
0xc1: {  	_ =	swait.ge [sflag:s29], $0x1  }
0xc2: {  	[sflag:s29] =	ssyncadd.s32 $0xFFFFFFFF  }
0xc3: {  	_ =	strace $0x9000004B  }
0xc4: {  	_ =	sfence  }
0xc5: {  	s30 =	sld [smem:$0x0];
	_ =	sdelay $0x2  }
0xc6: {  	s31 =	sshll.u32 s1, $0xD;
	s1 =	sshrl.u32 s1, $0x2  }
0xc7: {  	s4 =	sand.u32 $0x4000, s31;
	s1 =	sadd.s32 s1, s30  }
0xc8: {  	s0 =	sor.u32 s4, s0;
	s1 =	sshll.u32 s1, $0x11  }
0xc9: {  	s0 =	sor.u32 s1, s0  }
0xca: {  	s0 =	sadd.s32 $0x8F2B, s0  }
0xcb: {  	[sflag:s0] =	ssyncadd.remote.s32 $0x1  }
0xcc: {  	_ =	sfence.sel $0xFFFF  }
0xcd: {  	[dreg:$0x0] =	wrdreg $0xFFFFFFFF;
	(pc) =	sbr.abs _section_cstart, $3  }
0xce: {  	[dreg:$0x1] =	wrdreg $0xFFFFFFFF  }
0xcf: {  	_ =	task.clear_ibuf [dreg:s22], $0x2FFFF;
	_ =	strace $0x9FFFFFFF  }
0xd0: {  	(tm) =	ssettm $0x7FFFFFFF  }
0xd1: {  	_ =	shalt  }
tec
execute0_lowered:
.L_overlay_start_1:
0x0: {  	(tag) =	ssettag $0x1  }
0x1: {  	s4 =	rddreg [dreg:$0x0]  }
0x2: {  	s0 =	rddreg [dreg:$0x1];
	s2 =	simm.s32 $0x0  }
0x3: {  	s1 =	srdreg.scid;
	s11 =	simm.s32 $0x100;
	s12 =	simm.s32 $0x4100  }
0x4: {  	s13 =	simm.s32 $0x1;
	s14 =	simm.s32 $0x2;
	s5 =	sand.u32 $0x1, s1  }
0x5: {  	s15 =	simm.s32 $0x0;
	s1 =	stileid.u32;
	s6 =	smul.u32 $0x27800, s5  }
0x6: {  	[smem:$0x7FF] =	sst s2;
	s3 =	sadd.s32 $0x169600, s4;
	s7 =	smul.u32 $0x2780, s1  }
0x7: {  	_ =	strace $0x8000004A;
	s8 =	smul.u32 $0x278000, s5;
	s5 =	ssub.s32 $0x2, s5  }
0x8: {  	s29 =	smul.u32 $0x27800, s1;
	s9 =	sshrl.u32 s5, $0x1;
	s6 =	sadd.s32 s7, s6  }
0x9: {  	s8 =	sadd.s32 s8, s4;
	s30 =	ssub.s32 s5, s9;
	s6 =	sshrl.u32 s6, $0x3  }
0xa: {  	s9 =	simm.s32 $0x3;
	s31 =	sadd.s32 s29, s8;
	s10 =	sadd.s32 s6, s4  }
0xb: {  	s4 =	smax.u32 s30, $0x1;
	s5 =	sadd.s32 $0x191600, s31;
	s6 =	sadd.s32 $0x681600, s31  }
0xc: {  	s7 =	sadd.s32 $0xAC00, s10;
	s8 =	sadd.s32 $0x23800, s10;
	s10 =	simm.s32 $0x80  }
.LBB2_1:
0xd: {  	s16 =	sadd.s32 $0x0, s8  }
0xe: {  	[tilespmem:s2], [sflag:$0x3] =	stream.linear.gather [hbm4b:s16+s2], $0x80, $0x38;
	[tilespmem:$0x8100] =	vst v63  }
0xf: {  	_ =	swait.ge [sflag:s9], $0x80  }
0x10: {  	[sflag:s9] =	ssyncset.done $0x0  }
0x11: {  	s31 =	sadd.s32 $0x0, s7;
	[sflag:s9] =	ssyncadd.s32 $0xFFFFFF80  }
0x12: {  	[tilespmem:s10], [sflag:$0x3] =	stream.linear.gather [hbm4b:s31+s2], $0x80, $0x38;
	[tilespmem:$0x8100] =	vst v63  }
0x13: {  	_ =	swait.ge [sflag:s9], $0x80  }
0x14: {  	[sflag:s9] =	ssyncset.done $0x0  }
0x15: {  	[sflag:s9] =	ssyncadd.s32 $0xFFFFFF80  }
0x16: {  	[tilespmem:s11], [sflag:$0x1] =	stream.indirect.gather [hbm4b:s3+s10], $0x80, s2, s10, $0xb8;
	[tilespmem:$0x8100] =	vst v63  }
0x17: {  	_ = 	snop  }
0x18: {  	[tilespmem:s12], [sflag:$0x2] =	stream.indirect.gather [hbm4b:s3+s10], $0x80, s10, s10, $0xb8;
	[tilespmem:$0x8100] =	vst v63  }
0x19: {  	_ =	swait.ge [sflag:s13], $0x4000  }
0x1a: {  	[sflag:s13] =	ssyncset.done $0x0  }
0x1b: {  	[sflag:s13] =	ssyncadd.s32 $0xFFFFC000  }
0x1c: {  	_ =	swait.ge [sflag:s14], $0x4000  }
0x1d: {  	[sflag:s14] =	ssyncset.done $0x0  }
0x1e: {  	[sflag:s14] =	ssyncadd.s32 $0xFFFFC000  }
0x1f: {  	[hbm4b:s5+s2] =	stream.linear.scatter [tilespmem:s11], [sflag:$0x3], $0x4000, $0x38;
	[tilespmem:$0x8100] =	vst v63  }
0x20: {  	_ =	swait.ge [sflag:s9], $0x4000  }
0x21: {  	[sflag:s9] =	ssyncset.done $0x0  }
0x22: {  	[sflag:s9] =	ssyncadd.s32 $0xFFFFC000  }
0x23: {  	[hbm4b:s6+s2] =	stream.linear.scatter [tilespmem:s12], [sflag:$0x3], $0x4000, $0x38;
	[tilespmem:$0x8100] =	vst v63  }
0x24: {  	s18 =	simm.s32 $0x10;
	s19 =	simm.s32 $0x20;
	_ =	swait.ge [sflag:s9], $0x4000  }
0x25: {  	s17 =	sadd.s32 $0x800, s5;
	s16 =	sadd.s32 $0x800, s6;
	[sflag:s9] =	ssyncset.done $0x0  }
.LBB2_2:
0x26: {  	s20 =	sadd.s32 s18, s8  }
0x27: {  	[sflag:s9] =	ssyncadd.s32 $0xFFFFC000;
	s21 =	smov.u32 s19;
	s22 =	sadd.s32 $0x10, s19  }
0x28: {  	[tilespmem:s2], [sflag:$0x3] =	stream.linear.gather [hbm4b:s20+s2], $0x80, $0x38;
	[tilespmem:$0x8100] =	vst v63  }
0x29: {  	p0 =	sne.s32 s19, $0x4E0;
	_ =	swait.ge [sflag:s9], $0x80  }
0x2a: {  	[sflag:s9] =	ssyncset.done $0x0  }
0x2b: {  	s19 =	sadd.s32 s18, s7;
	s18 =	smov.u32 s21;
	[sflag:s9] =	ssyncadd.s32 $0xFFFFFF80  }
0x2c: {  	[tilespmem:s10], [sflag:$0x3] =	stream.linear.gather [hbm4b:s19+s2], $0x80, $0x38;
	[tilespmem:$0x8100] =	vst v63  }
0x2d: {  	_ =	swait.ge [sflag:s9], $0x80  }
0x2e: {  	[sflag:s9] =	ssyncset.done $0x0  }
0x2f: {  	[sflag:s9] =	ssyncadd.s32 $0xFFFFFF80  }
0x30: {  	[tilespmem:s11], [sflag:$0x1] =	stream.indirect.gather [hbm4b:s3+s10], $0x80, s2, s10, $0xb8;
	[tilespmem:$0x8100] =	vst v63  }
0x31: {  	_ = 	snop  }
0x32: {  	[tilespmem:s12], [sflag:$0x2] =	stream.indirect.gather [hbm4b:s3+s10], $0x80, s10, s10, $0xb8;
	[tilespmem:$0x8100] =	vst v63  }
0x33: {  	_ =	swait.ge [sflag:s13], $0x4000  }
0x34: {  	[sflag:s13] =	ssyncset.done $0x0  }
0x35: {  	[sflag:s13] =	ssyncadd.s32 $0xFFFFC000  }
0x36: {  	_ =	swait.ge [sflag:s14], $0x4000  }
0x37: {  	[sflag:s14] =	ssyncset.done $0x0  }
0x38: {  	[sflag:s14] =	ssyncadd.s32 $0xFFFFC000  }
0x39: {  	[hbm4b:s17+s2] =	stream.linear.scatter [tilespmem:s11], [sflag:$0x3], $0x4000, $0x38;
	[tilespmem:$0x8100] =	vst v63  }
0x3a: {  	_ =	swait.ge [sflag:s9], $0x4000  }
.Ltmp0:
0x3b: {  	[sflag:s9] =	ssyncset.done $0x0;
	(pc) =	sbr.rel @p0 .LBB2_2-.Ltmp0, $4  }
0x3c: {  	[sflag:s9] =	ssyncadd.s32 $0xFFFFC000  }
0x3d: {  	[hbm4b:s16+s2] =	stream.linear.scatter [tilespmem:s12], [sflag:$0x3], $0x4000, $0x38;
	[tilespmem:$0x8100] =	vst v63  }
0x3e: {  	s19 =	smov.u32 s22;
	_ =	swait.ge [sflag:s9], $0x4000  }
0x3f: {  	s17 =	sadd.s32 $0x800, s17;
	s16 =	sadd.s32 $0x800, s16;
	[sflag:s9] =	ssyncset.done $0x0  }
0x40: {  	s19 =	sadd.s32 s18, s8;
	[sflag:s9] =	ssyncadd.s32 $0xFFFFC000  }
0x41: {  	[tilespmem:s2], [sflag:$0x3] =	stream.linear.gather [hbm4b:s19+s2], $0x80, $0x38;
	[tilespmem:$0x8100] =	vst v63  }
0x42: {  	_ =	swait.ge [sflag:s9], $0x80  }
0x43: {  	[sflag:s9] =	ssyncset.done $0x0  }
0x44: {  	s31 =	sadd.s32 s18, s7;
	[sflag:s9] =	ssyncadd.s32 $0xFFFFFF80  }
0x45: {  	[tilespmem:s10], [sflag:$0x3] =	stream.linear.gather [hbm4b:s31+s2], $0x80, $0x38;
	[tilespmem:$0x8100] =	vst v63  }
0x46: {  	_ =	swait.ge [sflag:s9], $0x80  }
0x47: {  	[sflag:s9] =	ssyncset.done $0x0  }
0x48: {  	[sflag:s9] =	ssyncadd.s32 $0xFFFFFF80  }
0x49: {  	[tilespmem:s11], [sflag:$0x1] =	stream.indirect.gather [hbm4b:s3+s10], $0x80, s2, s10, $0xb8;
	[tilespmem:$0x8100] =	vst v63  }
0x4a: {  	_ = 	snop  }
0x4b: {  	[tilespmem:s12], [sflag:$0x2] =	stream.indirect.gather [hbm4b:s3+s10], $0x80, s10, s10, $0xb8;
	[tilespmem:$0x8100] =	vst v63  }
0x4c: {  	_ =	swait.ge [sflag:s13], $0x4000  }
0x4d: {  	[sflag:s13] =	ssyncset.done $0x0  }
0x4e: {  	[sflag:s13] =	ssyncadd.s32 $0xFFFFC000  }
0x4f: {  	_ =	swait.ge [sflag:s14], $0x4000  }
0x50: {  	[sflag:s14] =	ssyncset.done $0x0  }
0x51: {  	[sflag:s14] =	ssyncadd.s32 $0xFFFFC000  }
0x52: {  	[hbm4b:s17+s2] =	stream.linear.scatter [tilespmem:s11], [sflag:$0x3], $0x4000, $0x38;
	[tilespmem:$0x8100] =	vst v63  }
0x53: {  	s15 =	sadd.s32 $0x1, s15;
	_ =	swait.ge [sflag:s9], $0x4000  }
0x54: {  	p0 =	sne.s32 s15, s4;
	[sflag:s9] =	ssyncset.done $0x0  }
.Ltmp1:
0x55: {  	[sflag:s9] =	ssyncadd.s32 $0xFFFFC000;
	(pc) =	sbr.rel @p0 .LBB2_1-.Ltmp1, $4  }
0x56: {  	[hbm4b:s16+s2] =	stream.linear.scatter [tilespmem:s12], [sflag:$0x3], $0x4000, $0x38;
	[tilespmem:$0x8100] =	vst v63  }
0x57: {  	_ =	swait.ge [sflag:s9], $0x4000  }
0x58: {  	[sflag:s9] =	ssyncset.done $0x0  }
0x59: {  	[sflag:s9] =	ssyncadd.s32 $0xFFFFC000  }
0x5a: {  	_ =	sfence.sel $0x180000  }
0x5b: {  	[bflag:$0x0] =	sbarrier.arrive $0xFFFF  }
0x5c: {  	p0 =	sne.s32 s1, $0x0;
	_ =	strace $0x9000004A  }
0x5d: {  	s0 =	sadd.s32 @!p0 $0x100000, s0;
	[bflag:$0x2] =	sbarrier.arrive $0xFFFF  }
0x5e: {  	[sflag:s0] =	ssyncadd.tile.s32 @!p0 $0x1;
	_ =	shalt  }
.Lfunc_end2:
_tile_overlayer_lowered:
.L_overlay_start_2:
0x5f: {  	(tag) =	ssettag $0x2  }
0x60: {  	s0 =	rddreg [dreg:$0x0];
	s2 =	stileid.u32  }
0x61: {  	s1 =	rddreg [dreg:$0x1];
	p0 =	sne.s32 s2, $0x0  }
0x62: {  	s3 =	rddreg [dreg:$0x2];
	[bflag:$0x3] =	sbarrier.arrive $0xFFFF;
	s2 =	simm.s32 @!p0 $0x1C03  }
0x63: {  	[timem:s3], [sflag:s2] =	dma.local @!p0 [hbm:s0], s1  }
0x64: {  	s0 =	simm.s32 @!p0 $0x3  }
0x65: {  	_ =	swait.ge @!p0 [sflag:s0], s1  }
0x66: {  	s1 =	ssub.s32 @!p0 $0x0, s1;
	[sflag:s0] =	ssyncset.done @!p0 $0x0  }
0x67: {  	[sflag:s0] =	ssyncadd.s32 @!p0 s1  }
0x68: {  	[bflag:$0x3] =	sbarrier.arrive $0xFFFF  }
0x69: {  	_ =	shalt  }

// kernel: kernel.22.cloned.1.call-start
scs
__scs_entry_jumppad:
0x0: {  	(pc) =	sbr.rel $0x88, $3  }
0x1: {  	(tag) =	ssettag $0x0;
	lr =	simm.s32 $0x1  }
0x2: {  	[smem:$0x3F77] =	sst lr;
	_ =	strace $0xD0000000  }
0x3: {  	_ = 	snop  }
0x4: {  	_ = 	snop  }
0x5: {  	_ = 	snop  }
0x6: {  	_ = 	snop  }
0x7: {  	_ = 	snop  }
__scs_overlays_trampoline_lowered:
0x8: {  	[smem:$0x3F86] =	sst s0  }
0x9: {  	[smem:$0x3F87] =	sst s1  }
0xa: {  	[smem:$0x3F88] =	sst s2  }
0xb: {  	[smem:$0x3F89] =	sst s3  }
0xc: {  	[smem:$0x3F8A] =	sst s4  }
0xd: {  	[smem:$0x3F8B] =	sst s5  }
0xe: {  	[smem:$0x3F8C] =	sst s6  }
0xf: {  	[smem:$0x3F8D] =	sst s7  }
0x10: {  	[smem:$0x3F8E] =	sst s8  }
0x11: {  	[smem:$0x3F8F] =	sst s9;
	s0 =	simm.s32 @!p0 $0x0  }
0x12: {  	s1 =	sld [smem:$0x3F75];
	s0 =	simm.s32 @p0 $0x1  }
0x13: {  	[smem:$0x3F90] =	sst s0;
	s0 =	simm.s32 @!p1 $0x0  }
0x14: {  	s2 =	sld [smem:$0x3F74];
	s0 =	simm.s32 @p1 $0x1  }
0x15: {  	[smem:$0x3F91] =	sst s0;
	s0 =	simm.s32 @!p2 $0x0  }
0x16: {  	s3 =	sld [smem:$0x3FDB];
	s0 =	simm.s32 @p2 $0x1  }
0x17: {  	s4 =	simm.s32 $0x1BF5;
	[smem:$0x3F93] =	sst s0  }
0x18: {  	s0 =	sld [smem:$0x3F76];
	_ =	swait.ge [sflag:s4], $0x0  }
0x19: {  	s7 =	sld [smem:$0x3F77]  }
0x1a: {  	s8 =	sadd.s32 $0xFFFFE003, lr  }
0x1b: {  	s9 =	sadd.s32 $0xFFFFFEF7, lr;
	s5 =	simm.s32 $0xFFFFFFFF;
	p2 =	slt.u32 s8, $0xFFFFF086  }
0x1c: {  	p1 =	slt.u32 s9, $0xF7A;
	s5 =	simm.s32 @!p2 $0x0  }
0x1d: {  	s5 =	simm.s32 @p1 $0x1;
	p0 =	seq.s32 s7, s2  }
0x1e: {  	s7 =	smul.u32 @!p0 $0xF7A, s2;
	p2 =	seq.s32 @!p0 s5, $0x0  }
0x1f: {  	s9 =	smul.u32 $0xF7A, s1;
	s8 =	simm.s32 @!p0 $0x1BF5;
	p2 =	por !p2, p0  }
0x20: {  	[sflag:s8] =	ssyncset.s32 @!p0 $0xFFFFF086;
	s6 =	sadd.s32 @!p0 s3, s7;
	s7 =	simm.s32 @!p0 $0x108  }
0x21: {  	s3 =	sadd.s32 s3, s9;
	s6 =	sadd.s32 @!p0 $0x88, s6;
	s7 =	simm.s32 @p2 $0x1082  }
0x22: {  	[simem:s7], [sflag:s8] =	dma.local @!p0 [hbm:s6], $0xF7A  }
0x23: {  	s9 =	sor.u32 $0xD0000000, s2;
	s6 =	simm.s32 $0x108;
	_ =	swait.ge @!p0 [sflag:s8], $0x0  }
0x24: {  	s3 =	sadd.s32 $0x88, s3;
	s6 =	simm.s32 @!p1 $0x1082;
	[sflag:s4] =	ssyncset.s32 $0xFFFFF086  }
0x25: {  	[simem:s6], [sflag:s4] =	dma.local [hbm:s3], $0xF7A  }
0x26: {  	[smem:$0x3F77] =	sst s1;
	(tag) =	ssettag s2;
	_ =	strace s9  }
0x27: {  	s1 =	sld [smem:$0x3F87]  }
0x28: {  	s2 =	sld [smem:$0x3F88]  }
0x29: {  	s4 =	sld [smem:$0x3F8A]  }
0x2a: {  	p0 =	seq.s32 s5, $0x0;
	s5 =	sld [smem:$0x3F8B]  }
0x2b: {  	s6 =	sld [smem:$0x3F8C]  }
0x2c: {  	s7 =	sld [smem:$0x3F8D]  }
0x2d: {  	s3 =	simm.s32 $0x108;
	s8 =	sld [smem:$0x3F8E]  }
0x2e: {  	s3 =	simm.s32 @!p0 $0x1082;
	s9 =	sld [smem:$0x3F8F]  }
0x2f: {  	lr =	sadd.s32 s0, s3;
	s0 =	sld [smem:$0x3F86]  }
0x30: {  	s3 =	sld [smem:$0x3F89]  }
0x31: {  	[smem:$0x3F92] =	sst s10  }
0x32: {  	s10 =	sld [smem:$0x3F90];
	_ =	sdelay $0x3  }
0x33: {  	p0 =	seq.s32 s10, $0x1;
	s10 =	sld [smem:$0x3F92];
	_ =	sdelay $0x3  }
0x34: {  	[smem:$0x3F92] =	sst s10  }
0x35: {  	s10 =	sld [smem:$0x3F91];
	_ =	sdelay $0x3  }
0x36: {  	p1 =	seq.s32 s10, $0x1;
	s10 =	sld [smem:$0x3F92];
	_ =	sdelay $0x3  }
0x37: {  	[smem:$0x3F92] =	sst s10  }
0x38: {  	s10 =	sld [smem:$0x3F93]  }
0x39: {  	_ = 	snop;
	(pc) =	sbr.ind lr, $3  }
0x3a: {  	_ = 	snop  }
0x3b: {  	_ = 	snop  }
0x3c: {  	p2 =	seq.s32 s10, $0x1;
	s10 =	sld [smem:$0x3F92]  }
0x3d: {  	_ =	shalt  }
0x3e: {  	_ =	shalt  }
0x3f: {  	_ =	shalt  }
0x40: {  	_ =	shalt  }
0x41: {  	_ =	shalt  }
0x42: {  	_ =	shalt  }
0x43: {  	_ =	shalt  }
0x44: {  	_ =	shalt  }
0x45: {  	_ =	shalt  }
0x46: {  	_ =	shalt  }
0x47: {  	_ =	shalt  }
0x48: {  	_ =	shalt  }
0x49: {  	_ =	shalt  }
0x4a: {  	_ =	shalt  }
0x4b: {  	_ =	shalt  }
0x4c: {  	_ =	shalt  }
0x4d: {  	_ =	shalt  }
0x4e: {  	_ =	shalt  }
0x4f: {  	_ =	shalt  }
0x50: {  	_ =	shalt  }
0x51: {  	_ =	shalt  }
0x52: {  	_ =	shalt  }
0x53: {  	_ =	shalt  }
0x54: {  	_ =	shalt  }
0x55: {  	_ =	shalt  }
0x56: {  	_ =	shalt  }
0x57: {  	_ =	shalt  }
0x58: {  	_ =	shalt  }
0x59: {  	_ =	shalt  }
0x5a: {  	_ =	shalt  }
0x5b: {  	_ =	shalt  }
0x5c: {  	_ =	shalt  }
0x5d: {  	_ =	shalt  }
0x5e: {  	_ =	shalt  }
0x5f: {  	_ =	shalt  }
0x60: {  	_ =	shalt  }
0x61: {  	_ =	shalt  }
0x62: {  	_ =	shalt  }
0x63: {  	_ =	shalt  }
0x64: {  	_ =	shalt  }
0x65: {  	_ =	shalt  }
0x66: {  	_ =	shalt  }
0x67: {  	_ =	shalt  }
0x68: {  	_ =	shalt  }
0x69: {  	_ =	shalt  }
0x6a: {  	_ =	shalt  }
0x6b: {  	_ =	shalt  }
0x6c: {  	_ =	shalt  }
0x6d: {  	_ =	shalt  }
0x6e: {  	_ =	shalt  }
0x6f: {  	_ =	shalt  }
0x70: {  	_ =	shalt  }
0x71: {  	_ =	shalt  }
0x72: {  	_ =	shalt  }
0x73: {  	_ =	shalt  }
0x74: {  	_ =	shalt  }
0x75: {  	_ =	shalt  }
0x76: {  	_ =	shalt  }
0x77: {  	_ =	shalt  }
0x78: {  	_ =	shalt  }
0x79: {  	_ =	shalt  }
0x7a: {  	_ =	shalt  }
0x7b: {  	_ =	shalt  }
0x7c: {  	_ =	shalt  }
0x7d: {  	_ =	shalt  }
0x7e: {  	_ =	shalt  }
0x7f: {  	_ =	shalt  }
0x80: {  	_ =	shalt  }
0x81: {  	_ =	shalt  }
0x82: {  	_ =	shalt  }
0x83: {  	_ =	shalt  }
0x84: {  	_ =	shalt  }
0x85: {  	_ =	shalt  }
0x86: {  	_ =	shalt  }
0x87: {  	_ =	shalt  }
.Lfunc_end0:
.L_simem_size_0:
called_computation.2_lowered:
.L_overlay_start_0:
0x88: {  	s2 =	sld [smem:$0x3FD9]  }
0x89: {  	s3 =	sld [smem:$0x3FFE];
	_ =	sdelay $0x1  }
0x8a: {  	s1 =	srdreg.scid  }
0x8b: {  	s0 =	sand.u32 $0x1, s1  }
0x8c: {  	s16 =	sshll.u32 s0, $0xA;
	s2 =	sadd.s32 s3, s2  }
0x8d: {  	s2 =	sadd.s32 s2, s16  }
0x8e: {  	[smem:$0x3F9E] =	sst s2  }
0x8f: {  	_ = 	snop  }
0x90: {  	(tm) =	ssettm $0x1  }
0x91: {  	s17 =	sld [smem:$0x3FFB];
	_ =	sdelay $0x3  }
0x92: {  	_ =	strace s17  }
0x93: {  	s2 =	sld [smem:$0x3FFC];
	_ =	sdelay $0x3  }
0x94: {  	_ =	strace s2  }
0x95: {  	s2 =	sld [smem:$0x3FFD];
	_ =	sdelay $0x3  }
0x96: {  	_ =	strace s2  }
0x97: {  	_ =	strace $0x8FFFFFFF  }
0x98: {  	s18 =	sld [smem:$0x3FDB];
	_ =	sdelay $0x1  }
0x99: {  	s19 =	simm.s32 $_scs_section_size  }
0x9a: {  	s4 =	simm.s32 $_size__tile_overlayer_lowered;
	s5 =	simm.s32 $_tile_overlayer_lowered  }
0x9b: {  	s22 =	simm.s32 $0x1BFF;
	s21 =	sshll.u32 s5, $0x1;
	s2 =	sadd.s32 s19, s18  }
0x9c: {  	s6 =	simm.s32 $0x0;
	s20 =	sshll.u32 s4, $0x1;
	s4 =	sadd.s32 s21, s2  }
0x9d: {  	[timem:s6], [sflag:s22] =	dma.local [hbm:s4], s20  }
0x9e: {  	_ =	swait.ge [sflag:s22], s20  }
0x9f: {  	s3 =	ssub.s32 $0x0, s20;
	[sflag:s22] =	ssyncset.done $0x0  }
0xa0: {  	[sflag:s22] =	ssyncadd.s32 s3;
	_ =	sdelay $0x1  }
0xa1: {  	s23 =	simm.s32 $0x1B8B  }
0xa2: {  	_ =	swait.ge [sflag:s23], $0x1  }
0xa3: {  	[sflag:s23] =	ssyncset.done $0x0  }
0xa4: {  	s25 =	simm.s32 $0x1B8E;
	s24 =	sld [smem:$0x3FFE];
	[sflag:s23] =	ssyncadd.s32 $0xFFFFFFFF  }
0xa5: {  	s26 =	simm.s32 $execute0_lowered;
	[smem:$0x3FD2] =	sst s25  }
0xa6: {  	s4 =	sshll.u32 s26, $0x1;
	_ =	strace $0x8000004C;
	[dreg:$0x1] =	wrdreg $0xFFFFFFFF  }
0xa7: {  	s28 =	simm.s32 $_size_execute0_lowered;
	s2 =	sadd.s32 s2, s4;
	[dreg:$0x0] =	wrdreg $0x0  }
0xa8: {  	s4 =	sshll.u32 s28, $0x1;
	[dreg:$0x2] =	wrdreg s2  }
0xa9: {  	[dreg:$0x3] =	wrdreg s4  }
0xaa: {  	[dreg:$0x4] =	wrdreg $0xC0  }
0xab: {  	_ =	task [dreg:s6], $0x5FFFF  }
0xac: {  	[dreg:$0x1] =	wrdreg $0xFFFFFFFF  }
0xad: {  	[dreg:$0x0] =	wrdreg $0x60  }
0xae: {  	[dreg:$0x2] =	wrdreg s24  }
0xaf: {  	[dreg:$0x3] =	wrdreg $0x40800  }
0xb0: {  	[dreg:$0x4] =	wrdreg $0x9  }
0xb1: {  	_ =	task.clear_ibuf [dreg:s6], $0x5FFFF;
	_ =	strace $0x9000004C  }
0xb2: {  	s29 =	simm.s32 $0x9;
	_ =	strace $0x8000004E  }
0xb3: {  	_ =	swait.ge [sflag:s29], $0x1  }
0xb4: {  	[sflag:s29] =	ssyncadd.s32 $0xFFFFFFFF  }
0xb5: {  	_ =	strace $0x9000004E  }
0xb6: {  	_ =	sfence  }
0xb7: {  	s30 =	sld [smem:$0x0];
	_ =	sdelay $0x2  }
0xb8: {  	s31 =	sshll.u32 s1, $0xD;
	s1 =	sshrl.u32 s1, $0x2  }
0xb9: {  	s3 =	sand.u32 $0x4000, s31;
	s1 =	sadd.s32 s1, s30  }
0xba: {  	s0 =	sor.u32 s3, s0;
	s1 =	sshll.u32 s1, $0x11  }
0xbb: {  	s0 =	sor.u32 s1, s0  }
0xbc: {  	s0 =	sadd.s32 $0x8F2B, s0  }
0xbd: {  	[sflag:s0] =	ssyncadd.remote.s32 $0x1  }
0xbe: {  	_ =	sfence.sel $0xFFFF  }
0xbf: {  	[dreg:$0x0] =	wrdreg $0xFFFFFFFF;
	(pc) =	sbr.abs _section_cstart, $3  }
0xc0: {  	[dreg:$0x1] =	wrdreg $0xFFFFFFFF  }
0xc1: {  	_ =	task.clear_ibuf [dreg:s6], $0x2FFFF;
	_ =	strace $0x9FFFFFFF  }
0xc2: {  	(tm) =	ssettm $0x7FFFFFFF  }
0xc3: {  	_ =	shalt  }
tec
execute0_lowered:
.L_overlay_start_1:
0x0: {  	(tag) =	ssettag $0x1  }
0x1: {  	s1 =	stileid.u32  }
0x2: {  	s5 =	rddreg [dreg:$0x0];
	s6 =	smul.u32 $0x2780, s1  }
0x3: {  	s0 =	srdreg.scid;
	s10 =	smul.u32 $0x280, s1  }
0x4: {  	s2 =	rddreg [dreg:$0x1];
	s23 =	smul.u32 $0x50000, s1  }
0x5: {  	s3 =	simm.s32 $0x0;
	s7 =	sand.u32 $0x1, s0;
	s30 =	smul.u32 $0x27800, s1  }
0x6: {  	s20 =	simm.s32 $0x0;
	s0 =	rddreg [dreg:$0x2];
	s4 =	smul.u32 $0x27800, s7  }
0x7: {  	[smem:$0x7FF] =	sst s3;
	s14 =	sadd.s32 $0x2D600, s5;
	s8 =	smul.u32 $0x278000, s7  }
0x8: {  	_ =	strace $0x8000004D;
	s22 =	ssub.s32 $0x2, s7;
	s19 =	smul.u32 $0x2800, s7  }
0x9: {  	s24 =	sshrl.u32 s22, $0x1;
	s25 =	sshrl.u32 s23, $0x2;
	s11 =	sadd.s32 $0x80, s10  }
0xa: {  	s12 =	sadd.s32 $0x100, s10;
	s13 =	sadd.s32 $0x180, s10;
	s18 =	sadd.s32 $0x200, s10  }
0xb: {  	s4 =	sadd.s32 s6, s4;
	s15 =	sadd.s32 s8, s5;
	s16 =	ssub.s32 s22, s24  }
0xc: {  	s26 =	sshll.u32 s11, $0x7;
	s28 =	sshll.u32 s12, $0x7;
	s9 =	sshll.u32 s13, $0x7  }
0xd: {  	s29 =	sshll.u32 s18, $0x7;
	s10 =	sadd.s32 s10, s19;
	s11 =	sadd.s32 s19, s11  }
0xe: {  	s12 =	sadd.s32 s19, s12;
	s13 =	sadd.s32 s19, s13;
	s18 =	sadd.s32 s19, s18  }
0xf: {  	s19 =	simm.s32 $0x1;
	s4 =	sshrl.u32 s4, $0x3;
	s6 =	sadd.s32 s26, s2  }
0x10: {  	s7 =	sadd.s32 s28, s2;
	s8 =	sadd.s32 s9, s2;
	s9 =	sadd.s32 s29, s2  }
0x11: {  	s10 =	sshll.u32 s10, $0x4;
	s11 =	sshll.u32 s11, $0x4;
	s12 =	sshll.u32 s12, $0x4  }
0x12: {  	s13 =	sshll.u32 s13, $0x4;
	s18 =	sshll.u32 s18, $0x4;
	s31 =	sadd.s32 s30, s15  }
0x13: {  	s15 =	smax.u32 s16, $0x1;
	s17 =	sadd.s32 s4, s5;
	s4 =	sadd.s32 $0x1E800, s5  }
0x14: {  	s5 =	sadd.s32 s25, s2;
	s10 =	sadd.s32 s14, s10;
	s11 =	sadd.s32 s14, s11  }
0x15: {  	s12 =	sadd.s32 s14, s12;
	s13 =	sadd.s32 s14, s13;
	s14 =	sadd.s32 s14, s18  }
0x16: {  	s16 =	sadd.s32 $0x1551600, s31;
	s18 =	simm.s32 $0x80;
	s17 =	sadd.s32 $0x14A00, s17  }
.LBB2_1:
0x17: {  	[tilespmem:s18], [sflag:$0x1] =	stream.linear.gather [hbm4b:s4+s3], $0x4000, $0x38;
	[tilespmem:$0x18080] =	vst v63  }
0x18: {  	_ =	swait.ge [sflag:s19], $0x4000  }
0x19: {  	[sflag:s19] =	ssyncset.done $0x0  }
0x1a: {  	[sflag:s19] =	ssyncadd.s32 $0xFFFFC000  }
0x1b: {  	[spmem:s5] =	stream.linear.scatter [tilespmem:s18], [sflag:$0x1], $0x4000, $0x38;
	[tilespmem:$0x18080] =	vst v63  }
0x1c: {  	_ =	swait.ge [sflag:s19], $0x4000  }
0x1d: {  	[sflag:s19] =	ssyncset.done $0x0  }
0x1e: {  	[sflag:s19] =	ssyncadd.s32 $0xFFFFC000  }
0x1f: {  	[spmem:s6] =	stream.linear.scatter [tilespmem:s18], [sflag:$0x1], $0x4000, $0x38;
	[tilespmem:$0x18080] =	vst v63  }
0x20: {  	_ =	swait.ge [sflag:s19], $0x4000  }
0x21: {  	[sflag:s19] =	ssyncset.done $0x0  }
0x22: {  	[sflag:s19] =	ssyncadd.s32 $0xFFFFC000  }
0x23: {  	[spmem:s7] =	stream.linear.scatter [tilespmem:s18], [sflag:$0x1], $0x4000, $0x38;
	[tilespmem:$0x18080] =	vst v63  }
0x24: {  	_ =	swait.ge [sflag:s19], $0x4000  }
0x25: {  	[sflag:s19] =	ssyncset.done $0x0  }
0x26: {  	[sflag:s19] =	ssyncadd.s32 $0xFFFFC000  }
0x27: {  	[spmem:s8] =	stream.linear.scatter [tilespmem:s18], [sflag:$0x1], $0x4000, $0x38;
	[tilespmem:$0x18080] =	vst v63  }
0x28: {  	_ =	swait.ge [sflag:s19], $0x4000  }
0x29: {  	[sflag:s19] =	ssyncset.done $0x0  }
0x2a: {  	[sflag:s19] =	ssyncadd.s32 $0xFFFFC000  }
0x2b: {  	[spmem:s9] =	stream.linear.scatter [tilespmem:s18], [sflag:$0x1], $0x4000, $0x38;
	[tilespmem:$0x18080] =	vst v63  }
0x2c: {  	_ =	swait.ge [sflag:s19], $0x4000  }
0x2d: {  	[sflag:s19] =	ssyncset.done $0x0  }
0x2e: {  	[sflag:s19] =	ssyncadd.s32 $0xFFFFC000  }
0x2f: {  	s21 =	sadd.s32 $0x0, s17;
	[bflag:$0x0] =	sbarrier.arrive $0xFFFF  }
0x30: {  	[tilespmem:s3], [sflag:$0x1] =	stream.linear.gather [hbm4b:s21+s3], $0x80, $0x38;
	[tilespmem:$0x18080] =	vst v63  }
0x31: {  	_ =	swait.ge [sflag:s19], $0x80  }
0x32: {  	[sflag:s19] =	ssyncset.done $0x0  }
0x33: {  	[sflag:s19] =	ssyncadd.s32 $0xFFFFFF80  }
0x34: {  	[tilespmem:s18], [sflag:$0x1] =	stream.linear.gather [hbm4b:s16+s3], $0x4000, $0x38;
	[tilespmem:$0x18080] =	vst v63  }
0x35: {  	_ =	swait.ge [sflag:s19], $0x4000  }
0x36: {  	[sflag:s19] =	ssyncset.done $0x0  }
0x37: {  	[sflag:s19] =	ssyncadd.s32 $0xFFFFC000  }
0x38: {  	[spmem:s2] =	stream.indirect.scatter.add.f32 [tilespmem:s18], [sflag:$0x1], $0x80, s3, s18, $0xb8;
	[tilespmem:$0x18080] =	vst v63  }
0x39: {  	s22 =	simm.s32 $0x10;
	_ =	swait.ge [sflag:s19], $0x4000  }
0x3a: {  	s23 =	simm.s32 $0x20;
	s21 =	sadd.s32 $0x800, s16;
	[sflag:s19] =	ssyncset.done $0x0  }
.LBB2_2:
0x3b: {  	s24 =	sadd.s32 s22, s17  }
0x3c: {  	[sflag:s19] =	ssyncadd.s32 $0xFFFFC000;
	s22 =	smov.u32 s23;
	s25 =	sadd.s32 $0x10, s23  }
0x3d: {  	[tilespmem:s3], [sflag:$0x1] =	stream.linear.gather [hbm4b:s24+s3], $0x80, $0x38;
	[tilespmem:$0x18080] =	vst v63  }
0x3e: {  	p0 =	sne.s32 s23, $0x4E0;
	_ =	swait.ge [sflag:s19], $0x80  }
0x3f: {  	[sflag:s19] =	ssyncset.done $0x0  }
0x40: {  	[sflag:s19] =	ssyncadd.s32 $0xFFFFFF80  }
0x41: {  	[tilespmem:s18], [sflag:$0x1] =	stream.linear.gather [hbm4b:s21+s3], $0x4000, $0x38;
	[tilespmem:$0x18080] =	vst v63  }
0x42: {  	_ =	swait.ge [sflag:s19], $0x4000  }
.Ltmp0:
0x43: {  	[sflag:s19] =	ssyncset.done $0x0;
	(pc) =	sbr.rel @p0 .LBB2_2-.Ltmp0, $4  }
0x44: {  	[sflag:s19] =	ssyncadd.s32 $0xFFFFC000  }
0x45: {  	[spmem:s2] =	stream.indirect.scatter.add.f32 [tilespmem:s18], [sflag:$0x1], $0x80, s3, s18, $0xb8;
	[tilespmem:$0x18080] =	vst v63  }
0x46: {  	_ =	swait.ge [sflag:s19], $0x4000  }
0x47: {  	s23 =	smov.u32 s25;
	s21 =	sadd.s32 $0x800, s21;
	[sflag:s19] =	ssyncset.done $0x0  }
0x48: {  	s22 =	sadd.s32 s22, s17;
	[sflag:s19] =	ssyncadd.s32 $0xFFFFC000  }
0x49: {  	[tilespmem:s3], [sflag:$0x1] =	stream.linear.gather [hbm4b:s22+s3], $0x80, $0x38;
	[tilespmem:$0x18080] =	vst v63  }
0x4a: {  	_ =	swait.ge [sflag:s19], $0x80  }
0x4b: {  	[sflag:s19] =	ssyncset.done $0x0  }
0x4c: {  	[sflag:s19] =	ssyncadd.s32 $0xFFFFFF80  }
0x4d: {  	[tilespmem:s18], [sflag:$0x1] =	stream.linear.gather [hbm4b:s21+s3], $0x4000, $0x38;
	[tilespmem:$0x18080] =	vst v63  }
0x4e: {  	_ =	swait.ge [sflag:s19], $0x4000  }
0x4f: {  	[sflag:s19] =	ssyncset.done $0x0  }
0x50: {  	[sflag:s19] =	ssyncadd.s32 $0xFFFFC000  }
0x51: {  	[spmem:s2] =	stream.indirect.scatter.add.f32 [tilespmem:s18], [sflag:$0x1], $0x80, s3, s18, $0xb8;
	[tilespmem:$0x18080] =	vst v63  }
0x52: {  	_ =	swait.ge [sflag:s19], $0x4000  }
0x53: {  	[sflag:s19] =	ssyncset.done $0x0  }
0x54: {  	[sflag:s19] =	ssyncadd.s32 $0xFFFFC000  }
0x55: {  	[bflag:$0x0] =	sbarrier.arrive $0xFFFF  }
0x56: {  	[tilespmem:s18], [sflag:$0x1] =	stream.linear.gather [spmem:s5], $0x4000, $0x38;
	[tilespmem:$0x18080] =	vst v63  }
0x57: {  	_ =	swait.ge [sflag:s19], $0x4000  }
0x58: {  	[sflag:s19] =	ssyncset.done $0x0  }
0x59: {  	[sflag:s19] =	ssyncadd.s32 $0xFFFFC000  }
0x5a: {  	[hbm4b:s10+s3] =	stream.linear.scatter [tilespmem:s18], [sflag:$0x1], $0x4000, $0x38;
	[tilespmem:$0x18080] =	vst v63  }
0x5b: {  	_ =	swait.ge [sflag:s19], $0x4000  }
0x5c: {  	[sflag:s19] =	ssyncset.done $0x0  }
0x5d: {  	[sflag:s19] =	ssyncadd.s32 $0xFFFFC000  }
0x5e: {  	[tilespmem:s18], [sflag:$0x1] =	stream.linear.gather [spmem:s6], $0x4000, $0x38;
	[tilespmem:$0x18080] =	vst v63  }
0x5f: {  	_ =	swait.ge [sflag:s19], $0x4000  }
0x60: {  	[sflag:s19] =	ssyncset.done $0x0  }
0x61: {  	[sflag:s19] =	ssyncadd.s32 $0xFFFFC000  }
0x62: {  	[hbm4b:s11+s3] =	stream.linear.scatter [tilespmem:s18], [sflag:$0x1], $0x4000, $0x38;
	[tilespmem:$0x18080] =	vst v63  }
0x63: {  	_ =	swait.ge [sflag:s19], $0x4000  }
0x64: {  	[sflag:s19] =	ssyncset.done $0x0  }
0x65: {  	[sflag:s19] =	ssyncadd.s32 $0xFFFFC000  }
0x66: {  	[tilespmem:s18], [sflag:$0x1] =	stream.linear.gather [spmem:s7], $0x4000, $0x38;
	[tilespmem:$0x18080] =	vst v63  }
0x67: {  	_ =	swait.ge [sflag:s19], $0x4000  }
0x68: {  	[sflag:s19] =	ssyncset.done $0x0  }
0x69: {  	[sflag:s19] =	ssyncadd.s32 $0xFFFFC000  }
0x6a: {  	[hbm4b:s12+s3] =	stream.linear.scatter [tilespmem:s18], [sflag:$0x1], $0x4000, $0x38;
	[tilespmem:$0x18080] =	vst v63  }
0x6b: {  	_ =	swait.ge [sflag:s19], $0x4000  }
0x6c: {  	[sflag:s19] =	ssyncset.done $0x0  }
0x6d: {  	[sflag:s19] =	ssyncadd.s32 $0xFFFFC000  }
0x6e: {  	[tilespmem:s18], [sflag:$0x1] =	stream.linear.gather [spmem:s8], $0x4000, $0x38;
	[tilespmem:$0x18080] =	vst v63  }
0x6f: {  	_ =	swait.ge [sflag:s19], $0x4000  }
0x70: {  	[sflag:s19] =	ssyncset.done $0x0  }
0x71: {  	[sflag:s19] =	ssyncadd.s32 $0xFFFFC000  }
0x72: {  	[hbm4b:s13+s3] =	stream.linear.scatter [tilespmem:s18], [sflag:$0x1], $0x4000, $0x38;
	[tilespmem:$0x18080] =	vst v63  }
0x73: {  	_ =	swait.ge [sflag:s19], $0x4000  }
0x74: {  	[sflag:s19] =	ssyncset.done $0x0  }
0x75: {  	[sflag:s19] =	ssyncadd.s32 $0xFFFFC000  }
0x76: {  	[tilespmem:s18], [sflag:$0x1] =	stream.linear.gather [spmem:s9], $0x4000, $0x38;
	[tilespmem:$0x18080] =	vst v63  }
0x77: {  	s20 =	sadd.s32 $0x1, s20;
	_ =	swait.ge [sflag:s19], $0x4000  }
0x78: {  	p0 =	sne.s32 s20, s15;
	[sflag:s19] =	ssyncset.done $0x0  }
.Ltmp1:
0x79: {  	[sflag:s19] =	ssyncadd.s32 $0xFFFFC000;
	(pc) =	sbr.rel @p0 .LBB2_1-.Ltmp1, $4  }
0x7a: {  	[hbm4b:s14+s3] =	stream.linear.scatter [tilespmem:s18], [sflag:$0x1], $0x4000, $0x38;
	[tilespmem:$0x18080] =	vst v63  }
0x7b: {  	_ =	swait.ge [sflag:s19], $0x4000  }
0x7c: {  	[sflag:s19] =	ssyncset.done $0x0  }
0x7d: {  	[sflag:s19] =	ssyncadd.s32 $0xFFFFC000  }
0x7e: {  	_ =	sfence.sel $0x180000  }
0x7f: {  	[bflag:$0x0] =	sbarrier.arrive $0xFFFF  }
0x80: {  	p0 =	sne.s32 s1, $0x0;
	_ =	strace $0x9000004D  }
0x81: {  	s0 =	sadd.s32 @!p0 $0x100000, s0;
	[bflag:$0x2] =	sbarrier.arrive $0xFFFF  }
0x82: {  	[sflag:s0] =	ssyncadd.tile.s32 @!p0 $0x1;
	_ =	shalt  }
.Lfunc_end2:
_tile_overlayer_lowered:
.L_overlay_start_2:
0x83: {  	(tag) =	ssettag $0x2  }
0x84: {  	s0 =	rddreg [dreg:$0x0];
	s2 =	stileid.u32  }
0x85: {  	s1 =	rddreg [dreg:$0x1];
	p0 =	sne.s32 s2, $0x0  }
0x86: {  	s3 =	rddreg [dreg:$0x2];
	[bflag:$0x3] =	sbarrier.arrive $0xFFFF;
	s2 =	simm.s32 @!p0 $0x1C01  }
0x87: {  	[timem:s3], [sflag:s2] =	dma.local @!p0 [hbm:s0], s1  }
0x88: {  	s0 =	simm.s32 @!p0 $0x1  }
0x89: {  	_ =	swait.ge @!p0 [sflag:s0], s1  }
0x8a: {  	s1 =	ssub.s32 @!p0 $0x0, s1;
	[sflag:s0] =	ssyncset.done @!p0 $0x0  }
0x8b: {  	[sflag:s0] =	ssyncadd.s32 @!p0 s1  }
0x8c: {  	[bflag:$0x3] =	sbarrier.arrive $0xFFFF  }
0x8d: {  	_ =	shalt  }

// kernel: kernel.25.cloned.1.call-start
scs
__scs_entry_jumppad:
0x0: {  	(pc) =	sbr.rel $0x88, $3  }
0x1: {  	(tag) =	ssettag $0x0;
	lr =	simm.s32 $0x1  }
0x2: {  	[smem:$0x3F77] =	sst lr;
	_ =	strace $0xD0000000  }
0x3: {  	_ = 	snop  }
0x4: {  	_ = 	snop  }
0x5: {  	_ = 	snop  }
0x6: {  	_ = 	snop  }
0x7: {  	_ = 	snop  }
__scs_overlays_trampoline_lowered:
0x8: {  	[smem:$0x3F86] =	sst s0  }
0x9: {  	[smem:$0x3F87] =	sst s1  }
0xa: {  	[smem:$0x3F88] =	sst s2  }
0xb: {  	[smem:$0x3F89] =	sst s3  }
0xc: {  	[smem:$0x3F8A] =	sst s4  }
0xd: {  	[smem:$0x3F8B] =	sst s5  }
0xe: {  	[smem:$0x3F8C] =	sst s6  }
0xf: {  	[smem:$0x3F8D] =	sst s7  }
0x10: {  	[smem:$0x3F8E] =	sst s8  }
0x11: {  	[smem:$0x3F8F] =	sst s9;
	s0 =	simm.s32 @!p0 $0x0  }
0x12: {  	s1 =	sld [smem:$0x3F75];
	s0 =	simm.s32 @p0 $0x1  }
0x13: {  	[smem:$0x3F90] =	sst s0;
	s0 =	simm.s32 @!p1 $0x0  }
0x14: {  	s2 =	sld [smem:$0x3F74];
	s0 =	simm.s32 @p1 $0x1  }
0x15: {  	[smem:$0x3F91] =	sst s0;
	s0 =	simm.s32 @!p2 $0x0  }
0x16: {  	s3 =	sld [smem:$0x3FDB];
	s0 =	simm.s32 @p2 $0x1  }
0x17: {  	s4 =	simm.s32 $0x1BF5;
	[smem:$0x3F93] =	sst s0  }
0x18: {  	s0 =	sld [smem:$0x3F76];
	_ =	swait.ge [sflag:s4], $0x0  }
0x19: {  	s7 =	sld [smem:$0x3F77]  }
0x1a: {  	s8 =	sadd.s32 $0xFFFFE003, lr  }
0x1b: {  	s9 =	sadd.s32 $0xFFFFFEF7, lr;
	s5 =	simm.s32 $0xFFFFFFFF;
	p2 =	slt.u32 s8, $0xFFFFF086  }
0x1c: {  	p1 =	slt.u32 s9, $0xF7A;
	s5 =	simm.s32 @!p2 $0x0  }
0x1d: {  	s5 =	simm.s32 @p1 $0x1;
	p0 =	seq.s32 s7, s2  }
0x1e: {  	s7 =	smul.u32 @!p0 $0xF7A, s2;
	p2 =	seq.s32 @!p0 s5, $0x0  }
0x1f: {  	s9 =	smul.u32 $0xF7A, s1;
	s8 =	simm.s32 @!p0 $0x1BF5;
	p2 =	por !p2, p0  }
0x20: {  	[sflag:s8] =	ssyncset.s32 @!p0 $0xFFFFF086;
	s6 =	sadd.s32 @!p0 s3, s7;
	s7 =	simm.s32 @!p0 $0x108  }
0x21: {  	s3 =	sadd.s32 s3, s9;
	s6 =	sadd.s32 @!p0 $0x88, s6;
	s7 =	simm.s32 @p2 $0x1082  }
0x22: {  	[simem:s7], [sflag:s8] =	dma.local @!p0 [hbm:s6], $0xF7A  }
0x23: {  	s9 =	sor.u32 $0xD0000000, s2;
	s6 =	simm.s32 $0x108;
	_ =	swait.ge @!p0 [sflag:s8], $0x0  }
0x24: {  	s3 =	sadd.s32 $0x88, s3;
	s6 =	simm.s32 @!p1 $0x1082;
	[sflag:s4] =	ssyncset.s32 $0xFFFFF086  }
0x25: {  	[simem:s6], [sflag:s4] =	dma.local [hbm:s3], $0xF7A  }
0x26: {  	[smem:$0x3F77] =	sst s1;
	(tag) =	ssettag s2;
	_ =	strace s9  }
0x27: {  	s1 =	sld [smem:$0x3F87]  }
0x28: {  	s2 =	sld [smem:$0x3F88]  }
0x29: {  	s4 =	sld [smem:$0x3F8A]  }
0x2a: {  	p0 =	seq.s32 s5, $0x0;
	s5 =	sld [smem:$0x3F8B]  }
0x2b: {  	s6 =	sld [smem:$0x3F8C]  }
0x2c: {  	s7 =	sld [smem:$0x3F8D]  }
0x2d: {  	s3 =	simm.s32 $0x108;
	s8 =	sld [smem:$0x3F8E]  }
0x2e: {  	s3 =	simm.s32 @!p0 $0x1082;
	s9 =	sld [smem:$0x3F8F]  }
0x2f: {  	lr =	sadd.s32 s0, s3;
	s0 =	sld [smem:$0x3F86]  }
0x30: {  	s3 =	sld [smem:$0x3F89]  }
0x31: {  	[smem:$0x3F92] =	sst s10  }
0x32: {  	s10 =	sld [smem:$0x3F90];
	_ =	sdelay $0x3  }
0x33: {  	p0 =	seq.s32 s10, $0x1;
	s10 =	sld [smem:$0x3F92];
	_ =	sdelay $0x3  }
0x34: {  	[smem:$0x3F92] =	sst s10  }
0x35: {  	s10 =	sld [smem:$0x3F91];
	_ =	sdelay $0x3  }
0x36: {  	p1 =	seq.s32 s10, $0x1;
	s10 =	sld [smem:$0x3F92];
	_ =	sdelay $0x3  }
0x37: {  	[smem:$0x3F92] =	sst s10  }
0x38: {  	s10 =	sld [smem:$0x3F93]  }
0x39: {  	_ = 	snop;
	(pc) =	sbr.ind lr, $3  }
0x3a: {  	_ = 	snop  }
0x3b: {  	_ = 	snop  }
0x3c: {  	p2 =	seq.s32 s10, $0x1;
	s10 =	sld [smem:$0x3F92]  }
0x3d: {  	_ =	shalt  }
0x3e: {  	_ =	shalt  }
0x3f: {  	_ =	shalt  }
0x40: {  	_ =	shalt  }
0x41: {  	_ =	shalt  }
0x42: {  	_ =	shalt  }
0x43: {  	_ =	shalt  }
0x44: {  	_ =	shalt  }
0x45: {  	_ =	shalt  }
0x46: {  	_ =	shalt  }
0x47: {  	_ =	shalt  }
0x48: {  	_ =	shalt  }
0x49: {  	_ =	shalt  }
0x4a: {  	_ =	shalt  }
0x4b: {  	_ =	shalt  }
0x4c: {  	_ =	shalt  }
0x4d: {  	_ =	shalt  }
0x4e: {  	_ =	shalt  }
0x4f: {  	_ =	shalt  }
0x50: {  	_ =	shalt  }
0x51: {  	_ =	shalt  }
0x52: {  	_ =	shalt  }
0x53: {  	_ =	shalt  }
0x54: {  	_ =	shalt  }
0x55: {  	_ =	shalt  }
0x56: {  	_ =	shalt  }
0x57: {  	_ =	shalt  }
0x58: {  	_ =	shalt  }
0x59: {  	_ =	shalt  }
0x5a: {  	_ =	shalt  }
0x5b: {  	_ =	shalt  }
0x5c: {  	_ =	shalt  }
0x5d: {  	_ =	shalt  }
0x5e: {  	_ =	shalt  }
0x5f: {  	_ =	shalt  }
0x60: {  	_ =	shalt  }
0x61: {  	_ =	shalt  }
0x62: {  	_ =	shalt  }
0x63: {  	_ =	shalt  }
0x64: {  	_ =	shalt  }
0x65: {  	_ =	shalt  }
0x66: {  	_ =	shalt  }
0x67: {  	_ =	shalt  }
0x68: {  	_ =	shalt  }
0x69: {  	_ =	shalt  }
0x6a: {  	_ =	shalt  }
0x6b: {  	_ =	shalt  }
0x6c: {  	_ =	shalt  }
0x6d: {  	_ =	shalt  }
0x6e: {  	_ =	shalt  }
0x6f: {  	_ =	shalt  }
0x70: {  	_ =	shalt  }
0x71: {  	_ =	shalt  }
0x72: {  	_ =	shalt  }
0x73: {  	_ =	shalt  }
0x74: {  	_ =	shalt  }
0x75: {  	_ =	shalt  }
0x76: {  	_ =	shalt  }
0x77: {  	_ =	shalt  }
0x78: {  	_ =	shalt  }
0x79: {  	_ =	shalt  }
0x7a: {  	_ =	shalt  }
0x7b: {  	_ =	shalt  }
0x7c: {  	_ =	shalt  }
0x7d: {  	_ =	shalt  }
0x7e: {  	_ =	shalt  }
0x7f: {  	_ =	shalt  }
0x80: {  	_ =	shalt  }
0x81: {  	_ =	shalt  }
0x82: {  	_ =	shalt  }
0x83: {  	_ =	shalt  }
0x84: {  	_ =	shalt  }
0x85: {  	_ =	shalt  }
0x86: {  	_ =	shalt  }
0x87: {  	_ =	shalt  }
.Lfunc_end0:
.L_simem_size_0:
called_computation.3_lowered:
.L_overlay_start_0:
0x88: {  	s2 =	sld [smem:$0x3FD9]  }
0x89: {  	s3 =	sld [smem:$0x3FFE];
	_ =	sdelay $0x1  }
0x8a: {  	s1 =	srdreg.scid  }
0x8b: {  	s0 =	sand.u32 $0x1, s1  }
0x8c: {  	s16 =	sshll.u32 s0, $0xA;
	s2 =	sadd.s32 s3, s2  }
0x8d: {  	s2 =	sadd.s32 s2, s16  }
0x8e: {  	[smem:$0x3F9E] =	sst s2  }
0x8f: {  	_ = 	snop  }
0x90: {  	(tm) =	ssettm $0x1  }
0x91: {  	s17 =	sld [smem:$0x3FFB];
	_ =	sdelay $0x3  }
0x92: {  	_ =	strace s17  }
0x93: {  	s2 =	sld [smem:$0x3FFC];
	_ =	sdelay $0x3  }
0x94: {  	_ =	strace s2  }
0x95: {  	s2 =	sld [smem:$0x3FFD];
	_ =	sdelay $0x3  }
0x96: {  	_ =	strace s2  }
0x97: {  	_ =	strace $0x8FFFFFFF  }
0x98: {  	s18 =	sld [smem:$0x3FDB];
	_ =	sdelay $0x1  }
0x99: {  	s19 =	simm.s32 $_scs_section_size  }
0x9a: {  	s4 =	simm.s32 $_size__tile_overlayer_lowered;
	s5 =	simm.s32 $_tile_overlayer_lowered  }
0x9b: {  	s22 =	simm.s32 $0x1BFF;
	s21 =	sshll.u32 s5, $0x1;
	s2 =	sadd.s32 s19, s18  }
0x9c: {  	s6 =	simm.s32 $0x0;
	s20 =	sshll.u32 s4, $0x1;
	s4 =	sadd.s32 s21, s2  }
0x9d: {  	[timem:s6], [sflag:s22] =	dma.local [hbm:s4], s20  }
0x9e: {  	_ =	swait.ge [sflag:s22], s20  }
0x9f: {  	s3 =	ssub.s32 $0x0, s20;
	[sflag:s22] =	ssyncset.done $0x0  }
0xa0: {  	[sflag:s22] =	ssyncadd.s32 s3;
	_ =	sdelay $0x1  }
0xa1: {  	s23 =	simm.s32 $0x1B8B  }
0xa2: {  	_ =	swait.ge [sflag:s23], $0x1  }
0xa3: {  	[sflag:s23] =	ssyncset.done $0x0  }
0xa4: {  	s25 =	simm.s32 $0x1B8E;
	s24 =	sld [smem:$0x3FFE];
	[sflag:s23] =	ssyncadd.s32 $0xFFFFFFFF  }
0xa5: {  	s26 =	simm.s32 $execute0_lowered;
	[smem:$0x3FD2] =	sst s25  }
0xa6: {  	s4 =	sshll.u32 s26, $0x1;
	_ =	strace $0x8000004F;
	[dreg:$0x1] =	wrdreg $0xFFFFFFFF  }
0xa7: {  	s28 =	simm.s32 $_size_execute0_lowered;
	s2 =	sadd.s32 s2, s4;
	[dreg:$0x0] =	wrdreg $0x0  }
0xa8: {  	s4 =	sshll.u32 s28, $0x1;
	[dreg:$0x2] =	wrdreg s2  }
0xa9: {  	[dreg:$0x3] =	wrdreg s4  }
0xaa: {  	[dreg:$0x4] =	wrdreg $0xC0  }
0xab: {  	_ =	task [dreg:s6], $0x5FFFF  }
0xac: {  	[dreg:$0x1] =	wrdreg $0xFFFFFFFF  }
0xad: {  	[dreg:$0x0] =	wrdreg $0x60  }
0xae: {  	[dreg:$0x2] =	wrdreg s24  }
0xaf: {  	[dreg:$0x3] =	wrdreg $0x9  }
0xb0: {  	_ =	task.clear_ibuf [dreg:s6], $0x4FFFF;
	_ =	strace $0x9000004F  }
0xb1: {  	s29 =	simm.s32 $0x9;
	_ =	strace $0x80000051  }
0xb2: {  	_ =	swait.ge [sflag:s29], $0x1  }
0xb3: {  	[sflag:s29] =	ssyncadd.s32 $0xFFFFFFFF  }
0xb4: {  	_ =	strace $0x90000051  }
0xb5: {  	_ =	sfence  }
0xb6: {  	s30 =	sld [smem:$0x0];
	_ =	sdelay $0x2  }
0xb7: {  	s31 =	sshll.u32 s1, $0xD;
	s1 =	sshrl.u32 s1, $0x2  }
0xb8: {  	s3 =	sand.u32 $0x4000, s31;
	s1 =	sadd.s32 s1, s30  }
0xb9: {  	s0 =	sor.u32 s3, s0;
	s1 =	sshll.u32 s1, $0x11  }
0xba: {  	s0 =	sor.u32 s1, s0  }
0xbb: {  	s0 =	sadd.s32 $0x8F2B, s0  }
0xbc: {  	[sflag:s0] =	ssyncadd.remote.s32 $0x1  }
0xbd: {  	_ =	sfence.sel $0xFFFF  }
0xbe: {  	[dreg:$0x0] =	wrdreg $0xFFFFFFFF;
	(pc) =	sbr.abs _section_cstart, $3  }
0xbf: {  	[dreg:$0x1] =	wrdreg $0xFFFFFFFF  }
0xc0: {  	_ =	task.clear_ibuf [dreg:s6], $0x2FFFF;
	_ =	strace $0x9FFFFFFF  }
0xc1: {  	(tm) =	ssettm $0x7FFFFFFF  }
tec
execute0_lowered:
.L_overlay_start_1:
0x0: {  	(tag) =	ssettag $0x1  }
0x1: {  	s4 =	rddreg [dreg:$0x0]  }
0x2: {  	s1 =	srdreg.scid;
	s0 =	rddreg [dreg:$0x1]  }
0x3: {  	s2 =	simm.s32 $0x0;
	s11 =	simm.s32 $0x100;
	s12 =	simm.s32 $0x4100  }
0x4: {  	s13 =	simm.s32 $0x1;
	s14 =	simm.s32 $0x2;
	s5 =	sand.u32 $0x1, s1  }
0x5: {  	s15 =	simm.s32 $0x0;
	s1 =	stileid.u32;
	s6 =	smul.u32 $0x27800, s5  }
0x6: {  	[smem:$0x7FF] =	sst s2;
	s3 =	sadd.s32 $0x2D600, s4;
	s7 =	smul.u32 $0x2780, s1  }
0x7: {  	_ =	strace $0x80000050;
	s8 =	smul.u32 $0x278000, s5;
	s5 =	ssub.s32 $0x2, s5  }
0x8: {  	s29 =	smul.u32 $0x27800, s1;
	s9 =	sshrl.u32 s5, $0x1;
	s6 =	sadd.s32 s7, s6  }
0x9: {  	s8 =	sadd.s32 s8, s4;
	s30 =	ssub.s32 s5, s9;
	s6 =	sshrl.u32 s6, $0x3  }
0xa: {  	s9 =	simm.s32 $0x3;
	s31 =	sadd.s32 s29, s8;
	s10 =	sadd.s32 s6, s4  }
0xb: {  	s4 =	smax.u32 s30, $0x1;
	s5 =	sadd.s32 $0x55600, s31;
	s6 =	sadd.s32 $0x545600, s31  }
0xc: {  	s7 =	sadd.s32 $0xAC00, s10;
	s8 =	sadd.s32 $0x23800, s10;
	s10 =	simm.s32 $0x80  }
.LBB2_1:
0xd: {  	s16 =	sadd.s32 $0x0, s8  }
0xe: {  	[tilespmem:s2], [sflag:$0x3] =	stream.linear.gather [hbm4b:s16+s2], $0x80, $0x38;
	[tilespmem:$0x8100] =	vst v63  }
0xf: {  	_ =	swait.ge [sflag:s9], $0x80  }
0x10: {  	[sflag:s9] =	ssyncset.done $0x0  }
0x11: {  	s31 =	sadd.s32 $0x0, s7;
	[sflag:s9] =	ssyncadd.s32 $0xFFFFFF80  }
0x12: {  	[tilespmem:s10], [sflag:$0x3] =	stream.linear.gather [hbm4b:s31+s2], $0x80, $0x38;
	[tilespmem:$0x8100] =	vst v63  }
0x13: {  	_ =	swait.ge [sflag:s9], $0x80  }
0x14: {  	[sflag:s9] =	ssyncset.done $0x0  }
0x15: {  	[sflag:s9] =	ssyncadd.s32 $0xFFFFFF80  }
0x16: {  	[tilespmem:s11], [sflag:$0x1] =	stream.indirect.gather [hbm4b:s3+s10], $0x80, s2, s10, $0xb8;
	[tilespmem:$0x8100] =	vst v63  }
0x17: {  	_ = 	snop  }
0x18: {  	[tilespmem:s12], [sflag:$0x2] =	stream.indirect.gather [hbm4b:s3+s10], $0x80, s10, s10, $0xb8;
	[tilespmem:$0x8100] =	vst v63  }
0x19: {  	_ =	swait.ge [sflag:s13], $0x4000  }
0x1a: {  	[sflag:s13] =	ssyncset.done $0x0  }
0x1b: {  	[sflag:s13] =	ssyncadd.s32 $0xFFFFC000  }
0x1c: {  	_ =	swait.ge [sflag:s14], $0x4000  }
0x1d: {  	[sflag:s14] =	ssyncset.done $0x0  }
0x1e: {  	[sflag:s14] =	ssyncadd.s32 $0xFFFFC000  }
0x1f: {  	[hbm4b:s5+s2] =	stream.linear.scatter [tilespmem:s11], [sflag:$0x3], $0x4000, $0x38;
	[tilespmem:$0x8100] =	vst v63  }
0x20: {  	_ =	swait.ge [sflag:s9], $0x4000  }
0x21: {  	[sflag:s9] =	ssyncset.done $0x0  }
0x22: {  	[sflag:s9] =	ssyncadd.s32 $0xFFFFC000  }
0x23: {  	[hbm4b:s6+s2] =	stream.linear.scatter [tilespmem:s12], [sflag:$0x3], $0x4000, $0x38;
	[tilespmem:$0x8100] =	vst v63  }
0x24: {  	s18 =	simm.s32 $0x10;
	s19 =	simm.s32 $0x20;
	_ =	swait.ge [sflag:s9], $0x4000  }
0x25: {  	s17 =	sadd.s32 $0x800, s5;
	s16 =	sadd.s32 $0x800, s6;
	[sflag:s9] =	ssyncset.done $0x0  }
.LBB2_2:
0x26: {  	s20 =	sadd.s32 s18, s8  }
0x27: {  	[sflag:s9] =	ssyncadd.s32 $0xFFFFC000;
	s21 =	smov.u32 s19;
	s22 =	sadd.s32 $0x10, s19  }
0x28: {  	[tilespmem:s2], [sflag:$0x3] =	stream.linear.gather [hbm4b:s20+s2], $0x80, $0x38;
	[tilespmem:$0x8100] =	vst v63  }
0x29: {  	p0 =	sne.s32 s19, $0x4E0;
	_ =	swait.ge [sflag:s9], $0x80  }
0x2a: {  	[sflag:s9] =	ssyncset.done $0x0  }
0x2b: {  	s19 =	sadd.s32 s18, s7;
	s18 =	smov.u32 s21;
	[sflag:s9] =	ssyncadd.s32 $0xFFFFFF80  }
0x2c: {  	[tilespmem:s10], [sflag:$0x3] =	stream.linear.gather [hbm4b:s19+s2], $0x80, $0x38;
	[tilespmem:$0x8100] =	vst v63  }
0x2d: {  	_ =	swait.ge [sflag:s9], $0x80  }
0x2e: {  	[sflag:s9] =	ssyncset.done $0x0  }
0x2f: {  	[sflag:s9] =	ssyncadd.s32 $0xFFFFFF80  }
0x30: {  	[tilespmem:s11], [sflag:$0x1] =	stream.indirect.gather [hbm4b:s3+s10], $0x80, s2, s10, $0xb8;
	[tilespmem:$0x8100] =	vst v63  }
0x31: {  	_ = 	snop  }
0x32: {  	[tilespmem:s12], [sflag:$0x2] =	stream.indirect.gather [hbm4b:s3+s10], $0x80, s10, s10, $0xb8;
	[tilespmem:$0x8100] =	vst v63  }
0x33: {  	_ =	swait.ge [sflag:s13], $0x4000  }
0x34: {  	[sflag:s13] =	ssyncset.done $0x0  }
0x35: {  	[sflag:s13] =	ssyncadd.s32 $0xFFFFC000  }
0x36: {  	_ =	swait.ge [sflag:s14], $0x4000  }
0x37: {  	[sflag:s14] =	ssyncset.done $0x0  }
0x38: {  	[sflag:s14] =	ssyncadd.s32 $0xFFFFC000  }
0x39: {  	[hbm4b:s17+s2] =	stream.linear.scatter [tilespmem:s11], [sflag:$0x3], $0x4000, $0x38;
	[tilespmem:$0x8100] =	vst v63  }
0x3a: {  	_ =	swait.ge [sflag:s9], $0x4000  }
.Ltmp0:
0x3b: {  	[sflag:s9] =	ssyncset.done $0x0;
	(pc) =	sbr.rel @p0 .LBB2_2-.Ltmp0, $4  }
0x3c: {  	[sflag:s9] =	ssyncadd.s32 $0xFFFFC000  }
0x3d: {  	[hbm4b:s16+s2] =	stream.linear.scatter [tilespmem:s12], [sflag:$0x3], $0x4000, $0x38;
	[tilespmem:$0x8100] =	vst v63  }
0x3e: {  	s19 =	smov.u32 s22;
	_ =	swait.ge [sflag:s9], $0x4000  }
0x3f: {  	s17 =	sadd.s32 $0x800, s17;
	s16 =	sadd.s32 $0x800, s16;
	[sflag:s9] =	ssyncset.done $0x0  }
0x40: {  	s19 =	sadd.s32 s18, s8;
	[sflag:s9] =	ssyncadd.s32 $0xFFFFC000  }
0x41: {  	[tilespmem:s2], [sflag:$0x3] =	stream.linear.gather [hbm4b:s19+s2], $0x80, $0x38;
	[tilespmem:$0x8100] =	vst v63  }
0x42: {  	_ =	swait.ge [sflag:s9], $0x80  }
0x43: {  	[sflag:s9] =	ssyncset.done $0x0  }
0x44: {  	s31 =	sadd.s32 s18, s7;
	[sflag:s9] =	ssyncadd.s32 $0xFFFFFF80  }
0x45: {  	[tilespmem:s10], [sflag:$0x3] =	stream.linear.gather [hbm4b:s31+s2], $0x80, $0x38;
	[tilespmem:$0x8100] =	vst v63  }
0x46: {  	_ =	swait.ge [sflag:s9], $0x80  }
0x47: {  	[sflag:s9] =	ssyncset.done $0x0  }
0x48: {  	[sflag:s9] =	ssyncadd.s32 $0xFFFFFF80  }
0x49: {  	[tilespmem:s11], [sflag:$0x1] =	stream.indirect.gather [hbm4b:s3+s10], $0x80, s2, s10, $0xb8;
	[tilespmem:$0x8100] =	vst v63  }
0x4a: {  	_ = 	snop  }
0x4b: {  	[tilespmem:s12], [sflag:$0x2] =	stream.indirect.gather [hbm4b:s3+s10], $0x80, s10, s10, $0xb8;
	[tilespmem:$0x8100] =	vst v63  }
0x4c: {  	_ =	swait.ge [sflag:s13], $0x4000  }
0x4d: {  	[sflag:s13] =	ssyncset.done $0x0  }
0x4e: {  	[sflag:s13] =	ssyncadd.s32 $0xFFFFC000  }
0x4f: {  	_ =	swait.ge [sflag:s14], $0x4000  }
0x50: {  	[sflag:s14] =	ssyncset.done $0x0  }
0x51: {  	[sflag:s14] =	ssyncadd.s32 $0xFFFFC000  }
0x52: {  	[hbm4b:s17+s2] =	stream.linear.scatter [tilespmem:s11], [sflag:$0x3], $0x4000, $0x38;
	[tilespmem:$0x8100] =	vst v63  }
0x53: {  	s15 =	sadd.s32 $0x1, s15;
	_ =	swait.ge [sflag:s9], $0x4000  }
0x54: {  	p0 =	sne.s32 s15, s4;
	[sflag:s9] =	ssyncset.done $0x0  }
.Ltmp1:
0x55: {  	[sflag:s9] =	ssyncadd.s32 $0xFFFFC000;
	(pc) =	sbr.rel @p0 .LBB2_1-.Ltmp1, $4  }
0x56: {  	[hbm4b:s16+s2] =	stream.linear.scatter [tilespmem:s12], [sflag:$0x3], $0x4000, $0x38;
	[tilespmem:$0x8100] =	vst v63  }
0x57: {  	_ =	swait.ge [sflag:s9], $0x4000  }
0x58: {  	[sflag:s9] =	ssyncset.done $0x0  }
0x59: {  	[sflag:s9] =	ssyncadd.s32 $0xFFFFC000  }
0x5a: {  	_ =	sfence.sel $0x180000  }
0x5b: {  	[bflag:$0x0] =	sbarrier.arrive $0xFFFF  }
0x5c: {  	p0 =	sne.s32 s1, $0x0;
	_ =	strace $0x90000050  }
0x5d: {  	s0 =	sadd.s32 @!p0 $0x100000, s0;
	[bflag:$0x2] =	sbarrier.arrive $0xFFFF  }
0x5e: {  	[sflag:s0] =	ssyncadd.tile.s32 @!p0 $0x1;
	_ =	shalt  }
.Lfunc_end2:
_tile_overlayer_lowered:
.L_overlay_start_2:
0x5f: {  	(tag) =	ssettag $0x2  }
0x60: {  	s0 =	rddreg [dreg:$0x0];
	s2 =	stileid.u32  }
0x61: {  	s1 =	rddreg [dreg:$0x1];
	p0 =	sne.s32 s2, $0x0  }
0x62: {  	s3 =	rddreg [dreg:$0x2];
	[bflag:$0x3] =	sbarrier.arrive $0xFFFF;
	s2 =	simm.s32 @!p0 $0x1C03  }
0x63: {  	[timem:s3], [sflag:s2] =	dma.local @!p0 [hbm:s0], s1  }
0x64: {  	s0 =	simm.s32 @!p0 $0x3  }
0x65: {  	_ =	swait.ge @!p0 [sflag:s0], s1  }
0x66: {  	s1 =	ssub.s32 @!p0 $0x0, s1;
	[sflag:s0] =	ssyncset.done @!p0 $0x0  }
0x67: {  	[sflag:s0] =	ssyncadd.s32 @!p0 s1  }
0x68: {  	[bflag:$0x3] =	sbarrier.arrive $0xFFFF  }
0x69: {  	_ =	shalt  }

// kernel: kernel.28.cloned.1.call-start
scs
__scs_entry_jumppad:
0x0: {  	(pc) =	sbr.rel $0x88, $3  }
0x1: {  	(tag) =	ssettag $0x0;
	lr =	simm.s32 $0x1  }
0x2: {  	[smem:$0x3F77] =	sst lr;
	_ =	strace $0xD0000000  }
0x3: {  	_ = 	snop  }
0x4: {  	_ = 	snop  }
0x5: {  	_ = 	snop  }
0x6: {  	_ = 	snop  }
0x7: {  	_ = 	snop  }
__scs_overlays_trampoline_lowered:
0x8: {  	[smem:$0x3F86] =	sst s0  }
0x9: {  	[smem:$0x3F87] =	sst s1  }
0xa: {  	[smem:$0x3F88] =	sst s2  }
0xb: {  	[smem:$0x3F89] =	sst s3  }
0xc: {  	[smem:$0x3F8A] =	sst s4  }
0xd: {  	[smem:$0x3F8B] =	sst s5  }
0xe: {  	[smem:$0x3F8C] =	sst s6  }
0xf: {  	[smem:$0x3F8D] =	sst s7  }
0x10: {  	[smem:$0x3F8E] =	sst s8  }
0x11: {  	[smem:$0x3F8F] =	sst s9;
	s0 =	simm.s32 @!p0 $0x0  }
0x12: {  	s1 =	sld [smem:$0x3F75];
	s0 =	simm.s32 @p0 $0x1  }
0x13: {  	[smem:$0x3F90] =	sst s0;
	s0 =	simm.s32 @!p1 $0x0  }
0x14: {  	s2 =	sld [smem:$0x3F74];
	s0 =	simm.s32 @p1 $0x1  }
0x15: {  	[smem:$0x3F91] =	sst s0;
	s0 =	simm.s32 @!p2 $0x0  }
0x16: {  	s3 =	sld [smem:$0x3FDB];
	s0 =	simm.s32 @p2 $0x1  }
0x17: {  	s4 =	simm.s32 $0x1BF5;
	[smem:$0x3F93] =	sst s0  }
0x18: {  	s0 =	sld [smem:$0x3F76];
	_ =	swait.ge [sflag:s4], $0x0  }
0x19: {  	s7 =	sld [smem:$0x3F77]  }
0x1a: {  	s8 =	sadd.s32 $0xFFFFE003, lr  }
0x1b: {  	s9 =	sadd.s32 $0xFFFFFEF7, lr;
	s5 =	simm.s32 $0xFFFFFFFF;
	p2 =	slt.u32 s8, $0xFFFFF086  }
0x1c: {  	p1 =	slt.u32 s9, $0xF7A;
	s5 =	simm.s32 @!p2 $0x0  }
0x1d: {  	s5 =	simm.s32 @p1 $0x1;
	p0 =	seq.s32 s7, s2  }
0x1e: {  	s7 =	smul.u32 @!p0 $0xF7A, s2;
	p2 =	seq.s32 @!p0 s5, $0x0  }
0x1f: {  	s9 =	smul.u32 $0xF7A, s1;
	s8 =	simm.s32 @!p0 $0x1BF5;
	p2 =	por !p2, p0  }
0x20: {  	[sflag:s8] =	ssyncset.s32 @!p0 $0xFFFFF086;
	s6 =	sadd.s32 @!p0 s3, s7;
	s7 =	simm.s32 @!p0 $0x108  }
0x21: {  	s3 =	sadd.s32 s3, s9;
	s6 =	sadd.s32 @!p0 $0x88, s6;
	s7 =	simm.s32 @p2 $0x1082  }
0x22: {  	[simem:s7], [sflag:s8] =	dma.local @!p0 [hbm:s6], $0xF7A  }
0x23: {  	s9 =	sor.u32 $0xD0000000, s2;
	s6 =	simm.s32 $0x108;
	_ =	swait.ge @!p0 [sflag:s8], $0x0  }
0x24: {  	s3 =	sadd.s32 $0x88, s3;
	s6 =	simm.s32 @!p1 $0x1082;
	[sflag:s4] =	ssyncset.s32 $0xFFFFF086  }
0x25: {  	[simem:s6], [sflag:s4] =	dma.local [hbm:s3], $0xF7A  }
0x26: {  	[smem:$0x3F77] =	sst s1;
	(tag) =	ssettag s2;
	_ =	strace s9  }
0x27: {  	s1 =	sld [smem:$0x3F87]  }
0x28: {  	s2 =	sld [smem:$0x3F88]  }
0x29: {  	s4 =	sld [smem:$0x3F8A]  }
0x2a: {  	p0 =	seq.s32 s5, $0x0;
	s5 =	sld [smem:$0x3F8B]  }
0x2b: {  	s6 =	sld [smem:$0x3F8C]  }
0x2c: {  	s7 =	sld [smem:$0x3F8D]  }
0x2d: {  	s3 =	simm.s32 $0x108;
	s8 =	sld [smem:$0x3F8E]  }
0x2e: {  	s3 =	simm.s32 @!p0 $0x1082;
	s9 =	sld [smem:$0x3F8F]  }
0x2f: {  	lr =	sadd.s32 s0, s3;
	s0 =	sld [smem:$0x3F86]  }
0x30: {  	s3 =	sld [smem:$0x3F89]  }
0x31: {  	[smem:$0x3F92] =	sst s10  }
0x32: {  	s10 =	sld [smem:$0x3F90];
	_ =	sdelay $0x3  }
0x33: {  	p0 =	seq.s32 s10, $0x1;
	s10 =	sld [smem:$0x3F92];
	_ =	sdelay $0x3  }
0x34: {  	[smem:$0x3F92] =	sst s10  }
0x35: {  	s10 =	sld [smem:$0x3F91];
	_ =	sdelay $0x3  }
0x36: {  	p1 =	seq.s32 s10, $0x1;
	s10 =	sld [smem:$0x3F92];
	_ =	sdelay $0x3  }
0x37: {  	[smem:$0x3F92] =	sst s10  }
0x38: {  	s10 =	sld [smem:$0x3F93]  }
0x39: {  	_ = 	snop;
	(pc) =	sbr.ind lr, $3  }
0x3a: {  	_ = 	snop  }
0x3b: {  	_ = 	snop  }
0x3c: {  	p2 =	seq.s32 s10, $0x1;
	s10 =	sld [smem:$0x3F92]  }
0x3d: {  	_ =	shalt  }
0x3e: {  	_ =	shalt  }
0x3f: {  	_ =	shalt  }
0x40: {  	_ =	shalt  }
0x41: {  	_ =	shalt  }
0x42: {  	_ =	shalt  }
0x43: {  	_ =	shalt  }
0x44: {  	_ =	shalt  }
0x45: {  	_ =	shalt  }
0x46: {  	_ =	shalt  }
0x47: {  	_ =	shalt  }
0x48: {  	_ =	shalt  }
0x49: {  	_ =	shalt  }
0x4a: {  	_ =	shalt  }
0x4b: {  	_ =	shalt  }
0x4c: {  	_ =	shalt  }
0x4d: {  	_ =	shalt  }
0x4e: {  	_ =	shalt  }
0x4f: {  	_ =	shalt  }
0x50: {  	_ =	shalt  }
0x51: {  	_ =	shalt  }
0x52: {  	_ =	shalt  }
0x53: {  	_ =	shalt  }
0x54: {  	_ =	shalt  }
0x55: {  	_ =	shalt  }
0x56: {  	_ =	shalt  }
0x57: {  	_ =	shalt  }
0x58: {  	_ =	shalt  }
0x59: {  	_ =	shalt  }
0x5a: {  	_ =	shalt  }
0x5b: {  	_ =	shalt  }
0x5c: {  	_ =	shalt  }
0x5d: {  	_ =	shalt  }
0x5e: {  	_ =	shalt  }
0x5f: {  	_ =	shalt  }
0x60: {  	_ =	shalt  }
0x61: {  	_ =	shalt  }
0x62: {  	_ =	shalt  }
0x63: {  	_ =	shalt  }
0x64: {  	_ =	shalt  }
0x65: {  	_ =	shalt  }
0x66: {  	_ =	shalt  }
0x67: {  	_ =	shalt  }
0x68: {  	_ =	shalt  }
0x69: {  	_ =	shalt  }
0x6a: {  	_ =	shalt  }
0x6b: {  	_ =	shalt  }
0x6c: {  	_ =	shalt  }
0x6d: {  	_ =	shalt  }
0x6e: {  	_ =	shalt  }
0x6f: {  	_ =	shalt  }
0x70: {  	_ =	shalt  }
0x71: {  	_ =	shalt  }
0x72: {  	_ =	shalt  }
0x73: {  	_ =	shalt  }
0x74: {  	_ =	shalt  }
0x75: {  	_ =	shalt  }
0x76: {  	_ =	shalt  }
0x77: {  	_ =	shalt  }
0x78: {  	_ =	shalt  }
0x79: {  	_ =	shalt  }
0x7a: {  	_ =	shalt  }
0x7b: {  	_ =	shalt  }
0x7c: {  	_ =	shalt  }
0x7d: {  	_ =	shalt  }
0x7e: {  	_ =	shalt  }
0x7f: {  	_ =	shalt  }
0x80: {  	_ =	shalt  }
0x81: {  	_ =	shalt  }
0x82: {  	_ =	shalt  }
0x83: {  	_ =	shalt  }
0x84: {  	_ =	shalt  }
0x85: {  	_ =	shalt  }
0x86: {  	_ =	shalt  }
0x87: {  	_ =	shalt  }
.Lfunc_end0:
.L_simem_size_0:
called_computation.4_lowered:
.L_overlay_start_0:
0x88: {  	s2 =	sld [smem:$0x3FD9]  }
0x89: {  	s3 =	sld [smem:$0x3FFE];
	_ =	sdelay $0x1  }
0x8a: {  	s1 =	srdreg.scid  }
0x8b: {  	s0 =	sand.u32 $0x1, s1  }
0x8c: {  	s16 =	sshll.u32 s0, $0xA;
	s2 =	sadd.s32 s3, s2  }
0x8d: {  	s2 =	sadd.s32 s2, s16  }
0x8e: {  	[smem:$0x3F9E] =	sst s2  }
0x8f: {  	_ = 	snop  }
0x90: {  	(tm) =	ssettm $0x1  }
0x91: {  	s17 =	sld [smem:$0x3FFB];
	_ =	sdelay $0x3  }
0x92: {  	_ =	strace s17  }
0x93: {  	s2 =	sld [smem:$0x3FFC];
	_ =	sdelay $0x3  }
0x94: {  	_ =	strace s2  }
0x95: {  	s2 =	sld [smem:$0x3FFD];
	_ =	sdelay $0x3  }
0x96: {  	_ =	strace s2  }
0x97: {  	_ =	strace $0x8FFFFFFF  }
0x98: {  	s18 =	sld [smem:$0x3FDB];
	_ =	sdelay $0x1  }
0x99: {  	s19 =	simm.s32 $_scs_section_size  }
0x9a: {  	s4 =	simm.s32 $_size__tile_overlayer_lowered;
	s5 =	simm.s32 $_tile_overlayer_lowered  }
0x9b: {  	s22 =	simm.s32 $0x1BFF;
	s21 =	sshll.u32 s5, $0x1;
	s2 =	sadd.s32 s19, s18  }
0x9c: {  	s6 =	simm.s32 $0x0;
	s20 =	sshll.u32 s4, $0x1;
	s4 =	sadd.s32 s21, s2  }
0x9d: {  	[timem:s6], [sflag:s22] =	dma.local [hbm:s4], s20  }
0x9e: {  	_ =	swait.ge [sflag:s22], s20  }
0x9f: {  	s3 =	ssub.s32 $0x0, s20;
	[sflag:s22] =	ssyncset.done $0x0  }
0xa0: {  	[sflag:s22] =	ssyncadd.s32 s3;
	_ =	sdelay $0x1  }
0xa1: {  	s23 =	simm.s32 $0x1B8B  }
0xa2: {  	_ =	swait.ge [sflag:s23], $0x1  }
0xa3: {  	[sflag:s23] =	ssyncset.done $0x0  }
0xa4: {  	s25 =	simm.s32 $0x1B8E;
	s24 =	sld [smem:$0x3FFE];
	[sflag:s23] =	ssyncadd.s32 $0xFFFFFFFF  }
0xa5: {  	s26 =	simm.s32 $execute0_lowered;
	[smem:$0x3FD2] =	sst s25  }
0xa6: {  	s4 =	sshll.u32 s26, $0x1;
	_ =	strace $0x80000052;
	[dreg:$0x1] =	wrdreg $0xFFFFFFFF  }
0xa7: {  	s28 =	simm.s32 $_size_execute0_lowered;
	s2 =	sadd.s32 s2, s4;
	[dreg:$0x0] =	wrdreg $0x0  }
0xa8: {  	s4 =	sshll.u32 s28, $0x1;
	[dreg:$0x2] =	wrdreg s2  }
0xa9: {  	[dreg:$0x3] =	wrdreg s4  }
0xaa: {  	[dreg:$0x4] =	wrdreg $0xC0  }
0xab: {  	_ =	task [dreg:s6], $0x5FFFF  }
0xac: {  	[dreg:$0x1] =	wrdreg $0xFFFFFFFF  }
0xad: {  	[dreg:$0x0] =	wrdreg $0x60  }
0xae: {  	[dreg:$0x2] =	wrdreg s24  }
0xaf: {  	[dreg:$0x3] =	wrdreg $0x40800  }
0xb0: {  	[dreg:$0x4] =	wrdreg $0x9  }
0xb1: {  	_ =	task.clear_ibuf [dreg:s6], $0x5FFFF;
	_ =	strace $0x90000052  }
0xb2: {  	s29 =	simm.s32 $0x9;
	_ =	strace $0x80000054  }
0xb3: {  	_ =	swait.ge [sflag:s29], $0x1  }
0xb4: {  	[sflag:s29] =	ssyncadd.s32 $0xFFFFFFFF  }
0xb5: {  	_ =	strace $0x90000054  }
0xb6: {  	_ =	sfence  }
0xb7: {  	s30 =	sld [smem:$0x0];
	_ =	sdelay $0x2  }
0xb8: {  	s31 =	sshll.u32 s1, $0xD;
	s1 =	sshrl.u32 s1, $0x2  }
0xb9: {  	s3 =	sand.u32 $0x4000, s31;
	s1 =	sadd.s32 s1, s30  }
0xba: {  	s0 =	sor.u32 s3, s0;
	s1 =	sshll.u32 s1, $0x11  }
0xbb: {  	s0 =	sor.u32 s1, s0  }
0xbc: {  	s0 =	sadd.s32 $0x8F2B, s0  }
0xbd: {  	[sflag:s0] =	ssyncadd.remote.s32 $0x1  }
0xbe: {  	_ =	sfence.sel $0xFFFF  }
0xbf: {  	[dreg:$0x0] =	wrdreg $0xFFFFFFFF;
	(pc) =	sbr.abs _section_cstart, $3  }
0xc0: {  	[dreg:$0x1] =	wrdreg $0xFFFFFFFF  }
0xc1: {  	_ =	task.clear_ibuf [dreg:s6], $0x2FFFF;
	_ =	strace $0x9FFFFFFF  }
0xc2: {  	(tm) =	ssettm $0x7FFFFFFF  }
0xc3: {  	_ =	shalt  }
tec
execute0_lowered:
.L_overlay_start_1:
0x0: {  	(tag) =	ssettag $0x1  }
0x1: {  	s1 =	stileid.u32  }
0x2: {  	s5 =	rddreg [dreg:$0x0];
	s6 =	smul.u32 $0x2780, s1  }
0x3: {  	s0 =	srdreg.scid;
	s10 =	smul.u32 $0x280, s1  }
0x4: {  	s2 =	rddreg [dreg:$0x1];
	s23 =	smul.u32 $0x50000, s1  }
0x5: {  	s3 =	simm.s32 $0x0;
	s7 =	sand.u32 $0x1, s0;
	s30 =	smul.u32 $0x27800, s1  }
0x6: {  	s20 =	simm.s32 $0x0;
	s0 =	rddreg [dreg:$0x2];
	s4 =	smul.u32 $0x27800, s7  }
0x7: {  	[smem:$0x7FF] =	sst s3;
	s14 =	sadd.s32 $0x55600, s5;
	s8 =	smul.u32 $0x278000, s7  }
0x8: {  	_ =	strace $0x80000053;
	s22 =	ssub.s32 $0x2, s7;
	s19 =	smul.u32 $0x2800, s7  }
0x9: {  	s24 =	sshrl.u32 s22, $0x1;
	s25 =	sshrl.u32 s23, $0x2;
	s11 =	sadd.s32 $0x80, s10  }
0xa: {  	s12 =	sadd.s32 $0x100, s10;
	s13 =	sadd.s32 $0x180, s10;
	s18 =	sadd.s32 $0x200, s10  }
0xb: {  	s4 =	sadd.s32 s6, s4;
	s15 =	sadd.s32 s8, s5;
	s16 =	ssub.s32 s22, s24  }
0xc: {  	s26 =	sshll.u32 s11, $0x7;
	s28 =	sshll.u32 s12, $0x7;
	s9 =	sshll.u32 s13, $0x7  }
0xd: {  	s29 =	sshll.u32 s18, $0x7;
	s10 =	sadd.s32 s10, s19;
	s11 =	sadd.s32 s19, s11  }
0xe: {  	s12 =	sadd.s32 s19, s12;
	s13 =	sadd.s32 s19, s13;
	s18 =	sadd.s32 s19, s18  }
0xf: {  	s19 =	simm.s32 $0x1;
	s4 =	sshrl.u32 s4, $0x3;
	s6 =	sadd.s32 s26, s2  }
0x10: {  	s7 =	sadd.s32 s28, s2;
	s8 =	sadd.s32 s9, s2;
	s9 =	sadd.s32 s29, s2  }
0x11: {  	s10 =	sshll.u32 s10, $0x4;
	s11 =	sshll.u32 s11, $0x4;
	s12 =	sshll.u32 s12, $0x4  }
0x12: {  	s13 =	sshll.u32 s13, $0x4;
	s18 =	sshll.u32 s18, $0x4;
	s31 =	sadd.s32 s30, s15  }
0x13: {  	s15 =	smax.u32 s16, $0x1;
	s17 =	sadd.s32 s4, s5;
	s4 =	sadd.s32 $0x1E800, s5  }
0x14: {  	s5 =	sadd.s32 s25, s2;
	s10 =	sadd.s32 s14, s10;
	s11 =	sadd.s32 s14, s11  }
0x15: {  	s12 =	sadd.s32 s14, s12;
	s13 =	sadd.s32 s14, s13;
	s14 =	sadd.s32 s14, s18  }
0x16: {  	s16 =	sadd.s32 $0xA35600, s31;
	s18 =	simm.s32 $0x80;
	s17 =	sadd.s32 $0x14A00, s17  }
.LBB2_1:
0x17: {  	[tilespmem:s18], [sflag:$0x1] =	stream.linear.gather [hbm4b:s4+s3], $0x4000, $0x38;
	[tilespmem:$0x18080] =	vst v63  }
0x18: {  	_ =	swait.ge [sflag:s19], $0x4000  }
0x19: {  	[sflag:s19] =	ssyncset.done $0x0  }
0x1a: {  	[sflag:s19] =	ssyncadd.s32 $0xFFFFC000  }
0x1b: {  	[spmem:s5] =	stream.linear.scatter [tilespmem:s18], [sflag:$0x1], $0x4000, $0x38;
	[tilespmem:$0x18080] =	vst v63  }
0x1c: {  	_ =	swait.ge [sflag:s19], $0x4000  }
0x1d: {  	[sflag:s19] =	ssyncset.done $0x0  }
0x1e: {  	[sflag:s19] =	ssyncadd.s32 $0xFFFFC000  }
0x1f: {  	[spmem:s6] =	stream.linear.scatter [tilespmem:s18], [sflag:$0x1], $0x4000, $0x38;
	[tilespmem:$0x18080] =	vst v63  }
0x20: {  	_ =	swait.ge [sflag:s19], $0x4000  }
0x21: {  	[sflag:s19] =	ssyncset.done $0x0  }
0x22: {  	[sflag:s19] =	ssyncadd.s32 $0xFFFFC000  }
0x23: {  	[spmem:s7] =	stream.linear.scatter [tilespmem:s18], [sflag:$0x1], $0x4000, $0x38;
	[tilespmem:$0x18080] =	vst v63  }
0x24: {  	_ =	swait.ge [sflag:s19], $0x4000  }
0x25: {  	[sflag:s19] =	ssyncset.done $0x0  }
0x26: {  	[sflag:s19] =	ssyncadd.s32 $0xFFFFC000  }
0x27: {  	[spmem:s8] =	stream.linear.scatter [tilespmem:s18], [sflag:$0x1], $0x4000, $0x38;
	[tilespmem:$0x18080] =	vst v63  }
0x28: {  	_ =	swait.ge [sflag:s19], $0x4000  }
0x29: {  	[sflag:s19] =	ssyncset.done $0x0  }
0x2a: {  	[sflag:s19] =	ssyncadd.s32 $0xFFFFC000  }
0x2b: {  	[spmem:s9] =	stream.linear.scatter [tilespmem:s18], [sflag:$0x1], $0x4000, $0x38;
	[tilespmem:$0x18080] =	vst v63  }
0x2c: {  	_ =	swait.ge [sflag:s19], $0x4000  }
0x2d: {  	[sflag:s19] =	ssyncset.done $0x0  }
0x2e: {  	[sflag:s19] =	ssyncadd.s32 $0xFFFFC000  }
0x2f: {  	s21 =	sadd.s32 $0x0, s17;
	[bflag:$0x0] =	sbarrier.arrive $0xFFFF  }
0x30: {  	[tilespmem:s3], [sflag:$0x1] =	stream.linear.gather [hbm4b:s21+s3], $0x80, $0x38;
	[tilespmem:$0x18080] =	vst v63  }
0x31: {  	_ =	swait.ge [sflag:s19], $0x80  }
0x32: {  	[sflag:s19] =	ssyncset.done $0x0  }
0x33: {  	[sflag:s19] =	ssyncadd.s32 $0xFFFFFF80  }
0x34: {  	[tilespmem:s18], [sflag:$0x1] =	stream.linear.gather [hbm4b:s16+s3], $0x4000, $0x38;
	[tilespmem:$0x18080] =	vst v63  }
0x35: {  	_ =	swait.ge [sflag:s19], $0x4000  }
0x36: {  	[sflag:s19] =	ssyncset.done $0x0  }
0x37: {  	[sflag:s19] =	ssyncadd.s32 $0xFFFFC000  }
0x38: {  	[spmem:s2] =	stream.indirect.scatter.add.f32 [tilespmem:s18], [sflag:$0x1], $0x80, s3, s18, $0xb8;
	[tilespmem:$0x18080] =	vst v63  }
0x39: {  	s22 =	simm.s32 $0x10;
	_ =	swait.ge [sflag:s19], $0x4000  }
0x3a: {  	s23 =	simm.s32 $0x20;
	s21 =	sadd.s32 $0x800, s16;
	[sflag:s19] =	ssyncset.done $0x0  }
.LBB2_2:
0x3b: {  	s24 =	sadd.s32 s22, s17  }
0x3c: {  	[sflag:s19] =	ssyncadd.s32 $0xFFFFC000;
	s22 =	smov.u32 s23;
	s25 =	sadd.s32 $0x10, s23  }
0x3d: {  	[tilespmem:s3], [sflag:$0x1] =	stream.linear.gather [hbm4b:s24+s3], $0x80, $0x38;
	[tilespmem:$0x18080] =	vst v63  }
0x3e: {  	p0 =	sne.s32 s23, $0x4E0;
	_ =	swait.ge [sflag:s19], $0x80  }
0x3f: {  	[sflag:s19] =	ssyncset.done $0x0  }
0x40: {  	[sflag:s19] =	ssyncadd.s32 $0xFFFFFF80  }
0x41: {  	[tilespmem:s18], [sflag:$0x1] =	stream.linear.gather [hbm4b:s21+s3], $0x4000, $0x38;
	[tilespmem:$0x18080] =	vst v63  }
0x42: {  	_ =	swait.ge [sflag:s19], $0x4000  }
.Ltmp0:
0x43: {  	[sflag:s19] =	ssyncset.done $0x0;
	(pc) =	sbr.rel @p0 .LBB2_2-.Ltmp0, $4  }
0x44: {  	[sflag:s19] =	ssyncadd.s32 $0xFFFFC000  }
0x45: {  	[spmem:s2] =	stream.indirect.scatter.add.f32 [tilespmem:s18], [sflag:$0x1], $0x80, s3, s18, $0xb8;
	[tilespmem:$0x18080] =	vst v63  }
0x46: {  	_ =	swait.ge [sflag:s19], $0x4000  }
0x47: {  	s23 =	smov.u32 s25;
	s21 =	sadd.s32 $0x800, s21;
	[sflag:s19] =	ssyncset.done $0x0  }
0x48: {  	s22 =	sadd.s32 s22, s17;
	[sflag:s19] =	ssyncadd.s32 $0xFFFFC000  }
0x49: {  	[tilespmem:s3], [sflag:$0x1] =	stream.linear.gather [hbm4b:s22+s3], $0x80, $0x38;
	[tilespmem:$0x18080] =	vst v63  }
0x4a: {  	_ =	swait.ge [sflag:s19], $0x80  }
0x4b: {  	[sflag:s19] =	ssyncset.done $0x0  }
0x4c: {  	[sflag:s19] =	ssyncadd.s32 $0xFFFFFF80  }
0x4d: {  	[tilespmem:s18], [sflag:$0x1] =	stream.linear.gather [hbm4b:s21+s3], $0x4000, $0x38;
	[tilespmem:$0x18080] =	vst v63  }
0x4e: {  	_ =	swait.ge [sflag:s19], $0x4000  }
0x4f: {  	[sflag:s19] =	ssyncset.done $0x0  }
0x50: {  	[sflag:s19] =	ssyncadd.s32 $0xFFFFC000  }
0x51: {  	[spmem:s2] =	stream.indirect.scatter.add.f32 [tilespmem:s18], [sflag:$0x1], $0x80, s3, s18, $0xb8;
	[tilespmem:$0x18080] =	vst v63  }
0x52: {  	_ =	swait.ge [sflag:s19], $0x4000  }
0x53: {  	[sflag:s19] =	ssyncset.done $0x0  }
0x54: {  	[sflag:s19] =	ssyncadd.s32 $0xFFFFC000  }
0x55: {  	[bflag:$0x0] =	sbarrier.arrive $0xFFFF  }
0x56: {  	[tilespmem:s18], [sflag:$0x1] =	stream.linear.gather [spmem:s5], $0x4000, $0x38;
	[tilespmem:$0x18080] =	vst v63  }
0x57: {  	_ =	swait.ge [sflag:s19], $0x4000  }
0x58: {  	[sflag:s19] =	ssyncset.done $0x0  }
0x59: {  	[sflag:s19] =	ssyncadd.s32 $0xFFFFC000  }
0x5a: {  	[hbm4b:s10+s3] =	stream.linear.scatter [tilespmem:s18], [sflag:$0x1], $0x4000, $0x38;
	[tilespmem:$0x18080] =	vst v63  }
0x5b: {  	_ =	swait.ge [sflag:s19], $0x4000  }
0x5c: {  	[sflag:s19] =	ssyncset.done $0x0  }
0x5d: {  	[sflag:s19] =	ssyncadd.s32 $0xFFFFC000  }
0x5e: {  	[tilespmem:s18], [sflag:$0x1] =	stream.linear.gather [spmem:s6], $0x4000, $0x38;
	[tilespmem:$0x18080] =	vst v63  }
0x5f: {  	_ =	swait.ge [sflag:s19], $0x4000  }
0x60: {  	[sflag:s19] =	ssyncset.done $0x0  }
0x61: {  	[sflag:s19] =	ssyncadd.s32 $0xFFFFC000  }
0x62: {  	[hbm4b:s11+s3] =	stream.linear.scatter [tilespmem:s18], [sflag:$0x1], $0x4000, $0x38;
	[tilespmem:$0x18080] =	vst v63  }
0x63: {  	_ =	swait.ge [sflag:s19], $0x4000  }
0x64: {  	[sflag:s19] =	ssyncset.done $0x0  }
0x65: {  	[sflag:s19] =	ssyncadd.s32 $0xFFFFC000  }
0x66: {  	[tilespmem:s18], [sflag:$0x1] =	stream.linear.gather [spmem:s7], $0x4000, $0x38;
	[tilespmem:$0x18080] =	vst v63  }
0x67: {  	_ =	swait.ge [sflag:s19], $0x4000  }
0x68: {  	[sflag:s19] =	ssyncset.done $0x0  }
0x69: {  	[sflag:s19] =	ssyncadd.s32 $0xFFFFC000  }
0x6a: {  	[hbm4b:s12+s3] =	stream.linear.scatter [tilespmem:s18], [sflag:$0x1], $0x4000, $0x38;
	[tilespmem:$0x18080] =	vst v63  }
0x6b: {  	_ =	swait.ge [sflag:s19], $0x4000  }
0x6c: {  	[sflag:s19] =	ssyncset.done $0x0  }
0x6d: {  	[sflag:s19] =	ssyncadd.s32 $0xFFFFC000  }
0x6e: {  	[tilespmem:s18], [sflag:$0x1] =	stream.linear.gather [spmem:s8], $0x4000, $0x38;
	[tilespmem:$0x18080] =	vst v63  }
0x6f: {  	_ =	swait.ge [sflag:s19], $0x4000  }
0x70: {  	[sflag:s19] =	ssyncset.done $0x0  }
0x71: {  	[sflag:s19] =	ssyncadd.s32 $0xFFFFC000  }
0x72: {  	[hbm4b:s13+s3] =	stream.linear.scatter [tilespmem:s18], [sflag:$0x1], $0x4000, $0x38;
	[tilespmem:$0x18080] =	vst v63  }
0x73: {  	_ =	swait.ge [sflag:s19], $0x4000  }
0x74: {  	[sflag:s19] =	ssyncset.done $0x0  }
0x75: {  	[sflag:s19] =	ssyncadd.s32 $0xFFFFC000  }
0x76: {  	[tilespmem:s18], [sflag:$0x1] =	stream.linear.gather [spmem:s9], $0x4000, $0x38;
	[tilespmem:$0x18080] =	vst v63  }
0x77: {  	s20 =	sadd.s32 $0x1, s20;
	_ =	swait.ge [sflag:s19], $0x4000  }
0x78: {  	p0 =	sne.s32 s20, s15;
	[sflag:s19] =	ssyncset.done $0x0  }
.Ltmp1:
0x79: {  	[sflag:s19] =	ssyncadd.s32 $0xFFFFC000;
	(pc) =	sbr.rel @p0 .LBB2_1-.Ltmp1, $4  }
0x7a: {  	[hbm4b:s14+s3] =	stream.linear.scatter [tilespmem:s18], [sflag:$0x1], $0x4000, $0x38;
	[tilespmem:$0x18080] =	vst v63  }
0x7b: {  	_ =	swait.ge [sflag:s19], $0x4000  }
0x7c: {  	[sflag:s19] =	ssyncset.done $0x0  }
0x7d: {  	[sflag:s19] =	ssyncadd.s32 $0xFFFFC000  }
0x7e: {  	_ =	sfence.sel $0x180000  }
0x7f: {  	[bflag:$0x0] =	sbarrier.arrive $0xFFFF  }
0x80: {  	p0 =	sne.s32 s1, $0x0;
	_ =	strace $0x90000053  }
0x81: {  	s0 =	sadd.s32 @!p0 $0x100000, s0;
	[bflag:$0x2] =	sbarrier.arrive $0xFFFF  }
0x82: {  	[sflag:s0] =	ssyncadd.tile.s32 @!p0 $0x1;
	_ =	shalt  }
.Lfunc_end2:
_tile_overlayer_lowered:
.L_overlay_start_2:
0x83: {  	(tag) =	ssettag $0x2  }
0x84: {  	s0 =	rddreg [dreg:$0x0];
	s2 =	stileid.u32  }
0x85: {  	s1 =	rddreg [dreg:$0x1];
	p0 =	sne.s32 s2, $0x0  }
0x86: {  	s3 =	rddreg [dreg:$0x2];
	[bflag:$0x3] =	sbarrier.arrive $0xFFFF;
	s2 =	simm.s32 @!p0 $0x1C01  }
0x87: {  	[timem:s3], [sflag:s2] =	dma.local @!p0 [hbm:s0], s1  }
0x88: {  	s0 =	simm.s32 @!p0 $0x1  }
0x89: {  	_ =	swait.ge @!p0 [sflag:s0], s1  }
0x8a: {  	s1 =	ssub.s32 @!p0 $0x0, s1;
	[sflag:s0] =	ssyncset.done @!p0 $0x0  }
0x8b: {  	[sflag:s0] =	ssyncadd.s32 @!p0 s1  }
0x8c: {  	[bflag:$0x3] =	sbarrier.arrive $0xFFFF  }
0x8d: {  	_ =	shalt  }

// kernel: kernel.31.cloned.1.call-start
scs
__scs_entry_jumppad:
0x0: {  	(pc) =	sbr.rel $0x88, $3  }
0x1: {  	(tag) =	ssettag $0x0;
	lr =	simm.s32 $0x1  }
0x2: {  	[smem:$0x3F77] =	sst lr;
	_ =	strace $0xD0000000  }
0x3: {  	_ = 	snop  }
0x4: {  	_ = 	snop  }
0x5: {  	_ = 	snop  }
0x6: {  	_ = 	snop  }
0x7: {  	_ = 	snop  }
__scs_overlays_trampoline_lowered:
0x8: {  	[smem:$0x3F86] =	sst s0  }
0x9: {  	[smem:$0x3F87] =	sst s1  }
0xa: {  	[smem:$0x3F88] =	sst s2  }
0xb: {  	[smem:$0x3F89] =	sst s3  }
0xc: {  	[smem:$0x3F8A] =	sst s4  }
0xd: {  	[smem:$0x3F8B] =	sst s5  }
0xe: {  	[smem:$0x3F8C] =	sst s6  }
0xf: {  	[smem:$0x3F8D] =	sst s7  }
0x10: {  	[smem:$0x3F8E] =	sst s8  }
0x11: {  	[smem:$0x3F8F] =	sst s9;
	s0 =	simm.s32 @!p0 $0x0  }
0x12: {  	s1 =	sld [smem:$0x3F75];
	s0 =	simm.s32 @p0 $0x1  }
0x13: {  	[smem:$0x3F90] =	sst s0;
	s0 =	simm.s32 @!p1 $0x0  }
0x14: {  	s2 =	sld [smem:$0x3F74];
	s0 =	simm.s32 @p1 $0x1  }
0x15: {  	[smem:$0x3F91] =	sst s0;
	s0 =	simm.s32 @!p2 $0x0  }
0x16: {  	s3 =	sld [smem:$0x3FDB];
	s0 =	simm.s32 @p2 $0x1  }
0x17: {  	s4 =	simm.s32 $0x1BF5;
	[smem:$0x3F93] =	sst s0  }
0x18: {  	s0 =	sld [smem:$0x3F76];
	_ =	swait.ge [sflag:s4], $0x0  }
0x19: {  	s7 =	sld [smem:$0x3F77]  }
0x1a: {  	s8 =	sadd.s32 $0xFFFFE003, lr  }
0x1b: {  	s9 =	sadd.s32 $0xFFFFFEF7, lr;
	s5 =	simm.s32 $0xFFFFFFFF;
	p2 =	slt.u32 s8, $0xFFFFF086  }
0x1c: {  	p1 =	slt.u32 s9, $0xF7A;
	s5 =	simm.s32 @!p2 $0x0  }
0x1d: {  	s5 =	simm.s32 @p1 $0x1;
	p0 =	seq.s32 s7, s2  }
0x1e: {  	s7 =	smul.u32 @!p0 $0xF7A, s2;
	p2 =	seq.s32 @!p0 s5, $0x0  }
0x1f: {  	s9 =	smul.u32 $0xF7A, s1;
	s8 =	simm.s32 @!p0 $0x1BF5;
	p2 =	por !p2, p0  }
0x20: {  	[sflag:s8] =	ssyncset.s32 @!p0 $0xFFFFF086;
	s6 =	sadd.s32 @!p0 s3, s7;
	s7 =	simm.s32 @!p0 $0x108  }
0x21: {  	s3 =	sadd.s32 s3, s9;
	s6 =	sadd.s32 @!p0 $0x88, s6;
	s7 =	simm.s32 @p2 $0x1082  }
0x22: {  	[simem:s7], [sflag:s8] =	dma.local @!p0 [hbm:s6], $0xF7A  }
0x23: {  	s9 =	sor.u32 $0xD0000000, s2;
	s6 =	simm.s32 $0x108;
	_ =	swait.ge @!p0 [sflag:s8], $0x0  }
0x24: {  	s3 =	sadd.s32 $0x88, s3;
	s6 =	simm.s32 @!p1 $0x1082;
	[sflag:s4] =	ssyncset.s32 $0xFFFFF086  }
0x25: {  	[simem:s6], [sflag:s4] =	dma.local [hbm:s3], $0xF7A  }
0x26: {  	[smem:$0x3F77] =	sst s1;
	(tag) =	ssettag s2;
	_ =	strace s9  }
0x27: {  	s1 =	sld [smem:$0x3F87]  }
0x28: {  	s2 =	sld [smem:$0x3F88]  }
0x29: {  	s4 =	sld [smem:$0x3F8A]  }
0x2a: {  	p0 =	seq.s32 s5, $0x0;
	s5 =	sld [smem:$0x3F8B]  }
0x2b: {  	s6 =	sld [smem:$0x3F8C]  }
0x2c: {  	s7 =	sld [smem:$0x3F8D]  }
0x2d: {  	s3 =	simm.s32 $0x108;
	s8 =	sld [smem:$0x3F8E]  }
0x2e: {  	s3 =	simm.s32 @!p0 $0x1082;
	s9 =	sld [smem:$0x3F8F]  }
0x2f: {  	lr =	sadd.s32 s0, s3;
	s0 =	sld [smem:$0x3F86]  }
0x30: {  	s3 =	sld [smem:$0x3F89]  }
0x31: {  	[smem:$0x3F92] =	sst s10  }
0x32: {  	s10 =	sld [smem:$0x3F90];
	_ =	sdelay $0x3  }
0x33: {  	p0 =	seq.s32 s10, $0x1;
	s10 =	sld [smem:$0x3F92];
	_ =	sdelay $0x3  }
0x34: {  	[smem:$0x3F92] =	sst s10  }
0x35: {  	s10 =	sld [smem:$0x3F91];
	_ =	sdelay $0x3  }
0x36: {  	p1 =	seq.s32 s10, $0x1;
	s10 =	sld [smem:$0x3F92];
	_ =	sdelay $0x3  }
0x37: {  	[smem:$0x3F92] =	sst s10  }
0x38: {  	s10 =	sld [smem:$0x3F93]  }
0x39: {  	_ = 	snop;
	(pc) =	sbr.ind lr, $3  }
0x3a: {  	_ = 	snop  }
0x3b: {  	_ = 	snop  }
0x3c: {  	p2 =	seq.s32 s10, $0x1;
	s10 =	sld [smem:$0x3F92]  }
0x3d: {  	_ =	shalt  }
0x3e: {  	_ =	shalt  }
0x3f: {  	_ =	shalt  }
0x40: {  	_ =	shalt  }
0x41: {  	_ =	shalt  }
0x42: {  	_ =	shalt  }
0x43: {  	_ =	shalt  }
0x44: {  	_ =	shalt  }
0x45: {  	_ =	shalt  }
0x46: {  	_ =	shalt  }
0x47: {  	_ =	shalt  }
0x48: {  	_ =	shalt  }
0x49: {  	_ =	shalt  }
0x4a: {  	_ =	shalt  }
0x4b: {  	_ =	shalt  }
0x4c: {  	_ =	shalt  }
0x4d: {  	_ =	shalt  }
0x4e: {  	_ =	shalt  }
0x4f: {  	_ =	shalt  }
0x50: {  	_ =	shalt  }
0x51: {  	_ =	shalt  }
0x52: {  	_ =	shalt  }
0x53: {  	_ =	shalt  }
0x54: {  	_ =	shalt  }
0x55: {  	_ =	shalt  }
0x56: {  	_ =	shalt  }
0x57: {  	_ =	shalt  }
0x58: {  	_ =	shalt  }
0x59: {  	_ =	shalt  }
0x5a: {  	_ =	shalt  }
0x5b: {  	_ =	shalt  }
0x5c: {  	_ =	shalt  }
0x5d: {  	_ =	shalt  }
0x5e: {  	_ =	shalt  }
0x5f: {  	_ =	shalt  }
0x60: {  	_ =	shalt  }
0x61: {  	_ =	shalt  }
0x62: {  	_ =	shalt  }
0x63: {  	_ =	shalt  }
0x64: {  	_ =	shalt  }
0x65: {  	_ =	shalt  }
0x66: {  	_ =	shalt  }
0x67: {  	_ =	shalt  }
0x68: {  	_ =	shalt  }
0x69: {  	_ =	shalt  }
0x6a: {  	_ =	shalt  }
0x6b: {  	_ =	shalt  }
0x6c: {  	_ =	shalt  }
0x6d: {  	_ =	shalt  }
0x6e: {  	_ =	shalt  }
0x6f: {  	_ =	shalt  }
0x70: {  	_ =	shalt  }
0x71: {  	_ =	shalt  }
0x72: {  	_ =	shalt  }
0x73: {  	_ =	shalt  }
0x74: {  	_ =	shalt  }
0x75: {  	_ =	shalt  }
0x76: {  	_ =	shalt  }
0x77: {  	_ =	shalt  }
0x78: {  	_ =	shalt  }
0x79: {  	_ =	shalt  }
0x7a: {  	_ =	shalt  }
0x7b: {  	_ =	shalt  }
0x7c: {  	_ =	shalt  }
0x7d: {  	_ =	shalt  }
0x7e: {  	_ =	shalt  }
0x7f: {  	_ =	shalt  }
0x80: {  	_ =	shalt  }
0x81: {  	_ =	shalt  }
0x82: {  	_ =	shalt  }
0x83: {  	_ =	shalt  }
0x84: {  	_ =	shalt  }
0x85: {  	_ =	shalt  }
0x86: {  	_ =	shalt  }
0x87: {  	_ =	shalt  }
.Lfunc_end0:
.L_simem_size_0:
called_computation.5_lowered:
.L_overlay_start_0:
0x88: {  	s2 =	sld [smem:$0x3FD9]  }
0x89: {  	s3 =	sld [smem:$0x3FFE];
	_ =	sdelay $0x1  }
0x8a: {  	s1 =	srdreg.scid  }
0x8b: {  	s0 =	sand.u32 $0x1, s1  }
0x8c: {  	s16 =	sshll.u32 s0, $0xA;
	s2 =	sadd.s32 s3, s2  }
0x8d: {  	s2 =	sadd.s32 s2, s16  }
0x8e: {  	[smem:$0x3F9E] =	sst s2  }
0x8f: {  	_ = 	snop  }
0x90: {  	(tm) =	ssettm $0x1  }
0x91: {  	s17 =	sld [smem:$0x3FFB];
	_ =	sdelay $0x3  }
0x92: {  	_ =	strace s17  }
0x93: {  	s2 =	sld [smem:$0x3FFC];
	_ =	sdelay $0x3  }
0x94: {  	_ =	strace s2  }
0x95: {  	s2 =	sld [smem:$0x3FFD];
	_ =	sdelay $0x3  }
0x96: {  	_ =	strace s2  }
0x97: {  	_ =	strace $0x8FFFFFFF  }
0x98: {  	s18 =	sld [smem:$0x3FDB];
	_ =	sdelay $0x1  }
0x99: {  	s19 =	simm.s32 $_scs_section_size  }
0x9a: {  	s4 =	simm.s32 $_size__tile_overlayer_lowered;
	s5 =	simm.s32 $_tile_overlayer_lowered  }
0x9b: {  	s22 =	simm.s32 $0x1BFF;
	s21 =	sshll.u32 s5, $0x1;
	s2 =	sadd.s32 s19, s18  }
0x9c: {  	s6 =	simm.s32 $0x0;
	s20 =	sshll.u32 s4, $0x1;
	s4 =	sadd.s32 s21, s2  }
0x9d: {  	[timem:s6], [sflag:s22] =	dma.local [hbm:s4], s20  }
0x9e: {  	_ =	swait.ge [sflag:s22], s20  }
0x9f: {  	s3 =	ssub.s32 $0x0, s20;
	[sflag:s22] =	ssyncset.done $0x0  }
0xa0: {  	[sflag:s22] =	ssyncadd.s32 s3;
	_ =	sdelay $0x1  }
0xa1: {  	s23 =	simm.s32 $0x1B8B  }
0xa2: {  	_ =	swait.ge [sflag:s23], $0x1  }
0xa3: {  	[sflag:s23] =	ssyncset.done $0x0  }
0xa4: {  	s25 =	simm.s32 $0x1B8E;
	s24 =	sld [smem:$0x3FFE];
	[sflag:s23] =	ssyncadd.s32 $0xFFFFFFFF  }
0xa5: {  	s26 =	simm.s32 $execute0_lowered;
	[smem:$0x3FD2] =	sst s25  }
0xa6: {  	s4 =	sshll.u32 s26, $0x1;
	_ =	strace $0x80000055;
	[dreg:$0x1] =	wrdreg $0xFFFFFFFF  }
0xa7: {  	s28 =	simm.s32 $_size_execute0_lowered;
	s2 =	sadd.s32 s2, s4;
	[dreg:$0x0] =	wrdreg $0x0  }
0xa8: {  	s4 =	sshll.u32 s28, $0x1;
	[dreg:$0x2] =	wrdreg s2  }
0xa9: {  	[dreg:$0x3] =	wrdreg s4  }
0xaa: {  	[dreg:$0x4] =	wrdreg $0xC0  }
0xab: {  	_ =	task [dreg:s6], $0x5FFFF  }
0xac: {  	[dreg:$0x1] =	wrdreg $0xFFFFFFFF  }
0xad: {  	[dreg:$0x0] =	wrdreg $0x60  }
0xae: {  	[dreg:$0x2] =	wrdreg s24  }
0xaf: {  	[dreg:$0x3] =	wrdreg $0x9  }
0xb0: {  	_ =	task.clear_ibuf [dreg:s6], $0x4FFFF;
	_ =	strace $0x90000055  }
0xb1: {  	s29 =	simm.s32 $0x9;
	_ =	strace $0x80000057  }
0xb2: {  	_ =	swait.ge [sflag:s29], $0x1  }
0xb3: {  	[sflag:s29] =	ssyncadd.s32 $0xFFFFFFFF  }
0xb4: {  	_ =	strace $0x90000057  }
0xb5: {  	_ =	sfence  }
0xb6: {  	s30 =	sld [smem:$0x0];
	_ =	sdelay $0x2  }
0xb7: {  	s31 =	sshll.u32 s1, $0xD;
	s1 =	sshrl.u32 s1, $0x2  }
0xb8: {  	s3 =	sand.u32 $0x4000, s31;
	s1 =	sadd.s32 s1, s30  }
0xb9: {  	s0 =	sor.u32 s3, s0;
	s1 =	sshll.u32 s1, $0x11  }
0xba: {  	s0 =	sor.u32 s1, s0  }
0xbb: {  	s0 =	sadd.s32 $0x8F2B, s0  }
0xbc: {  	[sflag:s0] =	ssyncadd.remote.s32 $0x1  }
0xbd: {  	_ =	sfence.sel $0xFFFF  }
0xbe: {  	[dreg:$0x0] =	wrdreg $0xFFFFFFFF;
	(pc) =	sbr.abs _section_cstart, $3  }
0xbf: {  	[dreg:$0x1] =	wrdreg $0xFFFFFFFF  }
0xc0: {  	_ =	task.clear_ibuf [dreg:s6], $0x2FFFF;
	_ =	strace $0x9FFFFFFF  }
0xc1: {  	(tm) =	ssettm $0x7FFFFFFF  }
tec
execute0_lowered:
.L_overlay_start_1:
0x0: {  	(tag) =	ssettag $0x1  }
0x1: {  	s4 =	rddreg [dreg:$0x0]  }
0x2: {  	s1 =	srdreg.scid;
	s0 =	rddreg [dreg:$0x1]  }
0x3: {  	s2 =	simm.s32 $0x0;
	s11 =	simm.s32 $0x100;
	s12 =	simm.s32 $0x4100  }
0x4: {  	s13 =	simm.s32 $0x1;
	s14 =	simm.s32 $0x2;
	s5 =	sand.u32 $0x1, s1  }
0x5: {  	s15 =	simm.s32 $0x0;
	s1 =	stileid.u32;
	s6 =	smul.u32 $0x27800, s5  }
0x6: {  	[smem:$0x7FF] =	sst s2;
	s3 =	sadd.s32 $0x2D600, s4;
	s7 =	smul.u32 $0x2780, s1  }
0x7: {  	_ =	strace $0x80000056;
	s8 =	smul.u32 $0x278000, s5;
	s5 =	ssub.s32 $0x2, s5  }
0x8: {  	s29 =	smul.u32 $0x27800, s1;
	s9 =	sshrl.u32 s5, $0x1;
	s6 =	sadd.s32 s7, s6  }
0x9: {  	s8 =	sadd.s32 s8, s4;
	s30 =	ssub.s32 s5, s9;
	s6 =	sshrl.u32 s6, $0x3  }
0xa: {  	s9 =	simm.s32 $0x3;
	s31 =	sadd.s32 s29, s8;
	s10 =	sadd.s32 s6, s4  }
0xb: {  	s4 =	smax.u32 s30, $0x1;
	s5 =	sadd.s32 $0x55600, s31;
	s6 =	sadd.s32 $0x545600, s31  }
0xc: {  	s7 =	sadd.s32 $0xAC00, s10;
	s8 =	sadd.s32 $0x23800, s10;
	s10 =	simm.s32 $0x80  }
.LBB2_1:
0xd: {  	s16 =	sadd.s32 $0x0, s8  }
0xe: {  	[tilespmem:s2], [sflag:$0x3] =	stream.linear.gather [hbm4b:s16+s2], $0x80, $0x38;
	[tilespmem:$0x8100] =	vst v63  }
0xf: {  	_ =	swait.ge [sflag:s9], $0x80  }
0x10: {  	[sflag:s9] =	ssyncset.done $0x0  }
0x11: {  	s31 =	sadd.s32 $0x0, s7;
	[sflag:s9] =	ssyncadd.s32 $0xFFFFFF80  }
0x12: {  	[tilespmem:s10], [sflag:$0x3] =	stream.linear.gather [hbm4b:s31+s2], $0x80, $0x38;
	[tilespmem:$0x8100] =	vst v63  }
0x13: {  	_ =	swait.ge [sflag:s9], $0x80  }
0x14: {  	[sflag:s9] =	ssyncset.done $0x0  }
0x15: {  	[sflag:s9] =	ssyncadd.s32 $0xFFFFFF80  }
0x16: {  	[tilespmem:s11], [sflag:$0x1] =	stream.indirect.gather [hbm4b:s3+s10], $0x80, s2, s10, $0xb8;
	[tilespmem:$0x8100] =	vst v63  }
0x17: {  	_ = 	snop  }
0x18: {  	[tilespmem:s12], [sflag:$0x2] =	stream.indirect.gather [hbm4b:s3+s10], $0x80, s10, s10, $0xb8;
	[tilespmem:$0x8100] =	vst v63  }
0x19: {  	_ =	swait.ge [sflag:s13], $0x4000  }
0x1a: {  	[sflag:s13] =	ssyncset.done $0x0  }
0x1b: {  	[sflag:s13] =	ssyncadd.s32 $0xFFFFC000  }
0x1c: {  	_ =	swait.ge [sflag:s14], $0x4000  }
0x1d: {  	[sflag:s14] =	ssyncset.done $0x0  }
0x1e: {  	[sflag:s14] =	ssyncadd.s32 $0xFFFFC000  }
0x1f: {  	[hbm4b:s5+s2] =	stream.linear.scatter [tilespmem:s11], [sflag:$0x3], $0x4000, $0x38;
	[tilespmem:$0x8100] =	vst v63  }
0x20: {  	_ =	swait.ge [sflag:s9], $0x4000  }
0x21: {  	[sflag:s9] =	ssyncset.done $0x0  }
0x22: {  	[sflag:s9] =	ssyncadd.s32 $0xFFFFC000  }
0x23: {  	[hbm4b:s6+s2] =	stream.linear.scatter [tilespmem:s12], [sflag:$0x3], $0x4000, $0x38;
	[tilespmem:$0x8100] =	vst v63  }
0x24: {  	s18 =	simm.s32 $0x10;
	s19 =	simm.s32 $0x20;
	_ =	swait.ge [sflag:s9], $0x4000  }
0x25: {  	s17 =	sadd.s32 $0x800, s5;
	s16 =	sadd.s32 $0x800, s6;
	[sflag:s9] =	ssyncset.done $0x0  }
.LBB2_2:
0x26: {  	s20 =	sadd.s32 s18, s8  }
0x27: {  	[sflag:s9] =	ssyncadd.s32 $0xFFFFC000;
	s21 =	smov.u32 s19;
	s22 =	sadd.s32 $0x10, s19  }
0x28: {  	[tilespmem:s2], [sflag:$0x3] =	stream.linear.gather [hbm4b:s20+s2], $0x80, $0x38;
	[tilespmem:$0x8100] =	vst v63  }
0x29: {  	p0 =	sne.s32 s19, $0x4E0;
	_ =	swait.ge [sflag:s9], $0x80  }
0x2a: {  	[sflag:s9] =	ssyncset.done $0x0  }
0x2b: {  	s19 =	sadd.s32 s18, s7;
	s18 =	smov.u32 s21;
	[sflag:s9] =	ssyncadd.s32 $0xFFFFFF80  }
0x2c: {  	[tilespmem:s10], [sflag:$0x3] =	stream.linear.gather [hbm4b:s19+s2], $0x80, $0x38;
	[tilespmem:$0x8100] =	vst v63  }
0x2d: {  	_ =	swait.ge [sflag:s9], $0x80  }
0x2e: {  	[sflag:s9] =	ssyncset.done $0x0  }
0x2f: {  	[sflag:s9] =	ssyncadd.s32 $0xFFFFFF80  }
0x30: {  	[tilespmem:s11], [sflag:$0x1] =	stream.indirect.gather [hbm4b:s3+s10], $0x80, s2, s10, $0xb8;
	[tilespmem:$0x8100] =	vst v63  }
0x31: {  	_ = 	snop  }
0x32: {  	[tilespmem:s12], [sflag:$0x2] =	stream.indirect.gather [hbm4b:s3+s10], $0x80, s10, s10, $0xb8;
	[tilespmem:$0x8100] =	vst v63  }
0x33: {  	_ =	swait.ge [sflag:s13], $0x4000  }
0x34: {  	[sflag:s13] =	ssyncset.done $0x0  }
0x35: {  	[sflag:s13] =	ssyncadd.s32 $0xFFFFC000  }
0x36: {  	_ =	swait.ge [sflag:s14], $0x4000  }
0x37: {  	[sflag:s14] =	ssyncset.done $0x0  }
0x38: {  	[sflag:s14] =	ssyncadd.s32 $0xFFFFC000  }
0x39: {  	[hbm4b:s17+s2] =	stream.linear.scatter [tilespmem:s11], [sflag:$0x3], $0x4000, $0x38;
	[tilespmem:$0x8100] =	vst v63  }
0x3a: {  	_ =	swait.ge [sflag:s9], $0x4000  }
.Ltmp0:
0x3b: {  	[sflag:s9] =	ssyncset.done $0x0;
	(pc) =	sbr.rel @p0 .LBB2_2-.Ltmp0, $4  }
0x3c: {  	[sflag:s9] =	ssyncadd.s32 $0xFFFFC000  }
0x3d: {  	[hbm4b:s16+s2] =	stream.linear.scatter [tilespmem:s12], [sflag:$0x3], $0x4000, $0x38;
	[tilespmem:$0x8100] =	vst v63  }
0x3e: {  	s19 =	smov.u32 s22;
	_ =	swait.ge [sflag:s9], $0x4000  }
0x3f: {  	s17 =	sadd.s32 $0x800, s17;
	s16 =	sadd.s32 $0x800, s16;
	[sflag:s9] =	ssyncset.done $0x0  }
0x40: {  	s19 =	sadd.s32 s18, s8;
	[sflag:s9] =	ssyncadd.s32 $0xFFFFC000  }
0x41: {  	[tilespmem:s2], [sflag:$0x3] =	stream.linear.gather [hbm4b:s19+s2], $0x80, $0x38;
	[tilespmem:$0x8100] =	vst v63  }
0x42: {  	_ =	swait.ge [sflag:s9], $0x80  }
0x43: {  	[sflag:s9] =	ssyncset.done $0x0  }
0x44: {  	s31 =	sadd.s32 s18, s7;
	[sflag:s9] =	ssyncadd.s32 $0xFFFFFF80  }
0x45: {  	[tilespmem:s10], [sflag:$0x3] =	stream.linear.gather [hbm4b:s31+s2], $0x80, $0x38;
	[tilespmem:$0x8100] =	vst v63  }
0x46: {  	_ =	swait.ge [sflag:s9], $0x80  }
0x47: {  	[sflag:s9] =	ssyncset.done $0x0  }
0x48: {  	[sflag:s9] =	ssyncadd.s32 $0xFFFFFF80  }
0x49: {  	[tilespmem:s11], [sflag:$0x1] =	stream.indirect.gather [hbm4b:s3+s10], $0x80, s2, s10, $0xb8;
	[tilespmem:$0x8100] =	vst v63  }
0x4a: {  	_ = 	snop  }
0x4b: {  	[tilespmem:s12], [sflag:$0x2] =	stream.indirect.gather [hbm4b:s3+s10], $0x80, s10, s10, $0xb8;
	[tilespmem:$0x8100] =	vst v63  }
0x4c: {  	_ =	swait.ge [sflag:s13], $0x4000  }
0x4d: {  	[sflag:s13] =	ssyncset.done $0x0  }
0x4e: {  	[sflag:s13] =	ssyncadd.s32 $0xFFFFC000  }
0x4f: {  	_ =	swait.ge [sflag:s14], $0x4000  }
0x50: {  	[sflag:s14] =	ssyncset.done $0x0  }
0x51: {  	[sflag:s14] =	ssyncadd.s32 $0xFFFFC000  }
0x52: {  	[hbm4b:s17+s2] =	stream.linear.scatter [tilespmem:s11], [sflag:$0x3], $0x4000, $0x38;
	[tilespmem:$0x8100] =	vst v63  }
0x53: {  	s15 =	sadd.s32 $0x1, s15;
	_ =	swait.ge [sflag:s9], $0x4000  }
0x54: {  	p0 =	sne.s32 s15, s4;
	[sflag:s9] =	ssyncset.done $0x0  }
.Ltmp1:
0x55: {  	[sflag:s9] =	ssyncadd.s32 $0xFFFFC000;
	(pc) =	sbr.rel @p0 .LBB2_1-.Ltmp1, $4  }
0x56: {  	[hbm4b:s16+s2] =	stream.linear.scatter [tilespmem:s12], [sflag:$0x3], $0x4000, $0x38;
	[tilespmem:$0x8100] =	vst v63  }
0x57: {  	_ =	swait.ge [sflag:s9], $0x4000  }
0x58: {  	[sflag:s9] =	ssyncset.done $0x0  }
0x59: {  	[sflag:s9] =	ssyncadd.s32 $0xFFFFC000  }
0x5a: {  	_ =	sfence.sel $0x180000  }
0x5b: {  	[bflag:$0x0] =	sbarrier.arrive $0xFFFF  }
0x5c: {  	p0 =	sne.s32 s1, $0x0;
	_ =	strace $0x90000056  }
0x5d: {  	s0 =	sadd.s32 @!p0 $0x100000, s0;
	[bflag:$0x2] =	sbarrier.arrive $0xFFFF  }
0x5e: {  	[sflag:s0] =	ssyncadd.tile.s32 @!p0 $0x1;
	_ =	shalt  }
.Lfunc_end2:
_tile_overlayer_lowered:
.L_overlay_start_2:
0x5f: {  	(tag) =	ssettag $0x2  }
0x60: {  	s0 =	rddreg [dreg:$0x0];
	s2 =	stileid.u32  }
0x61: {  	s1 =	rddreg [dreg:$0x1];
	p0 =	sne.s32 s2, $0x0  }
0x62: {  	s3 =	rddreg [dreg:$0x2];
	[bflag:$0x3] =	sbarrier.arrive $0xFFFF;
	s2 =	simm.s32 @!p0 $0x1C03  }
0x63: {  	[timem:s3], [sflag:s2] =	dma.local @!p0 [hbm:s0], s1  }
0x64: {  	s0 =	simm.s32 @!p0 $0x3  }
0x65: {  	_ =	swait.ge @!p0 [sflag:s0], s1  }
0x66: {  	s1 =	ssub.s32 @!p0 $0x0, s1;
	[sflag:s0] =	ssyncset.done @!p0 $0x0  }
0x67: {  	[sflag:s0] =	ssyncadd.s32 @!p0 s1  }
0x68: {  	[bflag:$0x3] =	sbarrier.arrive $0xFFFF  }
0x69: {  	_ =	shalt  }

// kernel: kernel.34.cloned.1.call-start
scs
__scs_entry_jumppad:
0x0: {  	(pc) =	sbr.rel $0x88, $3  }
0x1: {  	(tag) =	ssettag $0x0;
	lr =	simm.s32 $0x1  }
0x2: {  	[smem:$0x3F77] =	sst lr;
	_ =	strace $0xD0000000  }
0x3: {  	_ = 	snop  }
0x4: {  	_ = 	snop  }
0x5: {  	_ = 	snop  }
0x6: {  	_ = 	snop  }
0x7: {  	_ = 	snop  }
__scs_overlays_trampoline_lowered:
0x8: {  	[smem:$0x3F86] =	sst s0  }
0x9: {  	[smem:$0x3F87] =	sst s1  }
0xa: {  	[smem:$0x3F88] =	sst s2  }
0xb: {  	[smem:$0x3F89] =	sst s3  }
0xc: {  	[smem:$0x3F8A] =	sst s4  }
0xd: {  	[smem:$0x3F8B] =	sst s5  }
0xe: {  	[smem:$0x3F8C] =	sst s6  }
0xf: {  	[smem:$0x3F8D] =	sst s7  }
0x10: {  	[smem:$0x3F8E] =	sst s8  }
0x11: {  	[smem:$0x3F8F] =	sst s9;
	s0 =	simm.s32 @!p0 $0x0  }
0x12: {  	s1 =	sld [smem:$0x3F75];
	s0 =	simm.s32 @p0 $0x1  }
0x13: {  	[smem:$0x3F90] =	sst s0;
	s0 =	simm.s32 @!p1 $0x0  }
0x14: {  	s2 =	sld [smem:$0x3F74];
	s0 =	simm.s32 @p1 $0x1  }
0x15: {  	[smem:$0x3F91] =	sst s0;
	s0 =	simm.s32 @!p2 $0x0  }
0x16: {  	s3 =	sld [smem:$0x3FDB];
	s0 =	simm.s32 @p2 $0x1  }
0x17: {  	s4 =	simm.s32 $0x1BF5;
	[smem:$0x3F93] =	sst s0  }
0x18: {  	s0 =	sld [smem:$0x3F76];
	_ =	swait.ge [sflag:s4], $0x0  }
0x19: {  	s7 =	sld [smem:$0x3F77]  }
0x1a: {  	s8 =	sadd.s32 $0xFFFFE003, lr  }
0x1b: {  	s9 =	sadd.s32 $0xFFFFFEF7, lr;
	s5 =	simm.s32 $0xFFFFFFFF;
	p2 =	slt.u32 s8, $0xFFFFF086  }
0x1c: {  	p1 =	slt.u32 s9, $0xF7A;
	s5 =	simm.s32 @!p2 $0x0  }
0x1d: {  	s5 =	simm.s32 @p1 $0x1;
	p0 =	seq.s32 s7, s2  }
0x1e: {  	s7 =	smul.u32 @!p0 $0xF7A, s2;
	p2 =	seq.s32 @!p0 s5, $0x0  }
0x1f: {  	s9 =	smul.u32 $0xF7A, s1;
	s8 =	simm.s32 @!p0 $0x1BF5;
	p2 =	por !p2, p0  }
0x20: {  	[sflag:s8] =	ssyncset.s32 @!p0 $0xFFFFF086;
	s6 =	sadd.s32 @!p0 s3, s7;
	s7 =	simm.s32 @!p0 $0x108  }
0x21: {  	s3 =	sadd.s32 s3, s9;
	s6 =	sadd.s32 @!p0 $0x88, s6;
	s7 =	simm.s32 @p2 $0x1082  }
0x22: {  	[simem:s7], [sflag:s8] =	dma.local @!p0 [hbm:s6], $0xF7A  }
0x23: {  	s9 =	sor.u32 $0xD0000000, s2;
	s6 =	simm.s32 $0x108;
	_ =	swait.ge @!p0 [sflag:s8], $0x0  }
0x24: {  	s3 =	sadd.s32 $0x88, s3;
	s6 =	simm.s32 @!p1 $0x1082;
	[sflag:s4] =	ssyncset.s32 $0xFFFFF086  }
0x25: {  	[simem:s6], [sflag:s4] =	dma.local [hbm:s3], $0xF7A  }
0x26: {  	[smem:$0x3F77] =	sst s1;
	(tag) =	ssettag s2;
	_ =	strace s9  }
0x27: {  	s1 =	sld [smem:$0x3F87]  }
0x28: {  	s2 =	sld [smem:$0x3F88]  }
0x29: {  	s4 =	sld [smem:$0x3F8A]  }
0x2a: {  	p0 =	seq.s32 s5, $0x0;
	s5 =	sld [smem:$0x3F8B]  }
0x2b: {  	s6 =	sld [smem:$0x3F8C]  }
0x2c: {  	s7 =	sld [smem:$0x3F8D]  }
0x2d: {  	s3 =	simm.s32 $0x108;
	s8 =	sld [smem:$0x3F8E]  }
0x2e: {  	s3 =	simm.s32 @!p0 $0x1082;
	s9 =	sld [smem:$0x3F8F]  }
0x2f: {  	lr =	sadd.s32 s0, s3;
	s0 =	sld [smem:$0x3F86]  }
0x30: {  	s3 =	sld [smem:$0x3F89]  }
0x31: {  	[smem:$0x3F92] =	sst s10  }
0x32: {  	s10 =	sld [smem:$0x3F90];
	_ =	sdelay $0x3  }
0x33: {  	p0 =	seq.s32 s10, $0x1;
	s10 =	sld [smem:$0x3F92];
	_ =	sdelay $0x3  }
0x34: {  	[smem:$0x3F92] =	sst s10  }
0x35: {  	s10 =	sld [smem:$0x3F91];
	_ =	sdelay $0x3  }
0x36: {  	p1 =	seq.s32 s10, $0x1;
	s10 =	sld [smem:$0x3F92];
	_ =	sdelay $0x3  }
0x37: {  	[smem:$0x3F92] =	sst s10  }
0x38: {  	s10 =	sld [smem:$0x3F93]  }
0x39: {  	_ = 	snop;
	(pc) =	sbr.ind lr, $3  }
0x3a: {  	_ = 	snop  }
0x3b: {  	_ = 	snop  }
0x3c: {  	p2 =	seq.s32 s10, $0x1;
	s10 =	sld [smem:$0x3F92]  }
0x3d: {  	_ =	shalt  }
0x3e: {  	_ =	shalt  }
0x3f: {  	_ =	shalt  }
0x40: {  	_ =	shalt  }
0x41: {  	_ =	shalt  }
0x42: {  	_ =	shalt  }
0x43: {  	_ =	shalt  }
0x44: {  	_ =	shalt  }
0x45: {  	_ =	shalt  }
0x46: {  	_ =	shalt  }
0x47: {  	_ =	shalt  }
0x48: {  	_ =	shalt  }
0x49: {  	_ =	shalt  }
0x4a: {  	_ =	shalt  }
0x4b: {  	_ =	shalt  }
0x4c: {  	_ =	shalt  }
0x4d: {  	_ =	shalt  }
0x4e: {  	_ =	shalt  }
0x4f: {  	_ =	shalt  }
0x50: {  	_ =	shalt  }
0x51: {  	_ =	shalt  }
0x52: {  	_ =	shalt  }
0x53: {  	_ =	shalt  }
0x54: {  	_ =	shalt  }
0x55: {  	_ =	shalt  }
0x56: {  	_ =	shalt  }
0x57: {  	_ =	shalt  }
0x58: {  	_ =	shalt  }
0x59: {  	_ =	shalt  }
0x5a: {  	_ =	shalt  }
0x5b: {  	_ =	shalt  }
0x5c: {  	_ =	shalt  }
0x5d: {  	_ =	shalt  }
0x5e: {  	_ =	shalt  }
0x5f: {  	_ =	shalt  }
0x60: {  	_ =	shalt  }
0x61: {  	_ =	shalt  }
0x62: {  	_ =	shalt  }
0x63: {  	_ =	shalt  }
0x64: {  	_ =	shalt  }
0x65: {  	_ =	shalt  }
0x66: {  	_ =	shalt  }
0x67: {  	_ =	shalt  }
0x68: {  	_ =	shalt  }
0x69: {  	_ =	shalt  }
0x6a: {  	_ =	shalt  }
0x6b: {  	_ =	shalt  }
0x6c: {  	_ =	shalt  }
0x6d: {  	_ =	shalt  }
0x6e: {  	_ =	shalt  }
0x6f: {  	_ =	shalt  }
0x70: {  	_ =	shalt  }
0x71: {  	_ =	shalt  }
0x72: {  	_ =	shalt  }
0x73: {  	_ =	shalt  }
0x74: {  	_ =	shalt  }
0x75: {  	_ =	shalt  }
0x76: {  	_ =	shalt  }
0x77: {  	_ =	shalt  }
0x78: {  	_ =	shalt  }
0x79: {  	_ =	shalt  }
0x7a: {  	_ =	shalt  }
0x7b: {  	_ =	shalt  }
0x7c: {  	_ =	shalt  }
0x7d: {  	_ =	shalt  }
0x7e: {  	_ =	shalt  }
0x7f: {  	_ =	shalt  }
0x80: {  	_ =	shalt  }
0x81: {  	_ =	shalt  }
0x82: {  	_ =	shalt  }
0x83: {  	_ =	shalt  }
0x84: {  	_ =	shalt  }
0x85: {  	_ =	shalt  }
0x86: {  	_ =	shalt  }
0x87: {  	_ =	shalt  }
.Lfunc_end0:
.L_simem_size_0:
called_computation.6_lowered:
.L_overlay_start_0:
0x88: {  	s2 =	sld [smem:$0x3FD9]  }
0x89: {  	s3 =	sld [smem:$0x3FFE];
	_ =	sdelay $0x1  }
0x8a: {  	s1 =	srdreg.scid  }
0x8b: {  	s0 =	sand.u32 $0x1, s1  }
0x8c: {  	s16 =	sshll.u32 s0, $0xA;
	s2 =	sadd.s32 s3, s2  }
0x8d: {  	s2 =	sadd.s32 s2, s16  }
0x8e: {  	[smem:$0x3F9E] =	sst s2  }
0x8f: {  	_ = 	snop  }
0x90: {  	(tm) =	ssettm $0x1  }
0x91: {  	s17 =	sld [smem:$0x3FFB];
	_ =	sdelay $0x3  }
0x92: {  	_ =	strace s17  }
0x93: {  	s2 =	sld [smem:$0x3FFC];
	_ =	sdelay $0x3  }
0x94: {  	_ =	strace s2  }
0x95: {  	s2 =	sld [smem:$0x3FFD];
	_ =	sdelay $0x3  }
0x96: {  	_ =	strace s2  }
0x97: {  	_ =	strace $0x8FFFFFFF  }
0x98: {  	s18 =	sld [smem:$0x3FDB];
	_ =	sdelay $0x1  }
0x99: {  	s19 =	simm.s32 $_scs_section_size  }
0x9a: {  	s4 =	simm.s32 $_size__tile_overlayer_lowered;
	s5 =	simm.s32 $_tile_overlayer_lowered  }
0x9b: {  	s22 =	simm.s32 $0x1BFF;
	s21 =	sshll.u32 s5, $0x1;
	s2 =	sadd.s32 s19, s18  }
0x9c: {  	s6 =	simm.s32 $0x0;
	s20 =	sshll.u32 s4, $0x1;
	s4 =	sadd.s32 s21, s2  }
0x9d: {  	[timem:s6], [sflag:s22] =	dma.local [hbm:s4], s20  }
0x9e: {  	_ =	swait.ge [sflag:s22], s20  }
0x9f: {  	s3 =	ssub.s32 $0x0, s20;
	[sflag:s22] =	ssyncset.done $0x0  }
0xa0: {  	[sflag:s22] =	ssyncadd.s32 s3;
	_ =	sdelay $0x1  }
0xa1: {  	s23 =	simm.s32 $0x1B8B  }
0xa2: {  	_ =	swait.ge [sflag:s23], $0x1  }
0xa3: {  	[sflag:s23] =	ssyncset.done $0x0  }
0xa4: {  	s25 =	simm.s32 $0x1B8E;
	s24 =	sld [smem:$0x3FFE];
	[sflag:s23] =	ssyncadd.s32 $0xFFFFFFFF  }
0xa5: {  	s26 =	simm.s32 $execute0_lowered;
	[smem:$0x3FD2] =	sst s25  }
0xa6: {  	s4 =	sshll.u32 s26, $0x1;
	_ =	strace $0x80000058;
	[dreg:$0x1] =	wrdreg $0xFFFFFFFF  }
0xa7: {  	s28 =	simm.s32 $_size_execute0_lowered;
	s2 =	sadd.s32 s2, s4;
	[dreg:$0x0] =	wrdreg $0x0  }
0xa8: {  	s4 =	sshll.u32 s28, $0x1;
	[dreg:$0x2] =	wrdreg s2  }
0xa9: {  	[dreg:$0x3] =	wrdreg s4  }
0xaa: {  	[dreg:$0x4] =	wrdreg $0xC0  }
0xab: {  	_ =	task [dreg:s6], $0x5FFFF  }
0xac: {  	[dreg:$0x1] =	wrdreg $0xFFFFFFFF  }
0xad: {  	[dreg:$0x0] =	wrdreg $0x60  }
0xae: {  	[dreg:$0x2] =	wrdreg s24  }
0xaf: {  	[dreg:$0x3] =	wrdreg $0x40800  }
0xb0: {  	[dreg:$0x4] =	wrdreg $0x9  }
0xb1: {  	_ =	task.clear_ibuf [dreg:s6], $0x5FFFF;
	_ =	strace $0x90000058  }
0xb2: {  	s29 =	simm.s32 $0x9;
	_ =	strace $0x8000005A  }
0xb3: {  	_ =	swait.ge [sflag:s29], $0x1  }
0xb4: {  	[sflag:s29] =	ssyncadd.s32 $0xFFFFFFFF  }
0xb5: {  	_ =	strace $0x9000005A  }
0xb6: {  	_ =	sfence  }
0xb7: {  	s30 =	sld [smem:$0x0];
	_ =	sdelay $0x2  }
0xb8: {  	s31 =	sshll.u32 s1, $0xD;
	s1 =	sshrl.u32 s1, $0x2  }
0xb9: {  	s3 =	sand.u32 $0x4000, s31;
	s1 =	sadd.s32 s1, s30  }
0xba: {  	s0 =	sor.u32 s3, s0;
	s1 =	sshll.u32 s1, $0x11  }
0xbb: {  	s0 =	sor.u32 s1, s0  }
0xbc: {  	s0 =	sadd.s32 $0x8F2B, s0  }
0xbd: {  	[sflag:s0] =	ssyncadd.remote.s32 $0x1  }
0xbe: {  	_ =	sfence.sel $0xFFFF  }
0xbf: {  	[dreg:$0x0] =	wrdreg $0xFFFFFFFF;
	(pc) =	sbr.abs _section_cstart, $3  }
0xc0: {  	[dreg:$0x1] =	wrdreg $0xFFFFFFFF  }
0xc1: {  	_ =	task.clear_ibuf [dreg:s6], $0x2FFFF;
	_ =	strace $0x9FFFFFFF  }
0xc2: {  	(tm) =	ssettm $0x7FFFFFFF  }
0xc3: {  	_ =	shalt  }
tec
execute0_lowered:
.L_overlay_start_1:
0x0: {  	(tag) =	ssettag $0x1  }
0x1: {  	s1 =	stileid.u32  }
0x2: {  	s5 =	rddreg [dreg:$0x0];
	s6 =	smul.u32 $0x2780, s1  }
0x3: {  	s0 =	srdreg.scid;
	s10 =	smul.u32 $0x280, s1  }
0x4: {  	s2 =	rddreg [dreg:$0x1];
	s23 =	smul.u32 $0x50000, s1  }
0x5: {  	s3 =	simm.s32 $0x0;
	s7 =	sand.u32 $0x1, s0;
	s30 =	smul.u32 $0x27800, s1  }
0x6: {  	s20 =	simm.s32 $0x0;
	s0 =	rddreg [dreg:$0x2];
	s4 =	smul.u32 $0x27800, s7  }
0x7: {  	[smem:$0x7FF] =	sst s3;
	s14 =	sadd.s32 $0x55600, s5;
	s8 =	smul.u32 $0x278000, s7  }
0x8: {  	_ =	strace $0x80000059;
	s22 =	ssub.s32 $0x2, s7;
	s19 =	smul.u32 $0x2800, s7  }
0x9: {  	s24 =	sshrl.u32 s22, $0x1;
	s25 =	sshrl.u32 s23, $0x2;
	s11 =	sadd.s32 $0x80, s10  }
0xa: {  	s12 =	sadd.s32 $0x100, s10;
	s13 =	sadd.s32 $0x180, s10;
	s18 =	sadd.s32 $0x200, s10  }
0xb: {  	s4 =	sadd.s32 s6, s4;
	s15 =	sadd.s32 s8, s5;
	s16 =	ssub.s32 s22, s24  }
0xc: {  	s26 =	sshll.u32 s11, $0x7;
	s28 =	sshll.u32 s12, $0x7;
	s9 =	sshll.u32 s13, $0x7  }
0xd: {  	s29 =	sshll.u32 s18, $0x7;
	s10 =	sadd.s32 s10, s19;
	s11 =	sadd.s32 s19, s11  }
0xe: {  	s12 =	sadd.s32 s19, s12;
	s13 =	sadd.s32 s19, s13;
	s18 =	sadd.s32 s19, s18  }
0xf: {  	s19 =	simm.s32 $0x1;
	s4 =	sshrl.u32 s4, $0x3;
	s6 =	sadd.s32 s26, s2  }
0x10: {  	s7 =	sadd.s32 s28, s2;
	s8 =	sadd.s32 s9, s2;
	s9 =	sadd.s32 s29, s2  }
0x11: {  	s10 =	sshll.u32 s10, $0x4;
	s11 =	sshll.u32 s11, $0x4;
	s12 =	sshll.u32 s12, $0x4  }
0x12: {  	s13 =	sshll.u32 s13, $0x4;
	s18 =	sshll.u32 s18, $0x4;
	s31 =	sadd.s32 s30, s15  }
0x13: {  	s15 =	smax.u32 s16, $0x1;
	s17 =	sadd.s32 s4, s5;
	s4 =	sadd.s32 $0x1E800, s5  }
0x14: {  	s5 =	sadd.s32 s25, s2;
	s10 =	sadd.s32 s14, s10;
	s11 =	sadd.s32 s14, s11  }
0x15: {  	s12 =	sadd.s32 s14, s12;
	s13 =	sadd.s32 s14, s13;
	s14 =	sadd.s32 s14, s18  }
0x16: {  	s16 =	sadd.s32 $0x1415600, s31;
	s18 =	simm.s32 $0x80;
	s17 =	sadd.s32 $0x14A00, s17  }
.LBB2_1:
0x17: {  	[tilespmem:s18], [sflag:$0x1] =	stream.linear.gather [hbm4b:s4+s3], $0x4000, $0x38;
	[tilespmem:$0x18080] =	vst v63  }
0x18: {  	_ =	swait.ge [sflag:s19], $0x4000  }
0x19: {  	[sflag:s19] =	ssyncset.done $0x0  }
0x1a: {  	[sflag:s19] =	ssyncadd.s32 $0xFFFFC000  }
0x1b: {  	[spmem:s5] =	stream.linear.scatter [tilespmem:s18], [sflag:$0x1], $0x4000, $0x38;
	[tilespmem:$0x18080] =	vst v63  }
0x1c: {  	_ =	swait.ge [sflag:s19], $0x4000  }
0x1d: {  	[sflag:s19] =	ssyncset.done $0x0  }
0x1e: {  	[sflag:s19] =	ssyncadd.s32 $0xFFFFC000  }
0x1f: {  	[spmem:s6] =	stream.linear.scatter [tilespmem:s18], [sflag:$0x1], $0x4000, $0x38;
	[tilespmem:$0x18080] =	vst v63  }
0x20: {  	_ =	swait.ge [sflag:s19], $0x4000  }
0x21: {  	[sflag:s19] =	ssyncset.done $0x0  }
0x22: {  	[sflag:s19] =	ssyncadd.s32 $0xFFFFC000  }
0x23: {  	[spmem:s7] =	stream.linear.scatter [tilespmem:s18], [sflag:$0x1], $0x4000, $0x38;
	[tilespmem:$0x18080] =	vst v63  }
0x24: {  	_ =	swait.ge [sflag:s19], $0x4000  }
0x25: {  	[sflag:s19] =	ssyncset.done $0x0  }
0x26: {  	[sflag:s19] =	ssyncadd.s32 $0xFFFFC000  }
0x27: {  	[spmem:s8] =	stream.linear.scatter [tilespmem:s18], [sflag:$0x1], $0x4000, $0x38;
	[tilespmem:$0x18080] =	vst v63  }
0x28: {  	_ =	swait.ge [sflag:s19], $0x4000  }
0x29: {  	[sflag:s19] =	ssyncset.done $0x0  }
0x2a: {  	[sflag:s19] =	ssyncadd.s32 $0xFFFFC000  }
0x2b: {  	[spmem:s9] =	stream.linear.scatter [tilespmem:s18], [sflag:$0x1], $0x4000, $0x38;
	[tilespmem:$0x18080] =	vst v63  }
0x2c: {  	_ =	swait.ge [sflag:s19], $0x4000  }
0x2d: {  	[sflag:s19] =	ssyncset.done $0x0  }
0x2e: {  	[sflag:s19] =	ssyncadd.s32 $0xFFFFC000  }
0x2f: {  	s21 =	sadd.s32 $0x0, s17;
	[bflag:$0x0] =	sbarrier.arrive $0xFFFF  }
0x30: {  	[tilespmem:s3], [sflag:$0x1] =	stream.linear.gather [hbm4b:s21+s3], $0x80, $0x38;
	[tilespmem:$0x18080] =	vst v63  }
0x31: {  	_ =	swait.ge [sflag:s19], $0x80  }
0x32: {  	[sflag:s19] =	ssyncset.done $0x0  }
0x33: {  	[sflag:s19] =	ssyncadd.s32 $0xFFFFFF80  }
0x34: {  	[tilespmem:s18], [sflag:$0x1] =	stream.linear.gather [hbm4b:s16+s3], $0x4000, $0x38;
	[tilespmem:$0x18080] =	vst v63  }
0x35: {  	_ =	swait.ge [sflag:s19], $0x4000  }
0x36: {  	[sflag:s19] =	ssyncset.done $0x0  }
0x37: {  	[sflag:s19] =	ssyncadd.s32 $0xFFFFC000  }
0x38: {  	[spmem:s2] =	stream.indirect.scatter.add.f32 [tilespmem:s18], [sflag:$0x1], $0x80, s3, s18, $0xb8;
	[tilespmem:$0x18080] =	vst v63  }
0x39: {  	s22 =	simm.s32 $0x10;
	_ =	swait.ge [sflag:s19], $0x4000  }
0x3a: {  	s23 =	simm.s32 $0x20;
	s21 =	sadd.s32 $0x800, s16;
	[sflag:s19] =	ssyncset.done $0x0  }
.LBB2_2:
0x3b: {  	s24 =	sadd.s32 s22, s17  }
0x3c: {  	[sflag:s19] =	ssyncadd.s32 $0xFFFFC000;
	s22 =	smov.u32 s23;
	s25 =	sadd.s32 $0x10, s23  }
0x3d: {  	[tilespmem:s3], [sflag:$0x1] =	stream.linear.gather [hbm4b:s24+s3], $0x80, $0x38;
	[tilespmem:$0x18080] =	vst v63  }
0x3e: {  	p0 =	sne.s32 s23, $0x4E0;
	_ =	swait.ge [sflag:s19], $0x80  }
0x3f: {  	[sflag:s19] =	ssyncset.done $0x0  }
0x40: {  	[sflag:s19] =	ssyncadd.s32 $0xFFFFFF80  }
0x41: {  	[tilespmem:s18], [sflag:$0x1] =	stream.linear.gather [hbm4b:s21+s3], $0x4000, $0x38;
	[tilespmem:$0x18080] =	vst v63  }
0x42: {  	_ =	swait.ge [sflag:s19], $0x4000  }
.Ltmp0:
0x43: {  	[sflag:s19] =	ssyncset.done $0x0;
	(pc) =	sbr.rel @p0 .LBB2_2-.Ltmp0, $4  }
0x44: {  	[sflag:s19] =	ssyncadd.s32 $0xFFFFC000  }
0x45: {  	[spmem:s2] =	stream.indirect.scatter.add.f32 [tilespmem:s18], [sflag:$0x1], $0x80, s3, s18, $0xb8;
	[tilespmem:$0x18080] =	vst v63  }
0x46: {  	_ =	swait.ge [sflag:s19], $0x4000  }
0x47: {  	s23 =	smov.u32 s25;
	s21 =	sadd.s32 $0x800, s21;
	[sflag:s19] =	ssyncset.done $0x0  }
0x48: {  	s22 =	sadd.s32 s22, s17;
	[sflag:s19] =	ssyncadd.s32 $0xFFFFC000  }
0x49: {  	[tilespmem:s3], [sflag:$0x1] =	stream.linear.gather [hbm4b:s22+s3], $0x80, $0x38;
	[tilespmem:$0x18080] =	vst v63  }
0x4a: {  	_ =	swait.ge [sflag:s19], $0x80  }
0x4b: {  	[sflag:s19] =	ssyncset.done $0x0  }
0x4c: {  	[sflag:s19] =	ssyncadd.s32 $0xFFFFFF80  }
0x4d: {  	[tilespmem:s18], [sflag:$0x1] =	stream.linear.gather [hbm4b:s21+s3], $0x4000, $0x38;
	[tilespmem:$0x18080] =	vst v63  }
0x4e: {  	_ =	swait.ge [sflag:s19], $0x4000  }
0x4f: {  	[sflag:s19] =	ssyncset.done $0x0  }
0x50: {  	[sflag:s19] =	ssyncadd.s32 $0xFFFFC000  }
0x51: {  	[spmem:s2] =	stream.indirect.scatter.add.f32 [tilespmem:s18], [sflag:$0x1], $0x80, s3, s18, $0xb8;
	[tilespmem:$0x18080] =	vst v63  }
0x52: {  	_ =	swait.ge [sflag:s19], $0x4000  }
0x53: {  	[sflag:s19] =	ssyncset.done $0x0  }
0x54: {  	[sflag:s19] =	ssyncadd.s32 $0xFFFFC000  }
0x55: {  	[bflag:$0x0] =	sbarrier.arrive $0xFFFF  }
0x56: {  	[tilespmem:s18], [sflag:$0x1] =	stream.linear.gather [spmem:s5], $0x4000, $0x38;
	[tilespmem:$0x18080] =	vst v63  }
0x57: {  	_ =	swait.ge [sflag:s19], $0x4000  }
0x58: {  	[sflag:s19] =	ssyncset.done $0x0  }
0x59: {  	[sflag:s19] =	ssyncadd.s32 $0xFFFFC000  }
0x5a: {  	[hbm4b:s10+s3] =	stream.linear.scatter [tilespmem:s18], [sflag:$0x1], $0x4000, $0x38;
	[tilespmem:$0x18080] =	vst v63  }
0x5b: {  	_ =	swait.ge [sflag:s19], $0x4000  }
0x5c: {  	[sflag:s19] =	ssyncset.done $0x0  }
0x5d: {  	[sflag:s19] =	ssyncadd.s32 $0xFFFFC000  }
0x5e: {  	[tilespmem:s18], [sflag:$0x1] =	stream.linear.gather [spmem:s6], $0x4000, $0x38;
	[tilespmem:$0x18080] =	vst v63  }
0x5f: {  	_ =	swait.ge [sflag:s19], $0x4000  }
0x60: {  	[sflag:s19] =	ssyncset.done $0x0  }
0x61: {  	[sflag:s19] =	ssyncadd.s32 $0xFFFFC000  }
0x62: {  	[hbm4b:s11+s3] =	stream.linear.scatter [tilespmem:s18], [sflag:$0x1], $0x4000, $0x38;
	[tilespmem:$0x18080] =	vst v63  }
0x63: {  	_ =	swait.ge [sflag:s19], $0x4000  }
0x64: {  	[sflag:s19] =	ssyncset.done $0x0  }
0x65: {  	[sflag:s19] =	ssyncadd.s32 $0xFFFFC000  }
0x66: {  	[tilespmem:s18], [sflag:$0x1] =	stream.linear.gather [spmem:s7], $0x4000, $0x38;
	[tilespmem:$0x18080] =	vst v63  }
0x67: {  	_ =	swait.ge [sflag:s19], $0x4000  }
0x68: {  	[sflag:s19] =	ssyncset.done $0x0  }
0x69: {  	[sflag:s19] =	ssyncadd.s32 $0xFFFFC000  }
0x6a: {  	[hbm4b:s12+s3] =	stream.linear.scatter [tilespmem:s18], [sflag:$0x1], $0x4000, $0x38;
	[tilespmem:$0x18080] =	vst v63  }
0x6b: {  	_ =	swait.ge [sflag:s19], $0x4000  }
0x6c: {  	[sflag:s19] =	ssyncset.done $0x0  }
0x6d: {  	[sflag:s19] =	ssyncadd.s32 $0xFFFFC000  }
0x6e: {  	[tilespmem:s18], [sflag:$0x1] =	stream.linear.gather [spmem:s8], $0x4000, $0x38;
	[tilespmem:$0x18080] =	vst v63  }
0x6f: {  	_ =	swait.ge [sflag:s19], $0x4000  }
0x70: {  	[sflag:s19] =	ssyncset.done $0x0  }
0x71: {  	[sflag:s19] =	ssyncadd.s32 $0xFFFFC000  }
0x72: {  	[hbm4b:s13+s3] =	stream.linear.scatter [tilespmem:s18], [sflag:$0x1], $0x4000, $0x38;
	[tilespmem:$0x18080] =	vst v63  }
0x73: {  	_ =	swait.ge [sflag:s19], $0x4000  }
0x74: {  	[sflag:s19] =	ssyncset.done $0x0  }
0x75: {  	[sflag:s19] =	ssyncadd.s32 $0xFFFFC000  }
0x76: {  	[tilespmem:s18], [sflag:$0x1] =	stream.linear.gather [spmem:s9], $0x4000, $0x38;
	[tilespmem:$0x18080] =	vst v63  }
0x77: {  	s20 =	sadd.s32 $0x1, s20;
	_ =	swait.ge [sflag:s19], $0x4000  }
0x78: {  	p0 =	sne.s32 s20, s15;
	[sflag:s19] =	ssyncset.done $0x0  }
.Ltmp1:
0x79: {  	[sflag:s19] =	ssyncadd.s32 $0xFFFFC000;
	(pc) =	sbr.rel @p0 .LBB2_1-.Ltmp1, $4  }
0x7a: {  	[hbm4b:s14+s3] =	stream.linear.scatter [tilespmem:s18], [sflag:$0x1], $0x4000, $0x38;
	[tilespmem:$0x18080] =	vst v63  }
0x7b: {  	_ =	swait.ge [sflag:s19], $0x4000  }
0x7c: {  	[sflag:s19] =	ssyncset.done $0x0  }
0x7d: {  	[sflag:s19] =	ssyncadd.s32 $0xFFFFC000  }
0x7e: {  	_ =	sfence.sel $0x180000  }
0x7f: {  	[bflag:$0x0] =	sbarrier.arrive $0xFFFF  }
0x80: {  	p0 =	sne.s32 s1, $0x0;
	_ =	strace $0x90000059  }
0x81: {  	s0 =	sadd.s32 @!p0 $0x100000, s0;
	[bflag:$0x2] =	sbarrier.arrive $0xFFFF  }
0x82: {  	[sflag:s0] =	ssyncadd.tile.s32 @!p0 $0x1;
	_ =	shalt  }
.Lfunc_end2:
_tile_overlayer_lowered:
.L_overlay_start_2:
0x83: {  	(tag) =	ssettag $0x2  }
0x84: {  	s0 =	rddreg [dreg:$0x0];
	s2 =	stileid.u32  }
0x85: {  	s1 =	rddreg [dreg:$0x1];
	p0 =	sne.s32 s2, $0x0  }
0x86: {  	s3 =	rddreg [dreg:$0x2];
	[bflag:$0x3] =	sbarrier.arrive $0xFFFF;
	s2 =	simm.s32 @!p0 $0x1C01  }
0x87: {  	[timem:s3], [sflag:s2] =	dma.local @!p0 [hbm:s0], s1  }
0x88: {  	s0 =	simm.s32 @!p0 $0x1  }
0x89: {  	_ =	swait.ge @!p0 [sflag:s0], s1  }
0x8a: {  	s1 =	ssub.s32 @!p0 $0x0, s1;
	[sflag:s0] =	ssyncset.done @!p0 $0x0  }
0x8b: {  	[sflag:s0] =	ssyncadd.s32 @!p0 s1  }
0x8c: {  	[bflag:$0x3] =	sbarrier.arrive $0xFFFF  }
0x8d: {  	_ =	shalt  }

</sc_bundles>
